<compile_context>
chip_gen: v7x
topology: tpu7x:2x2x1
jax: 0.10.2.dev20260603
libtpu: 0.0.44.dev20260713+nightly
codegen_flags: <defaults>
</compile_context>

<pallas_src>
import functools

import jax
import jax.numpy as jnp
from jax import lax
from jax.experimental import pallas as pl
from jax.experimental.pallas import tpu as pltpu
from jax.experimental.pallas import tpu_sc as plsc

N = 50000
E = 1600000
S = 8
D = 8
F = 4
HID = 16
TW = S + D

NC = 2
NS = 16
NW = NC * NS
EPW = E // NW
GCH = 1000
GNCH = EPW // GCH
CH = 1000
NCHUNK = EPW // CH

MLP_B = 16000
MLP_R = MLP_B // 8
NB = 2000


@functools.cache
def _sc_gather_kernel():
    mesh = plsc.VectorSubcoreMesh(core_axis_name="c", subcore_axis_name="s")

    @functools.partial(
        pl.kernel,
        mesh=mesh,
        out_type=[
            jax.ShapeDtypeStruct((E, TW), jnp.float32),
            jax.ShapeDtypeStruct((E, TW), jnp.float32),
        ],
        scratch_types=[
            [pltpu.VMEM((GCH,), jnp.int32)] * 2,
            [pltpu.VMEM((GCH, TW), jnp.float32)] * 2,
            [pltpu.VMEM((GCH,), jnp.int32)] * 2,
            [pltpu.VMEM((GCH, TW), jnp.float32)] * 2,
            [pltpu.SemaphoreType.DMA] * 2,
            [pltpu.SemaphoreType.DMA] * 2,
            [pltpu.SemaphoreType.DMA] * 2,
            [pltpu.SemaphoreType.DMA] * 2,
        ],
        compiler_params=pltpu.CompilerParams(use_tc_tiling_on_sc=False),
    )
    def _sc_gather(t_hbm, ei_hbm, gr_hbm, gc_hbm,
                   idx_r, rows_r, idx_c, rows_c,
                   sem_ix, sem_g, sem_wr, sem_wc):
        cid = lax.axis_index("c")
        sid = lax.axis_index("s")
        wid = cid * NS + sid
        base = wid * EPW

        def load_idx(j, p):
            off = base + j * GCH
            pltpu.async_copy(ei_hbm.at[0, pl.ds(off, GCH)], idx_r[p],
                             sem_ix[p])
            pltpu.async_copy(ei_hbm.at[1, pl.ds(off, GCH)], idx_c[p],
                             sem_ix[p])

        def wait_wb(j, p):
            off = base + j * GCH
            pltpu.make_async_copy(rows_r[p], gr_hbm.at[pl.ds(off, GCH)],
                                  sem_wr[p]).wait()
            pltpu.make_async_copy(rows_c[p], gc_hbm.at[pl.ds(off, GCH)],
                                  sem_wc[p]).wait()

        def chunk(j, p, first, last):
            off = base + j * GCH
            pltpu.make_async_copy(ei_hbm.at[0, pl.ds(off, GCH)], idx_r[p],
                                  sem_ix[p]).wait()
            pltpu.make_async_copy(ei_hbm.at[1, pl.ds(off, GCH)], idx_c[p],
                                  sem_ix[p]).wait()
            if not first:
                wait_wb(j - 2, p)
            a = pltpu.async_copy(t_hbm.at[idx_r[p]], rows_r[p], sem_g[p])
            b = pltpu.async_copy(t_hbm.at[idx_c[p]], rows_c[p], sem_g[p])
            a.wait()
            b.wait()
            pltpu.async_copy(rows_r[p], gr_hbm.at[pl.ds(off, GCH)],
                             sem_wr[p])
            pltpu.async_copy(rows_c[p], gc_hbm.at[pl.ds(off, GCH)],
                             sem_wc[p])
            if not last:
                load_idx(j + 2, p)

        load_idx(0, 0)
        load_idx(1, 1)
        chunk(0, 0, True, False)
        chunk(1, 1, True, False)

        @pl.loop(2, GNCH - 2, step=2)
        def _(g):
            chunk(g, 0, False, False)
            chunk(g + 1, 1, False, False)

        chunk(GNCH - 2, 0, False, True)
        chunk(GNCH - 1, 1, False, True)
        wait_wb(GNCH - 2, 0)
        wait_wb(GNCH - 1, 1)

    return _sc_gather


ACC_CH = N // NS


@functools.cache
def _sc_scatter_kernel():
    mesh = plsc.VectorSubcoreMesh(core_axis_name="c", subcore_axis_name="s")

    @functools.partial(
        pl.kernel,
        mesh=mesh,
        out_type=[
            jax.ShapeDtypeStruct((N, D), jnp.float32),
            jax.ShapeDtypeStruct((N, D), jnp.float32),
        ],
        scratch_types=[
            [pltpu.VMEM((CH, D), jnp.float32)] * 2,
            [pltpu.VMEM((CH,), jnp.int32)] * 2,
            [pltpu.SemaphoreType.DMA] * 2,
            pltpu.VMEM((ACC_CH, D), jnp.float32),
            pltpu.VMEM_SHARED((N, D), jnp.float32),
        ],
        compiler_params=pltpu.CompilerParams(use_tc_tiling_on_sc=False),
    )
    def _sc_scatter(shift_hbm, ei_hbm, zeros_hbm, p0_hbm, p1_hbm,
                    sh_v, idx_v, sem_ld, cbuf, acc):
        cid = lax.axis_index("c")
        sid = lax.axis_index("s")
        @pl.when(sid == 0)
        def _():
            pltpu.sync_copy(zeros_hbm, acc)
        plsc.subcore_barrier()
        base = (cid * NS + sid) * EPW

        def load(j, p):
            off = base + j * CH
            pltpu.async_copy(shift_hbm.at[pl.ds(off, CH), pl.ds(S, D)],
                             sh_v[p], sem_ld[p])
            pltpu.async_copy(ei_hbm.at[1, pl.ds(off, CH)], idx_v[p],
                             sem_ld[p])

        def chunk(j, p, last):
            off = base + j * CH
            pltpu.make_async_copy(shift_hbm.at[pl.ds(off, CH), pl.ds(S, D)],
                                  sh_v[p], sem_ld[p]).wait()
            pltpu.make_async_copy(ei_hbm.at[1, pl.ds(off, CH)], idx_v[p],
                                  sem_ld[p]).wait()
            pltpu.sync_copy(sh_v[p], acc.at[idx_v[p]], add=True)
            if not last:
                load(j + 2, p)

        load(0, 0)
        load(1, 1)

        @pl.loop(0, NCHUNK - 2, step=2)
        def _(g):
            chunk(g, 0, False)
            chunk(g + 1, 1, False)

        chunk(NCHUNK - 2, 0, True)
        chunk(NCHUNK - 1, 1, True)
        plsc.subcore_barrier()
        r0 = sid * ACC_CH
        pltpu.sync_copy(acc.at[pl.ds(r0, ACC_CH)], cbuf)
        @pl.when(cid == 0)
        def _():
            pltpu.sync_copy(cbuf, p0_hbm.at[pl.ds(r0, ACC_CH)])
        @pl.when(cid == 1)
        def _():
            pltpu.sync_copy(cbuf, p1_hbm.at[pl.ds(r0, ACC_CH)])

    return _sc_scatter


def _mlp_body(grp_ref, gcp_ref, ea0_ref, ea1_ref, ea2_ref, ea3_ref,
              bdr_ref, bdc_ref, se0_ref, se1_ref, se2_ref, se3_ref,
              b1t_ref, bdw2_ref, b2t_ref, bdon_ref, bdms_ref,
              out_ref):
    g_r = grp_ref[...]
    g_c = gcp_ref[...]
    dot = functools.partial(jnp.dot, preferred_element_type=jnp.float32)
    h = (dot(g_r, bdr_ref[...]) + dot(g_c, bdc_ref[...])
         + dot(ea0_ref[...], se0_ref[...]) + dot(ea1_ref[...], se1_ref[...])
         + dot(ea2_ref[...], se2_ref[...]) + dot(ea3_ref[...], se3_ref[...])
         + b1t_ref[...])
    h = jnp.maximum(h, 0.0)
    w = dot(h, bdw2_ref[...]) + b2t_ref[...]
    n2 = dot(w * w, bdon_ref[...])
    inv = jnp.where(n2 > 0, lax.rsqrt(n2), 0.0)
    m = jnp.logical_or(dot(g_r, bdms_ref[...]) != 0,
                       dot(g_c, bdms_ref[...]) != 0)
    out_ref[...] = (g_c - g_r) * (w * inv) * m.astype(jnp.float32)


def _mlp_call(grp, gcp, eacols, bdr, bdc, sels, b1t, bdw2, b2t, bdon, bdms):
    grid = (E // MLP_B,)
    edge_spec = pl.BlockSpec((MLP_R, 128), lambda i: (i, 0))
    col_spec = pl.BlockSpec((MLP_R, 8), lambda i: (i, 0))
    full = lambda shape: pl.BlockSpec(shape, lambda i: (0, 0))
    return pl.pallas_call(
        _mlp_body,
        grid=grid,
        in_specs=[
            edge_spec, edge_spec,
            col_spec, col_spec, col_spec, col_spec,
            full((128, 128)), full((128, 128)),
            full((8, 128)), full((8, 128)), full((8, 128)), full((8, 128)),
            full((1, 128)), full((128, 128)), full((1, 128)),
            full((128, 128)), full((128, 128)),
        ],
        out_specs=pl.BlockSpec((MLP_R, 128), lambda i: (i, 0)),
        out_shape=jax.ShapeDtypeStruct((E // 8, 128), jnp.float32),
    )(grp, gcp, *eacols, bdr, bdc, *sels, b1t, bdw2, b2t, bdon, bdms)


def _init_body(xt_ref, xs_ref, wf_ref, out_ref, t_ref):
    out = jnp.dot(xt_ref[...], wf_ref[...], preferred_element_type=jnp.float32)
    out_ref[...] = out
    t_ref[...] = jnp.concatenate([xs_ref[...], out], axis=1)


def _init_call(x_t, x_s, wf0):
    grid = (N // NB,)
    return pl.pallas_call(
        _init_body,
        grid=grid,
        in_specs=[
            pl.BlockSpec((NB, D), lambda i: (i, 0)),
            pl.BlockSpec((NB, S), lambda i: (i, 0)),
            pl.BlockSpec((D, D), lambda i: (0, 0)),
        ],
        out_specs=[
            pl.BlockSpec((NB, D), lambda i: (i, 0)),
            pl.BlockSpec((NB, TW), lambda i: (i, 0)),
        ],
        out_shape=[
            jax.ShapeDtypeStruct((N, D), jnp.float32),
            jax.ShapeDtypeStruct((N, TW), jnp.float32),
        ],
    )(x_t, x_s, wf0)


def _update_body(out_ref, p0_ref, p1_ref, wf_ref, xs_ref, new_ref, t_ref):
    scat = p0_ref[...] + p1_ref[...]
    new = out_ref[...] + jnp.dot(scat, wf_ref[...],
                                 preferred_element_type=jnp.float32)
    new_ref[...] = new
    t_ref[...] = jnp.concatenate([xs_ref[...], new], axis=1)


def _update_call(out, p0, p1, wf, x_s):
    grid = (N // NB,)
    return pl.pallas_call(
        _update_body,
        grid=grid,
        in_specs=[
            pl.BlockSpec((NB, D), lambda i: (i, 0)),
            pl.BlockSpec((NB, D), lambda i: (i, 0)),
            pl.BlockSpec((NB, D), lambda i: (i, 0)),
            pl.BlockSpec((D, D), lambda i: (0, 0)),
            pl.BlockSpec((NB, S), lambda i: (i, 0)),
        ],
        out_specs=[
            pl.BlockSpec((NB, D), lambda i: (i, 0)),
            pl.BlockSpec((NB, TW), lambda i: (i, 0)),
        ],
        out_shape=[
            jax.ShapeDtypeStruct((N, D), jnp.float32),
            jax.ShapeDtypeStruct((N, TW), jnp.float32),
        ],
    )(out, p0, p1, wf, x_s)


def kernel(x_s, x_t, edge_index, edge_attr, Wf0, Wf1, Wf2, W1, b1, W2, b2):
    f32 = jnp.float32
    eye8 = jnp.eye(8, dtype=f32)
    w1r = jnp.concatenate([W1[0:S], W1[2 * S:2 * S + D]], axis=0)
    w1c = jnp.concatenate([W1[S:2 * S], W1[2 * S + D:2 * S + 2 * D]], axis=0)
    w1e = W1[2 * S + 2 * D:]
    bdr = jnp.kron(eye8, w1r)
    bdc = jnp.kron(eye8, w1c)
    sels = [jnp.kron(eye8, w1e[i].reshape(1, HID)) for i in range(F)]
    b1t = jnp.tile(b1, 8).reshape(1, 128)
    w2pad = jnp.concatenate([jnp.zeros((HID, S), f32), W2], axis=1)
    bdw2 = jnp.kron(eye8, w2pad)
    b2t = jnp.tile(jnp.concatenate([jnp.zeros((S,), f32), b2]), 8)
    b2t = b2t.reshape(1, 128)
    bdon = jnp.kron(eye8, jnp.ones((TW, TW), f32))
    mout = jnp.concatenate(
        [jnp.zeros((S, TW), f32), jnp.ones((D, TW), f32)], axis=0)
    bdms = jnp.kron(eye8, mout)
    eacols = [edge_attr[:, i].reshape(E // 8, 8) for i in range(F)]
    zeros_nt = jnp.zeros((N, D), dtype=f32)

    out, t = _init_call(x_t, x_s, Wf0)
    for wf in (Wf1, Wf2):
        gr, gc = _sc_gather_kernel()(t, edge_index)
        grp = gr.reshape(E // 8, 128)
        gcp = gc.reshape(E // 8, 128)
        shiftp = _mlp_call(grp, gcp, eacols, bdr, bdc, sels, b1t, bdw2, b2t,
                           bdon, bdms)
        shift = shiftp.reshape(E, TW)
        p0, p1 = _sc_scatter_kernel()(shift, edge_index, zeros_nt)
        out, t = _update_call(out, p0, p1, wf, x_s)
    return out

# --- scband reference (transcript-rebuilt; emitter-appended) ---
"""Pipeline reference for scband-swegnn-61624190763508 (READ-ONLY COPY).

The authoritative reference and input builder live on the scoring server;
editing this copy changes nothing except your own understanding.
"""

import jax, jax.numpy as jnp
import numpy as np

N = 50000
E = 1600000
S = 8
D = 8
F = 4
K = 2
EIN = F + 2 * S + 2 * D  # 36
HID = 2 * D  # 16


def setup_inputs(seed: int = 0) -> dict:
    key = jax.random.key(seed)
    ks = jax.random.split(key, 10)
    x_s = jax.random.normal(ks[0], (N, S), dtype=jnp.float32)
    x_t = jax.random.normal(ks[1], (N, D), dtype=jnp.float32)
    edge_index = jax.random.randint(ks[2], (2, E), 0, N, dtype=jnp.int32)
    edge_attr = jax.random.normal(ks[3], (E, F), dtype=jnp.float32)
    Wf0 = jax.random.normal(ks[4], (D, D), dtype=jnp.float32) / np.sqrt(D)
    Wf1 = jax.random.normal(ks[5], (D, D), dtype=jnp.float32) / np.sqrt(D)
    Wf2 = jax.random.normal(ks[6], (D, D), dtype=jnp.float32) / np.sqrt(D)
    W1 = jax.random.normal(ks[7], (EIN, HID), dtype=jnp.float32) / np.sqrt(EIN)
    b1 = jnp.zeros((HID,), dtype=jnp.float32)
    W2 = jax.random.normal(ks[8], (HID, D), dtype=jnp.float32) / np.sqrt(HID)
    b2 = jnp.zeros((D,), dtype=jnp.float32)
    return {"x_s": x_s, "x_t": x_t, "edge_index": edge_index, "edge_attr": edge_attr,
            "Wf0": Wf0, "Wf1": Wf1, "Wf2": Wf2, "W1": W1, "b1": b1, "W2": W2, "b2": b2}


def reference(x_s, x_t, edge_index, edge_attr, Wf0, Wf1, Wf2, W1, b1, W2, b2):
    row = edge_index[0]
    col = edge_index[1]
    Wf = [Wf0, Wf1, Wf2]
    # filter_matrix[0] (Linear, no bias)
    out = x_t @ Wf[0]
    for k in range(K):
        # node mask: nodes with nonzero dynamic state
        mask = (jnp.sum(out, axis=1) != 0)
        # edge mask = mask[row] OR mask[col]; torch version compresses edges,
        # here applied multiplicatively (equivalent scatter result)
        emask = jnp.logical_or(mask[row], mask[col]).astype(out.dtype)
        # edge MLP input: [x_s_i, x_s_j, out_i, out_j, e_ij]
        e_ij = jnp.concatenate([
            jnp.take(x_s, row, axis=0),
            jnp.take(x_s, col, axis=0),
            jnp.take(out, row, axis=0),
            jnp.take(out, col, axis=0),
            edge_attr,
        ], axis=1)
        h = jax.nn.relu(e_ij @ W1 + b1)
        w_ij = h @ W2 + b2
        # normalize per edge, nan -> 0 (zero-norm edges)
        norm = jnp.linalg.norm(w_ij, axis=1, keepdims=True)
        w_ij = w_ij / norm
        w_ij = jnp.where(jnp.isnan(w_ij), 0.0, w_ij)
        # gradient-style shift
        shift = (jnp.take(out, col, axis=0) - jnp.take(out, row, axis=0)) * w_ij
        shift = shift * emask[:, None]
        scattered = jax.ops.segment_sum(shift, col, num_segments=N)
        out = out + scattered @ Wf[k + 1]
    return out

if __name__ == "__main__":
    import jax
    _d = setup_inputs()
    print(jax.jit(kernel)(*tuple(_d.values())))

</pallas_src>

<mosaic_0001>
#map = affine_map<(d0, d1) -> (0, 0)>
module attributes {stable_mosaic.version = 14 : i64} {
  func.func @_sc_gather(%arg0: i32, %arg1: i32, %arg2: memref<50000x16xf32, #tpu.memory_space<hbm>>, %arg3: memref<2x1600000xi32, #tpu.memory_space<hbm>>, %arg4: memref<1600000x16xf32, #tpu.memory_space<hbm>>, %arg5: memref<1600000x16xf32, #tpu.memory_space<hbm>>, %arg6: memref<1000xi32, #tpu.memory_space<vmem>>, %arg7: memref<1000xi32, #tpu.memory_space<vmem>>, %arg8: memref<1000x16xf32, #tpu.memory_space<vmem>>, %arg9: memref<1000x16xf32, #tpu.memory_space<vmem>>, %arg10: memref<1000xi32, #tpu.memory_space<vmem>>, %arg11: memref<1000xi32, #tpu.memory_space<vmem>>, %arg12: memref<1000x16xf32, #tpu.memory_space<vmem>>, %arg13: memref<1000x16xf32, #tpu.memory_space<vmem>>, %arg14: memref<!tpu.dma_semaphore, #tpu.memory_space<semaphore_mem>>, %arg15: memref<!tpu.dma_semaphore, #tpu.memory_space<semaphore_mem>>, %arg16: memref<!tpu.dma_semaphore, #tpu.memory_space<semaphore_mem>>, %arg17: memref<!tpu.dma_semaphore, #tpu.memory_space<semaphore_mem>>, %arg18: memref<!tpu.dma_semaphore, #tpu.memory_space<semaphore_mem>>, %arg19: memref<!tpu.dma_semaphore, #tpu.memory_space<semaphore_mem>>, %arg20: memref<!tpu.dma_semaphore, #tpu.memory_space<semaphore_mem>>, %arg21: memref<!tpu.dma_semaphore, #tpu.memory_space<semaphore_mem>>) attributes {dimension_semantics = [#tpu.dimension_semantics<core_parallel>, #tpu.dimension_semantics<subcore_parallel>], iteration_bounds = array<i64: 2, 16>, scalar_prefetch = 0 : i64, scratch_operands = 16 : i64, tpu.core_type = #tpu.core_type<sc_vector_subcore>, window_params = [{transform_indices = #map}, {transform_indices = #map}, {transform_indices = #map}, {transform_indices = #map}]} {
    %mul3A = arith.constant 16 : i32
    %mul3A_0 = arith.muli %arg0, %mul3A : i32
    %add3A = arith.addi %mul3A_0, %arg1 : i32
    %mul3A_1 = arith.constant 50000 : i32
    %mul3A_2 = arith.muli %add3A, %mul3A_1 : i32
    %add3A_3 = arith.constant 0 : i32
    %add3A_4 = arith.addi %mul3A_2, %add3A_3 : i32
    %dma_start3A = arith.constant 0 : i32
    %dma_start3A_5 = tpu.memref_slice %arg3[%dma_start3A, %add3A_4] : memref<2x1600000xi32, #tpu.memory_space<hbm>> -> memref<1x1000xi32, #tpu.memory_space<hbm>>
    %dma_start3A_6 = tpu.memref_squeeze %dma_start3A_5 : memref<1x1000xi32, #tpu.memory_space<hbm>> -> memref<1000xi32, #tpu.memory_space<hbm>>
    %dma_start3A_7 = tpu.memref_slice %arg3[%dma_start3A, %add3A_4] : memref<2x1600000xi32, #tpu.memory_space<hbm>> -> memref<1x1000xi32, #tpu.memory_space<hbm>>
    %dma_start3A_8 = tpu.memref_squeeze %dma_start3A_7 : memref<1x1000xi32, #tpu.memory_space<hbm>> -> memref<1000xi32, #tpu.memory_space<hbm>>
    tpu.enqueue_dma source(%dma_start3A_8 : memref<1000xi32, #tpu.memory_space<hbm>>) target(%arg6 : memref<1000xi32, #tpu.memory_space<vmem>>) target_semaphore(%arg14 : memref<!tpu.dma_semaphore, #tpu.memory_space<semaphore_mem>>)
    %dma_start3A_9 = arith.constant 1 : i32
    %dma_start3A_10 = tpu.memref_slice %arg3[%dma_start3A_9, %add3A_4] : memref<2x1600000xi32, #tpu.memory_space<hbm>> -> memref<1x1000xi32, #tpu.memory_space<hbm>>
    %dma_start3A_11 = tpu.memref_squeeze %dma_start3A_10 : memref<1x1000xi32, #tpu.memory_space<hbm>> -> memref<1000xi32, #tpu.memory_space<hbm>>
    %dma_start3A_12 = tpu.memref_slice %arg3[%dma_start3A_9, %add3A_4] : memref<2x1600000xi32, #tpu.memory_space<hbm>> -> memref<1x1000xi32, #tpu.memory_space<hbm>>
    %dma_start3A_13 = tpu.memref_squeeze %dma_start3A_12 : memref<1x1000xi32, #tpu.memory_space<hbm>> -> memref<1000xi32, #tpu.memory_space<hbm>>
    tpu.enqueue_dma source(%dma_start3A_13 : memref<1000xi32, #tpu.memory_space<hbm>>) target(%arg10 : memref<1000xi32, #tpu.memory_space<vmem>>) target_semaphore(%arg14 : memref<!tpu.dma_semaphore, #tpu.memory_space<semaphore_mem>>)
    %add3A_14 = arith.constant 1000 : i32
    %add3A_15 = arith.addi %mul3A_2, %add3A_14 : i32
    %dma_start3A_16 = arith.constant 0 : i32
    %dma_start3A_17 = tpu.memref_slice %arg3[%dma_start3A_16, %add3A_15] : memref<2x1600000xi32, #tpu.memory_space<hbm>> -> memref<1x1000xi32, #tpu.memory_space<hbm>>
    %dma_start3A_18 = tpu.memref_squeeze %dma_start3A_17 : memref<1x1000xi32, #tpu.memory_space<hbm>> -> memref<1000xi32, #tpu.memory_space<hbm>>
    %dma_start3A_19 = tpu.memref_slice %arg3[%dma_start3A_16, %add3A_15] : memref<2x1600000xi32, #tpu.memory_space<hbm>> -> memref<1x1000xi32, #tpu.memory_space<hbm>>
    %dma_start3A_20 = tpu.memref_squeeze %dma_start3A_19 : memref<1x1000xi32, #tpu.memory_space<hbm>> -> memref<1000xi32, #tpu.memory_space<hbm>>
    tpu.enqueue_dma source(%dma_start3A_20 : memref<1000xi32, #tpu.memory_space<hbm>>) target(%arg7 : memref<1000xi32, #tpu.memory_space<vmem>>) target_semaphore(%arg15 : memref<!tpu.dma_semaphore, #tpu.memory_space<semaphore_mem>>)
    %dma_start3A_21 = arith.constant 1 : i32
    %dma_start3A_22 = tpu.memref_slice %arg3[%dma_start3A_21, %add3A_15] : memref<2x1600000xi32, #tpu.memory_space<hbm>> -> memref<1x1000xi32, #tpu.memory_space<hbm>>
    %dma_start3A_23 = tpu.memref_squeeze %dma_start3A_22 : memref<1x1000xi32, #tpu.memory_space<hbm>> -> memref<1000xi32, #tpu.memory_space<hbm>>
    %dma_start3A_24 = tpu.memref_slice %arg3[%dma_start3A_21, %add3A_15] : memref<2x1600000xi32, #tpu.memory_space<hbm>> -> memref<1x1000xi32, #tpu.memory_space<hbm>>
    %dma_start3A_25 = tpu.memref_squeeze %dma_start3A_24 : memref<1x1000xi32, #tpu.memory_space<hbm>> -> memref<1000xi32, #tpu.memory_space<hbm>>
    tpu.enqueue_dma source(%dma_start3A_25 : memref<1000xi32, #tpu.memory_space<hbm>>) target(%arg11 : memref<1000xi32, #tpu.memory_space<vmem>>) target_semaphore(%arg15 : memref<!tpu.dma_semaphore, #tpu.memory_space<semaphore_mem>>)
    %add3A_26 = arith.constant 0 : i32
    %add3A_27 = arith.addi %mul3A_2, %add3A_26 : i32
    %dma_wait3A = arith.constant 0 : i32
    %dma_wait3A_28 = tpu.memref_slice %arg3[%dma_wait3A, %add3A_27] : memref<2x1600000xi32, #tpu.memory_space<hbm>> -> memref<1x1000xi32, #tpu.memory_space<hbm>>
    %dma_wait3A_29 = tpu.memref_squeeze %dma_wait3A_28 : memref<1x1000xi32, #tpu.memory_space<hbm>> -> memref<1000xi32, #tpu.memory_space<hbm>>
    %dma_wait3A_30 = tpu.memref_slice %arg3[%dma_wait3A, %add3A_27] : memref<2x1600000xi32, #tpu.memory_space<hbm>> -> memref<1x1000xi32, #tpu.memory_space<hbm>>
    %dma_wait3A_31 = tpu.memref_squeeze %dma_wait3A_30 : memref<1x1000xi32, #tpu.memory_space<hbm>> -> memref<1000xi32, #tpu.memory_space<hbm>>
    tpu.wait_dma2 semaphore(%arg14 : memref<!tpu.dma_semaphore, #tpu.memory_space<semaphore_mem>>) src(%dma_wait3A_31 : memref<1000xi32, #tpu.memory_space<hbm>>) dst(%arg6 : memref<1000xi32, #tpu.memory_space<vmem>>)
    %dma_wait3A_32 = arith.constant 1 : i32
    %dma_wait3A_33 = tpu.memref_slice %arg3[%dma_wait3A_32, %add3A_27] : memref<2x1600000xi32, #tpu.memory_space<hbm>> -> memref<1x1000xi32, #tpu.memory_space<hbm>>
    %dma_wait3A_34 = tpu.memref_squeeze %dma_wait3A_33 : memref<1x1000xi32, #tpu.memory_space<hbm>> -> memref<1000xi32, #tpu.memory_space<hbm>>
    %dma_wait3A_35 = tpu.memref_slice %arg3[%dma_wait3A_32, %add3A_27] : memref<2x1600000xi32, #tpu.memory_space<hbm>> -> memref<1x1000xi32, #tpu.memory_space<hbm>>
    %dma_wait3A_36 = tpu.memref_squeeze %dma_wait3A_35 : memref<1x1000xi32, #tpu.memory_space<hbm>> -> memref<1000xi32, #tpu.memory_space<hbm>>
    tpu.wait_dma2 semaphore(%arg14 : memref<!tpu.dma_semaphore, #tpu.memory_space<semaphore_mem>>) src(%dma_wait3A_36 : memref<1000xi32, #tpu.memory_space<hbm>>) dst(%arg10 : memref<1000xi32, #tpu.memory_space<vmem>>)
    %dma_start3A_37 = arith.constant 0 : i32
    %dma_start3A_38 = arith.constant 0 : i32
    %dma_start3A_39 = tpu.memref_slice %arg2[%dma_start3A_37, %dma_start3A_38] : memref<50000x16xf32, #tpu.memory_space<hbm>> -> memref<50000x16xf32, #tpu.memory_space<hbm>>
    tpu.enqueue_indirect_dma source(%dma_start3A_39 : memref<50000x16xf32, #tpu.memory_space<hbm>>) target(%arg8 : memref<1000x16xf32, #tpu.memory_space<vmem>>) offsets(%arg6 : memref<1000xi32, #tpu.memory_space<vmem>>) semaphore(%arg16 : memref<!tpu.dma_semaphore, #tpu.memory_space<semaphore_mem>>)
    %dma_start3A_40 = arith.constant 0 : i32
    %dma_start3A_41 = arith.constant 0 : i32
    %dma_start3A_42 = tpu.memref_slice %arg2[%dma_start3A_40, %dma_start3A_41] : memref<50000x16xf32, #tpu.memory_space<hbm>> -> memref<50000x16xf32, #tpu.memory_space<hbm>>
    tpu.enqueue_indirect_dma source(%dma_start3A_42 : memref<50000x16xf32, #tpu.memory_space<hbm>>) target(%arg12 : memref<1000x16xf32, #tpu.memory_space<vmem>>) offsets(%arg10 : memref<1000xi32, #tpu.memory_space<vmem>>) semaphore(%arg16 : memref<!tpu.dma_semaphore, #tpu.memory_space<semaphore_mem>>)
    %dma_wait3A_43 = arith.constant 0 : i32
    %dma_wait3A_44 = arith.constant 0 : i32
    %dma_wait3A_45 = tpu.memref_slice %arg2[%dma_wait3A_43, %dma_wait3A_44] : memref<50000x16xf32, #tpu.memory_space<hbm>> -> memref<50000x16xf32, #tpu.memory_space<hbm>>
    tpu.wait_indirect_dma semaphore(%arg16 : memref<!tpu.dma_semaphore, #tpu.memory_space<semaphore_mem>>) src(%dma_wait3A_45 : memref<50000x16xf32, #tpu.memory_space<hbm>>) dst(%arg8 : memref<1000x16xf32, #tpu.memory_space<vmem>>)
    %dma_wait3A_46 = arith.constant 0 : i32
    %dma_wait3A_47 = arith.constant 0 : i32
    %dma_wait3A_48 = tpu.memref_slice %arg2[%dma_wait3A_46, %dma_wait3A_47] : memref<50000x16xf32, #tpu.memory_space<hbm>> -> memref<50000x16xf32, #tpu.memory_space<hbm>>
    tpu.wait_indirect_dma semaphore(%arg16 : memref<!tpu.dma_semaphore, #tpu.memory_space<semaphore_mem>>) src(%dma_wait3A_48 : memref<50000x16xf32, #tpu.memory_space<hbm>>) dst(%arg12 : memref<1000x16xf32, #tpu.memory_space<vmem>>)
    %dma_start3A_49 = arith.constant 0 : i32
    %dma_start3A_50 = tpu.memref_slice %arg4[%add3A_27, %dma_start3A_49] : memref<1600000x16xf32, #tpu.memory_space<hbm>> -> memref<1000x16xf32, #tpu.memory_space<hbm>>
    %dma_start3A_51 = arith.constant 0 : i32
    %dma_start3A_52 = tpu.memref_slice %arg4[%add3A_27, %dma_start3A_51] : memref<1600000x16xf32, #tpu.memory_space<hbm>> -> memref<1000x16xf32, #tpu.memory_space<hbm>>
    tpu.enqueue_dma source(%arg8 : memref<1000x16xf32, #tpu.memory_space<vmem>>) target(%dma_start3A_52 : memref<1000x16xf32, #tpu.memory_space<hbm>>) target_semaphore(%arg18 : memref<!tpu.dma_semaphore, #tpu.memory_space<semaphore_mem>>)
    %dma_start3A_53 = arith.constant 0 : i32
    %dma_start3A_54 = tpu.memref_slice %arg5[%add3A_27, %dma_start3A_53] : memref<1600000x16xf32, #tpu.memory_space<hbm>> -> memref<1000x16xf32, #tpu.memory_space<hbm>>
    %dma_start3A_55 = arith.constant 0 : i32
    %dma_start3A_56 = tpu.memref_slice %arg5[%add3A_27, %dma_start3A_55] : memref<1600000x16xf32, #tpu.memory_space<hbm>> -> memref<1000x16xf32, #tpu.memory_space<hbm>>
    tpu.enqueue_dma source(%arg12 : memref<1000x16xf32, #tpu.memory_space<vmem>>) target(%dma_start3A_56 : memref<1000x16xf32, #tpu.memory_space<hbm>>) target_semaphore(%arg20 : memref<!tpu.dma_semaphore, #tpu.memory_space<semaphore_mem>>)
    %add3A_57 = arith.constant 2000 : i32
    %add3A_58 = arith.addi %mul3A_2, %add3A_57 : i32
    %dma_start3A_59 = arith.constant 0 : i32
    %dma_start3A_60 = tpu.memref_slice %arg3[%dma_start3A_59, %add3A_58] : memref<2x1600000xi32, #tpu.memory_space<hbm>> -> memref<1x1000xi32, #tpu.memory_space<hbm>>
    %dma_start3A_61 = tpu.memref_squeeze %dma_start3A_60 : memref<1x1000xi32, #tpu.memory_space<hbm>> -> memref<1000xi32, #tpu.memory_space<hbm>>
    %dma_start3A_62 = tpu.memref_slice %arg3[%dma_start3A_59, %add3A_58] : memref<2x1600000xi32, #tpu.memory_space<hbm>> -> memref<1x1000xi32, #tpu.memory_space<hbm>>
    %dma_start3A_63 = tpu.memref_squeeze %dma_start3A_62 : memref<1x1000xi32, #tpu.memory_space<hbm>> -> memref<1000xi32, #tpu.memory_space<hbm>>
    tpu.enqueue_dma source(%dma_start3A_63 : memref<1000xi32, #tpu.memory_space<hbm>>) target(%arg6 : memref<1000xi32, #tpu.memory_space<vmem>>) target_semaphore(%arg14 : memref<!tpu.dma_semaphore, #tpu.memory_space<semaphore_mem>>)
    %dma_start3A_64 = arith.constant 1 : i32
    %dma_start3A_65 = tpu.memref_slice %arg3[%dma_start3A_64, %add3A_58] : memref<2x1600000xi32, #tpu.memory_space<hbm>> -> memref<1x1000xi32, #tpu.memory_space<hbm>>
    %dma_start3A_66 = tpu.memref_squeeze %dma_start3A_65 : memref<1x1000xi32, #tpu.memory_space<hbm>> -> memref<1000xi32, #tpu.memory_space<hbm>>
    %dma_start3A_67 = tpu.memref_slice %arg3[%dma_start3A_64, %add3A_58] : memref<2x1600000xi32, #tpu.memory_space<hbm>> -> memref<1x1000xi32, #tpu.memory_space<hbm>>
    %dma_start3A_68 = tpu.memref_squeeze %dma_start3A_67 : memref<1x1000xi32, #tpu.memory_space<hbm>> -> memref<1000xi32, #tpu.memory_space<hbm>>
    tpu.enqueue_dma source(%dma_start3A_68 : memref<1000xi32, #tpu.memory_space<hbm>>) target(%arg10 : memref<1000xi32, #tpu.memory_space<vmem>>) target_semaphore(%arg14 : memref<!tpu.dma_semaphore, #tpu.memory_space<semaphore_mem>>)
    %add3A_69 = arith.constant 1000 : i32
    %add3A_70 = arith.addi %mul3A_2, %add3A_69 : i32
    %dma_wait3A_71 = arith.constant 0 : i32
    %dma_wait3A_72 = tpu.memref_slice %arg3[%dma_wait3A_71, %add3A_70] : memref<2x1600000xi32, #tpu.memory_space<hbm>> -> memref<1x1000xi32, #tpu.memory_space<hbm>>
    %dma_wait3A_73 = tpu.memref_squeeze %dma_wait3A_72 : memref<1x1000xi32, #tpu.memory_space<hbm>> -> memref<1000xi32, #tpu.memory_space<hbm>>
    %dma_wait3A_74 = tpu.memref_slice %arg3[%dma_wait3A_71, %add3A_70] : memref<2x1600000xi32, #tpu.memory_space<hbm>> -> memref<1x1000xi32, #tpu.memory_space<hbm>>
    %dma_wait3A_75 = tpu.memref_squeeze %dma_wait3A_74 : memref<1x1000xi32, #tpu.memory_space<hbm>> -> memref<1000xi32, #tpu.memory_space<hbm>>
    tpu.wait_dma2 semaphore(%arg15 : memref<!tpu.dma_semaphore, #tpu.memory_space<semaphore_mem>>) src(%dma_wait3A_75 : memref<1000xi32, #tpu.memory_space<hbm>>) dst(%arg7 : memref<1000xi32, #tpu.memory_space<vmem>>)
    %dma_wait3A_76 = arith.constant 1 : i32
    %dma_wait3A_77 = tpu.memref_slice %arg3[%dma_wait3A_76, %add3A_70] : memref<2x1600000xi32, #tpu.memory_space<hbm>> -> memref<1x1000xi32, #tpu.memory_space<hbm>>
    %dma_wait3A_78 = tpu.memref_squeeze %dma_wait3A_77 : memref<1x1000xi32, #tpu.memory_space<hbm>> -> memref<1000xi32, #tpu.memory_space<hbm>>
    %dma_wait3A_79 = tpu.memref_slice %arg3[%dma_wait3A_76, %add3A_70] : memref<2x1600000xi32, #tpu.memory_space<hbm>> -> memref<1x1000xi32, #tpu.memory_space<hbm>>
    %dma_wait3A_80 = tpu.memref_squeeze %dma_wait3A_79 : memref<1x1000xi32, #tpu.memory_space<hbm>> -> memref<1000xi32, #tpu.memory_space<hbm>>
    tpu.wait_dma2 semaphore(%arg15 : memref<!tpu.dma_semaphore, #tpu.memory_space<semaphore_mem>>) src(%dma_wait3A_80 : memref<1000xi32, #tpu.memory_space<hbm>>) dst(%arg11 : memref<1000xi32, #tpu.memory_space<vmem>>)
    %dma_start3A_81 = arith.constant 0 : i32
    %dma_start3A_82 = arith.constant 0 : i32
    %dma_start3A_83 = tpu.memref_slice %arg2[%dma_start3A_81, %dma_start3A_82] : memref<50000x16xf32, #tpu.memory_space<hbm>> -> memref<50000x16xf32, #tpu.memory_space<hbm>>
    tpu.enqueue_indirect_dma source(%dma_start3A_83 : memref<50000x16xf32, #tpu.memory_space<hbm>>) target(%arg9 : memref<1000x16xf32, #tpu.memory_space<vmem>>) offsets(%arg7 : memref<1000xi32, #tpu.memory_space<vmem>>) semaphore(%arg17 : memref<!tpu.dma_semaphore, #tpu.memory_space<semaphore_mem>>)
    %dma_start3A_84 = arith.constant 0 : i32
    %dma_start3A_85 = arith.constant 0 : i32
    %dma_start3A_86 = tpu.memref_slice %arg2[%dma_start3A_84, %dma_start3A_85] : memref<50000x16xf32, #tpu.memory_space<hbm>> -> memref<50000x16xf32, #tpu.memory_space<hbm>>
    tpu.enqueue_indirect_dma source(%dma_start3A_86 : memref<50000x16xf32, #tpu.memory_space<hbm>>) target(%arg13 : memref<1000x16xf32, #tpu.memory_space<vmem>>) offsets(%arg11 : memref<1000xi32, #tpu.memory_space<vmem>>) semaphore(%arg17 : memref<!tpu.dma_semaphore, #tpu.memory_space<semaphore_mem>>)
    %dma_wait3A_87 = arith.constant 0 : i32
    %dma_wait3A_88 = arith.constant 0 : i32
    %dma_wait3A_89 = tpu.memref_slice %arg2[%dma_wait3A_87, %dma_wait3A_88] : memref<50000x16xf32, #tpu.memory_space<hbm>> -> memref<50000x16xf32, #tpu.memory_space<hbm>>
    tpu.wait_indirect_dma semaphore(%arg17 : memref<!tpu.dma_semaphore, #tpu.memory_space<semaphore_mem>>) src(%dma_wait3A_89 : memref<50000x16xf32, #tpu.memory_space<hbm>>) dst(%arg9 : memref<1000x16xf32, #tpu.memory_space<vmem>>)
    %dma_wait3A_90 = arith.constant 0 : i32
    %dma_wait3A_91 = arith.constant 0 : i32
    %dma_wait3A_92 = tpu.memref_slice %arg2[%dma_wait3A_90, %dma_wait3A_91] : memref<50000x16xf32, #tpu.memory_space<hbm>> -> memref<50000x16xf32, #tpu.memory_space<hbm>>
    tpu.wait_indirect_dma semaphore(%arg17 : memref<!tpu.dma_semaphore, #tpu.memory_space<semaphore_mem>>) src(%dma_wait3A_92 : memref<50000x16xf32, #tpu.memory_space<hbm>>) dst(%arg13 : memref<1000x16xf32, #tpu.memory_space<vmem>>)
    %dma_start3A_93 = arith.constant 0 : i32
    %dma_start3A_94 = tpu.memref_slice %arg4[%add3A_70, %dma_start3A_93] : memref<1600000x16xf32, #tpu.memory_space<hbm>> -> memref<1000x16xf32, #tpu.memory_space<hbm>>
    %dma_start3A_95 = arith.constant 0 : i32
    %dma_start3A_96 = tpu.memref_slice %arg4[%add3A_70, %dma_start3A_95] : memref<1600000x16xf32, #tpu.memory_space<hbm>> -> memref<1000x16xf32, #tpu.memory_space<hbm>>
    tpu.enqueue_dma source(%arg9 : memref<1000x16xf32, #tpu.memory_space<vmem>>) target(%dma_start3A_96 : memref<1000x16xf32, #tpu.memory_space<hbm>>) target_semaphore(%arg19 : memref<!tpu.dma_semaphore, #tpu.memory_space<semaphore_mem>>)
    %dma_start3A_97 = arith.constant 0 : i32
    %dma_start3A_98 = tpu.memref_slice %arg5[%add3A_70, %dma_start3A_97] : memref<1600000x16xf32, #tpu.memory_space<hbm>> -> memref<1000x16xf32, #tpu.memory_space<hbm>>
    %dma_start3A_99 = arith.constant 0 : i32
    %dma_start3A_100 = tpu.memref_slice %arg5[%add3A_70, %dma_start3A_99] : memref<1600000x16xf32, #tpu.memory_space<hbm>> -> memref<1000x16xf32, #tpu.memory_space<hbm>>
    tpu.enqueue_dma source(%arg13 : memref<1000x16xf32, #tpu.memory_space<vmem>>) target(%dma_start3A_100 : memref<1000x16xf32, #tpu.memory_space<hbm>>) target_semaphore(%arg21 : memref<!tpu.dma_semaphore, #tpu.memory_space<semaphore_mem>>)
    %add3A_101 = arith.constant 3000 : i32
    %add3A_102 = arith.addi %mul3A_2, %add3A_101 : i32
    %dma_start3A_103 = arith.constant 0 : i32
    %dma_start3A_104 = tpu.memref_slice %arg3[%dma_start3A_103, %add3A_102] : memref<2x1600000xi32, #tpu.memory_space<hbm>> -> memref<1x1000xi32, #tpu.memory_space<hbm>>
    %dma_start3A_105 = tpu.memref_squeeze %dma_start3A_104 : memref<1x1000xi32, #tpu.memory_space<hbm>> -> memref<1000xi32, #tpu.memory_space<hbm>>
    %dma_start3A_106 = tpu.memref_slice %arg3[%dma_start3A_103, %add3A_102] : memref<2x1600000xi32, #tpu.memory_space<hbm>> -> memref<1x1000xi32, #tpu.memory_space<hbm>>
    %dma_start3A_107 = tpu.memref_squeeze %dma_start3A_106 : memref<1x1000xi32, #tpu.memory_space<hbm>> -> memref<1000xi32, #tpu.memory_space<hbm>>
    tpu.enqueue_dma source(%dma_start3A_107 : memref<1000xi32, #tpu.memory_space<hbm>>) target(%arg7 : memref<1000xi32, #tpu.memory_space<vmem>>) target_semaphore(%arg15 : memref<!tpu.dma_semaphore, #tpu.memory_space<semaphore_mem>>)
    %dma_start3A_108 = arith.constant 1 : i32
    %dma_start3A_109 = tpu.memref_slice %arg3[%dma_start3A_108, %add3A_102] : memref<2x1600000xi32, #tpu.memory_space<hbm>> -> memref<1x1000xi32, #tpu.memory_space<hbm>>
    %dma_start3A_110 = tpu.memref_squeeze %dma_start3A_109 : memref<1x1000xi32, #tpu.memory_space<hbm>> -> memref<1000xi32, #tpu.memory_space<hbm>>
    %dma_start3A_111 = tpu.memref_slice %arg3[%dma_start3A_108, %add3A_102] : memref<2x1600000xi32, #tpu.memory_space<hbm>> -> memref<1x1000xi32, #tpu.memory_space<hbm>>
    %dma_start3A_112 = tpu.memref_squeeze %dma_start3A_111 : memref<1x1000xi32, #tpu.memory_space<hbm>> -> memref<1000xi32, #tpu.memory_space<hbm>>
    tpu.enqueue_dma source(%dma_start3A_112 : memref<1000xi32, #tpu.memory_space<hbm>>) target(%arg11 : memref<1000xi32, #tpu.memory_space<vmem>>) target_semaphore(%arg15 : memref<!tpu.dma_semaphore, #tpu.memory_space<semaphore_mem>>)
    %scan3A = arith.constant 0 : i32
    %scan3A_113 = arith.constant 23 : i32
    %scan3A_114 = arith.addi %scan3A, %scan3A_113 : i32
    %scan3A_115 = arith.constant 1 : i32
    scf.for %scan3A_221 = %scan3A to %scan3A_114 step %scan3A_115  : i32 {
      %mul3A_222 = arith.constant 2 : i32
      %mul3A_223 = arith.muli %scan3A_221, %mul3A_222 : i32
      %add3A_224 = arith.constant 2 : i32
      %add3A_225 = arith.addi %add3A_224, %mul3A_223 : i32
      %mul3A_226 = arith.constant 1000 : i32
      %mul3A_227 = arith.muli %add3A_225, %mul3A_226 : i32
      %add3A_228 = arith.addi %mul3A_2, %mul3A_227 : i32
      %dma_wait3A_229 = arith.constant 0 : i32
      %dma_wait3A_230 = tpu.memref_slice %arg3[%dma_wait3A_229, %add3A_228] : memref<2x1600000xi32, #tpu.memory_space<hbm>> -> memref<1x1000xi32, #tpu.memory_space<hbm>>
      %dma_wait3A_231 = tpu.memref_squeeze %dma_wait3A_230 : memref<1x1000xi32, #tpu.memory_space<hbm>> -> memref<1000xi32, #tpu.memory_space<hbm>>
      %dma_wait3A_232 = tpu.memref_slice %arg3[%dma_wait3A_229, %add3A_228] : memref<2x1600000xi32, #tpu.memory_space<hbm>> -> memref<1x1000xi32, #tpu.memory_space<hbm>>
      %dma_wait3A_233 = tpu.memref_squeeze %dma_wait3A_232 : memref<1x1000xi32, #tpu.memory_space<hbm>> -> memref<1000xi32, #tpu.memory_space<hbm>>
      tpu.wait_dma2 semaphore(%arg14 : memref<!tpu.dma_semaphore, #tpu.memory_space<semaphore_mem>>) src(%dma_wait3A_233 : memref<1000xi32, #tpu.memory_space<hbm>>) dst(%arg6 : memref<1000xi32, #tpu.memory_space<vmem>>)
      %dma_wait3A_234 = arith.constant 1 : i32
      %dma_wait3A_235 = tpu.memref_slice %arg3[%dma_wait3A_234, %add3A_228] : memref<2x1600000xi32, #tpu.memory_space<hbm>> -> memref<1x1000xi32, #tpu.memory_space<hbm>>
      %dma_wait3A_236 = tpu.memref_squeeze %dma_wait3A_235 : memref<1x1000xi32, #tpu.memory_space<hbm>> -> memref<1000xi32, #tpu.memory_space<hbm>>
      %dma_wait3A_237 = tpu.memref_slice %arg3[%dma_wait3A_234, %add3A_228] : memref<2x1600000xi32, #tpu.memory_space<hbm>> -> memref<1x1000xi32, #tpu.memory_space<hbm>>
      %dma_wait3A_238 = tpu.memref_squeeze %dma_wait3A_237 : memref<1x1000xi32, #tpu.memory_space<hbm>> -> memref<1000xi32, #tpu.memory_space<hbm>>
      tpu.wait_dma2 semaphore(%arg14 : memref<!tpu.dma_semaphore, #tpu.memory_space<semaphore_mem>>) src(%dma_wait3A_238 : memref<1000xi32, #tpu.memory_space<hbm>>) dst(%arg10 : memref<1000xi32, #tpu.memory_space<vmem>>)
      %sub3A = arith.constant 2 : i32
      %sub3A_239 = arith.subi %add3A_225, %sub3A : i32
      %mul3A_240 = arith.constant 1000 : i32
      %mul3A_241 = arith.muli %sub3A_239, %mul3A_240 : i32
      %add3A_242 = arith.addi %mul3A_2, %mul3A_241 : i32
      %dma_wait3A_243 = arith.constant 0 : i32
      %dma_wait3A_244 = tpu.memref_slice %arg4[%add3A_242, %dma_wait3A_243] : memref<1600000x16xf32, #tpu.memory_space<hbm>> -> memref<1000x16xf32, #tpu.memory_space<hbm>>
      %dma_wait3A_245 = arith.constant 0 : i32
      %dma_wait3A_246 = tpu.memref_slice %arg4[%add3A_242, %dma_wait3A_245] : memref<1600000x16xf32, #tpu.memory_space<hbm>> -> memref<1000x16xf32, #tpu.memory_space<hbm>>
      tpu.wait_dma2 semaphore(%arg18 : memref<!tpu.dma_semaphore, #tpu.memory_space<semaphore_mem>>) src(%arg8 : memref<1000x16xf32, #tpu.memory_space<vmem>>) dst(%dma_wait3A_246 : memref<1000x16xf32, #tpu.memory_space<hbm>>)
      %dma_wait3A_247 = arith.constant 0 : i32
      %dma_wait3A_248 = tpu.memref_slice %arg5[%add3A_242, %dma_wait3A_247] : memref<1600000x16xf32, #tpu.memory_space<hbm>> -> memref<1000x16xf32, #tpu.memory_space<hbm>>
      %dma_wait3A_249 = arith.constant 0 : i32
      %dma_wait3A_250 = tpu.memref_slice %arg5[%add3A_242, %dma_wait3A_249] : memref<1600000x16xf32, #tpu.memory_space<hbm>> -> memref<1000x16xf32, #tpu.memory_space<hbm>>
      tpu.wait_dma2 semaphore(%arg20 : memref<!tpu.dma_semaphore, #tpu.memory_space<semaphore_mem>>) src(%arg12 : memref<1000x16xf32, #tpu.memory_space<vmem>>) dst(%dma_wait3A_250 : memref<1000x16xf32, #tpu.memory_space<hbm>>)
      %dma_start3A_251 = arith.constant 0 : i32
      %dma_start3A_252 = arith.constant 0 : i32
      %dma_start3A_253 = tpu.memref_slice %arg2[%dma_start3A_251, %dma_start3A_252] : memref<50000x16xf32, #tpu.memory_space<hbm>> -> memref<50000x16xf32, #tpu.memory_space<hbm>>
      tpu.enqueue_indirect_dma source(%dma_start3A_253 : memref<50000x16xf32, #tpu.memory_space<hbm>>) target(%arg8 : memref<1000x16xf32, #tpu.memory_space<vmem>>) offsets(%arg6 : memref<1000xi32, #tpu.memory_space<vmem>>) semaphore(%arg16 : memref<!tpu.dma_semaphore, #tpu.memory_space<semaphore_mem>>)
      %dma_start3A_254 = arith.constant 0 : i32
      %dma_start3A_255 = arith.constant 0 : i32
      %dma_start3A_256 = tpu.memref_slice %arg2[%dma_start3A_254, %dma_start3A_255] : memref<50000x16xf32, #tpu.memory_space<hbm>> -> memref<50000x16xf32, #tpu.memory_space<hbm>>
      tpu.enqueue_indirect_dma source(%dma_start3A_256 : memref<50000x16xf32, #tpu.memory_space<hbm>>) target(%arg12 : memref<1000x16xf32, #tpu.memory_space<vmem>>) offsets(%arg10 : memref<1000xi32, #tpu.memory_space<vmem>>) semaphore(%arg16 : memref<!tpu.dma_semaphore, #tpu.memory_space<semaphore_mem>>)
      %dma_wait3A_257 = arith.constant 0 : i32
      %dma_wait3A_258 = arith.constant 0 : i32
      %dma_wait3A_259 = tpu.memref_slice %arg2[%dma_wait3A_257, %dma_wait3A_258] : memref<50000x16xf32, #tpu.memory_space<hbm>> -> memref<50000x16xf32, #tpu.memory_space<hbm>>
      tpu.wait_indirect_dma semaphore(%arg16 : memref<!tpu.dma_semaphore, #tpu.memory_space<semaphore_mem>>) src(%dma_wait3A_259 : memref<50000x16xf32, #tpu.memory_space<hbm>>) dst(%arg8 : memref<1000x16xf32, #tpu.memory_space<vmem>>)
      %dma_wait3A_260 = arith.constant 0 : i32
      %dma_wait3A_261 = arith.constant 0 : i32
      %dma_wait3A_262 = tpu.memref_slice %arg2[%dma_wait3A_260, %dma_wait3A_261] : memref<50000x16xf32, #tpu.memory_space<hbm>> -> memref<50000x16xf32, #tpu.memory_space<hbm>>
      tpu.wait_indirect_dma semaphore(%arg16 : memref<!tpu.dma_semaphore, #tpu.memory_space<semaphore_mem>>) src(%dma_wait3A_262 : memref<50000x16xf32, #tpu.memory_space<hbm>>) dst(%arg12 : memref<1000x16xf32, #tpu.memory_space<vmem>>)
      %dma_start3A_263 = arith.constant 0 : i32
      %dma_start3A_264 = tpu.memref_slice %arg4[%add3A_228, %dma_start3A_263] : memref<1600000x16xf32, #tpu.memory_space<hbm>> -> memref<1000x16xf32, #tpu.memory_space<hbm>>
      %dma_start3A_265 = arith.constant 0 : i32
      %dma_start3A_266 = tpu.memref_slice %arg4[%add3A_228, %dma_start3A_265] : memref<1600000x16xf32, #tpu.memory_space<hbm>> -> memref<1000x16xf32, #tpu.memory_space<hbm>>
      tpu.enqueue_dma source(%arg8 : memref<1000x16xf32, #tpu.memory_space<vmem>>) target(%dma_start3A_266 : memref<1000x16xf32, #tpu.memory_space<hbm>>) target_semaphore(%arg18 : memref<!tpu.dma_semaphore, #tpu.memory_space<semaphore_mem>>)
      %dma_start3A_267 = arith.constant 0 : i32
      %dma_start3A_268 = tpu.memref_slice %arg5[%add3A_228, %dma_start3A_267] : memref<1600000x16xf32, #tpu.memory_space<hbm>> -> memref<1000x16xf32, #tpu.memory_space<hbm>>
      %dma_start3A_269 = arith.constant 0 : i32
      %dma_start3A_270 = tpu.memref_slice %arg5[%add3A_228, %dma_start3A_269] : memref<1600000x16xf32, #tpu.memory_space<hbm>> -> memref<1000x16xf32, #tpu.memory_space<hbm>>
      tpu.enqueue_dma source(%arg12 : memref<1000x16xf32, #tpu.memory_space<vmem>>) target(%dma_start3A_270 : memref<1000x16xf32, #tpu.memory_space<hbm>>) target_semaphore(%arg20 : memref<!tpu.dma_semaphore, #tpu.memory_space<semaphore_mem>>)
      %add3A_271 = arith.constant 2 : i32
      %add3A_272 = arith.addi %add3A_225, %add3A_271 : i32
      %mul3A_273 = arith.constant 1000 : i32
      %mul3A_274 = arith.muli %add3A_272, %mul3A_273 : i32
      %add3A_275 = arith.addi %mul3A_2, %mul3A_274 : i32
      %dma_start3A_276 = arith.constant 0 : i32
      %dma_start3A_277 = tpu.memref_slice %arg3[%dma_start3A_276, %add3A_275] : memref<2x1600000xi32, #tpu.memory_space<hbm>> -> memref<1x1000xi32, #tpu.memory_space<hbm>>
      %dma_start3A_278 = tpu.memref_squeeze %dma_start3A_277 : memref<1x1000xi32, #tpu.memory_space<hbm>> -> memref<1000xi32, #tpu.memory_space<hbm>>
      %dma_start3A_279 = tpu.memref_slice %arg3[%dma_start3A_276, %add3A_275] : memref<2x1600000xi32, #tpu.memory_space<hbm>> -> memref<1x1000xi32, #tpu.memory_space<hbm>>
      %dma_start3A_280 = tpu.memref_squeeze %dma_start3A_279 : memref<1x1000xi32, #tpu.memory_space<hbm>> -> memref<1000xi32, #tpu.memory_space<hbm>>
      tpu.enqueue_dma source(%dma_start3A_280 : memref<1000xi32, #tpu.memory_space<hbm>>) target(%arg6 : memref<1000xi32, #tpu.memory_space<vmem>>) target_semaphore(%arg14 : memref<!tpu.dma_semaphore, #tpu.memory_space<semaphore_mem>>)
      %dma_start3A_281 = arith.constant 1 : i32
      %dma_start3A_282 = tpu.memref_slice %arg3[%dma_start3A_281, %add3A_275] : memref<2x1600000xi32, #tpu.memory_space<hbm>> -> memref<1x1000xi32, #tpu.memory_space<hbm>>
      %dma_start3A_283 = tpu.memref_squeeze %dma_start3A_282 : memref<1x1000xi32, #tpu.memory_space<hbm>> -> memref<1000xi32, #tpu.memory_space<hbm>>
      %dma_start3A_284 = tpu.memref_slice %arg3[%dma_start3A_281, %add3A_275] : memref<2x1600000xi32, #tpu.memory_space<hbm>> -> memref<1x1000xi32, #tpu.memory_space<hbm>>
      %dma_start3A_285 = tpu.memref_squeeze %dma_start3A_284 : memref<1x1000xi32, #tpu.memory_space<hbm>> -> memref<1000xi32, #tpu.memory_space<hbm>>
      tpu.enqueue_dma source(%dma_start3A_285 : memref<1000xi32, #tpu.memory_space<hbm>>) target(%arg10 : memref<1000xi32, #tpu.memory_space<vmem>>) target_semaphore(%arg14 : memref<!tpu.dma_semaphore, #tpu.memory_space<semaphore_mem>>)
      %add3A_286 = arith.constant 1 : i32
      %add3A_287 = arith.addi %add3A_225, %add3A_286 : i32
      %mul3A_288 = arith.constant 1000 : i32
      %mul3A_289 = arith.muli %add3A_287, %mul3A_288 : i32
      %add3A_290 = arith.addi %mul3A_2, %mul3A_289 : i32
      %dma_wait3A_291 = arith.constant 0 : i32
      %dma_wait3A_292 = tpu.memref_slice %arg3[%dma_wait3A_291, %add3A_290] : memref<2x1600000xi32, #tpu.memory_space<hbm>> -> memref<1x1000xi32, #tpu.memory_space<hbm>>
      %dma_wait3A_293 = tpu.memref_squeeze %dma_wait3A_292 : memref<1x1000xi32, #tpu.memory_space<hbm>> -> memref<1000xi32, #tpu.memory_space<hbm>>
      %dma_wait3A_294 = tpu.memref_slice %arg3[%dma_wait3A_291, %add3A_290] : memref<2x1600000xi32, #tpu.memory_space<hbm>> -> memref<1x1000xi32, #tpu.memory_space<hbm>>
      %dma_wait3A_295 = tpu.memref_squeeze %dma_wait3A_294 : memref<1x1000xi32, #tpu.memory_space<hbm>> -> memref<1000xi32, #tpu.memory_space<hbm>>
      tpu.wait_dma2 semaphore(%arg15 : memref<!tpu.dma_semaphore, #tpu.memory_space<semaphore_mem>>) src(%dma_wait3A_295 : memref<1000xi32, #tpu.memory_space<hbm>>) dst(%arg7 : memref<1000xi32, #tpu.memory_space<vmem>>)
      %dma_wait3A_296 = arith.constant 1 : i32
      %dma_wait3A_297 = tpu.memref_slice %arg3[%dma_wait3A_296, %add3A_290] : memref<2x1600000xi32, #tpu.memory_space<hbm>> -> memref<1x1000xi32, #tpu.memory_space<hbm>>
      %dma_wait3A_298 = tpu.memref_squeeze %dma_wait3A_297 : memref<1x1000xi32, #tpu.memory_space<hbm>> -> memref<1000xi32, #tpu.memory_space<hbm>>
      %dma_wait3A_299 = tpu.memref_slice %arg3[%dma_wait3A_296, %add3A_290] : memref<2x1600000xi32, #tpu.memory_space<hbm>> -> memref<1x1000xi32, #tpu.memory_space<hbm>>
      %dma_wait3A_300 = tpu.memref_squeeze %dma_wait3A_299 : memref<1x1000xi32, #tpu.memory_space<hbm>> -> memref<1000xi32, #tpu.memory_space<hbm>>
      tpu.wait_dma2 semaphore(%arg15 : memref<!tpu.dma_semaphore, #tpu.memory_space<semaphore_mem>>) src(%dma_wait3A_300 : memref<1000xi32, #tpu.memory_space<hbm>>) dst(%arg11 : memref<1000xi32, #tpu.memory_space<vmem>>)
      %sub3A_301 = arith.constant 2 : i32
      %sub3A_302 = arith.subi %add3A_287, %sub3A_301 : i32
      %mul3A_303 = arith.constant 1000 : i32
      %mul3A_304 = arith.muli %sub3A_302, %mul3A_303 : i32
      %add3A_305 = arith.addi %mul3A_2, %mul3A_304 : i32
      %dma_wait3A_306 = arith.constant 0 : i32
      %dma_wait3A_307 = tpu.memref_slice %arg4[%add3A_305, %dma_wait3A_306] : memref<1600000x16xf32, #tpu.memory_space<hbm>> -> memref<1000x16xf32, #tpu.memory_space<hbm>>
      %dma_wait3A_308 = arith.constant 0 : i32
      %dma_wait3A_309 = tpu.memref_slice %arg4[%add3A_305, %dma_wait3A_308] : memref<1600000x16xf32, #tpu.memory_space<hbm>> -> memref<1000x16xf32, #tpu.memory_space<hbm>>
      tpu.wait_dma2 semaphore(%arg19 : memref<!tpu.dma_semaphore, #tpu.memory_space<semaphore_mem>>) src(%arg9 : memref<1000x16xf32, #tpu.memory_space<vmem>>) dst(%dma_wait3A_309 : memref<1000x16xf32, #tpu.memory_space<hbm>>)
      %dma_wait3A_310 = arith.constant 0 : i32
      %dma_wait3A_311 = tpu.memref_slice %arg5[%add3A_305, %dma_wait3A_310] : memref<1600000x16xf32, #tpu.memory_space<hbm>> -> memref<1000x16xf32, #tpu.memory_space<hbm>>
      %dma_wait3A_312 = arith.constant 0 : i32
      %dma_wait3A_313 = tpu.memref_slice %arg5[%add3A_305, %dma_wait3A_312] : memref<1600000x16xf32, #tpu.memory_space<hbm>> -> memref<1000x16xf32, #tpu.memory_space<hbm>>
      tpu.wait_dma2 semaphore(%arg21 : memref<!tpu.dma_semaphore, #tpu.memory_space<semaphore_mem>>) src(%arg13 : memref<1000x16xf32, #tpu.memory_space<vmem>>) dst(%dma_wait3A_313 : memref<1000x16xf32, #tpu.memory_space<hbm>>)
      %dma_start3A_314 = arith.constant 0 : i32
      %dma_start3A_315 = arith.constant 0 : i32
      %dma_start3A_316 = tpu.memref_slice %arg2[%dma_start3A_314, %dma_start3A_315] : memref<50000x16xf32, #tpu.memory_space<hbm>> -> memref<50000x16xf32, #tpu.memory_space<hbm>>
      tpu.enqueue_indirect_dma source(%dma_start3A_316 : memref<50000x16xf32, #tpu.memory_space<hbm>>) target(%arg9 : memref<1000x16xf32, #tpu.memory_space<vmem>>) offsets(%arg7 : memref<1000xi32, #tpu.memory_space<vmem>>) semaphore(%arg17 : memref<!tpu.dma_semaphore, #tpu.memory_space<semaphore_mem>>)
      %dma_start3A_317 = arith.constant 0 : i32
      %dma_start3A_318 = arith.constant 0 : i32
      %dma_start3A_319 = tpu.memref_slice %arg2[%dma_start3A_317, %dma_start3A_318] : memref<50000x16xf32, #tpu.memory_space<hbm>> -> memref<50000x16xf32, #tpu.memory_space<hbm>>
      tpu.enqueue_indirect_dma source(%dma_start3A_319 : memref<50000x16xf32, #tpu.memory_space<hbm>>) target(%arg13 : memref<1000x16xf32, #tpu.memory_space<vmem>>) offsets(%arg11 : memref<1000xi32, #tpu.memory_space<vmem>>) semaphore(%arg17 : memref<!tpu.dma_semaphore, #tpu.memory_space<semaphore_mem>>)
      %dma_wait3A_320 = arith.constant 0 : i32
      %dma_wait3A_321 = arith.constant 0 : i32
      %dma_wait3A_322 = tpu.memref_slice %arg2[%dma_wait3A_320, %dma_wait3A_321] : memref<50000x16xf32, #tpu.memory_space<hbm>> -> memref<50000x16xf32, #tpu.memory_space<hbm>>
      tpu.wait_indirect_dma semaphore(%arg17 : memref<!tpu.dma_semaphore, #tpu.memory_space<semaphore_mem>>) src(%dma_wait3A_322 : memref<50000x16xf32, #tpu.memory_space<hbm>>) dst(%arg9 : memref<1000x16xf32, #tpu.memory_space<vmem>>)
      %dma_wait3A_323 = arith.constant 0 : i32
      %dma_wait3A_324 = arith.constant 0 : i32
      %dma_wait3A_325 = tpu.memref_slice %arg2[%dma_wait3A_323, %dma_wait3A_324] : memref<50000x16xf32, #tpu.memory_space<hbm>> -> memref<50000x16xf32, #tpu.memory_space<hbm>>
      tpu.wait_indirect_dma semaphore(%arg17 : memref<!tpu.dma_semaphore, #tpu.memory_space<semaphore_mem>>) src(%dma_wait3A_325 : memref<50000x16xf32, #tpu.memory_space<hbm>>) dst(%arg13 : memref<1000x16xf32, #tpu.memory_space<vmem>>)
      %dma_start3A_326 = arith.constant 0 : i32
      %dma_start3A_327 = tpu.memref_slice %arg4[%add3A_290, %dma_start3A_326] : memref<1600000x16xf32, #tpu.memory_space<hbm>> -> memref<1000x16xf32, #tpu.memory_space<hbm>>
      %dma_start3A_328 = arith.constant 0 : i32
      %dma_start3A_329 = tpu.memref_slice %arg4[%add3A_290, %dma_start3A_328] : memref<1600000x16xf32, #tpu.memory_space<hbm>> -> memref<1000x16xf32, #tpu.memory_space<hbm>>
      tpu.enqueue_dma source(%arg9 : memref<1000x16xf32, #tpu.memory_space<vmem>>) target(%dma_start3A_329 : memref<1000x16xf32, #tpu.memory_space<hbm>>) target_semaphore(%arg19 : memref<!tpu.dma_semaphore, #tpu.memory_space<semaphore_mem>>)
      %dma_start3A_330 = arith.constant 0 : i32
      %dma_start3A_331 = tpu.memref_slice %arg5[%add3A_290, %dma_start3A_330] : memref<1600000x16xf32, #tpu.memory_space<hbm>> -> memref<1000x16xf32, #tpu.memory_space<hbm>>
      %dma_start3A_332 = arith.constant 0 : i32
      %dma_start3A_333 = tpu.memref_slice %arg5[%add3A_290, %dma_start3A_332] : memref<1600000x16xf32, #tpu.memory_space<hbm>> -> memref<1000x16xf32, #tpu.memory_space<hbm>>
      tpu.enqueue_dma source(%arg13 : memref<1000x16xf32, #tpu.memory_space<vmem>>) target(%dma_start3A_333 : memref<1000x16xf32, #tpu.memory_space<hbm>>) target_semaphore(%arg21 : memref<!tpu.dma_semaphore, #tpu.memory_space<semaphore_mem>>)
      %add3A_334 = arith.constant 2 : i32
      %add3A_335 = arith.addi %add3A_287, %add3A_334 : i32
      %mul3A_336 = arith.constant 1000 : i32
      %mul3A_337 = arith.muli %add3A_335, %mul3A_336 : i32
      %add3A_338 = arith.addi %mul3A_2, %mul3A_337 : i32
      %dma_start3A_339 = arith.constant 0 : i32
      %dma_start3A_340 = tpu.memref_slice %arg3[%dma_start3A_339, %add3A_338] : memref<2x1600000xi32, #tpu.memory_space<hbm>> -> memref<1x1000xi32, #tpu.memory_space<hbm>>
      %dma_start3A_341 = tpu.memref_squeeze %dma_start3A_340 : memref<1x1000xi32, #tpu.memory_space<hbm>> -> memref<1000xi32, #tpu.memory_space<hbm>>
      %dma_start3A_342 = tpu.memref_slice %arg3[%dma_start3A_339, %add3A_338] : memref<2x1600000xi32, #tpu.memory_space<hbm>> -> memref<1x1000xi32, #tpu.memory_space<hbm>>
      %dma_start3A_343 = tpu.memref_squeeze %dma_start3A_342 : memref<1x1000xi32, #tpu.memory_space<hbm>> -> memref<1000xi32, #tpu.memory_space<hbm>>
      tpu.enqueue_dma source(%dma_start3A_343 : memref<1000xi32, #tpu.memory_space<hbm>>) target(%arg7 : memref<1000xi32, #tpu.memory_space<vmem>>) target_semaphore(%arg15 : memref<!tpu.dma_semaphore, #tpu.memory_space<semaphore_mem>>)
      %dma_start3A_344 = arith.constant 1 : i32
      %dma_start3A_345 = tpu.memref_slice %arg3[%dma_start3A_344, %add3A_338] : memref<2x1600000xi32, #tpu.memory_space<hbm>> -> memref<1x1000xi32, #tpu.memory_space<hbm>>
      %dma_start3A_346 = tpu.memref_squeeze %dma_start3A_345 : memref<1x1000xi32, #tpu.memory_space<hbm>> -> memref<1000xi32, #tpu.memory_space<hbm>>
      %dma_start3A_347 = tpu.memref_slice %arg3[%dma_start3A_344, %add3A_338] : memref<2x1600000xi32, #tpu.memory_space<hbm>> -> memref<1x1000xi32, #tpu.memory_space<hbm>>
      %dma_start3A_348 = tpu.memref_squeeze %dma_start3A_347 : memref<1x1000xi32, #tpu.memory_space<hbm>> -> memref<1000xi32, #tpu.memory_space<hbm>>
      tpu.enqueue_dma source(%dma_start3A_348 : memref<1000xi32, #tpu.memory_space<hbm>>) target(%arg11 : memref<1000xi32, #tpu.memory_space<vmem>>) target_semaphore(%arg15 : memref<!tpu.dma_semaphore, #tpu.memory_space<semaphore_mem>>)
    }
    %scan3A_116 = arith.constant 23 : i32
    %add3A_117 = arith.constant 48000 : i32
    %add3A_118 = arith.addi %mul3A_2, %add3A_117 : i32
    %dma_wait3A_119 = arith.constant 0 : i32
    %dma_wait3A_120 = tpu.memref_slice %arg3[%dma_wait3A_119, %add3A_118] : memref<2x1600000xi32, #tpu.memory_space<hbm>> -> memref<1x1000xi32, #tpu.memory_space<hbm>>
    %dma_wait3A_121 = tpu.memref_squeeze %dma_wait3A_120 : memref<1x1000xi32, #tpu.memory_space<hbm>> -> memref<1000xi32, #tpu.memory_space<hbm>>
    %dma_wait3A_122 = tpu.memref_slice %arg3[%dma_wait3A_119, %add3A_118] : memref<2x1600000xi32, #tpu.memory_space<hbm>> -> memref<1x1000xi32, #tpu.memory_space<hbm>>
    %dma_wait3A_123 = tpu.memref_squeeze %dma_wait3A_122 : memref<1x1000xi32, #tpu.memory_space<hbm>> -> memref<1000xi32, #tpu.memory_space<hbm>>
    tpu.wait_dma2 semaphore(%arg14 : memref<!tpu.dma_semaphore, #tpu.memory_space<semaphore_mem>>) src(%dma_wait3A_123 : memref<1000xi32, #tpu.memory_space<hbm>>) dst(%arg6 : memref<1000xi32, #tpu.memory_space<vmem>>)
    %dma_wait3A_124 = arith.constant 1 : i32
    %dma_wait3A_125 = tpu.memref_slice %arg3[%dma_wait3A_124, %add3A_118] : memref<2x1600000xi32, #tpu.memory_space<hbm>> -> memref<1x1000xi32, #tpu.memory_space<hbm>>
    %dma_wait3A_126 = tpu.memref_squeeze %dma_wait3A_125 : memref<1x1000xi32, #tpu.memory_space<hbm>> -> memref<1000xi32, #tpu.memory_space<hbm>>
    %dma_wait3A_127 = tpu.memref_slice %arg3[%dma_wait3A_124, %add3A_118] : memref<2x1600000xi32, #tpu.memory_space<hbm>> -> memref<1x1000xi32, #tpu.memory_space<hbm>>
    %dma_wait3A_128 = tpu.memref_squeeze %dma_wait3A_127 : memref<1x1000xi32, #tpu.memory_space<hbm>> -> memref<1000xi32, #tpu.memory_space<hbm>>
    tpu.wait_dma2 semaphore(%arg14 : memref<!tpu.dma_semaphore, #tpu.memory_space<semaphore_mem>>) src(%dma_wait3A_128 : memref<1000xi32, #tpu.memory_space<hbm>>) dst(%arg10 : memref<1000xi32, #tpu.memory_space<vmem>>)
    %add3A_129 = arith.constant 46000 : i32
    %add3A_130 = arith.addi %mul3A_2, %add3A_129 : i32
    %dma_wait3A_131 = arith.constant 0 : i32
    %dma_wait3A_132 = tpu.memref_slice %arg4[%add3A_130, %dma_wait3A_131] : memref<1600000x16xf32, #tpu.memory_space<hbm>> -> memref<1000x16xf32, #tpu.memory_space<hbm>>
    %dma_wait3A_133 = arith.constant 0 : i32
    %dma_wait3A_134 = tpu.memref_slice %arg4[%add3A_130, %dma_wait3A_133] : memref<1600000x16xf32, #tpu.memory_space<hbm>> -> memref<1000x16xf32, #tpu.memory_space<hbm>>
    tpu.wait_dma2 semaphore(%arg18 : memref<!tpu.dma_semaphore, #tpu.memory_space<semaphore_mem>>) src(%arg8 : memref<1000x16xf32, #tpu.memory_space<vmem>>) dst(%dma_wait3A_134 : memref<1000x16xf32, #tpu.memory_space<hbm>>)
    %dma_wait3A_135 = arith.constant 0 : i32
    %dma_wait3A_136 = tpu.memref_slice %arg5[%add3A_130, %dma_wait3A_135] : memref<1600000x16xf32, #tpu.memory_space<hbm>> -> memref<1000x16xf32, #tpu.memory_space<hbm>>
    %dma_wait3A_137 = arith.constant 0 : i32
    %dma_wait3A_138 = tpu.memref_slice %arg5[%add3A_130, %dma_wait3A_137] : memref<1600000x16xf32, #tpu.memory_space<hbm>> -> memref<1000x16xf32, #tpu.memory_space<hbm>>
    tpu.wait_dma2 semaphore(%arg20 : memref<!tpu.dma_semaphore, #tpu.memory_space<semaphore_mem>>) src(%arg12 : memref<1000x16xf32, #tpu.memory_space<vmem>>) dst(%dma_wait3A_138 : memref<1000x16xf32, #tpu.memory_space<hbm>>)
    %dma_start3A_139 = arith.constant 0 : i32
    %dma_start3A_140 = arith.constant 0 : i32
    %dma_start3A_141 = tpu.memref_slice %arg2[%dma_start3A_139, %dma_start3A_140] : memref<50000x16xf32, #tpu.memory_space<hbm>> -> memref<50000x16xf32, #tpu.memory_space<hbm>>
    tpu.enqueue_indirect_dma source(%dma_start3A_141 : memref<50000x16xf32, #tpu.memory_space<hbm>>) target(%arg8 : memref<1000x16xf32, #tpu.memory_space<vmem>>) offsets(%arg6 : memref<1000xi32, #tpu.memory_space<vmem>>) semaphore(%arg16 : memref<!tpu.dma_semaphore, #tpu.memory_space<semaphore_mem>>)
    %dma_start3A_142 = arith.constant 0 : i32
    %dma_start3A_143 = arith.constant 0 : i32
    %dma_start3A_144 = tpu.memref_slice %arg2[%dma_start3A_142, %dma_start3A_143] : memref<50000x16xf32, #tpu.memory_space<hbm>> -> memref<50000x16xf32, #tpu.memory_space<hbm>>
    tpu.enqueue_indirect_dma source(%dma_start3A_144 : memref<50000x16xf32, #tpu.memory_space<hbm>>) target(%arg12 : memref<1000x16xf32, #tpu.memory_space<vmem>>) offsets(%arg10 : memref<1000xi32, #tpu.memory_space<vmem>>) semaphore(%arg16 : memref<!tpu.dma_semaphore, #tpu.memory_space<semaphore_mem>>)
    %dma_wait3A_145 = arith.constant 0 : i32
    %dma_wait3A_146 = arith.constant 0 : i32
    %dma_wait3A_147 = tpu.memref_slice %arg2[%dma_wait3A_145, %dma_wait3A_146] : memref<50000x16xf32, #tpu.memory_space<hbm>> -> memref<50000x16xf32, #tpu.memory_space<hbm>>
    tpu.wait_indirect_dma semaphore(%arg16 : memref<!tpu.dma_semaphore, #tpu.memory_space<semaphore_mem>>) src(%dma_wait3A_147 : memref<50000x16xf32, #tpu.memory_space<hbm>>) dst(%arg8 : memref<1000x16xf32, #tpu.memory_space<vmem>>)
    %dma_wait3A_148 = arith.constant 0 : i32
    %dma_wait3A_149 = arith.constant 0 : i32
    %dma_wait3A_150 = tpu.memref_slice %arg2[%dma_wait3A_148, %dma_wait3A_149] : memref<50000x16xf32, #tpu.memory_space<hbm>> -> memref<50000x16xf32, #tpu.memory_space<hbm>>
    tpu.wait_indirect_dma semaphore(%arg16 : memref<!tpu.dma_semaphore, #tpu.memory_space<semaphore_mem>>) src(%dma_wait3A_150 : memref<50000x16xf32, #tpu.memory_space<hbm>>) dst(%arg12 : memref<1000x16xf32, #tpu.memory_space<vmem>>)
    %dma_start3A_151 = arith.constant 0 : i32
    %dma_start3A_152 = tpu.memref_slice %arg4[%add3A_118, %dma_start3A_151] : memref<1600000x16xf32, #tpu.memory_space<hbm>> -> memref<1000x16xf32, #tpu.memory_space<hbm>>
    %dma_start3A_153 = arith.constant 0 : i32
    %dma_start3A_154 = tpu.memref_slice %arg4[%add3A_118, %dma_start3A_153] : memref<1600000x16xf32, #tpu.memory_space<hbm>> -> memref<1000x16xf32, #tpu.memory_space<hbm>>
    tpu.enqueue_dma source(%arg8 : memref<1000x16xf32, #tpu.memory_space<vmem>>) target(%dma_start3A_154 : memref<1000x16xf32, #tpu.memory_space<hbm>>) target_semaphore(%arg18 : memref<!tpu.dma_semaphore, #tpu.memory_space<semaphore_mem>>)
    %dma_start3A_155 = arith.constant 0 : i32
    %dma_start3A_156 = tpu.memref_slice %arg5[%add3A_118, %dma_start3A_155] : memref<1600000x16xf32, #tpu.memory_space<hbm>> -> memref<1000x16xf32, #tpu.memory_space<hbm>>
    %dma_start3A_157 = arith.constant 0 : i32
    %dma_start3A_158 = tpu.memref_slice %arg5[%add3A_118, %dma_start3A_157] : memref<1600000x16xf32, #tpu.memory_space<hbm>> -> memref<1000x16xf32, #tpu.memory_space<hbm>>
    tpu.enqueue_dma source(%arg12 : memref<1000x16xf32, #tpu.memory_space<vmem>>) target(%dma_start3A_158 : memref<1000x16xf32, #tpu.memory_space<hbm>>) target_semaphore(%arg20 : memref<!tpu.dma_semaphore, #tpu.memory_space<semaphore_mem>>)
    %add3A_159 = arith.constant 49000 : i32
    %add3A_160 = arith.addi %mul3A_2, %add3A_159 : i32
    %dma_wait3A_161 = arith.constant 0 : i32
    %dma_wait3A_162 = tpu.memref_slice %arg3[%dma_wait3A_161, %add3A_160] : memref<2x1600000xi32, #tpu.memory_space<hbm>> -> memref<1x1000xi32, #tpu.memory_space<hbm>>
    %dma_wait3A_163 = tpu.memref_squeeze %dma_wait3A_162 : memref<1x1000xi32, #tpu.memory_space<hbm>> -> memref<1000xi32, #tpu.memory_space<hbm>>
    %dma_wait3A_164 = tpu.memref_slice %arg3[%dma_wait3A_161, %add3A_160] : memref<2x1600000xi32, #tpu.memory_space<hbm>> -> memref<1x1000xi32, #tpu.memory_space<hbm>>
    %dma_wait3A_165 = tpu.memref_squeeze %dma_wait3A_164 : memref<1x1000xi32, #tpu.memory_space<hbm>> -> memref<1000xi32, #tpu.memory_space<hbm>>
    tpu.wait_dma2 semaphore(%arg15 : memref<!tpu.dma_semaphore, #tpu.memory_space<semaphore_mem>>) src(%dma_wait3A_165 : memref<1000xi32, #tpu.memory_space<hbm>>) dst(%arg7 : memref<1000xi32, #tpu.memory_space<vmem>>)
    %dma_wait3A_166 = arith.constant 1 : i32
    %dma_wait3A_167 = tpu.memref_slice %arg3[%dma_wait3A_166, %add3A_160] : memref<2x1600000xi32, #tpu.memory_space<hbm>> -> memref<1x1000xi32, #tpu.memory_space<hbm>>
    %dma_wait3A_168 = tpu.memref_squeeze %dma_wait3A_167 : memref<1x1000xi32, #tpu.memory_space<hbm>> -> memref<1000xi32, #tpu.memory_space<hbm>>
    %dma_wait3A_169 = tpu.memref_slice %arg3[%dma_wait3A_166, %add3A_160] : memref<2x1600000xi32, #tpu.memory_space<hbm>> -> memref<1x1000xi32, #tpu.memory_space<hbm>>
    %dma_wait3A_170 = tpu.memref_squeeze %dma_wait3A_169 : memref<1x1000xi32, #tpu.memory_space<hbm>> -> memref<1000xi32, #tpu.memory_space<hbm>>
    tpu.wait_dma2 semaphore(%arg15 : memref<!tpu.dma_semaphore, #tpu.memory_space<semaphore_mem>>) src(%dma_wait3A_170 : memref<1000xi32, #tpu.memory_space<hbm>>) dst(%arg11 : memref<1000xi32, #tpu.memory_space<vmem>>)
    %add3A_171 = arith.constant 47000 : i32
    %add3A_172 = arith.addi %mul3A_2, %add3A_171 : i32
    %dma_wait3A_173 = arith.constant 0 : i32
    %dma_wait3A_174 = tpu.memref_slice %arg4[%add3A_172, %dma_wait3A_173] : memref<1600000x16xf32, #tpu.memory_space<hbm>> -> memref<1000x16xf32, #tpu.memory_space<hbm>>
    %dma_wait3A_175 = arith.constant 0 : i32
    %dma_wait3A_176 = tpu.memref_slice %arg4[%add3A_172, %dma_wait3A_175] : memref<1600000x16xf32, #tpu.memory_space<hbm>> -> memref<1000x16xf32, #tpu.memory_space<hbm>>
    tpu.wait_dma2 semaphore(%arg19 : memref<!tpu.dma_semaphore, #tpu.memory_space<semaphore_mem>>) src(%arg9 : memref<1000x16xf32, #tpu.memory_space<vmem>>) dst(%dma_wait3A_176 : memref<1000x16xf32, #tpu.memory_space<hbm>>)
    %dma_wait3A_177 = arith.constant 0 : i32
    %dma_wait3A_178 = tpu.memref_slice %arg5[%add3A_172, %dma_wait3A_177] : memref<1600000x16xf32, #tpu.memory_space<hbm>> -> memref<1000x16xf32, #tpu.memory_space<hbm>>
    %dma_wait3A_179 = arith.constant 0 : i32
    %dma_wait3A_180 = tpu.memref_slice %arg5[%add3A_172, %dma_wait3A_179] : memref<1600000x16xf32, #tpu.memory_space<hbm>> -> memref<1000x16xf32, #tpu.memory_space<hbm>>
    tpu.wait_dma2 semaphore(%arg21 : memref<!tpu.dma_semaphore, #tpu.memory_space<semaphore_mem>>) src(%arg13 : memref<1000x16xf32, #tpu.memory_space<vmem>>) dst(%dma_wait3A_180 : memref<1000x16xf32, #tpu.memory_space<hbm>>)
    %dma_start3A_181 = arith.constant 0 : i32
    %dma_start3A_182 = arith.constant 0 : i32
    %dma_start3A_183 = tpu.memref_slice %arg2[%dma_start3A_181, %dma_start3A_182] : memref<50000x16xf32, #tpu.memory_space<hbm>> -> memref<50000x16xf32, #tpu.memory_space<hbm>>
    tpu.enqueue_indirect_dma source(%dma_start3A_183 : memref<50000x16xf32, #tpu.memory_space<hbm>>) target(%arg9 : memref<1000x16xf32, #tpu.memory_space<vmem>>) offsets(%arg7 : memref<1000xi32, #tpu.memory_space<vmem>>) semaphore(%arg17 : memref<!tpu.dma_semaphore, #tpu.memory_space<semaphore_mem>>)
    %dma_start3A_184 = arith.constant 0 : i32
    %dma_start3A_185 = arith.constant 0 : i32
    %dma_start3A_186 = tpu.memref_slice %arg2[%dma_start3A_184, %dma_start3A_185] : memref<50000x16xf32, #tpu.memory_space<hbm>> -> memref<50000x16xf32, #tpu.memory_space<hbm>>
    tpu.enqueue_indirect_dma source(%dma_start3A_186 : memref<50000x16xf32, #tpu.memory_space<hbm>>) target(%arg13 : memref<1000x16xf32, #tpu.memory_space<vmem>>) offsets(%arg11 : memref<1000xi32, #tpu.memory_space<vmem>>) semaphore(%arg17 : memref<!tpu.dma_semaphore, #tpu.memory_space<semaphore_mem>>)
    %dma_wait3A_187 = arith.constant 0 : i32
    %dma_wait3A_188 = arith.constant 0 : i32
    %dma_wait3A_189 = tpu.memref_slice %arg2[%dma_wait3A_187, %dma_wait3A_188] : memref<50000x16xf32, #tpu.memory_space<hbm>> -> memref<50000x16xf32, #tpu.memory_space<hbm>>
    tpu.wait_indirect_dma semaphore(%arg17 : memref<!tpu.dma_semaphore, #tpu.memory_space<semaphore_mem>>) src(%dma_wait3A_189 : memref<50000x16xf32, #tpu.memory_space<hbm>>) dst(%arg9 : memref<1000x16xf32, #tpu.memory_space<vmem>>)
    %dma_wait3A_190 = arith.constant 0 : i32
    %dma_wait3A_191 = arith.constant 0 : i32
    %dma_wait3A_192 = tpu.memref_slice %arg2[%dma_wait3A_190, %dma_wait3A_191] : memref<50000x16xf32, #tpu.memory_space<hbm>> -> memref<50000x16xf32, #tpu.memory_space<hbm>>
    tpu.wait_indirect_dma semaphore(%arg17 : memref<!tpu.dma_semaphore, #tpu.memory_space<semaphore_mem>>) src(%dma_wait3A_192 : memref<50000x16xf32, #tpu.memory_space<hbm>>) dst(%arg13 : memref<1000x16xf32, #tpu.memory_space<vmem>>)
    %dma_start3A_193 = arith.constant 0 : i32
    %dma_start3A_194 = tpu.memref_slice %arg4[%add3A_160, %dma_start3A_193] : memref<1600000x16xf32, #tpu.memory_space<hbm>> -> memref<1000x16xf32, #tpu.memory_space<hbm>>
    %dma_start3A_195 = arith.constant 0 : i32
    %dma_start3A_196 = tpu.memref_slice %arg4[%add3A_160, %dma_start3A_195] : memref<1600000x16xf32, #tpu.memory_space<hbm>> -> memref<1000x16xf32, #tpu.memory_space<hbm>>
    tpu.enqueue_dma source(%arg9 : memref<1000x16xf32, #tpu.memory_space<vmem>>) target(%dma_start3A_196 : memref<1000x16xf32, #tpu.memory_space<hbm>>) target_semaphore(%arg19 : memref<!tpu.dma_semaphore, #tpu.memory_space<semaphore_mem>>)
    %dma_start3A_197 = arith.constant 0 : i32
    %dma_start3A_198 = tpu.memref_slice %arg5[%add3A_160, %dma_start3A_197] : memref<1600000x16xf32, #tpu.memory_space<hbm>> -> memref<1000x16xf32, #tpu.memory_space<hbm>>
    %dma_start3A_199 = arith.constant 0 : i32
    %dma_start3A_200 = tpu.memref_slice %arg5[%add3A_160, %dma_start3A_199] : memref<1600000x16xf32, #tpu.memory_space<hbm>> -> memref<1000x16xf32, #tpu.memory_space<hbm>>
    tpu.enqueue_dma source(%arg13 : memref<1000x16xf32, #tpu.memory_space<vmem>>) target(%dma_start3A_200 : memref<1000x16xf32, #tpu.memory_space<hbm>>) target_semaphore(%arg21 : memref<!tpu.dma_semaphore, #tpu.memory_space<semaphore_mem>>)
    %add3A_201 = arith.constant 48000 : i32
    %add3A_202 = arith.addi %mul3A_2, %add3A_201 : i32
    %dma_wait3A_203 = arith.constant 0 : i32
    %dma_wait3A_204 = tpu.memref_slice %arg4[%add3A_202, %dma_wait3A_203] : memref<1600000x16xf32, #tpu.memory_space<hbm>> -> memref<1000x16xf32, #tpu.memory_space<hbm>>
    %dma_wait3A_205 = arith.constant 0 : i32
    %dma_wait3A_206 = tpu.memref_slice %arg4[%add3A_202, %dma_wait3A_205] : memref<1600000x16xf32, #tpu.memory_space<hbm>> -> memref<1000x16xf32, #tpu.memory_space<hbm>>
    tpu.wait_dma2 semaphore(%arg18 : memref<!tpu.dma_semaphore, #tpu.memory_space<semaphore_mem>>) src(%arg8 : memref<1000x16xf32, #tpu.memory_space<vmem>>) dst(%dma_wait3A_206 : memref<1000x16xf32, #tpu.memory_space<hbm>>)
    %dma_wait3A_207 = arith.constant 0 : i32
    %dma_wait3A_208 = tpu.memref_slice %arg5[%add3A_202, %dma_wait3A_207] : memref<1600000x16xf32, #tpu.memory_space<hbm>> -> memref<1000x16xf32, #tpu.memory_space<hbm>>
    %dma_wait3A_209 = arith.constant 0 : i32
    %dma_wait3A_210 = tpu.memref_slice %arg5[%add3A_202, %dma_wait3A_209] : memref<1600000x16xf32, #tpu.memory_space<hbm>> -> memref<1000x16xf32, #tpu.memory_space<hbm>>
    tpu.wait_dma2 semaphore(%arg20 : memref<!tpu.dma_semaphore, #tpu.memory_space<semaphore_mem>>) src(%arg12 : memref<1000x16xf32, #tpu.memory_space<vmem>>) dst(%dma_wait3A_210 : memref<1000x16xf32, #tpu.memory_space<hbm>>)
    %add3A_211 = arith.constant 49000 : i32
    %add3A_212 = arith.addi %mul3A_2, %add3A_211 : i32
    %dma_wait3A_213 = arith.constant 0 : i32
    %dma_wait3A_214 = tpu.memref_slice %arg4[%add3A_212, %dma_wait3A_213] : memref<1600000x16xf32, #tpu.memory_space<hbm>> -> memref<1000x16xf32, #tpu.memory_space<hbm>>
    %dma_wait3A_215 = arith.constant 0 : i32
    %dma_wait3A_216 = tpu.memref_slice %arg4[%add3A_212, %dma_wait3A_215] : memref<1600000x16xf32, #tpu.memory_space<hbm>> -> memref<1000x16xf32, #tpu.memory_space<hbm>>
    tpu.wait_dma2 semaphore(%arg19 : memref<!tpu.dma_semaphore, #tpu.memory_space<semaphore_mem>>) src(%arg9 : memref<1000x16xf32, #tpu.memory_space<vmem>>) dst(%dma_wait3A_216 : memref<1000x16xf32, #tpu.memory_space<hbm>>)
    %dma_wait3A_217 = arith.constant 0 : i32
    %dma_wait3A_218 = tpu.memref_slice %arg5[%add3A_212, %dma_wait3A_217] : memref<1600000x16xf32, #tpu.memory_space<hbm>> -> memref<1000x16xf32, #tpu.memory_space<hbm>>
    %dma_wait3A_219 = arith.constant 0 : i32
    %dma_wait3A_220 = tpu.memref_slice %arg5[%add3A_212, %dma_wait3A_219] : memref<1600000x16xf32, #tpu.memory_space<hbm>> -> memref<1000x16xf32, #tpu.memory_space<hbm>>
    tpu.wait_dma2 semaphore(%arg21 : memref<!tpu.dma_semaphore, #tpu.memory_space<semaphore_mem>>) src(%arg13 : memref<1000x16xf32, #tpu.memory_space<vmem>>) dst(%dma_wait3A_220 : memref<1000x16xf32, #tpu.memory_space<hbm>>)
    return
  }
}

#map = affine_map<(d0, d1) -> (0, 0)>
module attributes {stable_mosaic.version = 14 : i64} {
  func.func @_sc_gather(%arg0: i32, %arg1: i32, %arg2: memref<50000x16xf32, #tpu.memory_space<hbm>>, %arg3: memref<2x1600000xi32, #tpu.memory_space<hbm>>, %arg4: memref<1600000x16xf32, #tpu.memory_space<hbm>>, %arg5: memref<1600000x16xf32, #tpu.memory_space<hbm>>, %arg6: memref<1000xi32, #tpu.memory_space<vmem>>, %arg7: memref<1000xi32, #tpu.memory_space<vmem>>, %arg8: memref<1000x16xf32, #tpu.memory_space<vmem>>, %arg9: memref<1000x16xf32, #tpu.memory_space<vmem>>, %arg10: memref<1000xi32, #tpu.memory_space<vmem>>, %arg11: memref<1000xi32, #tpu.memory_space<vmem>>, %arg12: memref<1000x16xf32, #tpu.memory_space<vmem>>, %arg13: memref<1000x16xf32, #tpu.memory_space<vmem>>, %arg14: memref<!tpu.dma_semaphore, #tpu.memory_space<semaphore_mem>>, %arg15: memref<!tpu.dma_semaphore, #tpu.memory_space<semaphore_mem>>, %arg16: memref<!tpu.dma_semaphore, #tpu.memory_space<semaphore_mem>>, %arg17: memref<!tpu.dma_semaphore, #tpu.memory_space<semaphore_mem>>, %arg18: memref<!tpu.dma_semaphore, #tpu.memory_space<semaphore_mem>>, %arg19: memref<!tpu.dma_semaphore, #tpu.memory_space<semaphore_mem>>, %arg20: memref<!tpu.dma_semaphore, #tpu.memory_space<semaphore_mem>>, %arg21: memref<!tpu.dma_semaphore, #tpu.memory_space<semaphore_mem>>) attributes {dimension_semantics = [#tpu.dimension_semantics<core_parallel>, #tpu.dimension_semantics<subcore_parallel>], iteration_bounds = array<i64: 2, 16>, scalar_prefetch = 0 : i64, scratch_operands = 16 : i64, tpu.core_type = #tpu.core_type<sc_vector_subcore>, window_params = [{transform_indices = #map}, {transform_indices = #map}, {transform_indices = #map}, {transform_indices = #map}]} {
    %mul3A = arith.constant 16 : i32
    %mul3A_0 = arith.muli %arg0, %mul3A : i32
    %add3A = arith.addi %mul3A_0, %arg1 : i32
    %mul3A_1 = arith.constant 50000 : i32
    %mul3A_2 = arith.muli %add3A, %mul3A_1 : i32
    %add3A_3 = arith.constant 0 : i32
    %add3A_4 = arith.addi %mul3A_2, %add3A_3 : i32
    %dma_start3A = arith.constant 0 : i32
    %dma_start3A_5 = tpu.memref_slice %arg3[%dma_start3A, %add3A_4] : memref<2x1600000xi32, #tpu.memory_space<hbm>> -> memref<1x1000xi32, #tpu.memory_space<hbm>>
    %dma_start3A_6 = tpu.memref_squeeze %dma_start3A_5 : memref<1x1000xi32, #tpu.memory_space<hbm>> -> memref<1000xi32, #tpu.memory_space<hbm>>
    %dma_start3A_7 = tpu.memref_slice %arg3[%dma_start3A, %add3A_4] : memref<2x1600000xi32, #tpu.memory_space<hbm>> -> memref<1x1000xi32, #tpu.memory_space<hbm>>
    %dma_start3A_8 = tpu.memref_squeeze %dma_start3A_7 : memref<1x1000xi32, #tpu.memory_space<hbm>> -> memref<1000xi32, #tpu.memory_space<hbm>>
    tpu.enqueue_dma source(%dma_start3A_8 : memref<1000xi32, #tpu.memory_space<hbm>>) target(%arg6 : memref<1000xi32, #tpu.memory_space<vmem>>) target_semaphore(%arg14 : memref<!tpu.dma_semaphore, #tpu.memory_space<semaphore_mem>>)
    %dma_start3A_9 = arith.constant 1 : i32
    %dma_start3A_10 = tpu.memref_slice %arg3[%dma_start3A_9, %add3A_4] : memref<2x1600000xi32, #tpu.memory_space<hbm>> -> memref<1x1000xi32, #tpu.memory_space<hbm>>
    %dma_start3A_11 = tpu.memref_squeeze %dma_start3A_10 : memref<1x1000xi32, #tpu.memory_space<hbm>> -> memref<1000xi32, #tpu.memory_space<hbm>>
    %dma_start3A_12 = tpu.memref_slice %arg3[%dma_start3A_9, %add3A_4] : memref<2x1600000xi32, #tpu.memory_space<hbm>> -> memref<1x1000xi32, #tpu.memory_space<hbm>>
    %dma_start3A_13 = tpu.memref_squeeze %dma_start3A_12 : memref<1x1000xi32, #tpu.memory_space<hbm>> -> memref<1000xi32, #tpu.memory_space<hbm>>
    tpu.enqueue_dma source(%dma_start3A_13 : memref<1000xi32, #tpu.memory_space<hbm>>) target(%arg10 : memref<1000xi32, #tpu.memory_space<vmem>>) target_semaphore(%arg14 : memref<!tpu.dma_semaphore, #tpu.memory_space<semaphore_mem>>)
    %add3A_14 = arith.constant 1000 : i32
    %add3A_15 = arith.addi %mul3A_2, %add3A_14 : i32
    %dma_start3A_16 = arith.constant 0 : i32
    %dma_start3A_17 = tpu.memref_slice %arg3[%dma_start3A_16, %add3A_15] : memref<2x1600000xi32, #tpu.memory_space<hbm>> -> memref<1x1000xi32, #tpu.memory_space<hbm>>
    %dma_start3A_18 = tpu.memref_squeeze %dma_start3A_17 : memref<1x1000xi32, #tpu.memory_space<hbm>> -> memref<1000xi32, #tpu.memory_space<hbm>>
    %dma_start3A_19 = tpu.memref_slice %arg3[%dma_start3A_16, %add3A_15] : memref<2x1600000xi32, #tpu.memory_space<hbm>> -> memref<1x1000xi32, #tpu.memory_space<hbm>>
    %dma_start3A_20 = tpu.memref_squeeze %dma_start3A_19 : memref<1x1000xi32, #tpu.memory_space<hbm>> -> memref<1000xi32, #tpu.memory_space<hbm>>
    tpu.enqueue_dma source(%dma_start3A_20 : memref<1000xi32, #tpu.memory_space<hbm>>) target(%arg7 : memref<1000xi32, #tpu.memory_space<vmem>>) target_semaphore(%arg15 : memref<!tpu.dma_semaphore, #tpu.memory_space<semaphore_mem>>)
    %dma_start3A_21 = arith.constant 1 : i32
    %dma_start3A_22 = tpu.memref_slice %arg3[%dma_start3A_21, %add3A_15] : memref<2x1600000xi32, #tpu.memory_space<hbm>> -> memref<1x1000xi32, #tpu.memory_space<hbm>>
    %dma_start3A_23 = tpu.memref_squeeze %dma_start3A_22 : memref<1x1000xi32, #tpu.memory_space<hbm>> -> memref<1000xi32, #tpu.memory_space<hbm>>
    %dma_start3A_24 = tpu.memref_slice %arg3[%dma_start3A_21, %add3A_15] : memref<2x1600000xi32, #tpu.memory_space<hbm>> -> memref<1x1000xi32, #tpu.memory_space<hbm>>
    %dma_start3A_25 = tpu.memref_squeeze %dma_start3A_24 : memref<1x1000xi32, #tpu.memory_space<hbm>> -> memref<1000xi32, #tpu.memory_space<hbm>>
    tpu.enqueue_dma source(%dma_start3A_25 : memref<1000xi32, #tpu.memory_space<hbm>>) target(%arg11 : memref<1000xi32, #tpu.memory_space<vmem>>) target_semaphore(%arg15 : memref<!tpu.dma_semaphore, #tpu.memory_space<semaphore_mem>>)
    %add3A_26 = arith.constant 0 : i32
    %add3A_27 = arith.addi %mul3A_2, %add3A_26 : i32
    %dma_wait3A = arith.constant 0 : i32
    %dma_wait3A_28 = tpu.memref_slice %arg3[%dma_wait3A, %add3A_27] : memref<2x1600000xi32, #tpu.memory_space<hbm>> -> memref<1x1000xi32, #tpu.memory_space<hbm>>
    %dma_wait3A_29 = tpu.memref_squeeze %dma_wait3A_28 : memref<1x1000xi32, #tpu.memory_space<hbm>> -> memref<1000xi32, #tpu.memory_space<hbm>>
    %dma_wait3A_30 = tpu.memref_slice %arg3[%dma_wait3A, %add3A_27] : memref<2x1600000xi32, #tpu.memory_space<hbm>> -> memref<1x1000xi32, #tpu.memory_space<hbm>>
    %dma_wait3A_31 = tpu.memref_squeeze %dma_wait3A_30 : memref<1x1000xi32, #tpu.memory_space<hbm>> -> memref<1000xi32, #tpu.memory_space<hbm>>
    tpu.wait_dma2 semaphore(%arg14 : memref<!tpu.dma_semaphore, #tpu.memory_space<semaphore_mem>>) src(%dma_wait3A_31 : memref<1000xi32, #tpu.memory_space<hbm>>) dst(%arg6 : memref<1000xi32, #tpu.memory_space<vmem>>)
    %dma_wait3A_32 = arith.constant 1 : i32
    %dma_wait3A_33 = tpu.memref_slice %arg3[%dma_wait3A_32, %add3A_27] : memref<2x1600000xi32, #tpu.memory_space<hbm>> -> memref<1x1000xi32, #tpu.memory_space<hbm>>
    %dma_wait3A_34 = tpu.memref_squeeze %dma_wait3A_33 : memref<1x1000xi32, #tpu.memory_space<hbm>> -> memref<1000xi32, #tpu.memory_space<hbm>>
    %dma_wait3A_35 = tpu.memref_slice %arg3[%dma_wait3A_32, %add3A_27] : memref<2x1600000xi32, #tpu.memory_space<hbm>> -> memref<1x1000xi32, #tpu.memory_space<hbm>>
    %dma_wait3A_36 = tpu.memref_squeeze %dma_wait3A_35 : memref<1x1000xi32, #tpu.memory_space<hbm>> -> memref<1000xi32, #tpu.memory_space<hbm>>
    tpu.wait_dma2 semaphore(%arg14 : memref<!tpu.dma_semaphore, #tpu.memory_space<semaphore_mem>>) src(%dma_wait3A_36 : memref<1000xi32, #tpu.memory_space<hbm>>) dst(%arg10 : memref<1000xi32, #tpu.memory_space<vmem>>)
    %dma_start3A_37 = arith.constant 0 : i32
    %dma_start3A_38 = arith.constant 0 : i32
    %dma_start3A_39 = tpu.memref_slice %arg2[%dma_start3A_37, %dma_start3A_38] : memref<50000x16xf32, #tpu.memory_space<hbm>> -> memref<50000x16xf32, #tpu.memory_space<hbm>>
    tpu.enqueue_indirect_dma source(%dma_start3A_39 : memref<50000x16xf32, #tpu.memory_space<hbm>>) target(%arg8 : memref<1000x16xf32, #tpu.memory_space<vmem>>) offsets(%arg6 : memref<1000xi32, #tpu.memory_space<vmem>>) semaphore(%arg16 : memref<!tpu.dma_semaphore, #tpu.memory_space<semaphore_mem>>)
    %dma_start3A_40 = arith.constant 0 : i32
    %dma_start3A_41 = arith.constant 0 : i32
    %dma_start3A_42 = tpu.memref_slice %arg2[%dma_start3A_40, %dma_start3A_41] : memref<50000x16xf32, #tpu.memory_space<hbm>> -> memref<50000x16xf32, #tpu.memory_space<hbm>>
    tpu.enqueue_indirect_dma source(%dma_start3A_42 : memref<50000x16xf32, #tpu.memory_space<hbm>>) target(%arg12 : memref<1000x16xf32, #tpu.memory_space<vmem>>) offsets(%arg10 : memref<1000xi32, #tpu.memory_space<vmem>>) semaphore(%arg16 : memref<!tpu.dma_semaphore, #tpu.memory_space<semaphore_mem>>)
    %dma_wait3A_43 = arith.constant 0 : i32
    %dma_wait3A_44 = arith.constant 0 : i32
    %dma_wait3A_45 = tpu.memref_slice %arg2[%dma_wait3A_43, %dma_wait3A_44] : memref<50000x16xf32, #tpu.memory_space<hbm>> -> memref<50000x16xf32, #tpu.memory_space<hbm>>
    tpu.wait_indirect_dma semaphore(%arg16 : memref<!tpu.dma_semaphore, #tpu.memory_space<semaphore_mem>>) src(%dma_wait3A_45 : memref<50000x16xf32, #tpu.memory_space<hbm>>) dst(%arg8 : memref<1000x16xf32, #tpu.memory_space<vmem>>)
    %dma_wait3A_46 = arith.constant 0 : i32
    %dma_wait3A_47 = arith.constant 0 : i32
    %dma_wait3A_48 = tpu.memref_slice %arg2[%dma_wait3A_46, %dma_wait3A_47] : memref<50000x16xf32, #tpu.memory_space<hbm>> -> memref<50000x16xf32, #tpu.memory_space<hbm>>
    tpu.wait_indirect_dma semaphore(%arg16 : memref<!tpu.dma_semaphore, #tpu.memory_space<semaphore_mem>>) src(%dma_wait3A_48 : memref<50000x16xf32, #tpu.memory_space<hbm>>) dst(%arg12 : memref<1000x16xf32, #tpu.memory_space<vmem>>)
    %dma_start3A_49 = arith.constant 0 : i32
    %dma_start3A_50 = tpu.memref_slice %arg4[%add3A_27, %dma_start3A_49] : memref<1600000x16xf32, #tpu.memory_space<hbm>> -> memref<1000x16xf32, #tpu.memory_space<hbm>>
    %dma_start3A_51 = arith.constant 0 : i32
    %dma_start3A_52 = tpu.memref_slice %arg4[%add3A_27, %dma_start3A_51] : memref<1600000x16xf32, #tpu.memory_space<hbm>> -> memref<1000x16xf32, #tpu.memory_space<hbm>>
    tpu.enqueue_dma source(%arg8 : memref<1000x16xf32, #tpu.memory_space<vmem>>) target(%dma_start3A_52 : memref<1000x16xf32, #tpu.memory_space<hbm>>) target_semaphore(%arg18 : memref<!tpu.dma_semaphore, #tpu.memory_space<semaphore_mem>>)
    %dma_start3A_53 = arith.constant 0 : i32
    %dma_start3A_54 = tpu.memref_slice %arg5[%add3A_27, %dma_start3A_53] : memref<1600000x16xf32, #tpu.memory_space<hbm>> -> memref<1000x16xf32, #tpu.memory_space<hbm>>
    %dma_start3A_55 = arith.constant 0 : i32
    %dma_start3A_56 = tpu.memref_slice %arg5[%add3A_27, %dma_start3A_55] : memref<1600000x16xf32, #tpu.memory_space<hbm>> -> memref<1000x16xf32, #tpu.memory_space<hbm>>
    tpu.enqueue_dma source(%arg12 : memref<1000x16xf32, #tpu.memory_space<vmem>>) target(%dma_start3A_56 : memref<1000x16xf32, #tpu.memory_space<hbm>>) target_semaphore(%arg20 : memref<!tpu.dma_semaphore, #tpu.memory_space<semaphore_mem>>)
    %add3A_57 = arith.constant 2000 : i32
    %add3A_58 = arith.addi %mul3A_2, %add3A_57 : i32
    %dma_start3A_59 = arith.constant 0 : i32
    %dma_start3A_60 = tpu.memref_slice %arg3[%dma_start3A_59, %add3A_58] : memref<2x1600000xi32, #tpu.memory_space<hbm>> -> memref<1x1000xi32, #tpu.memory_space<hbm>>
    %dma_start3A_61 = tpu.memref_squeeze %dma_start3A_60 : memref<1x1000xi32, #tpu.memory_space<hbm>> -> memref<1000xi32, #tpu.memory_space<hbm>>
    %dma_start3A_62 = tpu.memref_slice %arg3[%dma_start3A_59, %add3A_58] : memref<2x1600000xi32, #tpu.memory_space<hbm>> -> memref<1x1000xi32, #tpu.memory_space<hbm>>
    %dma_start3A_63 = tpu.memref_squeeze %dma_start3A_62 : memref<1x1000xi32, #tpu.memory_space<hbm>> -> memref<1000xi32, #tpu.memory_space<hbm>>
    tpu.enqueue_dma source(%dma_start3A_63 : memref<1000xi32, #tpu.memory_space<hbm>>) target(%arg6 : memref<1000xi32, #tpu.memory_space<vmem>>) target_semaphore(%arg14 : memref<!tpu.dma_semaphore, #tpu.memory_space<semaphore_mem>>)
    %dma_start3A_64 = arith.constant 1 : i32
    %dma_start3A_65 = tpu.memref_slice %arg3[%dma_start3A_64, %add3A_58] : memref<2x1600000xi32, #tpu.memory_space<hbm>> -> memref<1x1000xi32, #tpu.memory_space<hbm>>
    %dma_start3A_66 = tpu.memref_squeeze %dma_start3A_65 : memref<1x1000xi32, #tpu.memory_space<hbm>> -> memref<1000xi32, #tpu.memory_space<hbm>>
    %dma_start3A_67 = tpu.memref_slice %arg3[%dma_start3A_64, %add3A_58] : memref<2x1600000xi32, #tpu.memory_space<hbm>> -> memref<1x1000xi32, #tpu.memory_space<hbm>>
    %dma_start3A_68 = tpu.memref_squeeze %dma_start3A_67 : memref<1x1000xi32, #tpu.memory_space<hbm>> -> memref<1000xi32, #tpu.memory_space<hbm>>
    tpu.enqueue_dma source(%dma_start3A_68 : memref<1000xi32, #tpu.memory_space<hbm>>) target(%arg10 : memref<1000xi32, #tpu.memory_space<vmem>>) target_semaphore(%arg14 : memref<!tpu.dma_semaphore, #tpu.memory_space<semaphore_mem>>)
    %add3A_69 = arith.constant 1000 : i32
    %add3A_70 = arith.addi %mul3A_2, %add3A_69 : i32
    %dma_wait3A_71 = arith.constant 0 : i32
    %dma_wait3A_72 = tpu.memref_slice %arg3[%dma_wait3A_71, %add3A_70] : memref<2x1600000xi32, #tpu.memory_space<hbm>> -> memref<1x1000xi32, #tpu.memory_space<hbm>>
    %dma_wait3A_73 = tpu.memref_squeeze %dma_wait3A_72 : memref<1x1000xi32, #tpu.memory_space<hbm>> -> memref<1000xi32, #tpu.memory_space<hbm>>
    %dma_wait3A_74 = tpu.memref_slice %arg3[%dma_wait3A_71, %add3A_70] : memref<2x1600000xi32, #tpu.memory_space<hbm>> -> memref<1x1000xi32, #tpu.memory_space<hbm>>
    %dma_wait3A_75 = tpu.memref_squeeze %dma_wait3A_74 : memref<1x1000xi32, #tpu.memory_space<hbm>> -> memref<1000xi32, #tpu.memory_space<hbm>>
    tpu.wait_dma2 semaphore(%arg15 : memref<!tpu.dma_semaphore, #tpu.memory_space<semaphore_mem>>) src(%dma_wait3A_75 : memref<1000xi32, #tpu.memory_space<hbm>>) dst(%arg7 : memref<1000xi32, #tpu.memory_space<vmem>>)
    %dma_wait3A_76 = arith.constant 1 : i32
    %dma_wait3A_77 = tpu.memref_slice %arg3[%dma_wait3A_76, %add3A_70] : memref<2x1600000xi32, #tpu.memory_space<hbm>> -> memref<1x1000xi32, #tpu.memory_space<hbm>>
    %dma_wait3A_78 = tpu.memref_squeeze %dma_wait3A_77 : memref<1x1000xi32, #tpu.memory_space<hbm>> -> memref<1000xi32, #tpu.memory_space<hbm>>
    %dma_wait3A_79 = tpu.memref_slice %arg3[%dma_wait3A_76, %add3A_70] : memref<2x1600000xi32, #tpu.memory_space<hbm>> -> memref<1x1000xi32, #tpu.memory_space<hbm>>
    %dma_wait3A_80 = tpu.memref_squeeze %dma_wait3A_79 : memref<1x1000xi32, #tpu.memory_space<hbm>> -> memref<1000xi32, #tpu.memory_space<hbm>>
    tpu.wait_dma2 semaphore(%arg15 : memref<!tpu.dma_semaphore, #tpu.memory_space<semaphore_mem>>) src(%dma_wait3A_80 : memref<1000xi32, #tpu.memory_space<hbm>>) dst(%arg11 : memref<1000xi32, #tpu.memory_space<vmem>>)
    %dma_start3A_81 = arith.constant 0 : i32
    %dma_start3A_82 = arith.constant 0 : i32
    %dma_start3A_83 = tpu.memref_slice %arg2[%dma_start3A_81, %dma_start3A_82] : memref<50000x16xf32, #tpu.memory_space<hbm>> -> memref<50000x16xf32, #tpu.memory_space<hbm>>
    tpu.enqueue_indirect_dma source(%dma_start3A_83 : memref<50000x16xf32, #tpu.memory_space<hbm>>) target(%arg9 : memref<1000x16xf32, #tpu.memory_space<vmem>>) offsets(%arg7 : memref<1000xi32, #tpu.memory_space<vmem>>) semaphore(%arg17 : memref<!tpu.dma_semaphore, #tpu.memory_space<semaphore_mem>>)
    %dma_start3A_84 = arith.constant 0 : i32
    %dma_start3A_85 = arith.constant 0 : i32
    %dma_start3A_86 = tpu.memref_slice %arg2[%dma_start3A_84, %dma_start3A_85] : memref<50000x16xf32, #tpu.memory_space<hbm>> -> memref<50000x16xf32, #tpu.memory_space<hbm>>
    tpu.enqueue_indirect_dma source(%dma_start3A_86 : memref<50000x16xf32, #tpu.memory_space<hbm>>) target(%arg13 : memref<1000x16xf32, #tpu.memory_space<vmem>>) offsets(%arg11 : memref<1000xi32, #tpu.memory_space<vmem>>) semaphore(%arg17 : memref<!tpu.dma_semaphore, #tpu.memory_space<semaphore_mem>>)
    %dma_wait3A_87 = arith.constant 0 : i32
    %dma_wait3A_88 = arith.constant 0 : i32
    %dma_wait3A_89 = tpu.memref_slice %arg2[%dma_wait3A_87, %dma_wait3A_88] : memref<50000x16xf32, #tpu.memory_space<hbm>> -> memref<50000x16xf32, #tpu.memory_space<hbm>>
    tpu.wait_indirect_dma semaphore(%arg17 : memref<!tpu.dma_semaphore, #tpu.memory_space<semaphore_mem>>) src(%dma_wait3A_89 : memref<50000x16xf32, #tpu.memory_space<hbm>>) dst(%arg9 : memref<1000x16xf32, #tpu.memory_space<vmem>>)
    %dma_wait3A_90 = arith.constant 0 : i32
    %dma_wait3A_91 = arith.constant 0 : i32
    %dma_wait3A_92 = tpu.memref_slice %arg2[%dma_wait3A_90, %dma_wait3A_91] : memref<50000x16xf32, #tpu.memory_space<hbm>> -> memref<50000x16xf32, #tpu.memory_space<hbm>>
    tpu.wait_indirect_dma semaphore(%arg17 : memref<!tpu.dma_semaphore, #tpu.memory_space<semaphore_mem>>) src(%dma_wait3A_92 : memref<50000x16xf32, #tpu.memory_space<hbm>>) dst(%arg13 : memref<1000x16xf32, #tpu.memory_space<vmem>>)
    %dma_start3A_93 = arith.constant 0 : i32
    %dma_start3A_94 = tpu.memref_slice %arg4[%add3A_70, %dma_start3A_93] : memref<1600000x16xf32, #tpu.memory_space<hbm>> -> memref<1000x16xf32, #tpu.memory_space<hbm>>
    %dma_start3A_95 = arith.constant 0 : i32
    %dma_start3A_96 = tpu.memref_slice %arg4[%add3A_70, %dma_start3A_95] : memref<1600000x16xf32, #tpu.memory_space<hbm>> -> memref<1000x16xf32, #tpu.memory_space<hbm>>
    tpu.enqueue_dma source(%arg9 : memref<1000x16xf32, #tpu.memory_space<vmem>>) target(%dma_start3A_96 : memref<1000x16xf32, #tpu.memory_space<hbm>>) target_semaphore(%arg19 : memref<!tpu.dma_semaphore, #tpu.memory_space<semaphore_mem>>)
    %dma_start3A_97 = arith.constant 0 : i32
    %dma_start3A_98 = tpu.memref_slice %arg5[%add3A_70, %dma_start3A_97] : memref<1600000x16xf32, #tpu.memory_space<hbm>> -> memref<1000x16xf32, #tpu.memory_space<hbm>>
    %dma_start3A_99 = arith.constant 0 : i32
    %dma_start3A_100 = tpu.memref_slice %arg5[%add3A_70, %dma_start3A_99] : memref<1600000x16xf32, #tpu.memory_space<hbm>> -> memref<1000x16xf32, #tpu.memory_space<hbm>>
    tpu.enqueue_dma source(%arg13 : memref<1000x16xf32, #tpu.memory_space<vmem>>) target(%dma_start3A_100 : memref<1000x16xf32, #tpu.memory_space<hbm>>) target_semaphore(%arg21 : memref<!tpu.dma_semaphore, #tpu.memory_space<semaphore_mem>>)
    %add3A_101 = arith.constant 3000 : i32
    %add3A_102 = arith.addi %mul3A_2, %add3A_101 : i32
    %dma_start3A_103 = arith.constant 0 : i32
    %dma_start3A_104 = tpu.memref_slice %arg3[%dma_start3A_103, %add3A_102] : memref<2x1600000xi32, #tpu.memory_space<hbm>> -> memref<1x1000xi32, #tpu.memory_space<hbm>>
    %dma_start3A_105 = tpu.memref_squeeze %dma_start3A_104 : memref<1x1000xi32, #tpu.memory_space<hbm>> -> memref<1000xi32, #tpu.memory_space<hbm>>
    %dma_start3A_106 = tpu.memref_slice %arg3[%dma_start3A_103, %add3A_102] : memref<2x1600000xi32, #tpu.memory_space<hbm>> -> memref<1x1000xi32, #tpu.memory_space<hbm>>
    %dma_start3A_107 = tpu.memref_squeeze %dma_start3A_106 : memref<1x1000xi32, #tpu.memory_space<hbm>> -> memref<1000xi32, #tpu.memory_space<hbm>>
    tpu.enqueue_dma source(%dma_start3A_107 : memref<1000xi32, #tpu.memory_space<hbm>>) target(%arg7 : memref<1000xi32, #tpu.memory_space<vmem>>) target_semaphore(%arg15 : memref<!tpu.dma_semaphore, #tpu.memory_space<semaphore_mem>>)
    %dma_start3A_108 = arith.constant 1 : i32
    %dma_start3A_109 = tpu.memref_slice %arg3[%dma_start3A_108, %add3A_102] : memref<2x1600000xi32, #tpu.memory_space<hbm>> -> memref<1x1000xi32, #tpu.memory_space<hbm>>
    %dma_start3A_110 = tpu.memref_squeeze %dma_start3A_109 : memref<1x1000xi32, #tpu.memory_space<hbm>> -> memref<1000xi32, #tpu.memory_space<hbm>>
    %dma_start3A_111 = tpu.memref_slice %arg3[%dma_start3A_108, %add3A_102] : memref<2x1600000xi32, #tpu.memory_space<hbm>> -> memref<1x1000xi32, #tpu.memory_space<hbm>>
    %dma_start3A_112 = tpu.memref_squeeze %dma_start3A_111 : memref<1x1000xi32, #tpu.memory_space<hbm>> -> memref<1000xi32, #tpu.memory_space<hbm>>
    tpu.enqueue_dma source(%dma_start3A_112 : memref<1000xi32, #tpu.memory_space<hbm>>) target(%arg11 : memref<1000xi32, #tpu.memory_space<vmem>>) target_semaphore(%arg15 : memref<!tpu.dma_semaphore, #tpu.memory_space<semaphore_mem>>)
    %scan3A = arith.constant 0 : i32
    %scan3A_113 = arith.constant 23 : i32
    %scan3A_114 = arith.addi %scan3A, %scan3A_113 : i32
    %scan3A_115 = arith.constant 1 : i32
    scf.for %scan3A_221 = %scan3A to %scan3A_114 step %scan3A_115  : i32 {
      %mul3A_222 = arith.constant 2 : i32
      %mul3A_223 = arith.muli %scan3A_221, %mul3A_222 : i32
      %add3A_224 = arith.constant 2 : i32
      %add3A_225 = arith.addi %add3A_224, %mul3A_223 : i32
      %mul3A_226 = arith.constant 1000 : i32
      %mul3A_227 = arith.muli %add3A_225, %mul3A_226 : i32
      %add3A_228 = arith.addi %mul3A_2, %mul3A_227 : i32
      %dma_wait3A_229 = arith.constant 0 : i32
      %dma_wait3A_230 = tpu.memref_slice %arg3[%dma_wait3A_229, %add3A_228] : memref<2x1600000xi32, #tpu.memory_space<hbm>> -> memref<1x1000xi32, #tpu.memory_space<hbm>>
      %dma_wait3A_231 = tpu.memref_squeeze %dma_wait3A_230 : memref<1x1000xi32, #tpu.memory_space<hbm>> -> memref<1000xi32, #tpu.memory_space<hbm>>
      %dma_wait3A_232 = tpu.memref_slice %arg3[%dma_wait3A_229, %add3A_228] : memref<2x1600000xi32, #tpu.memory_space<hbm>> -> memref<1x1000xi32, #tpu.memory_space<hbm>>
      %dma_wait3A_233 = tpu.memref_squeeze %dma_wait3A_232 : memref<1x1000xi32, #tpu.memory_space<hbm>> -> memref<1000xi32, #tpu.memory_space<hbm>>
      tpu.wait_dma2 semaphore(%arg14 : memref<!tpu.dma_semaphore, #tpu.memory_space<semaphore_mem>>) src(%dma_wait3A_233 : memref<1000xi32, #tpu.memory_space<hbm>>) dst(%arg6 : memref<1000xi32, #tpu.memory_space<vmem>>)
      %dma_wait3A_234 = arith.constant 1 : i32
      %dma_wait3A_235 = tpu.memref_slice %arg3[%dma_wait3A_234, %add3A_228] : memref<2x1600000xi32, #tpu.memory_space<hbm>> -> memref<1x1000xi32, #tpu.memory_space<hbm>>
      %dma_wait3A_236 = tpu.memref_squeeze %dma_wait3A_235 : memref<1x1000xi32, #tpu.memory_space<hbm>> -> memref<1000xi32, #tpu.memory_space<hbm>>
      %dma_wait3A_237 = tpu.memref_slice %arg3[%dma_wait3A_234, %add3A_228] : memref<2x1600000xi32, #tpu.memory_space<hbm>> -> memref<1x1000xi32, #tpu.memory_space<hbm>>
      %dma_wait3A_238 = tpu.memref_squeeze %dma_wait3A_237 : memref<1x1000xi32, #tpu.memory_space<hbm>> -> memref<1000xi32, #tpu.memory_space<hbm>>
      tpu.wait_dma2 semaphore(%arg14 : memref<!tpu.dma_semaphore, #tpu.memory_space<semaphore_mem>>) src(%dma_wait3A_238 : memref<1000xi32, #tpu.memory_space<hbm>>) dst(%arg10 : memref<1000xi32, #tpu.memory_space<vmem>>)
      %sub3A = arith.constant 2 : i32
      %sub3A_239 = arith.subi %add3A_225, %sub3A : i32
      %mul3A_240 = arith.constant 1000 : i32
      %mul3A_241 = arith.muli %sub3A_239, %mul3A_240 : i32
      %add3A_242 = arith.addi %mul3A_2, %mul3A_241 : i32
      %dma_wait3A_243 = arith.constant 0 : i32
      %dma_wait3A_244 = tpu.memref_slice %arg4[%add3A_242, %dma_wait3A_243] : memref<1600000x16xf32, #tpu.memory_space<hbm>> -> memref<1000x16xf32, #tpu.memory_space<hbm>>
      %dma_wait3A_245 = arith.constant 0 : i32
      %dma_wait3A_246 = tpu.memref_slice %arg4[%add3A_242, %dma_wait3A_245] : memref<1600000x16xf32, #tpu.memory_space<hbm>> -> memref<1000x16xf32, #tpu.memory_space<hbm>>
      tpu.wait_dma2 semaphore(%arg18 : memref<!tpu.dma_semaphore, #tpu.memory_space<semaphore_mem>>) src(%arg8 : memref<1000x16xf32, #tpu.memory_space<vmem>>) dst(%dma_wait3A_246 : memref<1000x16xf32, #tpu.memory_space<hbm>>)
      %dma_wait3A_247 = arith.constant 0 : i32
      %dma_wait3A_248 = tpu.memref_slice %arg5[%add3A_242, %dma_wait3A_247] : memref<1600000x16xf32, #tpu.memory_space<hbm>> -> memref<1000x16xf32, #tpu.memory_space<hbm>>
      %dma_wait3A_249 = arith.constant 0 : i32
      %dma_wait3A_250 = tpu.memref_slice %arg5[%add3A_242, %dma_wait3A_249] : memref<1600000x16xf32, #tpu.memory_space<hbm>> -> memref<1000x16xf32, #tpu.memory_space<hbm>>
      tpu.wait_dma2 semaphore(%arg20 : memref<!tpu.dma_semaphore, #tpu.memory_space<semaphore_mem>>) src(%arg12 : memref<1000x16xf32, #tpu.memory_space<vmem>>) dst(%dma_wait3A_250 : memref<1000x16xf32, #tpu.memory_space<hbm>>)
      %dma_start3A_251 = arith.constant 0 : i32
      %dma_start3A_252 = arith.constant 0 : i32
      %dma_start3A_253 = tpu.memref_slice %arg2[%dma_start3A_251, %dma_start3A_252] : memref<50000x16xf32, #tpu.memory_space<hbm>> -> memref<50000x16xf32, #tpu.memory_space<hbm>>
      tpu.enqueue_indirect_dma source(%dma_start3A_253 : memref<50000x16xf32, #tpu.memory_space<hbm>>) target(%arg8 : memref<1000x16xf32, #tpu.memory_space<vmem>>) offsets(%arg6 : memref<1000xi32, #tpu.memory_space<vmem>>) semaphore(%arg16 : memref<!tpu.dma_semaphore, #tpu.memory_space<semaphore_mem>>)
      %dma_start3A_254 = arith.constant 0 : i32
      %dma_start3A_255 = arith.constant 0 : i32
      %dma_start3A_256 = tpu.memref_slice %arg2[%dma_start3A_254, %dma_start3A_255] : memref<50000x16xf32, #tpu.memory_space<hbm>> -> memref<50000x16xf32, #tpu.memory_space<hbm>>
      tpu.enqueue_indirect_dma source(%dma_start3A_256 : memref<50000x16xf32, #tpu.memory_space<hbm>>) target(%arg12 : memref<1000x16xf32, #tpu.memory_space<vmem>>) offsets(%arg10 : memref<1000xi32, #tpu.memory_space<vmem>>) semaphore(%arg16 : memref<!tpu.dma_semaphore, #tpu.memory_space<semaphore_mem>>)
      %dma_wait3A_257 = arith.constant 0 : i32
      %dma_wait3A_258 = arith.constant 0 : i32
      %dma_wait3A_259 = tpu.memref_slice %arg2[%dma_wait3A_257, %dma_wait3A_258] : memref<50000x16xf32, #tpu.memory_space<hbm>> -> memref<50000x16xf32, #tpu.memory_space<hbm>>
      tpu.wait_indirect_dma semaphore(%arg16 : memref<!tpu.dma_semaphore, #tpu.memory_space<semaphore_mem>>) src(%dma_wait3A_259 : memref<50000x16xf32, #tpu.memory_space<hbm>>) dst(%arg8 : memref<1000x16xf32, #tpu.memory_space<vmem>>)
      %dma_wait3A_260 = arith.constant 0 : i32
      %dma_wait3A_261 = arith.constant 0 : i32
      %dma_wait3A_262 = tpu.memref_slice %arg2[%dma_wait3A_260, %dma_wait3A_261] : memref<50000x16xf32, #tpu.memory_space<hbm>> -> memref<50000x16xf32, #tpu.memory_space<hbm>>
      tpu.wait_indirect_dma semaphore(%arg16 : memref<!tpu.dma_semaphore, #tpu.memory_space<semaphore_mem>>) src(%dma_wait3A_262 : memref<50000x16xf32, #tpu.memory_space<hbm>>) dst(%arg12 : memref<1000x16xf32, #tpu.memory_space<vmem>>)
      %dma_start3A_263 = arith.constant 0 : i32
      %dma_start3A_264 = tpu.memref_slice %arg4[%add3A_228, %dma_start3A_263] : memref<1600000x16xf32, #tpu.memory_space<hbm>> -> memref<1000x16xf32, #tpu.memory_space<hbm>>
      %dma_start3A_265 = arith.constant 0 : i32
      %dma_start3A_266 = tpu.memref_slice %arg4[%add3A_228, %dma_start3A_265] : memref<1600000x16xf32, #tpu.memory_space<hbm>> -> memref<1000x16xf32, #tpu.memory_space<hbm>>
      tpu.enqueue_dma source(%arg8 : memref<1000x16xf32, #tpu.memory_space<vmem>>) target(%dma_start3A_266 : memref<1000x16xf32, #tpu.memory_space<hbm>>) target_semaphore(%arg18 : memref<!tpu.dma_semaphore, #tpu.memory_space<semaphore_mem>>)
      %dma_start3A_267 = arith.constant 0 : i32
      %dma_start3A_268 = tpu.memref_slice %arg5[%add3A_228, %dma_start3A_267] : memref<1600000x16xf32, #tpu.memory_space<hbm>> -> memref<1000x16xf32, #tpu.memory_space<hbm>>
      %dma_start3A_269 = arith.constant 0 : i32
      %dma_start3A_270 = tpu.memref_slice %arg5[%add3A_228, %dma_start3A_269] : memref<1600000x16xf32, #tpu.memory_space<hbm>> -> memref<1000x16xf32, #tpu.memory_space<hbm>>
      tpu.enqueue_dma source(%arg12 : memref<1000x16xf32, #tpu.memory_space<vmem>>) target(%dma_start3A_270 : memref<1000x16xf32, #tpu.memory_space<hbm>>) target_semaphore(%arg20 : memref<!tpu.dma_semaphore, #tpu.memory_space<semaphore_mem>>)
      %add3A_271 = arith.constant 2 : i32
      %add3A_272 = arith.addi %add3A_225, %add3A_271 : i32
      %mul3A_273 = arith.constant 1000 : i32
      %mul3A_274 = arith.muli %add3A_272, %mul3A_273 : i32
      %add3A_275 = arith.addi %mul3A_2, %mul3A_274 : i32
      %dma_start3A_276 = arith.constant 0 : i32
      %dma_start3A_277 = tpu.memref_slice %arg3[%dma_start3A_276, %add3A_275] : memref<2x1600000xi32, #tpu.memory_space<hbm>> -> memref<1x1000xi32, #tpu.memory_space<hbm>>
      %dma_start3A_278 = tpu.memref_squeeze %dma_start3A_277 : memref<1x1000xi32, #tpu.memory_space<hbm>> -> memref<1000xi32, #tpu.memory_space<hbm>>
      %dma_start3A_279 = tpu.memref_slice %arg3[%dma_start3A_276, %add3A_275] : memref<2x1600000xi32, #tpu.memory_space<hbm>> -> memref<1x1000xi32, #tpu.memory_space<hbm>>
      %dma_start3A_280 = tpu.memref_squeeze %dma_start3A_279 : memref<1x1000xi32, #tpu.memory_space<hbm>> -> memref<1000xi32, #tpu.memory_space<hbm>>
      tpu.enqueue_dma source(%dma_start3A_280 : memref<1000xi32, #tpu.memory_space<hbm>>) target(%arg6 : memref<1000xi32, #tpu.memory_space<vmem>>) target_semaphore(%arg14 : memref<!tpu.dma_semaphore, #tpu.memory_space<semaphore_mem>>)
      %dma_start3A_281 = arith.constant 1 : i32
      %dma_start3A_282 = tpu.memref_slice %arg3[%dma_start3A_281, %add3A_275] : memref<2x1600000xi32, #tpu.memory_space<hbm>> -> memref<1x1000xi32, #tpu.memory_space<hbm>>
      %dma_start3A_283 = tpu.memref_squeeze %dma_start3A_282 : memref<1x1000xi32, #tpu.memory_space<hbm>> -> memref<1000xi32, #tpu.memory_space<hbm>>
      %dma_start3A_284 = tpu.memref_slice %arg3[%dma_start3A_281, %add3A_275] : memref<2x1600000xi32, #tpu.memory_space<hbm>> -> memref<1x1000xi32, #tpu.memory_space<hbm>>
      %dma_start3A_285 = tpu.memref_squeeze %dma_start3A_284 : memref<1x1000xi32, #tpu.memory_space<hbm>> -> memref<1000xi32, #tpu.memory_space<hbm>>
      tpu.enqueue_dma source(%dma_start3A_285 : memref<1000xi32, #tpu.memory_space<hbm>>) target(%arg10 : memref<1000xi32, #tpu.memory_space<vmem>>) target_semaphore(%arg14 : memref<!tpu.dma_semaphore, #tpu.memory_space<semaphore_mem>>)
      %add3A_286 = arith.constant 1 : i32
      %add3A_287 = arith.addi %add3A_225, %add3A_286 : i32
      %mul3A_288 = arith.constant 1000 : i32
      %mul3A_289 = arith.muli %add3A_287, %mul3A_288 : i32
      %add3A_290 = arith.addi %mul3A_2, %mul3A_289 : i32
      %dma_wait3A_291 = arith.constant 0 : i32
      %dma_wait3A_292 = tpu.memref_slice %arg3[%dma_wait3A_291, %add3A_290] : memref<2x1600000xi32, #tpu.memory_space<hbm>> -> memref<1x1000xi32, #tpu.memory_space<hbm>>
      %dma_wait3A_293 = tpu.memref_squeeze %dma_wait3A_292 : memref<1x1000xi32, #tpu.memory_space<hbm>> -> memref<1000xi32, #tpu.memory_space<hbm>>
      %dma_wait3A_294 = tpu.memref_slice %arg3[%dma_wait3A_291, %add3A_290] : memref<2x1600000xi32, #tpu.memory_space<hbm>> -> memref<1x1000xi32, #tpu.memory_space<hbm>>
      %dma_wait3A_295 = tpu.memref_squeeze %dma_wait3A_294 : memref<1x1000xi32, #tpu.memory_space<hbm>> -> memref<1000xi32, #tpu.memory_space<hbm>>
      tpu.wait_dma2 semaphore(%arg15 : memref<!tpu.dma_semaphore, #tpu.memory_space<semaphore_mem>>) src(%dma_wait3A_295 : memref<1000xi32, #tpu.memory_space<hbm>>) dst(%arg7 : memref<1000xi32, #tpu.memory_space<vmem>>)
      %dma_wait3A_296 = arith.constant 1 : i32
      %dma_wait3A_297 = tpu.memref_slice %arg3[%dma_wait3A_296, %add3A_290] : memref<2x1600000xi32, #tpu.memory_space<hbm>> -> memref<1x1000xi32, #tpu.memory_space<hbm>>
      %dma_wait3A_298 = tpu.memref_squeeze %dma_wait3A_297 : memref<1x1000xi32, #tpu.memory_space<hbm>> -> memref<1000xi32, #tpu.memory_space<hbm>>
      %dma_wait3A_299 = tpu.memref_slice %arg3[%dma_wait3A_296, %add3A_290] : memref<2x1600000xi32, #tpu.memory_space<hbm>> -> memref<1x1000xi32, #tpu.memory_space<hbm>>
      %dma_wait3A_300 = tpu.memref_squeeze %dma_wait3A_299 : memref<1x1000xi32, #tpu.memory_space<hbm>> -> memref<1000xi32, #tpu.memory_space<hbm>>
      tpu.wait_dma2 semaphore(%arg15 : memref<!tpu.dma_semaphore, #tpu.memory_space<semaphore_mem>>) src(%dma_wait3A_300 : memref<1000xi32, #tpu.memory_space<hbm>>) dst(%arg11 : memref<1000xi32, #tpu.memory_space<vmem>>)
      %sub3A_301 = arith.constant 2 : i32
      %sub3A_302 = arith.subi %add3A_287, %sub3A_301 : i32
      %mul3A_303 = arith.constant 1000 : i32
      %mul3A_304 = arith.muli %sub3A_302, %mul3A_303 : i32
      %add3A_305 = arith.addi %mul3A_2, %mul3A_304 : i32
      %dma_wait3A_306 = arith.constant 0 : i32
      %dma_wait3A_307 = tpu.memref_slice %arg4[%add3A_305, %dma_wait3A_306] : memref<1600000x16xf32, #tpu.memory_space<hbm>> -> memref<1000x16xf32, #tpu.memory_space<hbm>>
      %dma_wait3A_308 = arith.constant 0 : i32
      %dma_wait3A_309 = tpu.memref_slice %arg4[%add3A_305, %dma_wait3A_308] : memref<1600000x16xf32, #tpu.memory_space<hbm>> -> memref<1000x16xf32, #tpu.memory_space<hbm>>
      tpu.wait_dma2 semaphore(%arg19 : memref<!tpu.dma_semaphore, #tpu.memory_space<semaphore_mem>>) src(%arg9 : memref<1000x16xf32, #tpu.memory_space<vmem>>) dst(%dma_wait3A_309 : memref<1000x16xf32, #tpu.memory_space<hbm>>)
      %dma_wait3A_310 = arith.constant 0 : i32
      %dma_wait3A_311 = tpu.memref_slice %arg5[%add3A_305, %dma_wait3A_310] : memref<1600000x16xf32, #tpu.memory_space<hbm>> -> memref<1000x16xf32, #tpu.memory_space<hbm>>
      %dma_wait3A_312 = arith.constant 0 : i32
      %dma_wait3A_313 = tpu.memref_slice %arg5[%add3A_305, %dma_wait3A_312] : memref<1600000x16xf32, #tpu.memory_space<hbm>> -> memref<1000x16xf32, #tpu.memory_space<hbm>>
      tpu.wait_dma2 semaphore(%arg21 : memref<!tpu.dma_semaphore, #tpu.memory_space<semaphore_mem>>) src(%arg13 : memref<1000x16xf32, #tpu.memory_space<vmem>>) dst(%dma_wait3A_313 : memref<1000x16xf32, #tpu.memory_space<hbm>>)
      %dma_start3A_314 = arith.constant 0 : i32
      %dma_start3A_315 = arith.constant 0 : i32
      %dma_start3A_316 = tpu.memref_slice %arg2[%dma_start3A_314, %dma_start3A_315] : memref<50000x16xf32, #tpu.memory_space<hbm>> -> memref<50000x16xf32, #tpu.memory_space<hbm>>
      tpu.enqueue_indirect_dma source(%dma_start3A_316 : memref<50000x16xf32, #tpu.memory_space<hbm>>) target(%arg9 : memref<1000x16xf32, #tpu.memory_space<vmem>>) offsets(%arg7 : memref<1000xi32, #tpu.memory_space<vmem>>) semaphore(%arg17 : memref<!tpu.dma_semaphore, #tpu.memory_space<semaphore_mem>>)
      %dma_start3A_317 = arith.constant 0 : i32
      %dma_start3A_318 = arith.constant 0 : i32
      %dma_start3A_319 = tpu.memref_slice %arg2[%dma_start3A_317, %dma_start3A_318] : memref<50000x16xf32, #tpu.memory_space<hbm>> -> memref<50000x16xf32, #tpu.memory_space<hbm>>
      tpu.enqueue_indirect_dma source(%dma_start3A_319 : memref<50000x16xf32, #tpu.memory_space<hbm>>) target(%arg13 : memref<1000x16xf32, #tpu.memory_space<vmem>>) offsets(%arg11 : memref<1000xi32, #tpu.memory_space<vmem>>) semaphore(%arg17 : memref<!tpu.dma_semaphore, #tpu.memory_space<semaphore_mem>>)
      %dma_wait3A_320 = arith.constant 0 : i32
      %dma_wait3A_321 = arith.constant 0 : i32
      %dma_wait3A_322 = tpu.memref_slice %arg2[%dma_wait3A_320, %dma_wait3A_321] : memref<50000x16xf32, #tpu.memory_space<hbm>> -> memref<50000x16xf32, #tpu.memory_space<hbm>>
      tpu.wait_indirect_dma semaphore(%arg17 : memref<!tpu.dma_semaphore, #tpu.memory_space<semaphore_mem>>) src(%dma_wait3A_322 : memref<50000x16xf32, #tpu.memory_space<hbm>>) dst(%arg9 : memref<1000x16xf32, #tpu.memory_space<vmem>>)
      %dma_wait3A_323 = arith.constant 0 : i32
      %dma_wait3A_324 = arith.constant 0 : i32
      %dma_wait3A_325 = tpu.memref_slice %arg2[%dma_wait3A_323, %dma_wait3A_324] : memref<50000x16xf32, #tpu.memory_space<hbm>> -> memref<50000x16xf32, #tpu.memory_space<hbm>>
      tpu.wait_indirect_dma semaphore(%arg17 : memref<!tpu.dma_semaphore, #tpu.memory_space<semaphore_mem>>) src(%dma_wait3A_325 : memref<50000x16xf32, #tpu.memory_space<hbm>>) dst(%arg13 : memref<1000x16xf32, #tpu.memory_space<vmem>>)
      %dma_start3A_326 = arith.constant 0 : i32
      %dma_start3A_327 = tpu.memref_slice %arg4[%add3A_290, %dma_start3A_326] : memref<1600000x16xf32, #tpu.memory_space<hbm>> -> memref<1000x16xf32, #tpu.memory_space<hbm>>
      %dma_start3A_328 = arith.constant 0 : i32
      %dma_start3A_329 = tpu.memref_slice %arg4[%add3A_290, %dma_start3A_328] : memref<1600000x16xf32, #tpu.memory_space<hbm>> -> memref<1000x16xf32, #tpu.memory_space<hbm>>
      tpu.enqueue_dma source(%arg9 : memref<1000x16xf32, #tpu.memory_space<vmem>>) target(%dma_start3A_329 : memref<1000x16xf32, #tpu.memory_space<hbm>>) target_semaphore(%arg19 : memref<!tpu.dma_semaphore, #tpu.memory_space<semaphore_mem>>)
      %dma_start3A_330 = arith.constant 0 : i32
      %dma_start3A_331 = tpu.memref_slice %arg5[%add3A_290, %dma_start3A_330] : memref<1600000x16xf32, #tpu.memory_space<hbm>> -> memref<1000x16xf32, #tpu.memory_space<hbm>>
      %dma_start3A_332 = arith.constant 0 : i32
      %dma_start3A_333 = tpu.memref_slice %arg5[%add3A_290, %dma_start3A_332] : memref<1600000x16xf32, #tpu.memory_space<hbm>> -> memref<1000x16xf32, #tpu.memory_space<hbm>>
      tpu.enqueue_dma source(%arg13 : memref<1000x16xf32, #tpu.memory_space<vmem>>) target(%dma_start3A_333 : memref<1000x16xf32, #tpu.memory_space<hbm>>) target_semaphore(%arg21 : memref<!tpu.dma_semaphore, #tpu.memory_space<semaphore_mem>>)
      %add3A_334 = arith.constant 2 : i32
      %add3A_335 = arith.addi %add3A_287, %add3A_334 : i32
      %mul3A_336 = arith.constant 1000 : i32
      %mul3A_337 = arith.muli %add3A_335, %mul3A_336 : i32
      %add3A_338 = arith.addi %mul3A_2, %mul3A_337 : i32
      %dma_start3A_339 = arith.constant 0 : i32
      %dma_start3A_340 = tpu.memref_slice %arg3[%dma_start3A_339, %add3A_338] : memref<2x1600000xi32, #tpu.memory_space<hbm>> -> memref<1x1000xi32, #tpu.memory_space<hbm>>
      %dma_start3A_341 = tpu.memref_squeeze %dma_start3A_340 : memref<1x1000xi32, #tpu.memory_space<hbm>> -> memref<1000xi32, #tpu.memory_space<hbm>>
      %dma_start3A_342 = tpu.memref_slice %arg3[%dma_start3A_339, %add3A_338] : memref<2x1600000xi32, #tpu.memory_space<hbm>> -> memref<1x1000xi32, #tpu.memory_space<hbm>>
      %dma_start3A_343 = tpu.memref_squeeze %dma_start3A_342 : memref<1x1000xi32, #tpu.memory_space<hbm>> -> memref<1000xi32, #tpu.memory_space<hbm>>
      tpu.enqueue_dma source(%dma_start3A_343 : memref<1000xi32, #tpu.memory_space<hbm>>) target(%arg7 : memref<1000xi32, #tpu.memory_space<vmem>>) target_semaphore(%arg15 : memref<!tpu.dma_semaphore, #tpu.memory_space<semaphore_mem>>)
      %dma_start3A_344 = arith.constant 1 : i32
      %dma_start3A_345 = tpu.memref_slice %arg3[%dma_start3A_344, %add3A_338] : memref<2x1600000xi32, #tpu.memory_space<hbm>> -> memref<1x1000xi32, #tpu.memory_space<hbm>>
      %dma_start3A_346 = tpu.memref_squeeze %dma_start3A_345 : memref<1x1000xi32, #tpu.memory_space<hbm>> -> memref<1000xi32, #tpu.memory_space<hbm>>
      %dma_start3A_347 = tpu.memref_slice %arg3[%dma_start3A_344, %add3A_338] : memref<2x1600000xi32, #tpu.memory_space<hbm>> -> memref<1x1000xi32, #tpu.memory_space<hbm>>
      %dma_start3A_348 = tpu.memref_squeeze %dma_start3A_347 : memref<1x1000xi32, #tpu.memory_space<hbm>> -> memref<1000xi32, #tpu.memory_space<hbm>>
      tpu.enqueue_dma source(%dma_start3A_348 : memref<1000xi32, #tpu.memory_space<hbm>>) target(%arg11 : memref<1000xi32, #tpu.memory_space<vmem>>) target_semaphore(%arg15 : memref<!tpu.dma_semaphore, #tpu.memory_space<semaphore_mem>>)
    }
    %scan3A_116 = arith.constant 23 : i32
    %add3A_117 = arith.constant 48000 : i32
    %add3A_118 = arith.addi %mul3A_2, %add3A_117 : i32
    %dma_wait3A_119 = arith.constant 0 : i32
    %dma_wait3A_120 = tpu.memref_slice %arg3[%dma_wait3A_119, %add3A_118] : memref<2x1600000xi32, #tpu.memory_space<hbm>> -> memref<1x1000xi32, #tpu.memory_space<hbm>>
    %dma_wait3A_121 = tpu.memref_squeeze %dma_wait3A_120 : memref<1x1000xi32, #tpu.memory_space<hbm>> -> memref<1000xi32, #tpu.memory_space<hbm>>
    %dma_wait3A_122 = tpu.memref_slice %arg3[%dma_wait3A_119, %add3A_118] : memref<2x1600000xi32, #tpu.memory_space<hbm>> -> memref<1x1000xi32, #tpu.memory_space<hbm>>
    %dma_wait3A_123 = tpu.memref_squeeze %dma_wait3A_122 : memref<1x1000xi32, #tpu.memory_space<hbm>> -> memref<1000xi32, #tpu.memory_space<hbm>>
    tpu.wait_dma2 semaphore(%arg14 : memref<!tpu.dma_semaphore, #tpu.memory_space<semaphore_mem>>) src(%dma_wait3A_123 : memref<1000xi32, #tpu.memory_space<hbm>>) dst(%arg6 : memref<1000xi32, #tpu.memory_space<vmem>>)
    %dma_wait3A_124 = arith.constant 1 : i32
    %dma_wait3A_125 = tpu.memref_slice %arg3[%dma_wait3A_124, %add3A_118] : memref<2x1600000xi32, #tpu.memory_space<hbm>> -> memref<1x1000xi32, #tpu.memory_space<hbm>>
    %dma_wait3A_126 = tpu.memref_squeeze %dma_wait3A_125 : memref<1x1000xi32, #tpu.memory_space<hbm>> -> memref<1000xi32, #tpu.memory_space<hbm>>
    %dma_wait3A_127 = tpu.memref_slice %arg3[%dma_wait3A_124, %add3A_118] : memref<2x1600000xi32, #tpu.memory_space<hbm>> -> memref<1x1000xi32, #tpu.memory_space<hbm>>
    %dma_wait3A_128 = tpu.memref_squeeze %dma_wait3A_127 : memref<1x1000xi32, #tpu.memory_space<hbm>> -> memref<1000xi32, #tpu.memory_space<hbm>>
    tpu.wait_dma2 semaphore(%arg14 : memref<!tpu.dma_semaphore, #tpu.memory_space<semaphore_mem>>) src(%dma_wait3A_128 : memref<1000xi32, #tpu.memory_space<hbm>>) dst(%arg10 : memref<1000xi32, #tpu.memory_space<vmem>>)
    %add3A_129 = arith.constant 46000 : i32
    %add3A_130 = arith.addi %mul3A_2, %add3A_129 : i32
    %dma_wait3A_131 = arith.constant 0 : i32
    %dma_wait3A_132 = tpu.memref_slice %arg4[%add3A_130, %dma_wait3A_131] : memref<1600000x16xf32, #tpu.memory_space<hbm>> -> memref<1000x16xf32, #tpu.memory_space<hbm>>
    %dma_wait3A_133 = arith.constant 0 : i32
    %dma_wait3A_134 = tpu.memref_slice %arg4[%add3A_130, %dma_wait3A_133] : memref<1600000x16xf32, #tpu.memory_space<hbm>> -> memref<1000x16xf32, #tpu.memory_space<hbm>>
    tpu.wait_dma2 semaphore(%arg18 : memref<!tpu.dma_semaphore, #tpu.memory_space<semaphore_mem>>) src(%arg8 : memref<1000x16xf32, #tpu.memory_space<vmem>>) dst(%dma_wait3A_134 : memref<1000x16xf32, #tpu.memory_space<hbm>>)
    %dma_wait3A_135 = arith.constant 0 : i32
    %dma_wait3A_136 = tpu.memref_slice %arg5[%add3A_130, %dma_wait3A_135] : memref<1600000x16xf32, #tpu.memory_space<hbm>> -> memref<1000x16xf32, #tpu.memory_space<hbm>>
    %dma_wait3A_137 = arith.constant 0 : i32
    %dma_wait3A_138 = tpu.memref_slice %arg5[%add3A_130, %dma_wait3A_137] : memref<1600000x16xf32, #tpu.memory_space<hbm>> -> memref<1000x16xf32, #tpu.memory_space<hbm>>
    tpu.wait_dma2 semaphore(%arg20 : memref<!tpu.dma_semaphore, #tpu.memory_space<semaphore_mem>>) src(%arg12 : memref<1000x16xf32, #tpu.memory_space<vmem>>) dst(%dma_wait3A_138 : memref<1000x16xf32, #tpu.memory_space<hbm>>)
    %dma_start3A_139 = arith.constant 0 : i32
    %dma_start3A_140 = arith.constant 0 : i32
    %dma_start3A_141 = tpu.memref_slice %arg2[%dma_start3A_139, %dma_start3A_140] : memref<50000x16xf32, #tpu.memory_space<hbm>> -> memref<50000x16xf32, #tpu.memory_space<hbm>>
    tpu.enqueue_indirect_dma source(%dma_start3A_141 : memref<50000x16xf32, #tpu.memory_space<hbm>>) target(%arg8 : memref<1000x16xf32, #tpu.memory_space<vmem>>) offsets(%arg6 : memref<1000xi32, #tpu.memory_space<vmem>>) semaphore(%arg16 : memref<!tpu.dma_semaphore, #tpu.memory_space<semaphore_mem>>)
    %dma_start3A_142 = arith.constant 0 : i32
    %dma_start3A_143 = arith.constant 0 : i32
    %dma_start3A_144 = tpu.memref_slice %arg2[%dma_start3A_142, %dma_start3A_143] : memref<50000x16xf32, #tpu.memory_space<hbm>> -> memref<50000x16xf32, #tpu.memory_space<hbm>>
    tpu.enqueue_indirect_dma source(%dma_start3A_144 : memref<50000x16xf32, #tpu.memory_space<hbm>>) target(%arg12 : memref<1000x16xf32, #tpu.memory_space<vmem>>) offsets(%arg10 : memref<1000xi32, #tpu.memory_space<vmem>>) semaphore(%arg16 : memref<!tpu.dma_semaphore, #tpu.memory_space<semaphore_mem>>)
    %dma_wait3A_145 = arith.constant 0 : i32
    %dma_wait3A_146 = arith.constant 0 : i32
    %dma_wait3A_147 = tpu.memref_slice %arg2[%dma_wait3A_145, %dma_wait3A_146] : memref<50000x16xf32, #tpu.memory_space<hbm>> -> memref<50000x16xf32, #tpu.memory_space<hbm>>
    tpu.wait_indirect_dma semaphore(%arg16 : memref<!tpu.dma_semaphore, #tpu.memory_space<semaphore_mem>>) src(%dma_wait3A_147 : memref<50000x16xf32, #tpu.memory_space<hbm>>) dst(%arg8 : memref<1000x16xf32, #tpu.memory_space<vmem>>)
    %dma_wait3A_148 = arith.constant 0 : i32
    %dma_wait3A_149 = arith.constant 0 : i32
    %dma_wait3A_150 = tpu.memref_slice %arg2[%dma_wait3A_148, %dma_wait3A_149] : memref<50000x16xf32, #tpu.memory_space<hbm>> -> memref<50000x16xf32, #tpu.memory_space<hbm>>
    tpu.wait_indirect_dma semaphore(%arg16 : memref<!tpu.dma_semaphore, #tpu.memory_space<semaphore_mem>>) src(%dma_wait3A_150 : memref<50000x16xf32, #tpu.memory_space<hbm>>) dst(%arg12 : memref<1000x16xf32, #tpu.memory_space<vmem>>)
    %dma_start3A_151 = arith.constant 0 : i32
    %dma_start3A_152 = tpu.memref_slice %arg4[%add3A_118, %dma_start3A_151] : memref<1600000x16xf32, #tpu.memory_space<hbm>> -> memref<1000x16xf32, #tpu.memory_space<hbm>>
    %dma_start3A_153 = arith.constant 0 : i32
    %dma_start3A_154 = tpu.memref_slice %arg4[%add3A_118, %dma_start3A_153] : memref<1600000x16xf32, #tpu.memory_space<hbm>> -> memref<1000x16xf32, #tpu.memory_space<hbm>>
    tpu.enqueue_dma source(%arg8 : memref<1000x16xf32, #tpu.memory_space<vmem>>) target(%dma_start3A_154 : memref<1000x16xf32, #tpu.memory_space<hbm>>) target_semaphore(%arg18 : memref<!tpu.dma_semaphore, #tpu.memory_space<semaphore_mem>>)
    %dma_start3A_155 = arith.constant 0 : i32
    %dma_start3A_156 = tpu.memref_slice %arg5[%add3A_118, %dma_start3A_155] : memref<1600000x16xf32, #tpu.memory_space<hbm>> -> memref<1000x16xf32, #tpu.memory_space<hbm>>
    %dma_start3A_157 = arith.constant 0 : i32
    %dma_start3A_158 = tpu.memref_slice %arg5[%add3A_118, %dma_start3A_157] : memref<1600000x16xf32, #tpu.memory_space<hbm>> -> memref<1000x16xf32, #tpu.memory_space<hbm>>
    tpu.enqueue_dma source(%arg12 : memref<1000x16xf32, #tpu.memory_space<vmem>>) target(%dma_start3A_158 : memref<1000x16xf32, #tpu.memory_space<hbm>>) target_semaphore(%arg20 : memref<!tpu.dma_semaphore, #tpu.memory_space<semaphore_mem>>)
    %add3A_159 = arith.constant 49000 : i32
    %add3A_160 = arith.addi %mul3A_2, %add3A_159 : i32
    %dma_wait3A_161 = arith.constant 0 : i32
    %dma_wait3A_162 = tpu.memref_slice %arg3[%dma_wait3A_161, %add3A_160] : memref<2x1600000xi32, #tpu.memory_space<hbm>> -> memref<1x1000xi32, #tpu.memory_space<hbm>>
    %dma_wait3A_163 = tpu.memref_squeeze %dma_wait3A_162 : memref<1x1000xi32, #tpu.memory_space<hbm>> -> memref<1000xi32, #tpu.memory_space<hbm>>
    %dma_wait3A_164 = tpu.memref_slice %arg3[%dma_wait3A_161, %add3A_160] : memref<2x1600000xi32, #tpu.memory_space<hbm>> -> memref<1x1000xi32, #tpu.memory_space<hbm>>
    %dma_wait3A_165 = tpu.memref_squeeze %dma_wait3A_164 : memref<1x1000xi32, #tpu.memory_space<hbm>> -> memref<1000xi32, #tpu.memory_space<hbm>>
    tpu.wait_dma2 semaphore(%arg15 : memref<!tpu.dma_semaphore, #tpu.memory_space<semaphore_mem>>) src(%dma_wait3A_165 : memref<1000xi32, #tpu.memory_space<hbm>>) dst(%arg7 : memref<1000xi32, #tpu.memory_space<vmem>>)
    %dma_wait3A_166 = arith.constant 1 : i32
    %dma_wait3A_167 = tpu.memref_slice %arg3[%dma_wait3A_166, %add3A_160] : memref<2x1600000xi32, #tpu.memory_space<hbm>> -> memref<1x1000xi32, #tpu.memory_space<hbm>>
    %dma_wait3A_168 = tpu.memref_squeeze %dma_wait3A_167 : memref<1x1000xi32, #tpu.memory_space<hbm>> -> memref<1000xi32, #tpu.memory_space<hbm>>
    %dma_wait3A_169 = tpu.memref_slice %arg3[%dma_wait3A_166, %add3A_160] : memref<2x1600000xi32, #tpu.memory_space<hbm>> -> memref<1x1000xi32, #tpu.memory_space<hbm>>
    %dma_wait3A_170 = tpu.memref_squeeze %dma_wait3A_169 : memref<1x1000xi32, #tpu.memory_space<hbm>> -> memref<1000xi32, #tpu.memory_space<hbm>>
    tpu.wait_dma2 semaphore(%arg15 : memref<!tpu.dma_semaphore, #tpu.memory_space<semaphore_mem>>) src(%dma_wait3A_170 : memref<1000xi32, #tpu.memory_space<hbm>>) dst(%arg11 : memref<1000xi32, #tpu.memory_space<vmem>>)
    %add3A_171 = arith.constant 47000 : i32
    %add3A_172 = arith.addi %mul3A_2, %add3A_171 : i32
    %dma_wait3A_173 = arith.constant 0 : i32
    %dma_wait3A_174 = tpu.memref_slice %arg4[%add3A_172, %dma_wait3A_173] : memref<1600000x16xf32, #tpu.memory_space<hbm>> -> memref<1000x16xf32, #tpu.memory_space<hbm>>
    %dma_wait3A_175 = arith.constant 0 : i32
    %dma_wait3A_176 = tpu.memref_slice %arg4[%add3A_172, %dma_wait3A_175] : memref<1600000x16xf32, #tpu.memory_space<hbm>> -> memref<1000x16xf32, #tpu.memory_space<hbm>>
    tpu.wait_dma2 semaphore(%arg19 : memref<!tpu.dma_semaphore, #tpu.memory_space<semaphore_mem>>) src(%arg9 : memref<1000x16xf32, #tpu.memory_space<vmem>>) dst(%dma_wait3A_176 : memref<1000x16xf32, #tpu.memory_space<hbm>>)
    %dma_wait3A_177 = arith.constant 0 : i32
    %dma_wait3A_178 = tpu.memref_slice %arg5[%add3A_172, %dma_wait3A_177] : memref<1600000x16xf32, #tpu.memory_space<hbm>> -> memref<1000x16xf32, #tpu.memory_space<hbm>>
    %dma_wait3A_179 = arith.constant 0 : i32
    %dma_wait3A_180 = tpu.memref_slice %arg5[%add3A_172, %dma_wait3A_179] : memref<1600000x16xf32, #tpu.memory_space<hbm>> -> memref<1000x16xf32, #tpu.memory_space<hbm>>
    tpu.wait_dma2 semaphore(%arg21 : memref<!tpu.dma_semaphore, #tpu.memory_space<semaphore_mem>>) src(%arg13 : memref<1000x16xf32, #tpu.memory_space<vmem>>) dst(%dma_wait3A_180 : memref<1000x16xf32, #tpu.memory_space<hbm>>)
    %dma_start3A_181 = arith.constant 0 : i32
    %dma_start3A_182 = arith.constant 0 : i32
    %dma_start3A_183 = tpu.memref_slice %arg2[%dma_start3A_181, %dma_start3A_182] : memref<50000x16xf32, #tpu.memory_space<hbm>> -> memref<50000x16xf32, #tpu.memory_space<hbm>>
    tpu.enqueue_indirect_dma source(%dma_start3A_183 : memref<50000x16xf32, #tpu.memory_space<hbm>>) target(%arg9 : memref<1000x16xf32, #tpu.memory_space<vmem>>) offsets(%arg7 : memref<1000xi32, #tpu.memory_space<vmem>>) semaphore(%arg17 : memref<!tpu.dma_semaphore, #tpu.memory_space<semaphore_mem>>)
    %dma_start3A_184 = arith.constant 0 : i32
    %dma_start3A_185 = arith.constant 0 : i32
    %dma_start3A_186 = tpu.memref_slice %arg2[%dma_start3A_184, %dma_start3A_185] : memref<50000x16xf32, #tpu.memory_space<hbm>> -> memref<50000x16xf32, #tpu.memory_space<hbm>>
    tpu.enqueue_indirect_dma source(%dma_start3A_186 : memref<50000x16xf32, #tpu.memory_space<hbm>>) target(%arg13 : memref<1000x16xf32, #tpu.memory_space<vmem>>) offsets(%arg11 : memref<1000xi32, #tpu.memory_space<vmem>>) semaphore(%arg17 : memref<!tpu.dma_semaphore, #tpu.memory_space<semaphore_mem>>)
    %dma_wait3A_187 = arith.constant 0 : i32
    %dma_wait3A_188 = arith.constant 0 : i32
    %dma_wait3A_189 = tpu.memref_slice %arg2[%dma_wait3A_187, %dma_wait3A_188] : memref<50000x16xf32, #tpu.memory_space<hbm>> -> memref<50000x16xf32, #tpu.memory_space<hbm>>
    tpu.wait_indirect_dma semaphore(%arg17 : memref<!tpu.dma_semaphore, #tpu.memory_space<semaphore_mem>>) src(%dma_wait3A_189 : memref<50000x16xf32, #tpu.memory_space<hbm>>) dst(%arg9 : memref<1000x16xf32, #tpu.memory_space<vmem>>)
    %dma_wait3A_190 = arith.constant 0 : i32
    %dma_wait3A_191 = arith.constant 0 : i32
    %dma_wait3A_192 = tpu.memref_slice %arg2[%dma_wait3A_190, %dma_wait3A_191] : memref<50000x16xf32, #tpu.memory_space<hbm>> -> memref<50000x16xf32, #tpu.memory_space<hbm>>
    tpu.wait_indirect_dma semaphore(%arg17 : memref<!tpu.dma_semaphore, #tpu.memory_space<semaphore_mem>>) src(%dma_wait3A_192 : memref<50000x16xf32, #tpu.memory_space<hbm>>) dst(%arg13 : memref<1000x16xf32, #tpu.memory_space<vmem>>)
    %dma_start3A_193 = arith.constant 0 : i32
    %dma_start3A_194 = tpu.memref_slice %arg4[%add3A_160, %dma_start3A_193] : memref<1600000x16xf32, #tpu.memory_space<hbm>> -> memref<1000x16xf32, #tpu.memory_space<hbm>>
    %dma_start3A_195 = arith.constant 0 : i32
    %dma_start3A_196 = tpu.memref_slice %arg4[%add3A_160, %dma_start3A_195] : memref<1600000x16xf32, #tpu.memory_space<hbm>> -> memref<1000x16xf32, #tpu.memory_space<hbm>>
    tpu.enqueue_dma source(%arg9 : memref<1000x16xf32, #tpu.memory_space<vmem>>) target(%dma_start3A_196 : memref<1000x16xf32, #tpu.memory_space<hbm>>) target_semaphore(%arg19 : memref<!tpu.dma_semaphore, #tpu.memory_space<semaphore_mem>>)
    %dma_start3A_197 = arith.constant 0 : i32
    %dma_start3A_198 = tpu.memref_slice %arg5[%add3A_160, %dma_start3A_197] : memref<1600000x16xf32, #tpu.memory_space<hbm>> -> memref<1000x16xf32, #tpu.memory_space<hbm>>
    %dma_start3A_199 = arith.constant 0 : i32
    %dma_start3A_200 = tpu.memref_slice %arg5[%add3A_160, %dma_start3A_199] : memref<1600000x16xf32, #tpu.memory_space<hbm>> -> memref<1000x16xf32, #tpu.memory_space<hbm>>
    tpu.enqueue_dma source(%arg13 : memref<1000x16xf32, #tpu.memory_space<vmem>>) target(%dma_start3A_200 : memref<1000x16xf32, #tpu.memory_space<hbm>>) target_semaphore(%arg21 : memref<!tpu.dma_semaphore, #tpu.memory_space<semaphore_mem>>)
    %add3A_201 = arith.constant 48000 : i32
    %add3A_202 = arith.addi %mul3A_2, %add3A_201 : i32
    %dma_wait3A_203 = arith.constant 0 : i32
    %dma_wait3A_204 = tpu.memref_slice %arg4[%add3A_202, %dma_wait3A_203] : memref<1600000x16xf32, #tpu.memory_space<hbm>> -> memref<1000x16xf32, #tpu.memory_space<hbm>>
    %dma_wait3A_205 = arith.constant 0 : i32
    %dma_wait3A_206 = tpu.memref_slice %arg4[%add3A_202, %dma_wait3A_205] : memref<1600000x16xf32, #tpu.memory_space<hbm>> -> memref<1000x16xf32, #tpu.memory_space<hbm>>
    tpu.wait_dma2 semaphore(%arg18 : memref<!tpu.dma_semaphore, #tpu.memory_space<semaphore_mem>>) src(%arg8 : memref<1000x16xf32, #tpu.memory_space<vmem>>) dst(%dma_wait3A_206 : memref<1000x16xf32, #tpu.memory_space<hbm>>)
    %dma_wait3A_207 = arith.constant 0 : i32
    %dma_wait3A_208 = tpu.memref_slice %arg5[%add3A_202, %dma_wait3A_207] : memref<1600000x16xf32, #tpu.memory_space<hbm>> -> memref<1000x16xf32, #tpu.memory_space<hbm>>
    %dma_wait3A_209 = arith.constant 0 : i32
    %dma_wait3A_210 = tpu.memref_slice %arg5[%add3A_202, %dma_wait3A_209] : memref<1600000x16xf32, #tpu.memory_space<hbm>> -> memref<1000x16xf32, #tpu.memory_space<hbm>>
    tpu.wait_dma2 semaphore(%arg20 : memref<!tpu.dma_semaphore, #tpu.memory_space<semaphore_mem>>) src(%arg12 : memref<1000x16xf32, #tpu.memory_space<vmem>>) dst(%dma_wait3A_210 : memref<1000x16xf32, #tpu.memory_space<hbm>>)
    %add3A_211 = arith.constant 49000 : i32
    %add3A_212 = arith.addi %mul3A_2, %add3A_211 : i32
    %dma_wait3A_213 = arith.constant 0 : i32
    %dma_wait3A_214 = tpu.memref_slice %arg4[%add3A_212, %dma_wait3A_213] : memref<1600000x16xf32, #tpu.memory_space<hbm>> -> memref<1000x16xf32, #tpu.memory_space<hbm>>
    %dma_wait3A_215 = arith.constant 0 : i32
    %dma_wait3A_216 = tpu.memref_slice %arg4[%add3A_212, %dma_wait3A_215] : memref<1600000x16xf32, #tpu.memory_space<hbm>> -> memref<1000x16xf32, #tpu.memory_space<hbm>>
    tpu.wait_dma2 semaphore(%arg19 : memref<!tpu.dma_semaphore, #tpu.memory_space<semaphore_mem>>) src(%arg9 : memref<1000x16xf32, #tpu.memory_space<vmem>>) dst(%dma_wait3A_216 : memref<1000x16xf32, #tpu.memory_space<hbm>>)
    %dma_wait3A_217 = arith.constant 0 : i32
    %dma_wait3A_218 = tpu.memref_slice %arg5[%add3A_212, %dma_wait3A_217] : memref<1600000x16xf32, #tpu.memory_space<hbm>> -> memref<1000x16xf32, #tpu.memory_space<hbm>>
    %dma_wait3A_219 = arith.constant 0 : i32
    %dma_wait3A_220 = tpu.memref_slice %arg5[%add3A_212, %dma_wait3A_219] : memref<1600000x16xf32, #tpu.memory_space<hbm>> -> memref<1000x16xf32, #tpu.memory_space<hbm>>
    tpu.wait_dma2 semaphore(%arg21 : memref<!tpu.dma_semaphore, #tpu.memory_space<semaphore_mem>>) src(%arg13 : memref<1000x16xf32, #tpu.memory_space<vmem>>) dst(%dma_wait3A_220 : memref<1000x16xf32, #tpu.memory_space<hbm>>)
    return
  }
}

#map = affine_map<(d0, d1) -> (0, 0)>
module attributes {stable_mosaic.version = 14 : i64} {
  func.func @_sc_scatter(%arg0: i32, %arg1: i32, %arg2: memref<1600000x16xf32, #tpu.memory_space<hbm>>, %arg3: memref<2x1600000xi32, #tpu.memory_space<hbm>>, %arg4: memref<50000x8xf32, #tpu.memory_space<hbm>>, %arg5: memref<50000x8xf32, #tpu.memory_space<hbm>>, %arg6: memref<50000x8xf32, #tpu.memory_space<hbm>>, %arg7: memref<1000x8xf32, #tpu.memory_space<vmem>>, %arg8: memref<1000x8xf32, #tpu.memory_space<vmem>>, %arg9: memref<1000xi32, #tpu.memory_space<vmem>>, %arg10: memref<1000xi32, #tpu.memory_space<vmem>>, %arg11: memref<!tpu.dma_semaphore, #tpu.memory_space<semaphore_mem>>, %arg12: memref<!tpu.dma_semaphore, #tpu.memory_space<semaphore_mem>>, %arg13: memref<3125x8xf32, #tpu.memory_space<vmem>>, %arg14: memref<50000x8xf32, #tpu.memory_space<vmem_shared>>) attributes {dimension_semantics = [#tpu.dimension_semantics<core_parallel>, #tpu.dimension_semantics<subcore_parallel>], iteration_bounds = array<i64: 2, 16>, scalar_prefetch = 0 : i64, scratch_operands = 8 : i64, tpu.core_type = #tpu.core_type<sc_vector_subcore>, window_params = [{transform_indices = #map}, {transform_indices = #map}, {transform_indices = #map}, {transform_indices = #map}, {transform_indices = #map}]} {
    %eq3A = arith.constant 0 : i32
    %eq3A_0 = arith.cmpi eq, %arg1, %eq3A : i32
    %convert_element_type3A = arith.extui %eq3A_0 : i1 to i32
    %cond3A = arith.constant 0 : i32
    %cond3A_1 = arith.cmpi ne, %convert_element_type3A, %cond3A : i32
    scf.if %cond3A_1 {
      "tpu.region"() ({
        %run_scoped3A = tpu.sem_alloc : memref<!tpu.dma_semaphore, #tpu.memory_space<semaphore_mem>>
        tpu.enqueue_dma source(%arg4 : memref<50000x8xf32, #tpu.memory_space<hbm>>) target(%arg14 : memref<50000x8xf32, #tpu.memory_space<vmem_shared>>) target_semaphore(%run_scoped3A : memref<!tpu.dma_semaphore, #tpu.memory_space<semaphore_mem>>)
        tpu.wait_dma2 semaphore(%run_scoped3A : memref<!tpu.dma_semaphore, #tpu.memory_space<semaphore_mem>>) src(%arg4 : memref<50000x8xf32, #tpu.memory_space<hbm>>) dst(%arg14 : memref<50000x8xf32, #tpu.memory_space<vmem_shared>>)
        tpu.yield
      }) : () -> ()
    } else {
    }
    %barrier3A = arith.constant 0 : index
    tpu.barrier barrier_id(%barrier3A)
    %mul3A = arith.constant 16 : i32
    %mul3A_2 = arith.muli %arg0, %mul3A : i32
    %add3A = arith.addi %mul3A_2, %arg1 : i32
    %mul3A_3 = arith.constant 50000 : i32
    %mul3A_4 = arith.muli %add3A, %mul3A_3 : i32
    %add3A_5 = arith.constant 0 : i32
    %add3A_6 = arith.addi %mul3A_4, %add3A_5 : i32
    %dma_start3A = arith.constant 8 : i32
    %dma_start3A_7 = tpu.memref_slice %arg2[%add3A_6, %dma_start3A] : memref<1600000x16xf32, #tpu.memory_space<hbm>> -> memref<1000x8xf32, #tpu.memory_space<hbm>>
    %dma_start3A_8 = arith.constant 8 : i32
    %dma_start3A_9 = tpu.memref_slice %arg2[%add3A_6, %dma_start3A_8] : memref<1600000x16xf32, #tpu.memory_space<hbm>> -> memref<1000x8xf32, #tpu.memory_space<hbm>>
    tpu.enqueue_dma source(%dma_start3A_9 : memref<1000x8xf32, #tpu.memory_space<hbm>>) target(%arg7 : memref<1000x8xf32, #tpu.memory_space<vmem>>) target_semaphore(%arg11 : memref<!tpu.dma_semaphore, #tpu.memory_space<semaphore_mem>>)
    %dma_start3A_10 = arith.constant 1 : i32
    %dma_start3A_11 = tpu.memref_slice %arg3[%dma_start3A_10, %add3A_6] : memref<2x1600000xi32, #tpu.memory_space<hbm>> -> memref<1x1000xi32, #tpu.memory_space<hbm>>
    %dma_start3A_12 = tpu.memref_squeeze %dma_start3A_11 : memref<1x1000xi32, #tpu.memory_space<hbm>> -> memref<1000xi32, #tpu.memory_space<hbm>>
    %dma_start3A_13 = tpu.memref_slice %arg3[%dma_start3A_10, %add3A_6] : memref<2x1600000xi32, #tpu.memory_space<hbm>> -> memref<1x1000xi32, #tpu.memory_space<hbm>>
    %dma_start3A_14 = tpu.memref_squeeze %dma_start3A_13 : memref<1x1000xi32, #tpu.memory_space<hbm>> -> memref<1000xi32, #tpu.memory_space<hbm>>
    tpu.enqueue_dma source(%dma_start3A_14 : memref<1000xi32, #tpu.memory_space<hbm>>) target(%arg9 : memref<1000xi32, #tpu.memory_space<vmem>>) target_semaphore(%arg11 : memref<!tpu.dma_semaphore, #tpu.memory_space<semaphore_mem>>)
    %add3A_15 = arith.constant 1000 : i32
    %add3A_16 = arith.addi %mul3A_4, %add3A_15 : i32
    %dma_start3A_17 = arith.constant 8 : i32
    %dma_start3A_18 = tpu.memref_slice %arg2[%add3A_16, %dma_start3A_17] : memref<1600000x16xf32, #tpu.memory_space<hbm>> -> memref<1000x8xf32, #tpu.memory_space<hbm>>
    %dma_start3A_19 = arith.constant 8 : i32
    %dma_start3A_20 = tpu.memref_slice %arg2[%add3A_16, %dma_start3A_19] : memref<1600000x16xf32, #tpu.memory_space<hbm>> -> memref<1000x8xf32, #tpu.memory_space<hbm>>
    tpu.enqueue_dma source(%dma_start3A_20 : memref<1000x8xf32, #tpu.memory_space<hbm>>) target(%arg8 : memref<1000x8xf32, #tpu.memory_space<vmem>>) target_semaphore(%arg12 : memref<!tpu.dma_semaphore, #tpu.memory_space<semaphore_mem>>)
    %dma_start3A_21 = arith.constant 1 : i32
    %dma_start3A_22 = tpu.memref_slice %arg3[%dma_start3A_21, %add3A_16] : memref<2x1600000xi32, #tpu.memory_space<hbm>> -> memref<1x1000xi32, #tpu.memory_space<hbm>>
    %dma_start3A_23 = tpu.memref_squeeze %dma_start3A_22 : memref<1x1000xi32, #tpu.memory_space<hbm>> -> memref<1000xi32, #tpu.memory_space<hbm>>
    %dma_start3A_24 = tpu.memref_slice %arg3[%dma_start3A_21, %add3A_16] : memref<2x1600000xi32, #tpu.memory_space<hbm>> -> memref<1x1000xi32, #tpu.memory_space<hbm>>
    %dma_start3A_25 = tpu.memref_squeeze %dma_start3A_24 : memref<1x1000xi32, #tpu.memory_space<hbm>> -> memref<1000xi32, #tpu.memory_space<hbm>>
    tpu.enqueue_dma source(%dma_start3A_25 : memref<1000xi32, #tpu.memory_space<hbm>>) target(%arg10 : memref<1000xi32, #tpu.memory_space<vmem>>) target_semaphore(%arg12 : memref<!tpu.dma_semaphore, #tpu.memory_space<semaphore_mem>>)
    %scan3A = arith.constant 0 : i32
    %scan3A_26 = arith.constant 24 : i32
    %scan3A_27 = arith.addi %scan3A, %scan3A_26 : i32
    %scan3A_28 = arith.constant 1 : i32
    scf.for %scan3A_64 = %scan3A to %scan3A_27 step %scan3A_28  : i32 {
      %mul3A_65 = arith.constant 2 : i32
      %mul3A_66 = arith.muli %scan3A_64, %mul3A_65 : i32
      %add3A_67 = arith.constant 0 : i32
      %add3A_68 = arith.addi %add3A_67, %mul3A_66 : i32
      %mul3A_69 = arith.constant 1000 : i32
      %mul3A_70 = arith.muli %add3A_68, %mul3A_69 : i32
      %add3A_71 = arith.addi %mul3A_4, %mul3A_70 : i32
      %dma_wait3A_72 = arith.constant 8 : i32
      %dma_wait3A_73 = tpu.memref_slice %arg2[%add3A_71, %dma_wait3A_72] : memref<1600000x16xf32, #tpu.memory_space<hbm>> -> memref<1000x8xf32, #tpu.memory_space<hbm>>
      %dma_wait3A_74 = arith.constant 8 : i32
      %dma_wait3A_75 = tpu.memref_slice %arg2[%add3A_71, %dma_wait3A_74] : memref<1600000x16xf32, #tpu.memory_space<hbm>> -> memref<1000x8xf32, #tpu.memory_space<hbm>>
      tpu.wait_dma2 semaphore(%arg11 : memref<!tpu.dma_semaphore, #tpu.memory_space<semaphore_mem>>) src(%dma_wait3A_75 : memref<1000x8xf32, #tpu.memory_space<hbm>>) dst(%arg7 : memref<1000x8xf32, #tpu.memory_space<vmem>>)
      %dma_wait3A_76 = arith.constant 1 : i32
      %dma_wait3A_77 = tpu.memref_slice %arg3[%dma_wait3A_76, %add3A_71] : memref<2x1600000xi32, #tpu.memory_space<hbm>> -> memref<1x1000xi32, #tpu.memory_space<hbm>>
      %dma_wait3A_78 = tpu.memref_squeeze %dma_wait3A_77 : memref<1x1000xi32, #tpu.memory_space<hbm>> -> memref<1000xi32, #tpu.memory_space<hbm>>
      %dma_wait3A_79 = tpu.memref_slice %arg3[%dma_wait3A_76, %add3A_71] : memref<2x1600000xi32, #tpu.memory_space<hbm>> -> memref<1x1000xi32, #tpu.memory_space<hbm>>
      %dma_wait3A_80 = tpu.memref_squeeze %dma_wait3A_79 : memref<1x1000xi32, #tpu.memory_space<hbm>> -> memref<1000xi32, #tpu.memory_space<hbm>>
      tpu.wait_dma2 semaphore(%arg11 : memref<!tpu.dma_semaphore, #tpu.memory_space<semaphore_mem>>) src(%dma_wait3A_80 : memref<1000xi32, #tpu.memory_space<hbm>>) dst(%arg9 : memref<1000xi32, #tpu.memory_space<vmem>>)
      "tpu.region"() ({
        %run_scoped3A = tpu.sem_alloc : memref<!tpu.dma_semaphore, #tpu.memory_space<semaphore_mem>>
        %dma_start3A_123 = arith.constant 0 : i32
        %dma_start3A_124 = arith.constant 0 : i32
        %dma_start3A_125 = tpu.memref_slice %arg14[%dma_start3A_123, %dma_start3A_124] : memref<50000x8xf32, #tpu.memory_space<vmem_shared>> -> memref<50000x8xf32, #tpu.memory_space<vmem_shared>>
        tpu.enqueue_indirect_dma source(%arg7 : memref<1000x8xf32, #tpu.memory_space<vmem>>) target(%dma_start3A_125 : memref<50000x8xf32, #tpu.memory_space<vmem_shared>>) offsets(%arg9 : memref<1000xi32, #tpu.memory_space<vmem>>) semaphore(%run_scoped3A : memref<!tpu.dma_semaphore, #tpu.memory_space<semaphore_mem>>) {add = true}
        %dma_wait3A_126 = arith.constant 0 : i32
        %dma_wait3A_127 = arith.constant 0 : i32
        %dma_wait3A_128 = tpu.memref_slice %arg14[%dma_wait3A_126, %dma_wait3A_127] : memref<50000x8xf32, #tpu.memory_space<vmem_shared>> -> memref<50000x8xf32, #tpu.memory_space<vmem_shared>>
        tpu.wait_indirect_dma semaphore(%run_scoped3A : memref<!tpu.dma_semaphore, #tpu.memory_space<semaphore_mem>>) src(%arg7 : memref<1000x8xf32, #tpu.memory_space<vmem>>) dst(%dma_wait3A_128 : memref<50000x8xf32, #tpu.memory_space<vmem_shared>>)
        tpu.yield
      }) : () -> ()
      %add3A_81 = arith.constant 2 : i32
      %add3A_82 = arith.addi %add3A_68, %add3A_81 : i32
      %mul3A_83 = arith.constant 1000 : i32
      %mul3A_84 = arith.muli %add3A_82, %mul3A_83 : i32
      %add3A_85 = arith.addi %mul3A_4, %mul3A_84 : i32
      %dma_start3A_86 = arith.constant 8 : i32
      %dma_start3A_87 = tpu.memref_slice %arg2[%add3A_85, %dma_start3A_86] : memref<1600000x16xf32, #tpu.memory_space<hbm>> -> memref<1000x8xf32, #tpu.memory_space<hbm>>
      %dma_start3A_88 = arith.constant 8 : i32
      %dma_start3A_89 = tpu.memref_slice %arg2[%add3A_85, %dma_start3A_88] : memref<1600000x16xf32, #tpu.memory_space<hbm>> -> memref<1000x8xf32, #tpu.memory_space<hbm>>
      tpu.enqueue_dma source(%dma_start3A_89 : memref<1000x8xf32, #tpu.memory_space<hbm>>) target(%arg7 : memref<1000x8xf32, #tpu.memory_space<vmem>>) target_semaphore(%arg11 : memref<!tpu.dma_semaphore, #tpu.memory_space<semaphore_mem>>)
      %dma_start3A_90 = arith.constant 1 : i32
      %dma_start3A_91 = tpu.memref_slice %arg3[%dma_start3A_90, %add3A_85] : memref<2x1600000xi32, #tpu.memory_space<hbm>> -> memref<1x1000xi32, #tpu.memory_space<hbm>>
      %dma_start3A_92 = tpu.memref_squeeze %dma_start3A_91 : memref<1x1000xi32, #tpu.memory_space<hbm>> -> memref<1000xi32, #tpu.memory_space<hbm>>
      %dma_start3A_93 = tpu.memref_slice %arg3[%dma_start3A_90, %add3A_85] : memref<2x1600000xi32, #tpu.memory_space<hbm>> -> memref<1x1000xi32, #tpu.memory_space<hbm>>
      %dma_start3A_94 = tpu.memref_squeeze %dma_start3A_93 : memref<1x1000xi32, #tpu.memory_space<hbm>> -> memref<1000xi32, #tpu.memory_space<hbm>>
      tpu.enqueue_dma source(%dma_start3A_94 : memref<1000xi32, #tpu.memory_space<hbm>>) target(%arg9 : memref<1000xi32, #tpu.memory_space<vmem>>) target_semaphore(%arg11 : memref<!tpu.dma_semaphore, #tpu.memory_space<semaphore_mem>>)
      %add3A_95 = arith.constant 1 : i32
      %add3A_96 = arith.addi %add3A_68, %add3A_95 : i32
      %mul3A_97 = arith.constant 1000 : i32
      %mul3A_98 = arith.muli %add3A_96, %mul3A_97 : i32
      %add3A_99 = arith.addi %mul3A_4, %mul3A_98 : i32
      %dma_wait3A_100 = arith.constant 8 : i32
      %dma_wait3A_101 = tpu.memref_slice %arg2[%add3A_99, %dma_wait3A_100] : memref<1600000x16xf32, #tpu.memory_space<hbm>> -> memref<1000x8xf32, #tpu.memory_space<hbm>>
      %dma_wait3A_102 = arith.constant 8 : i32
      %dma_wait3A_103 = tpu.memref_slice %arg2[%add3A_99, %dma_wait3A_102] : memref<1600000x16xf32, #tpu.memory_space<hbm>> -> memref<1000x8xf32, #tpu.memory_space<hbm>>
      tpu.wait_dma2 semaphore(%arg12 : memref<!tpu.dma_semaphore, #tpu.memory_space<semaphore_mem>>) src(%dma_wait3A_103 : memref<1000x8xf32, #tpu.memory_space<hbm>>) dst(%arg8 : memref<1000x8xf32, #tpu.memory_space<vmem>>)
      %dma_wait3A_104 = arith.constant 1 : i32
      %dma_wait3A_105 = tpu.memref_slice %arg3[%dma_wait3A_104, %add3A_99] : memref<2x1600000xi32, #tpu.memory_space<hbm>> -> memref<1x1000xi32, #tpu.memory_space<hbm>>
      %dma_wait3A_106 = tpu.memref_squeeze %dma_wait3A_105 : memref<1x1000xi32, #tpu.memory_space<hbm>> -> memref<1000xi32, #tpu.memory_space<hbm>>
      %dma_wait3A_107 = tpu.memref_slice %arg3[%dma_wait3A_104, %add3A_99] : memref<2x1600000xi32, #tpu.memory_space<hbm>> -> memref<1x1000xi32, #tpu.memory_space<hbm>>
      %dma_wait3A_108 = tpu.memref_squeeze %dma_wait3A_107 : memref<1x1000xi32, #tpu.memory_space<hbm>> -> memref<1000xi32, #tpu.memory_space<hbm>>
      tpu.wait_dma2 semaphore(%arg12 : memref<!tpu.dma_semaphore, #tpu.memory_space<semaphore_mem>>) src(%dma_wait3A_108 : memref<1000xi32, #tpu.memory_space<hbm>>) dst(%arg10 : memref<1000xi32, #tpu.memory_space<vmem>>)
      "tpu.region"() ({
        %run_scoped3A = tpu.sem_alloc : memref<!tpu.dma_semaphore, #tpu.memory_space<semaphore_mem>>
        %dma_start3A_123 = arith.constant 0 : i32
        %dma_start3A_124 = arith.constant 0 : i32
        %dma_start3A_125 = tpu.memref_slice %arg14[%dma_start3A_123, %dma_start3A_124] : memref<50000x8xf32, #tpu.memory_space<vmem_shared>> -> memref<50000x8xf32, #tpu.memory_space<vmem_shared>>
        tpu.enqueue_indirect_dma source(%arg8 : memref<1000x8xf32, #tpu.memory_space<vmem>>) target(%dma_start3A_125 : memref<50000x8xf32, #tpu.memory_space<vmem_shared>>) offsets(%arg10 : memref<1000xi32, #tpu.memory_space<vmem>>) semaphore(%run_scoped3A : memref<!tpu.dma_semaphore, #tpu.memory_space<semaphore_mem>>) {add = true}
        %dma_wait3A_126 = arith.constant 0 : i32
        %dma_wait3A_127 = arith.constant 0 : i32
        %dma_wait3A_128 = tpu.memref_slice %arg14[%dma_wait3A_126, %dma_wait3A_127] : memref<50000x8xf32, #tpu.memory_space<vmem_shared>> -> memref<50000x8xf32, #tpu.memory_space<vmem_shared>>
        tpu.wait_indirect_dma semaphore(%run_scoped3A : memref<!tpu.dma_semaphore, #tpu.memory_space<semaphore_mem>>) src(%arg8 : memref<1000x8xf32, #tpu.memory_space<vmem>>) dst(%dma_wait3A_128 : memref<50000x8xf32, #tpu.memory_space<vmem_shared>>)
        tpu.yield
      }) : () -> ()
      %add3A_109 = arith.constant 2 : i32
      %add3A_110 = arith.addi %add3A_96, %add3A_109 : i32
      %mul3A_111 = arith.constant 1000 : i32
      %mul3A_112 = arith.muli %add3A_110, %mul3A_111 : i32
      %add3A_113 = arith.addi %mul3A_4, %mul3A_112 : i32
      %dma_start3A_114 = arith.constant 8 : i32
      %dma_start3A_115 = tpu.memref_slice %arg2[%add3A_113, %dma_start3A_114] : memref<1600000x16xf32, #tpu.memory_space<hbm>> -> memref<1000x8xf32, #tpu.memory_space<hbm>>
      %dma_start3A_116 = arith.constant 8 : i32
      %dma_start3A_117 = tpu.memref_slice %arg2[%add3A_113, %dma_start3A_116] : memref<1600000x16xf32, #tpu.memory_space<hbm>> -> memref<1000x8xf32, #tpu.memory_space<hbm>>
      tpu.enqueue_dma source(%dma_start3A_117 : memref<1000x8xf32, #tpu.memory_space<hbm>>) target(%arg8 : memref<1000x8xf32, #tpu.memory_space<vmem>>) target_semaphore(%arg12 : memref<!tpu.dma_semaphore, #tpu.memory_space<semaphore_mem>>)
      %dma_start3A_118 = arith.constant 1 : i32
      %dma_start3A_119 = tpu.memref_slice %arg3[%dma_start3A_118, %add3A_113] : memref<2x1600000xi32, #tpu.memory_space<hbm>> -> memref<1x1000xi32, #tpu.memory_space<hbm>>
      %dma_start3A_120 = tpu.memref_squeeze %dma_start3A_119 : memref<1x1000xi32, #tpu.memory_space<hbm>> -> memref<1000xi32, #tpu.memory_space<hbm>>
      %dma_start3A_121 = tpu.memref_slice %arg3[%dma_start3A_118, %add3A_113] : memref<2x1600000xi32, #tpu.memory_space<hbm>> -> memref<1x1000xi32, #tpu.memory_space<hbm>>
      %dma_start3A_122 = tpu.memref_squeeze %dma_start3A_121 : memref<1x1000xi32, #tpu.memory_space<hbm>> -> memref<1000xi32, #tpu.memory_space<hbm>>
      tpu.enqueue_dma source(%dma_start3A_122 : memref<1000xi32, #tpu.memory_space<hbm>>) target(%arg10 : memref<1000xi32, #tpu.memory_space<vmem>>) target_semaphore(%arg12 : memref<!tpu.dma_semaphore, #tpu.memory_space<semaphore_mem>>)
    }
    %scan3A_29 = arith.constant 24 : i32
    %add3A_30 = arith.constant 48000 : i32
    %add3A_31 = arith.addi %mul3A_4, %add3A_30 : i32
    %dma_wait3A = arith.constant 8 : i32
    %dma_wait3A_32 = tpu.memref_slice %arg2[%add3A_31, %dma_wait3A] : memref<1600000x16xf32, #tpu.memory_space<hbm>> -> memref<1000x8xf32, #tpu.memory_space<hbm>>
    %dma_wait3A_33 = arith.constant 8 : i32
    %dma_wait3A_34 = tpu.memref_slice %arg2[%add3A_31, %dma_wait3A_33] : memref<1600000x16xf32, #tpu.memory_space<hbm>> -> memref<1000x8xf32, #tpu.memory_space<hbm>>
    tpu.wait_dma2 semaphore(%arg11 : memref<!tpu.dma_semaphore, #tpu.memory_space<semaphore_mem>>) src(%dma_wait3A_34 : memref<1000x8xf32, #tpu.memory_space<hbm>>) dst(%arg7 : memref<1000x8xf32, #tpu.memory_space<vmem>>)
    %dma_wait3A_35 = arith.constant 1 : i32
    %dma_wait3A_36 = tpu.memref_slice %arg3[%dma_wait3A_35, %add3A_31] : memref<2x1600000xi32, #tpu.memory_space<hbm>> -> memref<1x1000xi32, #tpu.memory_space<hbm>>
    %dma_wait3A_37 = tpu.memref_squeeze %dma_wait3A_36 : memref<1x1000xi32, #tpu.memory_space<hbm>> -> memref<1000xi32, #tpu.memory_space<hbm>>
    %dma_wait3A_38 = tpu.memref_slice %arg3[%dma_wait3A_35, %add3A_31] : memref<2x1600000xi32, #tpu.memory_space<hbm>> -> memref<1x1000xi32, #tpu.memory_space<hbm>>
    %dma_wait3A_39 = tpu.memref_squeeze %dma_wait3A_38 : memref<1x1000xi32, #tpu.memory_space<hbm>> -> memref<1000xi32, #tpu.memory_space<hbm>>
    tpu.wait_dma2 semaphore(%arg11 : memref<!tpu.dma_semaphore, #tpu.memory_space<semaphore_mem>>) src(%dma_wait3A_39 : memref<1000xi32, #tpu.memory_space<hbm>>) dst(%arg9 : memref<1000xi32, #tpu.memory_space<vmem>>)
    "tpu.region"() ({
      %run_scoped3A = tpu.sem_alloc : memref<!tpu.dma_semaphore, #tpu.memory_space<semaphore_mem>>
      %dma_start3A_64 = arith.constant 0 : i32
      %dma_start3A_65 = arith.constant 0 : i32
      %dma_start3A_66 = tpu.memref_slice %arg14[%dma_start3A_64, %dma_start3A_65] : memref<50000x8xf32, #tpu.memory_space<vmem_shared>> -> memref<50000x8xf32, #tpu.memory_space<vmem_shared>>
      tpu.enqueue_indirect_dma source(%arg7 : memref<1000x8xf32, #tpu.memory_space<vmem>>) target(%dma_start3A_66 : memref<50000x8xf32, #tpu.memory_space<vmem_shared>>) offsets(%arg9 : memref<1000xi32, #tpu.memory_space<vmem>>) semaphore(%run_scoped3A : memref<!tpu.dma_semaphore, #tpu.memory_space<semaphore_mem>>) {add = true}
      %dma_wait3A_67 = arith.constant 0 : i32
      %dma_wait3A_68 = arith.constant 0 : i32
      %dma_wait3A_69 = tpu.memref_slice %arg14[%dma_wait3A_67, %dma_wait3A_68] : memref<50000x8xf32, #tpu.memory_space<vmem_shared>> -> memref<50000x8xf32, #tpu.memory_space<vmem_shared>>
      tpu.wait_indirect_dma semaphore(%run_scoped3A : memref<!tpu.dma_semaphore, #tpu.memory_space<semaphore_mem>>) src(%arg7 : memref<1000x8xf32, #tpu.memory_space<vmem>>) dst(%dma_wait3A_69 : memref<50000x8xf32, #tpu.memory_space<vmem_shared>>)
      tpu.yield
    }) : () -> ()
    %add3A_40 = arith.constant 49000 : i32
    %add3A_41 = arith.addi %mul3A_4, %add3A_40 : i32
    %dma_wait3A_42 = arith.constant 8 : i32
    %dma_wait3A_43 = tpu.memref_slice %arg2[%add3A_41, %dma_wait3A_42] : memref<1600000x16xf32, #tpu.memory_space<hbm>> -> memref<1000x8xf32, #tpu.memory_space<hbm>>
    %dma_wait3A_44 = arith.constant 8 : i32
    %dma_wait3A_45 = tpu.memref_slice %arg2[%add3A_41, %dma_wait3A_44] : memref<1600000x16xf32, #tpu.memory_space<hbm>> -> memref<1000x8xf32, #tpu.memory_space<hbm>>
    tpu.wait_dma2 semaphore(%arg12 : memref<!tpu.dma_semaphore, #tpu.memory_space<semaphore_mem>>) src(%dma_wait3A_45 : memref<1000x8xf32, #tpu.memory_space<hbm>>) dst(%arg8 : memref<1000x8xf32, #tpu.memory_space<vmem>>)
    %dma_wait3A_46 = arith.constant 1 : i32
    %dma_wait3A_47 = tpu.memref_slice %arg3[%dma_wait3A_46, %add3A_41] : memref<2x1600000xi32, #tpu.memory_space<hbm>> -> memref<1x1000xi32, #tpu.memory_space<hbm>>
    %dma_wait3A_48 = tpu.memref_squeeze %dma_wait3A_47 : memref<1x1000xi32, #tpu.memory_space<hbm>> -> memref<1000xi32, #tpu.memory_space<hbm>>
    %dma_wait3A_49 = tpu.memref_slice %arg3[%dma_wait3A_46, %add3A_41] : memref<2x1600000xi32, #tpu.memory_space<hbm>> -> memref<1x1000xi32, #tpu.memory_space<hbm>>
    %dma_wait3A_50 = tpu.memref_squeeze %dma_wait3A_49 : memref<1x1000xi32, #tpu.memory_space<hbm>> -> memref<1000xi32, #tpu.memory_space<hbm>>
    tpu.wait_dma2 semaphore(%arg12 : memref<!tpu.dma_semaphore, #tpu.memory_space<semaphore_mem>>) src(%dma_wait3A_50 : memref<1000xi32, #tpu.memory_space<hbm>>) dst(%arg10 : memref<1000xi32, #tpu.memory_space<vmem>>)
    "tpu.region"() ({
      %run_scoped3A = tpu.sem_alloc : memref<!tpu.dma_semaphore, #tpu.memory_space<semaphore_mem>>
      %dma_start3A_64 = arith.constant 0 : i32
      %dma_start3A_65 = arith.constant 0 : i32
      %dma_start3A_66 = tpu.memref_slice %arg14[%dma_start3A_64, %dma_start3A_65] : memref<50000x8xf32, #tpu.memory_space<vmem_shared>> -> memref<50000x8xf32, #tpu.memory_space<vmem_shared>>
      tpu.enqueue_indirect_dma source(%arg8 : memref<1000x8xf32, #tpu.memory_space<vmem>>) target(%dma_start3A_66 : memref<50000x8xf32, #tpu.memory_space<vmem_shared>>) offsets(%arg10 : memref<1000xi32, #tpu.memory_space<vmem>>) semaphore(%run_scoped3A : memref<!tpu.dma_semaphore, #tpu.memory_space<semaphore_mem>>) {add = true}
      %dma_wait3A_67 = arith.constant 0 : i32
      %dma_wait3A_68 = arith.constant 0 : i32
      %dma_wait3A_69 = tpu.memref_slice %arg14[%dma_wait3A_67, %dma_wait3A_68] : memref<50000x8xf32, #tpu.memory_space<vmem_shared>> -> memref<50000x8xf32, #tpu.memory_space<vmem_shared>>
      tpu.wait_indirect_dma semaphore(%run_scoped3A : memref<!tpu.dma_semaphore, #tpu.memory_space<semaphore_mem>>) src(%arg8 : memref<1000x8xf32, #tpu.memory_space<vmem>>) dst(%dma_wait3A_69 : memref<50000x8xf32, #tpu.memory_space<vmem_shared>>)
      tpu.yield
    }) : () -> ()
    %barrier3A_51 = arith.constant 0 : index
    tpu.barrier barrier_id(%barrier3A_51)
    %mul3A_52 = arith.constant 3125 : i32
    %mul3A_53 = arith.muli %arg1, %mul3A_52 : i32
    "tpu.region"() ({
      %run_scoped3A = tpu.sem_alloc : memref<!tpu.dma_semaphore, #tpu.memory_space<semaphore_mem>>
      %dma_start3A_64 = arith.constant 0 : i32
      %dma_start3A_65 = tpu.memref_slice %arg14[%mul3A_53, %dma_start3A_64] : memref<50000x8xf32, #tpu.memory_space<vmem_shared>> -> memref<3125x8xf32, #tpu.memory_space<vmem_shared>>
      %dma_start3A_66 = arith.constant 0 : i32
      %dma_start3A_67 = tpu.memref_slice %arg14[%mul3A_53, %dma_start3A_66] : memref<50000x8xf32, #tpu.memory_space<vmem_shared>> -> memref<3125x8xf32, #tpu.memory_space<vmem_shared>>
      tpu.enqueue_dma source(%dma_start3A_67 : memref<3125x8xf32, #tpu.memory_space<vmem_shared>>) target(%arg13 : memref<3125x8xf32, #tpu.memory_space<vmem>>) target_semaphore(%run_scoped3A : memref<!tpu.dma_semaphore, #tpu.memory_space<semaphore_mem>>)
      %dma_wait3A_68 = arith.constant 0 : i32
      %dma_wait3A_69 = tpu.memref_slice %arg14[%mul3A_53, %dma_wait3A_68] : memref<50000x8xf32, #tpu.memory_space<vmem_shared>> -> memref<3125x8xf32, #tpu.memory_space<vmem_shared>>
      %dma_wait3A_70 = arith.constant 0 : i32
      %dma_wait3A_71 = tpu.memref_slice %arg14[%mul3A_53, %dma_wait3A_70] : memref<50000x8xf32, #tpu.memory_space<vmem_shared>> -> memref<3125x8xf32, #tpu.memory_space<vmem_shared>>
      tpu.wait_dma2 semaphore(%run_scoped3A : memref<!tpu.dma_semaphore, #tpu.memory_space<semaphore_mem>>) src(%dma_wait3A_71 : memref<3125x8xf32, #tpu.memory_space<vmem_shared>>) dst(%arg13 : memref<3125x8xf32, #tpu.memory_space<vmem>>)
      tpu.yield
    }) : () -> ()
    %eq3A_54 = arith.constant 0 : i32
    %eq3A_55 = arith.cmpi eq, %arg0, %eq3A_54 : i32
    %convert_element_type3A_56 = arith.extui %eq3A_55 : i1 to i32
    %cond3A_57 = arith.constant 0 : i32
    %cond3A_58 = arith.cmpi ne, %convert_element_type3A_56, %cond3A_57 : i32
    scf.if %cond3A_58 {
      "tpu.region"() ({
        %run_scoped3A = tpu.sem_alloc : memref<!tpu.dma_semaphore, #tpu.memory_space<semaphore_mem>>
        %dma_start3A_64 = arith.constant 0 : i32
        %dma_start3A_65 = tpu.memref_slice %arg5[%mul3A_53, %dma_start3A_64] : memref<50000x8xf32, #tpu.memory_space<hbm>> -> memref<3125x8xf32, #tpu.memory_space<hbm>>
        %dma_start3A_66 = arith.constant 0 : i32
        %dma_start3A_67 = tpu.memref_slice %arg5[%mul3A_53, %dma_start3A_66] : memref<50000x8xf32, #tpu.memory_space<hbm>> -> memref<3125x8xf32, #tpu.memory_space<hbm>>
        tpu.enqueue_dma source(%arg13 : memref<3125x8xf32, #tpu.memory_space<vmem>>) target(%dma_start3A_67 : memref<3125x8xf32, #tpu.memory_space<hbm>>) target_semaphore(%run_scoped3A : memref<!tpu.dma_semaphore, #tpu.memory_space<semaphore_mem>>)
        %dma_wait3A_68 = arith.constant 0 : i32
        %dma_wait3A_69 = tpu.memref_slice %arg5[%mul3A_53, %dma_wait3A_68] : memref<50000x8xf32, #tpu.memory_space<hbm>> -> memref<3125x8xf32, #tpu.memory_space<hbm>>
        %dma_wait3A_70 = arith.constant 0 : i32
        %dma_wait3A_71 = tpu.memref_slice %arg5[%mul3A_53, %dma_wait3A_70] : memref<50000x8xf32, #tpu.memory_space<hbm>> -> memref<3125x8xf32, #tpu.memory_space<hbm>>
        tpu.wait_dma2 semaphore(%run_scoped3A : memref<!tpu.dma_semaphore, #tpu.memory_space<semaphore_mem>>) src(%arg13 : memref<3125x8xf32, #tpu.memory_space<vmem>>) dst(%dma_wait3A_71 : memref<3125x8xf32, #tpu.memory_space<hbm>>)
        tpu.yield
      }) : () -> ()
    } else {
    }
    %eq3A_59 = arith.constant 1 : i32
    %eq3A_60 = arith.cmpi eq, %arg0, %eq3A_59 : i32
    %convert_element_type3A_61 = arith.extui %eq3A_60 : i1 to i32
    %cond3A_62 = arith.constant 0 : i32
    %cond3A_63 = arith.cmpi ne, %convert_element_type3A_61, %cond3A_62 : i32
    scf.if %cond3A_63 {
      "tpu.region"() ({
        %run_scoped3A = tpu.sem_alloc : memref<!tpu.dma_semaphore, #tpu.memory_space<semaphore_mem>>
        %dma_start3A_64 = arith.constant 0 : i32
        %dma_start3A_65 = tpu.memref_slice %arg6[%mul3A_53, %dma_start3A_64] : memref<50000x8xf32, #tpu.memory_space<hbm>> -> memref<3125x8xf32, #tpu.memory_space<hbm>>
        %dma_start3A_66 = arith.constant 0 : i32
        %dma_start3A_67 = tpu.memref_slice %arg6[%mul3A_53, %dma_start3A_66] : memref<50000x8xf32, #tpu.memory_space<hbm>> -> memref<3125x8xf32, #tpu.memory_space<hbm>>
        tpu.enqueue_dma source(%arg13 : memref<3125x8xf32, #tpu.memory_space<vmem>>) target(%dma_start3A_67 : memref<3125x8xf32, #tpu.memory_space<hbm>>) target_semaphore(%run_scoped3A : memref<!tpu.dma_semaphore, #tpu.memory_space<semaphore_mem>>)
        %dma_wait3A_68 = arith.constant 0 : i32
        %dma_wait3A_69 = tpu.memref_slice %arg6[%mul3A_53, %dma_wait3A_68] : memref<50000x8xf32, #tpu.memory_space<hbm>> -> memref<3125x8xf32, #tpu.memory_space<hbm>>
        %dma_wait3A_70 = arith.constant 0 : i32
        %dma_wait3A_71 = tpu.memref_slice %arg6[%mul3A_53, %dma_wait3A_70] : memref<50000x8xf32, #tpu.memory_space<hbm>> -> memref<3125x8xf32, #tpu.memory_space<hbm>>
        tpu.wait_dma2 semaphore(%run_scoped3A : memref<!tpu.dma_semaphore, #tpu.memory_space<semaphore_mem>>) src(%arg13 : memref<3125x8xf32, #tpu.memory_space<vmem>>) dst(%dma_wait3A_71 : memref<3125x8xf32, #tpu.memory_space<hbm>>)
        tpu.yield
      }) : () -> ()
    } else {
    }
    return
  }
}

#map = affine_map<(d0, d1) -> (0, 0)>
module attributes {stable_mosaic.version = 14 : i64} {
  func.func @_sc_scatter(%arg0: i32, %arg1: i32, %arg2: memref<1600000x16xf32, #tpu.memory_space<hbm>>, %arg3: memref<2x1600000xi32, #tpu.memory_space<hbm>>, %arg4: memref<50000x8xf32, #tpu.memory_space<hbm>>, %arg5: memref<50000x8xf32, #tpu.memory_space<hbm>>, %arg6: memref<50000x8xf32, #tpu.memory_space<hbm>>, %arg7: memref<1000x8xf32, #tpu.memory_space<vmem>>, %arg8: memref<1000x8xf32, #tpu.memory_space<vmem>>, %arg9: memref<1000xi32, #tpu.memory_space<vmem>>, %arg10: memref<1000xi32, #tpu.memory_space<vmem>>, %arg11: memref<!tpu.dma_semaphore, #tpu.memory_space<semaphore_mem>>, %arg12: memref<!tpu.dma_semaphore, #tpu.memory_space<semaphore_mem>>, %arg13: memref<3125x8xf32, #tpu.memory_space<vmem>>, %arg14: memref<50000x8xf32, #tpu.memory_space<vmem_shared>>) attributes {dimension_semantics = [#tpu.dimension_semantics<core_parallel>, #tpu.dimension_semantics<subcore_parallel>], iteration_bounds = array<i64: 2, 16>, scalar_prefetch = 0 : i64, scratch_operands = 8 : i64, tpu.core_type = #tpu.core_type<sc_vector_subcore>, window_params = [{transform_indices = #map}, {transform_indices = #map}, {transform_indices = #map}, {transform_indices = #map}, {transform_indices = #map}]} {
    %eq3A = arith.constant 0 : i32
    %eq3A_0 = arith.cmpi eq, %arg1, %eq3A : i32
    %convert_element_type3A = arith.extui %eq3A_0 : i1 to i32
    %cond3A = arith.constant 0 : i32
    %cond3A_1 = arith.cmpi ne, %convert_element_type3A, %cond3A : i32
    scf.if %cond3A_1 {
      "tpu.region"() ({
        %run_scoped3A = tpu.sem_alloc : memref<!tpu.dma_semaphore, #tpu.memory_space<semaphore_mem>>
        tpu.enqueue_dma source(%arg4 : memref<50000x8xf32, #tpu.memory_space<hbm>>) target(%arg14 : memref<50000x8xf32, #tpu.memory_space<vmem_shared>>) target_semaphore(%run_scoped3A : memref<!tpu.dma_semaphore, #tpu.memory_space<semaphore_mem>>)
        tpu.wait_dma2 semaphore(%run_scoped3A : memref<!tpu.dma_semaphore, #tpu.memory_space<semaphore_mem>>) src(%arg4 : memref<50000x8xf32, #tpu.memory_space<hbm>>) dst(%arg14 : memref<50000x8xf32, #tpu.memory_space<vmem_shared>>)
        tpu.yield
      }) : () -> ()
    } else {
    }
    %barrier3A = arith.constant 0 : index
    tpu.barrier barrier_id(%barrier3A)
    %mul3A = arith.constant 16 : i32
    %mul3A_2 = arith.muli %arg0, %mul3A : i32
    %add3A = arith.addi %mul3A_2, %arg1 : i32
    %mul3A_3 = arith.constant 50000 : i32
    %mul3A_4 = arith.muli %add3A, %mul3A_3 : i32
    %add3A_5 = arith.constant 0 : i32
    %add3A_6 = arith.addi %mul3A_4, %add3A_5 : i32
    %dma_start3A = arith.constant 8 : i32
    %dma_start3A_7 = tpu.memref_slice %arg2[%add3A_6, %dma_start3A] : memref<1600000x16xf32, #tpu.memory_space<hbm>> -> memref<1000x8xf32, #tpu.memory_space<hbm>>
    %dma_start3A_8 = arith.constant 8 : i32
    %dma_start3A_9 = tpu.memref_slice %arg2[%add3A_6, %dma_start3A_8] : memref<1600000x16xf32, #tpu.memory_space<hbm>> -> memref<1000x8xf32, #tpu.memory_space<hbm>>
    tpu.enqueue_dma source(%dma_start3A_9 : memref<1000x8xf32, #tpu.memory_space<hbm>>) target(%arg7 : memref<1000x8xf32, #tpu.memory_space<vmem>>) target_semaphore(%arg11 : memref<!tpu.dma_semaphore, #tpu.memory_space<semaphore_mem>>)
    %dma_start3A_10 = arith.constant 1 : i32
    %dma_start3A_11 = tpu.memref_slice %arg3[%dma_start3A_10, %add3A_6] : memref<2x1600000xi32, #tpu.memory_space<hbm>> -> memref<1x1000xi32, #tpu.memory_space<hbm>>
    %dma_start3A_12 = tpu.memref_squeeze %dma_start3A_11 : memref<1x1000xi32, #tpu.memory_space<hbm>> -> memref<1000xi32, #tpu.memory_space<hbm>>
    %dma_start3A_13 = tpu.memref_slice %arg3[%dma_start3A_10, %add3A_6] : memref<2x1600000xi32, #tpu.memory_space<hbm>> -> memref<1x1000xi32, #tpu.memory_space<hbm>>
    %dma_start3A_14 = tpu.memref_squeeze %dma_start3A_13 : memref<1x1000xi32, #tpu.memory_space<hbm>> -> memref<1000xi32, #tpu.memory_space<hbm>>
    tpu.enqueue_dma source(%dma_start3A_14 : memref<1000xi32, #tpu.memory_space<hbm>>) target(%arg9 : memref<1000xi32, #tpu.memory_space<vmem>>) target_semaphore(%arg11 : memref<!tpu.dma_semaphore, #tpu.memory_space<semaphore_mem>>)
    %add3A_15 = arith.constant 1000 : i32
    %add3A_16 = arith.addi %mul3A_4, %add3A_15 : i32
    %dma_start3A_17 = arith.constant 8 : i32
    %dma_start3A_18 = tpu.memref_slice %arg2[%add3A_16, %dma_start3A_17] : memref<1600000x16xf32, #tpu.memory_space<hbm>> -> memref<1000x8xf32, #tpu.memory_space<hbm>>
    %dma_start3A_19 = arith.constant 8 : i32
    %dma_start3A_20 = tpu.memref_slice %arg2[%add3A_16, %dma_start3A_19] : memref<1600000x16xf32, #tpu.memory_space<hbm>> -> memref<1000x8xf32, #tpu.memory_space<hbm>>
    tpu.enqueue_dma source(%dma_start3A_20 : memref<1000x8xf32, #tpu.memory_space<hbm>>) target(%arg8 : memref<1000x8xf32, #tpu.memory_space<vmem>>) target_semaphore(%arg12 : memref<!tpu.dma_semaphore, #tpu.memory_space<semaphore_mem>>)
    %dma_start3A_21 = arith.constant 1 : i32
    %dma_start3A_22 = tpu.memref_slice %arg3[%dma_start3A_21, %add3A_16] : memref<2x1600000xi32, #tpu.memory_space<hbm>> -> memref<1x1000xi32, #tpu.memory_space<hbm>>
    %dma_start3A_23 = tpu.memref_squeeze %dma_start3A_22 : memref<1x1000xi32, #tpu.memory_space<hbm>> -> memref<1000xi32, #tpu.memory_space<hbm>>
    %dma_start3A_24 = tpu.memref_slice %arg3[%dma_start3A_21, %add3A_16] : memref<2x1600000xi32, #tpu.memory_space<hbm>> -> memref<1x1000xi32, #tpu.memory_space<hbm>>
    %dma_start3A_25 = tpu.memref_squeeze %dma_start3A_24 : memref<1x1000xi32, #tpu.memory_space<hbm>> -> memref<1000xi32, #tpu.memory_space<hbm>>
    tpu.enqueue_dma source(%dma_start3A_25 : memref<1000xi32, #tpu.memory_space<hbm>>) target(%arg10 : memref<1000xi32, #tpu.memory_space<vmem>>) target_semaphore(%arg12 : memref<!tpu.dma_semaphore, #tpu.memory_space<semaphore_mem>>)
    %scan3A = arith.constant 0 : i32
    %scan3A_26 = arith.constant 24 : i32
    %scan3A_27 = arith.addi %scan3A, %scan3A_26 : i32
    %scan3A_28 = arith.constant 1 : i32
    scf.for %scan3A_64 = %scan3A to %scan3A_27 step %scan3A_28  : i32 {
      %mul3A_65 = arith.constant 2 : i32
      %mul3A_66 = arith.muli %scan3A_64, %mul3A_65 : i32
      %add3A_67 = arith.constant 0 : i32
      %add3A_68 = arith.addi %add3A_67, %mul3A_66 : i32
      %mul3A_69 = arith.constant 1000 : i32
      %mul3A_70 = arith.muli %add3A_68, %mul3A_69 : i32
      %add3A_71 = arith.addi %mul3A_4, %mul3A_70 : i32
      %dma_wait3A_72 = arith.constant 8 : i32
      %dma_wait3A_73 = tpu.memref_slice %arg2[%add3A_71, %dma_wait3A_72] : memref<1600000x16xf32, #tpu.memory_space<hbm>> -> memref<1000x8xf32, #tpu.memory_space<hbm>>
      %dma_wait3A_74 = arith.constant 8 : i32
      %dma_wait3A_75 = tpu.memref_slice %arg2[%add3A_71, %dma_wait3A_74] : memref<1600000x16xf32, #tpu.memory_space<hbm>> -> memref<1000x8xf32, #tpu.memory_space<hbm>>
      tpu.wait_dma2 semaphore(%arg11 : memref<!tpu.dma_semaphore, #tpu.memory_space<semaphore_mem>>) src(%dma_wait3A_75 : memref<1000x8xf32, #tpu.memory_space<hbm>>) dst(%arg7 : memref<1000x8xf32, #tpu.memory_space<vmem>>)
      %dma_wait3A_76 = arith.constant 1 : i32
      %dma_wait3A_77 = tpu.memref_slice %arg3[%dma_wait3A_76, %add3A_71] : memref<2x1600000xi32, #tpu.memory_space<hbm>> -> memref<1x1000xi32, #tpu.memory_space<hbm>>
      %dma_wait3A_78 = tpu.memref_squeeze %dma_wait3A_77 : memref<1x1000xi32, #tpu.memory_space<hbm>> -> memref<1000xi32, #tpu.memory_space<hbm>>
      %dma_wait3A_79 = tpu.memref_slice %arg3[%dma_wait3A_76, %add3A_71] : memref<2x1600000xi32, #tpu.memory_space<hbm>> -> memref<1x1000xi32, #tpu.memory_space<hbm>>
      %dma_wait3A_80 = tpu.memref_squeeze %dma_wait3A_79 : memref<1x1000xi32, #tpu.memory_space<hbm>> -> memref<1000xi32, #tpu.memory_space<hbm>>
      tpu.wait_dma2 semaphore(%arg11 : memref<!tpu.dma_semaphore, #tpu.memory_space<semaphore_mem>>) src(%dma_wait3A_80 : memref<1000xi32, #tpu.memory_space<hbm>>) dst(%arg9 : memref<1000xi32, #tpu.memory_space<vmem>>)
      "tpu.region"() ({
        %run_scoped3A = tpu.sem_alloc : memref<!tpu.dma_semaphore, #tpu.memory_space<semaphore_mem>>
        %dma_start3A_123 = arith.constant 0 : i32
        %dma_start3A_124 = arith.constant 0 : i32
        %dma_start3A_125 = tpu.memref_slice %arg14[%dma_start3A_123, %dma_start3A_124] : memref<50000x8xf32, #tpu.memory_space<vmem_shared>> -> memref<50000x8xf32, #tpu.memory_space<vmem_shared>>
        tpu.enqueue_indirect_dma source(%arg7 : memref<1000x8xf32, #tpu.memory_space<vmem>>) target(%dma_start3A_125 : memref<50000x8xf32, #tpu.memory_space<vmem_shared>>) offsets(%arg9 : memref<1000xi32, #tpu.memory_space<vmem>>) semaphore(%run_scoped3A : memref<!tpu.dma_semaphore, #tpu.memory_space<semaphore_mem>>) {add = true}
        %dma_wait3A_126 = arith.constant 0 : i32
        %dma_wait3A_127 = arith.constant 0 : i32
        %dma_wait3A_128 = tpu.memref_slice %arg14[%dma_wait3A_126, %dma_wait3A_127] : memref<50000x8xf32, #tpu.memory_space<vmem_shared>> -> memref<50000x8xf32, #tpu.memory_space<vmem_shared>>
        tpu.wait_indirect_dma semaphore(%run_scoped3A : memref<!tpu.dma_semaphore, #tpu.memory_space<semaphore_mem>>) src(%arg7 : memref<1000x8xf32, #tpu.memory_space<vmem>>) dst(%dma_wait3A_128 : memref<50000x8xf32, #tpu.memory_space<vmem_shared>>)
        tpu.yield
      }) : () -> ()
      %add3A_81 = arith.constant 2 : i32
      %add3A_82 = arith.addi %add3A_68, %add3A_81 : i32
      %mul3A_83 = arith.constant 1000 : i32
      %mul3A_84 = arith.muli %add3A_82, %mul3A_83 : i32
      %add3A_85 = arith.addi %mul3A_4, %mul3A_84 : i32
      %dma_start3A_86 = arith.constant 8 : i32
      %dma_start3A_87 = tpu.memref_slice %arg2[%add3A_85, %dma_start3A_86] : memref<1600000x16xf32, #tpu.memory_space<hbm>> -> memref<1000x8xf32, #tpu.memory_space<hbm>>
      %dma_start3A_88 = arith.constant 8 : i32
      %dma_start3A_89 = tpu.memref_slice %arg2[%add3A_85, %dma_start3A_88] : memref<1600000x16xf32, #tpu.memory_space<hbm>> -> memref<1000x8xf32, #tpu.memory_space<hbm>>
      tpu.enqueue_dma source(%dma_start3A_89 : memref<1000x8xf32, #tpu.memory_space<hbm>>) target(%arg7 : memref<1000x8xf32, #tpu.memory_space<vmem>>) target_semaphore(%arg11 : memref<!tpu.dma_semaphore, #tpu.memory_space<semaphore_mem>>)
      %dma_start3A_90 = arith.constant 1 : i32
      %dma_start3A_91 = tpu.memref_slice %arg3[%dma_start3A_90, %add3A_85] : memref<2x1600000xi32, #tpu.memory_space<hbm>> -> memref<1x1000xi32, #tpu.memory_space<hbm>>
      %dma_start3A_92 = tpu.memref_squeeze %dma_start3A_91 : memref<1x1000xi32, #tpu.memory_space<hbm>> -> memref<1000xi32, #tpu.memory_space<hbm>>
      %dma_start3A_93 = tpu.memref_slice %arg3[%dma_start3A_90, %add3A_85] : memref<2x1600000xi32, #tpu.memory_space<hbm>> -> memref<1x1000xi32, #tpu.memory_space<hbm>>
      %dma_start3A_94 = tpu.memref_squeeze %dma_start3A_93 : memref<1x1000xi32, #tpu.memory_space<hbm>> -> memref<1000xi32, #tpu.memory_space<hbm>>
      tpu.enqueue_dma source(%dma_start3A_94 : memref<1000xi32, #tpu.memory_space<hbm>>) target(%arg9 : memref<1000xi32, #tpu.memory_space<vmem>>) target_semaphore(%arg11 : memref<!tpu.dma_semaphore, #tpu.memory_space<semaphore_mem>>)
      %add3A_95 = arith.constant 1 : i32
      %add3A_96 = arith.addi %add3A_68, %add3A_95 : i32
      %mul3A_97 = arith.constant 1000 : i32
      %mul3A_98 = arith.muli %add3A_96, %mul3A_97 : i32
      %add3A_99 = arith.addi %mul3A_4, %mul3A_98 : i32
      %dma_wait3A_100 = arith.constant 8 : i32
      %dma_wait3A_101 = tpu.memref_slice %arg2[%add3A_99, %dma_wait3A_100] : memref<1600000x16xf32, #tpu.memory_space<hbm>> -> memref<1000x8xf32, #tpu.memory_space<hbm>>
      %dma_wait3A_102 = arith.constant 8 : i32
      %dma_wait3A_103 = tpu.memref_slice %arg2[%add3A_99, %dma_wait3A_102] : memref<1600000x16xf32, #tpu.memory_space<hbm>> -> memref<1000x8xf32, #tpu.memory_space<hbm>>
      tpu.wait_dma2 semaphore(%arg12 : memref<!tpu.dma_semaphore, #tpu.memory_space<semaphore_mem>>) src(%dma_wait3A_103 : memref<1000x8xf32, #tpu.memory_space<hbm>>) dst(%arg8 : memref<1000x8xf32, #tpu.memory_space<vmem>>)
      %dma_wait3A_104 = arith.constant 1 : i32
      %dma_wait3A_105 = tpu.memref_slice %arg3[%dma_wait3A_104, %add3A_99] : memref<2x1600000xi32, #tpu.memory_space<hbm>> -> memref<1x1000xi32, #tpu.memory_space<hbm>>
      %dma_wait3A_106 = tpu.memref_squeeze %dma_wait3A_105 : memref<1x1000xi32, #tpu.memory_space<hbm>> -> memref<1000xi32, #tpu.memory_space<hbm>>
      %dma_wait3A_107 = tpu.memref_slice %arg3[%dma_wait3A_104, %add3A_99] : memref<2x1600000xi32, #tpu.memory_space<hbm>> -> memref<1x1000xi32, #tpu.memory_space<hbm>>
      %dma_wait3A_108 = tpu.memref_squeeze %dma_wait3A_107 : memref<1x1000xi32, #tpu.memory_space<hbm>> -> memref<1000xi32, #tpu.memory_space<hbm>>
      tpu.wait_dma2 semaphore(%arg12 : memref<!tpu.dma_semaphore, #tpu.memory_space<semaphore_mem>>) src(%dma_wait3A_108 : memref<1000xi32, #tpu.memory_space<hbm>>) dst(%arg10 : memref<1000xi32, #tpu.memory_space<vmem>>)
      "tpu.region"() ({
        %run_scoped3A = tpu.sem_alloc : memref<!tpu.dma_semaphore, #tpu.memory_space<semaphore_mem>>
        %dma_start3A_123 = arith.constant 0 : i32
        %dma_start3A_124 = arith.constant 0 : i32
        %dma_start3A_125 = tpu.memref_slice %arg14[%dma_start3A_123, %dma_start3A_124] : memref<50000x8xf32, #tpu.memory_space<vmem_shared>> -> memref<50000x8xf32, #tpu.memory_space<vmem_shared>>
        tpu.enqueue_indirect_dma source(%arg8 : memref<1000x8xf32, #tpu.memory_space<vmem>>) target(%dma_start3A_125 : memref<50000x8xf32, #tpu.memory_space<vmem_shared>>) offsets(%arg10 : memref<1000xi32, #tpu.memory_space<vmem>>) semaphore(%run_scoped3A : memref<!tpu.dma_semaphore, #tpu.memory_space<semaphore_mem>>) {add = true}
        %dma_wait3A_126 = arith.constant 0 : i32
        %dma_wait3A_127 = arith.constant 0 : i32
        %dma_wait3A_128 = tpu.memref_slice %arg14[%dma_wait3A_126, %dma_wait3A_127] : memref<50000x8xf32, #tpu.memory_space<vmem_shared>> -> memref<50000x8xf32, #tpu.memory_space<vmem_shared>>
        tpu.wait_indirect_dma semaphore(%run_scoped3A : memref<!tpu.dma_semaphore, #tpu.memory_space<semaphore_mem>>) src(%arg8 : memref<1000x8xf32, #tpu.memory_space<vmem>>) dst(%dma_wait3A_128 : memref<50000x8xf32, #tpu.memory_space<vmem_shared>>)
        tpu.yield
      }) : () -> ()
      %add3A_109 = arith.constant 2 : i32
      %add3A_110 = arith.addi %add3A_96, %add3A_109 : i32
      %mul3A_111 = arith.constant 1000 : i32
      %mul3A_112 = arith.muli %add3A_110, %mul3A_111 : i32
      %add3A_113 = arith.addi %mul3A_4, %mul3A_112 : i32
      %dma_start3A_114 = arith.constant 8 : i32
      %dma_start3A_115 = tpu.memref_slice %arg2[%add3A_113, %dma_start3A_114] : memref<1600000x16xf32, #tpu.memory_space<hbm>> -> memref<1000x8xf32, #tpu.memory_space<hbm>>
      %dma_start3A_116 = arith.constant 8 : i32
      %dma_start3A_117 = tpu.memref_slice %arg2[%add3A_113, %dma_start3A_116] : memref<1600000x16xf32, #tpu.memory_space<hbm>> -> memref<1000x8xf32, #tpu.memory_space<hbm>>
      tpu.enqueue_dma source(%dma_start3A_117 : memref<1000x8xf32, #tpu.memory_space<hbm>>) target(%arg8 : memref<1000x8xf32, #tpu.memory_space<vmem>>) target_semaphore(%arg12 : memref<!tpu.dma_semaphore, #tpu.memory_space<semaphore_mem>>)
      %dma_start3A_118 = arith.constant 1 : i32
      %dma_start3A_119 = tpu.memref_slice %arg3[%dma_start3A_118, %add3A_113] : memref<2x1600000xi32, #tpu.memory_space<hbm>> -> memref<1x1000xi32, #tpu.memory_space<hbm>>
      %dma_start3A_120 = tpu.memref_squeeze %dma_start3A_119 : memref<1x1000xi32, #tpu.memory_space<hbm>> -> memref<1000xi32, #tpu.memory_space<hbm>>
      %dma_start3A_121 = tpu.memref_slice %arg3[%dma_start3A_118, %add3A_113] : memref<2x1600000xi32, #tpu.memory_space<hbm>> -> memref<1x1000xi32, #tpu.memory_space<hbm>>
      %dma_start3A_122 = tpu.memref_squeeze %dma_start3A_121 : memref<1x1000xi32, #tpu.memory_space<hbm>> -> memref<1000xi32, #tpu.memory_space<hbm>>
      tpu.enqueue_dma source(%dma_start3A_122 : memref<1000xi32, #tpu.memory_space<hbm>>) target(%arg10 : memref<1000xi32, #tpu.memory_space<vmem>>) target_semaphore(%arg12 : memref<!tpu.dma_semaphore, #tpu.memory_space<semaphore_mem>>)
    }
    %scan3A_29 = arith.constant 24 : i32
    %add3A_30 = arith.constant 48000 : i32
    %add3A_31 = arith.addi %mul3A_4, %add3A_30 : i32
    %dma_wait3A = arith.constant 8 : i32
    %dma_wait3A_32 = tpu.memref_slice %arg2[%add3A_31, %dma_wait3A] : memref<1600000x16xf32, #tpu.memory_space<hbm>> -> memref<1000x8xf32, #tpu.memory_space<hbm>>
    %dma_wait3A_33 = arith.constant 8 : i32
    %dma_wait3A_34 = tpu.memref_slice %arg2[%add3A_31, %dma_wait3A_33] : memref<1600000x16xf32, #tpu.memory_space<hbm>> -> memref<1000x8xf32, #tpu.memory_space<hbm>>
    tpu.wait_dma2 semaphore(%arg11 : memref<!tpu.dma_semaphore, #tpu.memory_space<semaphore_mem>>) src(%dma_wait3A_34 : memref<1000x8xf32, #tpu.memory_space<hbm>>) dst(%arg7 : memref<1000x8xf32, #tpu.memory_space<vmem>>)
    %dma_wait3A_35 = arith.constant 1 : i32
    %dma_wait3A_36 = tpu.memref_slice %arg3[%dma_wait3A_35, %add3A_31] : memref<2x1600000xi32, #tpu.memory_space<hbm>> -> memref<1x1000xi32, #tpu.memory_space<hbm>>
    %dma_wait3A_37 = tpu.memref_squeeze %dma_wait3A_36 : memref<1x1000xi32, #tpu.memory_space<hbm>> -> memref<1000xi32, #tpu.memory_space<hbm>>
    %dma_wait3A_38 = tpu.memref_slice %arg3[%dma_wait3A_35, %add3A_31] : memref<2x1600000xi32, #tpu.memory_space<hbm>> -> memref<1x1000xi32, #tpu.memory_space<hbm>>
    %dma_wait3A_39 = tpu.memref_squeeze %dma_wait3A_38 : memref<1x1000xi32, #tpu.memory_space<hbm>> -> memref<1000xi32, #tpu.memory_space<hbm>>
    tpu.wait_dma2 semaphore(%arg11 : memref<!tpu.dma_semaphore, #tpu.memory_space<semaphore_mem>>) src(%dma_wait3A_39 : memref<1000xi32, #tpu.memory_space<hbm>>) dst(%arg9 : memref<1000xi32, #tpu.memory_space<vmem>>)
    "tpu.region"() ({
      %run_scoped3A = tpu.sem_alloc : memref<!tpu.dma_semaphore, #tpu.memory_space<semaphore_mem>>
      %dma_start3A_64 = arith.constant 0 : i32
      %dma_start3A_65 = arith.constant 0 : i32
      %dma_start3A_66 = tpu.memref_slice %arg14[%dma_start3A_64, %dma_start3A_65] : memref<50000x8xf32, #tpu.memory_space<vmem_shared>> -> memref<50000x8xf32, #tpu.memory_space<vmem_shared>>
      tpu.enqueue_indirect_dma source(%arg7 : memref<1000x8xf32, #tpu.memory_space<vmem>>) target(%dma_start3A_66 : memref<50000x8xf32, #tpu.memory_space<vmem_shared>>) offsets(%arg9 : memref<1000xi32, #tpu.memory_space<vmem>>) semaphore(%run_scoped3A : memref<!tpu.dma_semaphore, #tpu.memory_space<semaphore_mem>>) {add = true}
      %dma_wait3A_67 = arith.constant 0 : i32
      %dma_wait3A_68 = arith.constant 0 : i32
      %dma_wait3A_69 = tpu.memref_slice %arg14[%dma_wait3A_67, %dma_wait3A_68] : memref<50000x8xf32, #tpu.memory_space<vmem_shared>> -> memref<50000x8xf32, #tpu.memory_space<vmem_shared>>
      tpu.wait_indirect_dma semaphore(%run_scoped3A : memref<!tpu.dma_semaphore, #tpu.memory_space<semaphore_mem>>) src(%arg7 : memref<1000x8xf32, #tpu.memory_space<vmem>>) dst(%dma_wait3A_69 : memref<50000x8xf32, #tpu.memory_space<vmem_shared>>)
      tpu.yield
    }) : () -> ()
    %add3A_40 = arith.constant 49000 : i32
    %add3A_41 = arith.addi %mul3A_4, %add3A_40 : i32
    %dma_wait3A_42 = arith.constant 8 : i32
    %dma_wait3A_43 = tpu.memref_slice %arg2[%add3A_41, %dma_wait3A_42] : memref<1600000x16xf32, #tpu.memory_space<hbm>> -> memref<1000x8xf32, #tpu.memory_space<hbm>>
    %dma_wait3A_44 = arith.constant 8 : i32
    %dma_wait3A_45 = tpu.memref_slice %arg2[%add3A_41, %dma_wait3A_44] : memref<1600000x16xf32, #tpu.memory_space<hbm>> -> memref<1000x8xf32, #tpu.memory_space<hbm>>
    tpu.wait_dma2 semaphore(%arg12 : memref<!tpu.dma_semaphore, #tpu.memory_space<semaphore_mem>>) src(%dma_wait3A_45 : memref<1000x8xf32, #tpu.memory_space<hbm>>) dst(%arg8 : memref<1000x8xf32, #tpu.memory_space<vmem>>)
    %dma_wait3A_46 = arith.constant 1 : i32
    %dma_wait3A_47 = tpu.memref_slice %arg3[%dma_wait3A_46, %add3A_41] : memref<2x1600000xi32, #tpu.memory_space<hbm>> -> memref<1x1000xi32, #tpu.memory_space<hbm>>
    %dma_wait3A_48 = tpu.memref_squeeze %dma_wait3A_47 : memref<1x1000xi32, #tpu.memory_space<hbm>> -> memref<1000xi32, #tpu.memory_space<hbm>>
    %dma_wait3A_49 = tpu.memref_slice %arg3[%dma_wait3A_46, %add3A_41] : memref<2x1600000xi32, #tpu.memory_space<hbm>> -> memref<1x1000xi32, #tpu.memory_space<hbm>>
    %dma_wait3A_50 = tpu.memref_squeeze %dma_wait3A_49 : memref<1x1000xi32, #tpu.memory_space<hbm>> -> memref<1000xi32, #tpu.memory_space<hbm>>
    tpu.wait_dma2 semaphore(%arg12 : memref<!tpu.dma_semaphore, #tpu.memory_space<semaphore_mem>>) src(%dma_wait3A_50 : memref<1000xi32, #tpu.memory_space<hbm>>) dst(%arg10 : memref<1000xi32, #tpu.memory_space<vmem>>)
    "tpu.region"() ({
      %run_scoped3A = tpu.sem_alloc : memref<!tpu.dma_semaphore, #tpu.memory_space<semaphore_mem>>
      %dma_start3A_64 = arith.constant 0 : i32
      %dma_start3A_65 = arith.constant 0 : i32
      %dma_start3A_66 = tpu.memref_slice %arg14[%dma_start3A_64, %dma_start3A_65] : memref<50000x8xf32, #tpu.memory_space<vmem_shared>> -> memref<50000x8xf32, #tpu.memory_space<vmem_shared>>
      tpu.enqueue_indirect_dma source(%arg8 : memref<1000x8xf32, #tpu.memory_space<vmem>>) target(%dma_start3A_66 : memref<50000x8xf32, #tpu.memory_space<vmem_shared>>) offsets(%arg10 : memref<1000xi32, #tpu.memory_space<vmem>>) semaphore(%run_scoped3A : memref<!tpu.dma_semaphore, #tpu.memory_space<semaphore_mem>>) {add = true}
      %dma_wait3A_67 = arith.constant 0 : i32
      %dma_wait3A_68 = arith.constant 0 : i32
      %dma_wait3A_69 = tpu.memref_slice %arg14[%dma_wait3A_67, %dma_wait3A_68] : memref<50000x8xf32, #tpu.memory_space<vmem_shared>> -> memref<50000x8xf32, #tpu.memory_space<vmem_shared>>
      tpu.wait_indirect_dma semaphore(%run_scoped3A : memref<!tpu.dma_semaphore, #tpu.memory_space<semaphore_mem>>) src(%arg8 : memref<1000x8xf32, #tpu.memory_space<vmem>>) dst(%dma_wait3A_69 : memref<50000x8xf32, #tpu.memory_space<vmem_shared>>)
      tpu.yield
    }) : () -> ()
    %barrier3A_51 = arith.constant 0 : index
    tpu.barrier barrier_id(%barrier3A_51)
    %mul3A_52 = arith.constant 3125 : i32
    %mul3A_53 = arith.muli %arg1, %mul3A_52 : i32
    "tpu.region"() ({
      %run_scoped3A = tpu.sem_alloc : memref<!tpu.dma_semaphore, #tpu.memory_space<semaphore_mem>>
      %dma_start3A_64 = arith.constant 0 : i32
      %dma_start3A_65 = tpu.memref_slice %arg14[%mul3A_53, %dma_start3A_64] : memref<50000x8xf32, #tpu.memory_space<vmem_shared>> -> memref<3125x8xf32, #tpu.memory_space<vmem_shared>>
      %dma_start3A_66 = arith.constant 0 : i32
      %dma_start3A_67 = tpu.memref_slice %arg14[%mul3A_53, %dma_start3A_66] : memref<50000x8xf32, #tpu.memory_space<vmem_shared>> -> memref<3125x8xf32, #tpu.memory_space<vmem_shared>>
      tpu.enqueue_dma source(%dma_start3A_67 : memref<3125x8xf32, #tpu.memory_space<vmem_shared>>) target(%arg13 : memref<3125x8xf32, #tpu.memory_space<vmem>>) target_semaphore(%run_scoped3A : memref<!tpu.dma_semaphore, #tpu.memory_space<semaphore_mem>>)
      %dma_wait3A_68 = arith.constant 0 : i32
      %dma_wait3A_69 = tpu.memref_slice %arg14[%mul3A_53, %dma_wait3A_68] : memref<50000x8xf32, #tpu.memory_space<vmem_shared>> -> memref<3125x8xf32, #tpu.memory_space<vmem_shared>>
      %dma_wait3A_70 = arith.constant 0 : i32
      %dma_wait3A_71 = tpu.memref_slice %arg14[%mul3A_53, %dma_wait3A_70] : memref<50000x8xf32, #tpu.memory_space<vmem_shared>> -> memref<3125x8xf32, #tpu.memory_space<vmem_shared>>
      tpu.wait_dma2 semaphore(%run_scoped3A : memref<!tpu.dma_semaphore, #tpu.memory_space<semaphore_mem>>) src(%dma_wait3A_71 : memref<3125x8xf32, #tpu.memory_space<vmem_shared>>) dst(%arg13 : memref<3125x8xf32, #tpu.memory_space<vmem>>)
      tpu.yield
    }) : () -> ()
    %eq3A_54 = arith.constant 0 : i32
    %eq3A_55 = arith.cmpi eq, %arg0, %eq3A_54 : i32
    %convert_element_type3A_56 = arith.extui %eq3A_55 : i1 to i32
    %cond3A_57 = arith.constant 0 : i32
    %cond3A_58 = arith.cmpi ne, %convert_element_type3A_56, %cond3A_57 : i32
    scf.if %cond3A_58 {
      "tpu.region"() ({
        %run_scoped3A = tpu.sem_alloc : memref<!tpu.dma_semaphore, #tpu.memory_space<semaphore_mem>>
        %dma_start3A_64 = arith.constant 0 : i32
        %dma_start3A_65 = tpu.memref_slice %arg5[%mul3A_53, %dma_start3A_64] : memref<50000x8xf32, #tpu.memory_space<hbm>> -> memref<3125x8xf32, #tpu.memory_space<hbm>>
        %dma_start3A_66 = arith.constant 0 : i32
        %dma_start3A_67 = tpu.memref_slice %arg5[%mul3A_53, %dma_start3A_66] : memref<50000x8xf32, #tpu.memory_space<hbm>> -> memref<3125x8xf32, #tpu.memory_space<hbm>>
        tpu.enqueue_dma source(%arg13 : memref<3125x8xf32, #tpu.memory_space<vmem>>) target(%dma_start3A_67 : memref<3125x8xf32, #tpu.memory_space<hbm>>) target_semaphore(%run_scoped3A : memref<!tpu.dma_semaphore, #tpu.memory_space<semaphore_mem>>)
        %dma_wait3A_68 = arith.constant 0 : i32
        %dma_wait3A_69 = tpu.memref_slice %arg5[%mul3A_53, %dma_wait3A_68] : memref<50000x8xf32, #tpu.memory_space<hbm>> -> memref<3125x8xf32, #tpu.memory_space<hbm>>
        %dma_wait3A_70 = arith.constant 0 : i32
        %dma_wait3A_71 = tpu.memref_slice %arg5[%mul3A_53, %dma_wait3A_70] : memref<50000x8xf32, #tpu.memory_space<hbm>> -> memref<3125x8xf32, #tpu.memory_space<hbm>>
        tpu.wait_dma2 semaphore(%run_scoped3A : memref<!tpu.dma_semaphore, #tpu.memory_space<semaphore_mem>>) src(%arg13 : memref<3125x8xf32, #tpu.memory_space<vmem>>) dst(%dma_wait3A_71 : memref<3125x8xf32, #tpu.memory_space<hbm>>)
        tpu.yield
      }) : () -> ()
    } else {
    }
    %eq3A_59 = arith.constant 1 : i32
    %eq3A_60 = arith.cmpi eq, %arg0, %eq3A_59 : i32
    %convert_element_type3A_61 = arith.extui %eq3A_60 : i1 to i32
    %cond3A_62 = arith.constant 0 : i32
    %cond3A_63 = arith.cmpi ne, %convert_element_type3A_61, %cond3A_62 : i32
    scf.if %cond3A_63 {
      "tpu.region"() ({
        %run_scoped3A = tpu.sem_alloc : memref<!tpu.dma_semaphore, #tpu.memory_space<semaphore_mem>>
        %dma_start3A_64 = arith.constant 0 : i32
        %dma_start3A_65 = tpu.memref_slice %arg6[%mul3A_53, %dma_start3A_64] : memref<50000x8xf32, #tpu.memory_space<hbm>> -> memref<3125x8xf32, #tpu.memory_space<hbm>>
        %dma_start3A_66 = arith.constant 0 : i32
        %dma_start3A_67 = tpu.memref_slice %arg6[%mul3A_53, %dma_start3A_66] : memref<50000x8xf32, #tpu.memory_space<hbm>> -> memref<3125x8xf32, #tpu.memory_space<hbm>>
        tpu.enqueue_dma source(%arg13 : memref<3125x8xf32, #tpu.memory_space<vmem>>) target(%dma_start3A_67 : memref<3125x8xf32, #tpu.memory_space<hbm>>) target_semaphore(%run_scoped3A : memref<!tpu.dma_semaphore, #tpu.memory_space<semaphore_mem>>)
        %dma_wait3A_68 = arith.constant 0 : i32
        %dma_wait3A_69 = tpu.memref_slice %arg6[%mul3A_53, %dma_wait3A_68] : memref<50000x8xf32, #tpu.memory_space<hbm>> -> memref<3125x8xf32, #tpu.memory_space<hbm>>
        %dma_wait3A_70 = arith.constant 0 : i32
        %dma_wait3A_71 = tpu.memref_slice %arg6[%mul3A_53, %dma_wait3A_70] : memref<50000x8xf32, #tpu.memory_space<hbm>> -> memref<3125x8xf32, #tpu.memory_space<hbm>>
        tpu.wait_dma2 semaphore(%run_scoped3A : memref<!tpu.dma_semaphore, #tpu.memory_space<semaphore_mem>>) src(%arg13 : memref<3125x8xf32, #tpu.memory_space<vmem>>) dst(%dma_wait3A_71 : memref<3125x8xf32, #tpu.memory_space<hbm>>)
        tpu.yield
      }) : () -> ()
    } else {
    }
    return
  }
}

module attributes {stable_mosaic.version = 14 : i64} {
  func.func @_init_body(%arg0: i32, %arg1: memref<2000x8xf32, #tpu.memory_space<vmem>>, %arg2: memref<2000x8xf32, #tpu.memory_space<vmem>>, %arg3: memref<8x8xf32, #tpu.memory_space<vmem>>, %arg4: memref<2000x8xf32, #tpu.memory_space<vmem>>, %arg5: memref<2000x16xf32, #tpu.memory_space<vmem>>) attributes {dimension_semantics = [#tpu.dimension_semantics<arbitrary>], iteration_bounds = array<i64: 25>, scalar_prefetch = 0 : i64, scratch_operands = 0 : i64, tpu.core_type = #tpu.core_type<tc>, window_params = [{transform_indices = @transform_0, window_bounds = array<i64: 2000, 8>}, {transform_indices = @transform_1, window_bounds = array<i64: 2000, 8>}, {pipeline_mode = #tpu.pipeline_mode<synchronous>, transform_indices = @transform_2, window_bounds = array<i64: 8, 8>}, {transform_indices = @transform_3, window_bounds = array<i64: 2000, 8>}, {transform_indices = @transform_4, window_bounds = array<i64: 2000, 16>}]} {
    %get3A = arith.constant 0 : index
    %get3A_0 = arith.constant 0 : index
    %get3A_1 = vector.load %arg1[%get3A, %get3A_0] : memref<2000x8xf32, #tpu.memory_space<vmem>>, vector<2000x8xf32>
    %get3A_2 = arith.constant 0 : index
    %get3A_3 = arith.constant 0 : index
    %get3A_4 = vector.load %arg3[%get3A_2, %get3A_3] : memref<8x8xf32, #tpu.memory_space<vmem>>, vector<8x8xf32>
    %dot_general3A = arith.constant dense<0.000000e+00> : vector<2000x8xf32>
    %dot_general3A_5 = tpu.matmul %get3A_1, %get3A_4, %dot_general3A {dimension_numbers = #tpu.dot_dimension_numbers<[1], [0], [0], [1], [0, 0, 1, 1], [], []>, transpose_lhs_hint = false} : vector<2000x8xf32>, vector<8x8xf32>, vector<2000x8xf32> -> vector<2000x8xf32>
    %swap3A = arith.constant 0 : index
    %swap3A_6 = arith.constant 0 : index
    %swap3A_7 = vector.load %arg4[%swap3A, %swap3A_6] : memref<2000x8xf32, #tpu.memory_space<vmem>>, vector<2000x8xf32>
    tpu.vector_store %arg4[%swap3A, %swap3A_6], %dot_general3A_5 {strides = array<i32>} : memref<2000x8xf32, #tpu.memory_space<vmem>>, vector<2000x8xf32>,
    %get3A_8 = arith.constant 0 : index
    %get3A_9 = arith.constant 0 : index
    %get3A_10 = vector.load %arg2[%get3A_8, %get3A_9] : memref<2000x8xf32, #tpu.memory_space<vmem>>, vector<2000x8xf32>
    %concatenate3A = tpu.concatenate %get3A_10, %dot_general3A_5 in 1 : vector<2000x8xf32>, vector<2000x8xf32> -> vector<2000x16xf32>
    %swap3A_11 = arith.constant 0 : index
    %swap3A_12 = arith.constant 0 : index
    %swap3A_13 = vector.load %arg5[%swap3A_11, %swap3A_12] : memref<2000x16xf32, #tpu.memory_space<vmem>>, vector<2000x16xf32>
    tpu.vector_store %arg5[%swap3A_11, %swap3A_12], %concatenate3A {strides = array<i32>} : memref<2000x16xf32, #tpu.memory_space<vmem>>, vector<2000x16xf32>,
    return
  }
  func.func @transform_0(%arg0: i32) -> (i32, i32) {
    %c0_i32 = arith.constant 0 : i32
    %c0_i32_0 = arith.constant 0 : i32
    return %arg0, %c0_i32 : i32, i32
  }
  func.func @transform_1(%arg0: i32) -> (i32, i32) {
    %c0_i32 = arith.constant 0 : i32
    %c0_i32_0 = arith.constant 0 : i32
    return %arg0, %c0_i32 : i32, i32
  }
  func.func @transform_2(%arg0: i32) -> (i32, i32) {
    %c0_i32 = arith.constant 0 : i32
    %c0_i32_0 = arith.constant 0 : i32
    %c0_i32_1 = arith.constant 0 : i32
    return %c0_i32, %c0_i32_0 : i32, i32
  }
  func.func @transform_3(%arg0: i32) -> (i32, i32) {
    %c0_i32 = arith.constant 0 : i32
    %c0_i32_0 = arith.constant 0 : i32
    return %arg0, %c0_i32 : i32, i32
  }
  func.func @transform_4(%arg0: i32) -> (i32, i32) {
    %c0_i32 = arith.constant 0 : i32
    %c0_i32_0 = arith.constant 0 : i32
    return %arg0, %c0_i32 : i32, i32
  }
}

module attributes {stable_mosaic.version = 14 : i64} {
  func.func @_mlp_body(%arg0: i32, %arg1: memref<2000x128xf32, #tpu.memory_space<vmem>>, %arg2: memref<2000x128xf32, #tpu.memory_space<vmem>>, %arg3: memref<2000x8xf32, #tpu.memory_space<vmem>>, %arg4: memref<2000x8xf32, #tpu.memory_space<vmem>>, %arg5: memref<2000x8xf32, #tpu.memory_space<vmem>>, %arg6: memref<2000x8xf32, #tpu.memory_space<vmem>>, %arg7: memref<128x128xf32, #tpu.memory_space<vmem>>, %arg8: memref<128x128xf32, #tpu.memory_space<vmem>>, %arg9: memref<8x128xf32, #tpu.memory_space<vmem>>, %arg10: memref<8x128xf32, #tpu.memory_space<vmem>>, %arg11: memref<8x128xf32, #tpu.memory_space<vmem>>, %arg12: memref<8x128xf32, #tpu.memory_space<vmem>>, %arg13: memref<1x128xf32, #tpu.memory_space<vmem>>, %arg14: memref<128x128xf32, #tpu.memory_space<vmem>>, %arg15: memref<1x128xf32, #tpu.memory_space<vmem>>, %arg16: memref<128x128xf32, #tpu.memory_space<vmem>>, %arg17: memref<128x128xf32, #tpu.memory_space<vmem>>, %arg18: memref<2000x128xf32, #tpu.memory_space<vmem>>) attributes {dimension_semantics = [#tpu.dimension_semantics<arbitrary>], iteration_bounds = array<i64: 100>, scalar_prefetch = 0 : i64, scratch_operands = 0 : i64, tpu.core_type = #tpu.core_type<tc>, window_params = [{transform_indices = @transform_0, window_bounds = array<i64: 2000, 128>}, {transform_indices = @transform_1, window_bounds = array<i64: 2000, 128>}, {transform_indices = @transform_2, window_bounds = array<i64: 2000, 8>}, {transform_indices = @transform_3, window_bounds = array<i64: 2000, 8>}, {transform_indices = @transform_4, window_bounds = array<i64: 2000, 8>}, {transform_indices = @transform_5, window_bounds = array<i64: 2000, 8>}, {pipeline_mode = #tpu.pipeline_mode<synchronous>, transform_indices = @transform_6, window_bounds = array<i64: 128, 128>}, {pipeline_mode = #tpu.pipeline_mode<synchronous>, transform_indices = @transform_7, window_bounds = array<i64: 128, 128>}, {pipeline_mode = #tpu.pipeline_mode<synchronous>, transform_indices = @transform_8, window_bounds = array<i64: 8, 128>}, {pipeline_mode = #tpu.pipeline_mode<synchronous>, transform_indices = @transform_9, window_bounds = array<i64: 8, 128>}, {pipeline_mode = #tpu.pipeline_mode<synchronous>, transform_indices = @transform_10, window_bounds = array<i64: 8, 128>}, {pipeline_mode = #tpu.pipeline_mode<synchronous>, transform_indices = @transform_11, window_bounds = array<i64: 8, 128>}, {pipeline_mode = #tpu.pipeline_mode<synchronous>, transform_indices = @transform_12, window_bounds = array<i64: 1, 128>}, {pipeline_mode = #tpu.pipeline_mode<synchronous>, transform_indices = @transform_13, window_bounds = array<i64: 128, 128>}, {pipeline_mode = #tpu.pipeline_mode<synchronous>, transform_indices = @transform_14, window_bounds = array<i64: 1, 128>}, {pipeline_mode = #tpu.pipeline_mode<synchronous>, transform_indices = @transform_15, window_bounds = array<i64: 128, 128>}, {pipeline_mode = #tpu.pipeline_mode<synchronous>, transform_indices = @transform_16, window_bounds = array<i64: 128, 128>}, {transform_indices = @transform_17, window_bounds = array<i64: 2000, 128>}]} {
    %get3A = arith.constant 0 : index
    %get3A_0 = arith.constant 0 : index
    %get3A_1 = vector.load %arg1[%get3A, %get3A_0] : memref<2000x128xf32, #tpu.memory_space<vmem>>, vector<2000x128xf32>
    %get3A_2 = arith.constant 0 : index
    %get3A_3 = arith.constant 0 : index
    %get3A_4 = vector.load %arg2[%get3A_2, %get3A_3] : memref<2000x128xf32, #tpu.memory_space<vmem>>, vector<2000x128xf32>
    %get3A_5 = arith.constant 0 : index
    %get3A_6 = arith.constant 0 : index
    %get3A_7 = vector.load %arg7[%get3A_5, %get3A_6] : memref<128x128xf32, #tpu.memory_space<vmem>>, vector<128x128xf32>
    %dot_general3A = arith.constant dense<0.000000e+00> : vector<2000x128xf32>
    %dot_general3A_8 = tpu.matmul %get3A_1, %get3A_7, %dot_general3A {dimension_numbers = #tpu.dot_dimension_numbers<[1], [0], [0], [1], [0, 0, 1, 1], [], []>, transpose_lhs_hint = false} : vector<2000x128xf32>, vector<128x128xf32>, vector<2000x128xf32> -> vector<2000x128xf32>
    %get3A_9 = arith.constant 0 : index
    %get3A_10 = arith.constant 0 : index
    %get3A_11 = vector.load %arg8[%get3A_9, %get3A_10] : memref<128x128xf32, #tpu.memory_space<vmem>>, vector<128x128xf32>
    %dot_general3A_12 = arith.constant dense<0.000000e+00> : vector<2000x128xf32>
    %dot_general3A_13 = tpu.matmul %get3A_4, %get3A_11, %dot_general3A_12 {dimension_numbers = #tpu.dot_dimension_numbers<[1], [0], [0], [1], [0, 0, 1, 1], [], []>, transpose_lhs_hint = false} : vector<2000x128xf32>, vector<128x128xf32>, vector<2000x128xf32> -> vector<2000x128xf32>
    %add3A = arith.addf %dot_general3A_8, %dot_general3A_13 : vector<2000x128xf32>
    %get3A_14 = arith.constant 0 : index
    %get3A_15 = arith.constant 0 : index
    %get3A_16 = vector.load %arg3[%get3A_14, %get3A_15] : memref<2000x8xf32, #tpu.memory_space<vmem>>, vector<2000x8xf32>
    %get3A_17 = arith.constant 0 : index
    %get3A_18 = arith.constant 0 : index
    %get3A_19 = vector.load %arg9[%get3A_17, %get3A_18] : memref<8x128xf32, #tpu.memory_space<vmem>>, vector<8x128xf32>
    %dot_general3A_20 = arith.constant dense<0.000000e+00> : vector<2000x128xf32>
    %dot_general3A_21 = tpu.matmul %get3A_16, %get3A_19, %dot_general3A_20 {dimension_numbers = #tpu.dot_dimension_numbers<[1], [0], [0], [1], [0, 0, 1, 1], [], []>, transpose_lhs_hint = false} : vector<2000x8xf32>, vector<8x128xf32>, vector<2000x128xf32> -> vector<2000x128xf32>
    %add3A_22 = arith.addf %add3A, %dot_general3A_21 : vector<2000x128xf32>
    %get3A_23 = arith.constant 0 : index
    %get3A_24 = arith.constant 0 : index
    %get3A_25 = vector.load %arg4[%get3A_23, %get3A_24] : memref<2000x8xf32, #tpu.memory_space<vmem>>, vector<2000x8xf32>
    %get3A_26 = arith.constant 0 : index
    %get3A_27 = arith.constant 0 : index
    %get3A_28 = vector.load %arg10[%get3A_26, %get3A_27] : memref<8x128xf32, #tpu.memory_space<vmem>>, vector<8x128xf32>
    %dot_general3A_29 = arith.constant dense<0.000000e+00> : vector<2000x128xf32>
    %dot_general3A_30 = tpu.matmul %get3A_25, %get3A_28, %dot_general3A_29 {dimension_numbers = #tpu.dot_dimension_numbers<[1], [0], [0], [1], [0, 0, 1, 1], [], []>, transpose_lhs_hint = false} : vector<2000x8xf32>, vector<8x128xf32>, vector<2000x128xf32> -> vector<2000x128xf32>
    %add3A_31 = arith.addf %add3A_22, %dot_general3A_30 : vector<2000x128xf32>
    %get3A_32 = arith.constant 0 : index
    %get3A_33 = arith.constant 0 : index
    %get3A_34 = vector.load %arg5[%get3A_32, %get3A_33] : memref<2000x8xf32, #tpu.memory_space<vmem>>, vector<2000x8xf32>
    %get3A_35 = arith.constant 0 : index
    %get3A_36 = arith.constant 0 : index
    %get3A_37 = vector.load %arg11[%get3A_35, %get3A_36] : memref<8x128xf32, #tpu.memory_space<vmem>>, vector<8x128xf32>
    %dot_general3A_38 = arith.constant dense<0.000000e+00> : vector<2000x128xf32>
    %dot_general3A_39 = tpu.matmul %get3A_34, %get3A_37, %dot_general3A_38 {dimension_numbers = #tpu.dot_dimension_numbers<[1], [0], [0], [1], [0, 0, 1, 1], [], []>, transpose_lhs_hint = false} : vector<2000x8xf32>, vector<8x128xf32>, vector<2000x128xf32> -> vector<2000x128xf32>
    %add3A_40 = arith.addf %add3A_31, %dot_general3A_39 : vector<2000x128xf32>
    %get3A_41 = arith.constant 0 : index
    %get3A_42 = arith.constant 0 : index
    %get3A_43 = vector.load %arg6[%get3A_41, %get3A_42] : memref<2000x8xf32, #tpu.memory_space<vmem>>, vector<2000x8xf32>
    %get3A_44 = arith.constant 0 : index
    %get3A_45 = arith.constant 0 : index
    %get3A_46 = vector.load %arg12[%get3A_44, %get3A_45] : memref<8x128xf32, #tpu.memory_space<vmem>>, vector<8x128xf32>
    %dot_general3A_47 = arith.constant dense<0.000000e+00> : vector<2000x128xf32>
    %dot_general3A_48 = tpu.matmul %get3A_43, %get3A_46, %dot_general3A_47 {dimension_numbers = #tpu.dot_dimension_numbers<[1], [0], [0], [1], [0, 0, 1, 1], [], []>, transpose_lhs_hint = false} : vector<2000x8xf32>, vector<8x128xf32>, vector<2000x128xf32> -> vector<2000x128xf32>
    %add3A_49 = arith.addf %add3A_40, %dot_general3A_48 : vector<2000x128xf32>
    %get3A_50 = arith.constant 0 : index
    %get3A_51 = arith.constant 0 : index
    %get3A_52 = vector.load %arg13[%get3A_50, %get3A_51] : memref<1x128xf32, #tpu.memory_space<vmem>>, vector<1x128xf32>
    %add3A_53 = vector.broadcast %get3A_52 : vector<1x128xf32> to vector<2000x128xf32>
    %add3A_54 = arith.addf %add3A_49, %add3A_53 : vector<2000x128xf32>
    %max3A = arith.constant 0.000000e+00 : f32
    %max3A_55 = vector.broadcast %max3A : f32 to vector<2000x128xf32>
    %max3A_56 = arith.maximumf %add3A_54, %max3A_55 : vector<2000x128xf32>
    %get3A_57 = arith.constant 0 : index
    %get3A_58 = arith.constant 0 : index
    %get3A_59 = vector.load %arg14[%get3A_57, %get3A_58] : memref<128x128xf32, #tpu.memory_space<vmem>>, vector<128x128xf32>
    %dot_general3A_60 = arith.constant dense<0.000000e+00> : vector<2000x128xf32>
    %dot_general3A_61 = tpu.matmul %max3A_56, %get3A_59, %dot_general3A_60 {dimension_numbers = #tpu.dot_dimension_numbers<[1], [0], [0], [1], [0, 0, 1, 1], [], []>, transpose_lhs_hint = false} : vector<2000x128xf32>, vector<128x128xf32>, vector<2000x128xf32> -> vector<2000x128xf32>
    %get3A_62 = arith.constant 0 : index
    %get3A_63 = arith.constant 0 : index
    %get3A_64 = vector.load %arg15[%get3A_62, %get3A_63] : memref<1x128xf32, #tpu.memory_space<vmem>>, vector<1x128xf32>
    %add3A_65 = vector.broadcast %get3A_64 : vector<1x128xf32> to vector<2000x128xf32>
    %add3A_66 = arith.addf %dot_general3A_61, %add3A_65 : vector<2000x128xf32>
    %mul3A = arith.mulf %add3A_66, %add3A_66 : vector<2000x128xf32>
    %get3A_67 = arith.constant 0 : index
    %get3A_68 = arith.constant 0 : index
    %get3A_69 = vector.load %arg16[%get3A_67, %get3A_68] : memref<128x128xf32, #tpu.memory_space<vmem>>, vector<128x128xf32>
    %dot_general3A_70 = arith.constant dense<0.000000e+00> : vector<2000x128xf32>
    %dot_general3A_71 = tpu.matmul %mul3A, %get3A_69, %dot_general3A_70 {dimension_numbers = #tpu.dot_dimension_numbers<[1], [0], [0], [1], [0, 0, 1, 1], [], []>, transpose_lhs_hint = false} : vector<2000x128xf32>, vector<128x128xf32>, vector<2000x128xf32> -> vector<2000x128xf32>
    %gt3A = arith.constant 0.000000e+00 : f32
    %gt3A_72 = vector.broadcast %gt3A : f32 to vector<2000x128xf32>
    %gt3A_73 = arith.cmpf ogt, %dot_general3A_71, %gt3A_72 : vector<2000x128xf32>
    %rsqrt3A = math.rsqrt %dot_general3A_71 : vector<2000x128xf32>
    %jit3A = arith.constant 0.000000e+00 : f32
    %broadcast_in_dim3A = vector.broadcast %jit3A : f32 to vector<2000x128xf32>
    %select_n3A = arith.select %gt3A_73, %rsqrt3A, %broadcast_in_dim3A : vector<2000x128xi1>, vector<2000x128xf32>
    %get3A_74 = arith.constant 0 : index
    %get3A_75 = arith.constant 0 : index
    %get3A_76 = vector.load %arg17[%get3A_74, %get3A_75] : memref<128x128xf32, #tpu.memory_space<vmem>>, vector<128x128xf32>
    %dot_general3A_77 = arith.constant dense<0.000000e+00> : vector<2000x128xf32>
    %dot_general3A_78 = tpu.matmul %get3A_1, %get3A_76, %dot_general3A_77 {dimension_numbers = #tpu.dot_dimension_numbers<[1], [0], [0], [1], [0, 0, 1, 1], [], []>, transpose_lhs_hint = false} : vector<2000x128xf32>, vector<128x128xf32>, vector<2000x128xf32> -> vector<2000x128xf32>
    %ne3A = arith.constant 0.000000e+00 : f32
    %ne3A_79 = vector.broadcast %ne3A : f32 to vector<2000x128xf32>
    %ne3A_80 = arith.cmpf one, %dot_general3A_78, %ne3A_79 : vector<2000x128xf32>
    %get3A_81 = arith.constant 0 : index
    %get3A_82 = arith.constant 0 : index
    %get3A_83 = vector.load %arg17[%get3A_81, %get3A_82] : memref<128x128xf32, #tpu.memory_space<vmem>>, vector<128x128xf32>
    %dot_general3A_84 = arith.constant dense<0.000000e+00> : vector<2000x128xf32>
    %dot_general3A_85 = tpu.matmul %get3A_4, %get3A_83, %dot_general3A_84 {dimension_numbers = #tpu.dot_dimension_numbers<[1], [0], [0], [1], [0, 0, 1, 1], [], []>, transpose_lhs_hint = false} : vector<2000x128xf32>, vector<128x128xf32>, vector<2000x128xf32> -> vector<2000x128xf32>
    %ne3A_86 = arith.constant 0.000000e+00 : f32
    %ne3A_87 = vector.broadcast %ne3A_86 : f32 to vector<2000x128xf32>
    %ne3A_88 = arith.cmpf one, %dot_general3A_85, %ne3A_87 : vector<2000x128xf32>
    %or3A = arith.ori %ne3A_80, %ne3A_88 : vector<2000x128xi1>
    %sub3A = arith.subf %get3A_4, %get3A_1 : vector<2000x128xf32>
    %mul3A_89 = arith.mulf %add3A_66, %select_n3A : vector<2000x128xf32>
    %mul3A_90 = arith.mulf %sub3A, %mul3A_89 : vector<2000x128xf32>
    %convert_element_type3A = arith.extui %or3A : vector<2000x128xi1> to vector<2000x128xi32>
    %convert_element_type3A_91 = arith.sitofp %convert_element_type3A : vector<2000x128xi32> to vector<2000x128xf32>
    %mul3A_92 = arith.mulf %mul3A_90, %convert_element_type3A_91 : vector<2000x128xf32>
    %swap3A = arith.constant 0 : index
    %swap3A_93 = arith.constant 0 : index
    %swap3A_94 = vector.load %arg18[%swap3A, %swap3A_93] : memref<2000x128xf32, #tpu.memory_space<vmem>>, vector<2000x128xf32>
    tpu.vector_store %arg18[%swap3A, %swap3A_93], %mul3A_92 {strides = array<i32>} : memref<2000x128xf32, #tpu.memory_space<vmem>>, vector<2000x128xf32>,
    return
  }
  func.func @transform_0(%arg0: i32) -> (i32, i32) {
    %c0_i32 = arith.constant 0 : i32
    %c0_i32_0 = arith.constant 0 : i32
    return %arg0, %c0_i32 : i32, i32
  }
  func.func @transform_1(%arg0: i32) -> (i32, i32) {
    %c0_i32 = arith.constant 0 : i32
    %c0_i32_0 = arith.constant 0 : i32
    return %arg0, %c0_i32 : i32, i32
  }
  func.func @transform_2(%arg0: i32) -> (i32, i32) {
    %c0_i32 = arith.constant 0 : i32
    %c0_i32_0 = arith.constant 0 : i32
    return %arg0, %c0_i32 : i32, i32
  }
  func.func @transform_3(%arg0: i32) -> (i32, i32) {
    %c0_i32 = arith.constant 0 : i32
    %c0_i32_0 = arith.constant 0 : i32
    return %arg0, %c0_i32 : i32, i32
  }
  func.func @transform_4(%arg0: i32) -> (i32, i32) {
    %c0_i32 = arith.constant 0 : i32
    %c0_i32_0 = arith.constant 0 : i32
    return %arg0, %c0_i32 : i32, i32
  }
  func.func @transform_5(%arg0: i32) -> (i32, i32) {
    %c0_i32 = arith.constant 0 : i32
    %c0_i32_0 = arith.constant 0 : i32
    return %arg0, %c0_i32 : i32, i32
  }
  func.func @transform_6(%arg0: i32) -> (i32, i32) {
    %c0_i32 = arith.constant 0 : i32
    %c0_i32_0 = arith.constant 0 : i32
    %c0_i32_1 = arith.constant 0 : i32
    return %c0_i32, %c0_i32_0 : i32, i32
  }
  func.func @transform_7(%arg0: i32) -> (i32, i32) {
    %c0_i32 = arith.constant 0 : i32
    %c0_i32_0 = arith.constant 0 : i32
    %c0_i32_1 = arith.constant 0 : i32
    return %c0_i32, %c0_i32_0 : i32, i32
  }
  func.func @transform_8(%arg0: i32) -> (i32, i32) {
    %c0_i32 = arith.constant 0 : i32
    %c0_i32_0 = arith.constant 0 : i32
    %c0_i32_1 = arith.constant 0 : i32
    return %c0_i32, %c0_i32_0 : i32, i32
  }
  func.func @transform_9(%arg0: i32) -> (i32, i32) {
    %c0_i32 = arith.constant 0 : i32
    %c0_i32_0 = arith.constant 0 : i32
    %c0_i32_1 = arith.constant 0 : i32
    return %c0_i32, %c0_i32_0 : i32, i32
  }
  func.func @transform_10(%arg0: i32) -> (i32, i32) {
    %c0_i32 = arith.constant 0 : i32
    %c0_i32_0 = arith.constant 0 : i32
    %c0_i32_1 = arith.constant 0 : i32
    return %c0_i32, %c0_i32_0 : i32, i32
  }
  func.func @transform_11(%arg0: i32) -> (i32, i32) {
    %c0_i32 = arith.constant 0 : i32
    %c0_i32_0 = arith.constant 0 : i32
    %c0_i32_1 = arith.constant 0 : i32
    return %c0_i32, %c0_i32_0 : i32, i32
  }
  func.func @transform_12(%arg0: i32) -> (i32, i32) {
    %c0_i32 = arith.constant 0 : i32
    %c0_i32_0 = arith.constant 0 : i32
    %c0_i32_1 = arith.constant 0 : i32
    return %c0_i32, %c0_i32_0 : i32, i32
  }
  func.func @transform_13(%arg0: i32) -> (i32, i32) {
    %c0_i32 = arith.constant 0 : i32
    %c0_i32_0 = arith.constant 0 : i32
    %c0_i32_1 = arith.constant 0 : i32
    return %c0_i32, %c0_i32_0 : i32, i32
  }
  func.func @transform_14(%arg0: i32) -> (i32, i32) {
    %c0_i32 = arith.constant 0 : i32
    %c0_i32_0 = arith.constant 0 : i32
    %c0_i32_1 = arith.constant 0 : i32
    return %c0_i32, %c0_i32_0 : i32, i32
  }
  func.func @transform_15(%arg0: i32) -> (i32, i32) {
    %c0_i32 = arith.constant 0 : i32
    %c0_i32_0 = arith.constant 0 : i32
    %c0_i32_1 = arith.constant 0 : i32
    return %c0_i32, %c0_i32_0 : i32, i32
  }
  func.func @transform_16(%arg0: i32) -> (i32, i32) {
    %c0_i32 = arith.constant 0 : i32
    %c0_i32_0 = arith.constant 0 : i32
    %c0_i32_1 = arith.constant 0 : i32
    return %c0_i32, %c0_i32_0 : i32, i32
  }
  func.func @transform_17(%arg0: i32) -> (i32, i32) {
    %c0_i32 = arith.constant 0 : i32
    %c0_i32_0 = arith.constant 0 : i32
    return %arg0, %c0_i32 : i32, i32
  }
}

module attributes {stable_mosaic.version = 14 : i64} {
  func.func @_update_body(%arg0: i32, %arg1: memref<2000x8xf32, #tpu.memory_space<vmem>>, %arg2: memref<2000x8xf32, #tpu.memory_space<vmem>>, %arg3: memref<2000x8xf32, #tpu.memory_space<vmem>>, %arg4: memref<8x8xf32, #tpu.memory_space<vmem>>, %arg5: memref<2000x8xf32, #tpu.memory_space<vmem>>, %arg6: memref<2000x8xf32, #tpu.memory_space<vmem>>, %arg7: memref<2000x16xf32, #tpu.memory_space<vmem>>) attributes {dimension_semantics = [#tpu.dimension_semantics<arbitrary>], iteration_bounds = array<i64: 25>, scalar_prefetch = 0 : i64, scratch_operands = 0 : i64, tpu.core_type = #tpu.core_type<tc>, window_params = [{transform_indices = @transform_0, window_bounds = array<i64: 2000, 8>}, {transform_indices = @transform_1, window_bounds = array<i64: 2000, 8>}, {transform_indices = @transform_2, window_bounds = array<i64: 2000, 8>}, {pipeline_mode = #tpu.pipeline_mode<synchronous>, transform_indices = @transform_3, window_bounds = array<i64: 8, 8>}, {transform_indices = @transform_4, window_bounds = array<i64: 2000, 8>}, {transform_indices = @transform_5, window_bounds = array<i64: 2000, 8>}, {transform_indices = @transform_6, window_bounds = array<i64: 2000, 16>}]} {
    %get3A = arith.constant 0 : index
    %get3A_0 = arith.constant 0 : index
    %get3A_1 = vector.load %arg2[%get3A, %get3A_0] : memref<2000x8xf32, #tpu.memory_space<vmem>>, vector<2000x8xf32>
    %get3A_2 = arith.constant 0 : index
    %get3A_3 = arith.constant 0 : index
    %get3A_4 = vector.load %arg3[%get3A_2, %get3A_3] : memref<2000x8xf32, #tpu.memory_space<vmem>>, vector<2000x8xf32>
    %add3A = arith.addf %get3A_1, %get3A_4 : vector<2000x8xf32>
    %get3A_5 = arith.constant 0 : index
    %get3A_6 = arith.constant 0 : index
    %get3A_7 = vector.load %arg1[%get3A_5, %get3A_6] : memref<2000x8xf32, #tpu.memory_space<vmem>>, vector<2000x8xf32>
    %get3A_8 = arith.constant 0 : index
    %get3A_9 = arith.constant 0 : index
    %get3A_10 = vector.load %arg4[%get3A_8, %get3A_9] : memref<8x8xf32, #tpu.memory_space<vmem>>, vector<8x8xf32>
    %dot_general3A = arith.constant dense<0.000000e+00> : vector<2000x8xf32>
    %dot_general3A_11 = tpu.matmul %add3A, %get3A_10, %dot_general3A {dimension_numbers = #tpu.dot_dimension_numbers<[1], [0], [0], [1], [0, 0, 1, 1], [], []>, transpose_lhs_hint = false} : vector<2000x8xf32>, vector<8x8xf32>, vector<2000x8xf32> -> vector<2000x8xf32>
    %add3A_12 = arith.addf %get3A_7, %dot_general3A_11 : vector<2000x8xf32>
    %swap3A = arith.constant 0 : index
    %swap3A_13 = arith.constant 0 : index
    %swap3A_14 = vector.load %arg6[%swap3A, %swap3A_13] : memref<2000x8xf32, #tpu.memory_space<vmem>>, vector<2000x8xf32>
    tpu.vector_store %arg6[%swap3A, %swap3A_13], %add3A_12 {strides = array<i32>} : memref<2000x8xf32, #tpu.memory_space<vmem>>, vector<2000x8xf32>,
    %get3A_15 = arith.constant 0 : index
    %get3A_16 = arith.constant 0 : index
    %get3A_17 = vector.load %arg5[%get3A_15, %get3A_16] : memref<2000x8xf32, #tpu.memory_space<vmem>>, vector<2000x8xf32>
    %concatenate3A = tpu.concatenate %get3A_17, %add3A_12 in 1 : vector<2000x8xf32>, vector<2000x8xf32> -> vector<2000x16xf32>
    %swap3A_18 = arith.constant 0 : index
    %swap3A_19 = arith.constant 0 : index
    %swap3A_20 = vector.load %arg7[%swap3A_18, %swap3A_19] : memref<2000x16xf32, #tpu.memory_space<vmem>>, vector<2000x16xf32>
    tpu.vector_store %arg7[%swap3A_18, %swap3A_19], %concatenate3A {strides = array<i32>} : memref<2000x16xf32, #tpu.memory_space<vmem>>, vector<2000x16xf32>,
    return
  }
  func.func @transform_0(%arg0: i32) -> (i32, i32) {
    %c0_i32 = arith.constant 0 : i32
    %c0_i32_0 = arith.constant 0 : i32
    return %arg0, %c0_i32 : i32, i32
  }
  func.func @transform_1(%arg0: i32) -> (i32, i32) {
    %c0_i32 = arith.constant 0 : i32
    %c0_i32_0 = arith.constant 0 : i32
    return %arg0, %c0_i32 : i32, i32
  }
  func.func @transform_2(%arg0: i32) -> (i32, i32) {
    %c0_i32 = arith.constant 0 : i32
    %c0_i32_0 = arith.constant 0 : i32
    return %arg0, %c0_i32 : i32, i32
  }
  func.func @transform_3(%arg0: i32) -> (i32, i32) {
    %c0_i32 = arith.constant 0 : i32
    %c0_i32_0 = arith.constant 0 : i32
    %c0_i32_1 = arith.constant 0 : i32
    return %c0_i32, %c0_i32_0 : i32, i32
  }
  func.func @transform_4(%arg0: i32) -> (i32, i32) {
    %c0_i32 = arith.constant 0 : i32
    %c0_i32_0 = arith.constant 0 : i32
    return %arg0, %c0_i32 : i32, i32
  }
  func.func @transform_5(%arg0: i32) -> (i32, i32) {
    %c0_i32 = arith.constant 0 : i32
    %c0_i32_0 = arith.constant 0 : i32
    return %arg0, %c0_i32 : i32, i32
  }
  func.func @transform_6(%arg0: i32) -> (i32, i32) {
    %c0_i32 = arith.constant 0 : i32
    %c0_i32_0 = arith.constant 0 : i32
    return %arg0, %c0_i32 : i32, i32
  }
}

</mosaic_0001>

<sc_bundles>
// kernel: kernel.11.cloned.1.call-start
scs
__scs_entry_jumppad:
0x0: {  	(pc) =	sbr.rel $0x88, $3  }
0x1: {  	(tag) =	ssettag $0x0;
	lr =	simm.s32 $0x1  }
0x2: {  	[smem:$0x3F96] =	sst lr;
	_ =	strace $0xD0000000  }
0x3: {  	_ = 	snop  }
0x4: {  	_ = 	snop  }
0x5: {  	_ = 	snop  }
0x6: {  	_ = 	snop  }
0x7: {  	_ = 	snop  }
__scs_overlays_trampoline_lowered:
0x8: {  	[smem:$0x3FA5] =	sst s0  }
0x9: {  	[smem:$0x3FA6] =	sst s1  }
0xa: {  	[smem:$0x3FA7] =	sst s2  }
0xb: {  	[smem:$0x3FA8] =	sst s3  }
0xc: {  	[smem:$0x3FA9] =	sst s4  }
0xd: {  	[smem:$0x3FAA] =	sst s5  }
0xe: {  	[smem:$0x3FAB] =	sst s6  }
0xf: {  	[smem:$0x3FAC] =	sst s7  }
0x10: {  	[smem:$0x3FAD] =	sst s8  }
0x11: {  	[smem:$0x3FAE] =	sst s9;
	s0 =	simm.s32 @!p0 $0x0  }
0x12: {  	s1 =	sld [smem:$0x3F94];
	s0 =	simm.s32 @p0 $0x1  }
0x13: {  	[smem:$0x3FAF] =	sst s0;
	s0 =	simm.s32 @!p1 $0x0  }
0x14: {  	s2 =	sld [smem:$0x3F93];
	s0 =	simm.s32 @p1 $0x1  }
0x15: {  	[smem:$0x3FB0] =	sst s0;
	s0 =	simm.s32 @!p2 $0x0  }
0x16: {  	s3 =	sld [smem:$0x3FDB];
	s0 =	simm.s32 @p2 $0x1  }
0x17: {  	s4 =	simm.s32 $0x1BF5;
	[smem:$0x3FB2] =	sst s0  }
0x18: {  	s0 =	sld [smem:$0x3F95];
	_ =	swait.ge [sflag:s4], $0x0  }
0x19: {  	s7 =	sld [smem:$0x3F96]  }
0x1a: {  	s8 =	sadd.s32 $0xFFFFE003, lr  }
0x1b: {  	s9 =	sadd.s32 $0xFFFFFEF7, lr;
	s5 =	simm.s32 $0xFFFFFFFF;
	p2 =	slt.u32 s8, $0xFFFFF086  }
0x1c: {  	p1 =	slt.u32 s9, $0xF7A;
	s5 =	simm.s32 @!p2 $0x0  }
0x1d: {  	s5 =	simm.s32 @p1 $0x1;
	p0 =	seq.s32 s7, s2  }
0x1e: {  	s7 =	smul.u32 @!p0 $0xF7A, s2;
	p2 =	seq.s32 @!p0 s5, $0x0  }
0x1f: {  	s9 =	smul.u32 $0xF7A, s1;
	s8 =	simm.s32 @!p0 $0x1BF5;
	p2 =	por !p2, p0  }
0x20: {  	[sflag:s8] =	ssyncset.s32 @!p0 $0xFFFFF086;
	s6 =	sadd.s32 @!p0 s3, s7;
	s7 =	simm.s32 @!p0 $0x108  }
0x21: {  	s3 =	sadd.s32 s3, s9;
	s6 =	sadd.s32 @!p0 $0x88, s6;
	s7 =	simm.s32 @p2 $0x1082  }
0x22: {  	[simem:s7], [sflag:s8] =	dma.local @!p0 [hbm:s6], $0xF7A  }
0x23: {  	s9 =	sor.u32 $0xD0000000, s2;
	s6 =	simm.s32 $0x108;
	_ =	swait.ge @!p0 [sflag:s8], $0x0  }
0x24: {  	s3 =	sadd.s32 $0x88, s3;
	s6 =	simm.s32 @!p1 $0x1082;
	[sflag:s4] =	ssyncset.s32 $0xFFFFF086  }
0x25: {  	[simem:s6], [sflag:s4] =	dma.local [hbm:s3], $0xF7A  }
0x26: {  	[smem:$0x3F96] =	sst s1;
	(tag) =	ssettag s2;
	_ =	strace s9  }
0x27: {  	s1 =	sld [smem:$0x3FA6]  }
0x28: {  	s2 =	sld [smem:$0x3FA7]  }
0x29: {  	s4 =	sld [smem:$0x3FA9]  }
0x2a: {  	p0 =	seq.s32 s5, $0x0;
	s5 =	sld [smem:$0x3FAA]  }
0x2b: {  	s6 =	sld [smem:$0x3FAB]  }
0x2c: {  	s7 =	sld [smem:$0x3FAC]  }
0x2d: {  	s3 =	simm.s32 $0x108;
	s8 =	sld [smem:$0x3FAD]  }
0x2e: {  	s3 =	simm.s32 @!p0 $0x1082;
	s9 =	sld [smem:$0x3FAE]  }
0x2f: {  	lr =	sadd.s32 s0, s3;
	s0 =	sld [smem:$0x3FA5]  }
0x30: {  	s3 =	sld [smem:$0x3FA8]  }
0x31: {  	[smem:$0x3FB1] =	sst s10  }
0x32: {  	s10 =	sld [smem:$0x3FAF];
	_ =	sdelay $0x3  }
0x33: {  	p0 =	seq.s32 s10, $0x1;
	s10 =	sld [smem:$0x3FB1];
	_ =	sdelay $0x3  }
0x34: {  	[smem:$0x3FB1] =	sst s10  }
0x35: {  	s10 =	sld [smem:$0x3FB0];
	_ =	sdelay $0x3  }
0x36: {  	p1 =	seq.s32 s10, $0x1;
	s10 =	sld [smem:$0x3FB1];
	_ =	sdelay $0x3  }
0x37: {  	[smem:$0x3FB1] =	sst s10  }
0x38: {  	s10 =	sld [smem:$0x3FB2]  }
0x39: {  	_ = 	snop;
	(pc) =	sbr.ind lr, $3  }
0x3a: {  	_ = 	snop  }
0x3b: {  	_ = 	snop  }
0x3c: {  	p2 =	seq.s32 s10, $0x1;
	s10 =	sld [smem:$0x3FB1]  }
0x3d: {  	_ =	shalt  }
0x3e: {  	_ =	shalt  }
0x3f: {  	_ =	shalt  }
0x40: {  	_ =	shalt  }
0x41: {  	_ =	shalt  }
0x42: {  	_ =	shalt  }
0x43: {  	_ =	shalt  }
0x44: {  	_ =	shalt  }
0x45: {  	_ =	shalt  }
0x46: {  	_ =	shalt  }
0x47: {  	_ =	shalt  }
0x48: {  	_ =	shalt  }
0x49: {  	_ =	shalt  }
0x4a: {  	_ =	shalt  }
0x4b: {  	_ =	shalt  }
0x4c: {  	_ =	shalt  }
0x4d: {  	_ =	shalt  }
0x4e: {  	_ =	shalt  }
0x4f: {  	_ =	shalt  }
0x50: {  	_ =	shalt  }
0x51: {  	_ =	shalt  }
0x52: {  	_ =	shalt  }
0x53: {  	_ =	shalt  }
0x54: {  	_ =	shalt  }
0x55: {  	_ =	shalt  }
0x56: {  	_ =	shalt  }
0x57: {  	_ =	shalt  }
0x58: {  	_ =	shalt  }
0x59: {  	_ =	shalt  }
0x5a: {  	_ =	shalt  }
0x5b: {  	_ =	shalt  }
0x5c: {  	_ =	shalt  }
0x5d: {  	_ =	shalt  }
0x5e: {  	_ =	shalt  }
0x5f: {  	_ =	shalt  }
0x60: {  	_ =	shalt  }
0x61: {  	_ =	shalt  }
0x62: {  	_ =	shalt  }
0x63: {  	_ =	shalt  }
0x64: {  	_ =	shalt  }
0x65: {  	_ =	shalt  }
0x66: {  	_ =	shalt  }
0x67: {  	_ =	shalt  }
0x68: {  	_ =	shalt  }
0x69: {  	_ =	shalt  }
0x6a: {  	_ =	shalt  }
0x6b: {  	_ =	shalt  }
0x6c: {  	_ =	shalt  }
0x6d: {  	_ =	shalt  }
0x6e: {  	_ =	shalt  }
0x6f: {  	_ =	shalt  }
0x70: {  	_ =	shalt  }
0x71: {  	_ =	shalt  }
0x72: {  	_ =	shalt  }
0x73: {  	_ =	shalt  }
0x74: {  	_ =	shalt  }
0x75: {  	_ =	shalt  }
0x76: {  	_ =	shalt  }
0x77: {  	_ =	shalt  }
0x78: {  	_ =	shalt  }
0x79: {  	_ =	shalt  }
0x7a: {  	_ =	shalt  }
0x7b: {  	_ =	shalt  }
0x7c: {  	_ =	shalt  }
0x7d: {  	_ =	shalt  }
0x7e: {  	_ =	shalt  }
0x7f: {  	_ =	shalt  }
0x80: {  	_ =	shalt  }
0x81: {  	_ =	shalt  }
0x82: {  	_ =	shalt  }
0x83: {  	_ =	shalt  }
0x84: {  	_ =	shalt  }
0x85: {  	_ =	shalt  }
0x86: {  	_ =	shalt  }
0x87: {  	_ =	shalt  }
.Lfunc_end0:
.L_simem_size_0:
called_computation_lowered:
.L_overlay_start_0:
0x88: {  	s2 =	sld [smem:$0x3FD9]  }
0x89: {  	s3 =	sld [smem:$0x3FFE];
	_ =	sdelay $0x1  }
0x8a: {  	s1 =	srdreg.scid  }
0x8b: {  	s0 =	sand.u32 $0x1, s1  }
0x8c: {  	s16 =	sshll.u32 s0, $0xA;
	s2 =	sadd.s32 s3, s2  }
0x8d: {  	s2 =	sadd.s32 s2, s16  }
0x8e: {  	[smem:$0x3FBD] =	sst s2  }
0x8f: {  	_ = 	snop  }
0x90: {  	(tm) =	ssettm $0x1  }
0x91: {  	s17 =	sld [smem:$0x3FFB];
	_ =	sdelay $0x3  }
0x92: {  	_ =	strace s17  }
0x93: {  	s2 =	sld [smem:$0x3FFC];
	_ =	sdelay $0x3  }
0x94: {  	_ =	strace s2  }
0x95: {  	s2 =	sld [smem:$0x3FFD];
	_ =	sdelay $0x3  }
0x96: {  	_ =	strace s2  }
0x97: {  	_ =	strace $0x8FFFFFFF  }
0x98: {  	s18 =	sld [smem:$0x3FDB];
	_ =	sdelay $0x1  }
0x99: {  	s19 =	simm.s32 $_scs_section_size  }
0x9a: {  	s4 =	simm.s32 $_size__tile_overlayer_lowered;
	s5 =	simm.s32 $_tile_overlayer_lowered  }
0x9b: {  	s22 =	simm.s32 $0x1BFF;
	s21 =	sshll.u32 s5, $0x1;
	s2 =	sadd.s32 s19, s18  }
0x9c: {  	s6 =	simm.s32 $0x0;
	s20 =	sshll.u32 s4, $0x1;
	s4 =	sadd.s32 s21, s2  }
0x9d: {  	[timem:s6], [sflag:s22] =	dma.local [hbm:s4], s20  }
0x9e: {  	_ =	swait.ge [sflag:s22], s20  }
0x9f: {  	s3 =	ssub.s32 $0x0, s20;
	[sflag:s22] =	ssyncset.done $0x0  }
0xa0: {  	[sflag:s22] =	ssyncadd.s32 s3;
	_ =	sdelay $0x1  }
0xa1: {  	s23 =	simm.s32 $0x1B8B  }
0xa2: {  	_ =	swait.ge [sflag:s23], $0x1  }
0xa3: {  	[sflag:s23] =	ssyncset.done $0x0  }
0xa4: {  	s25 =	simm.s32 $0x1B8E;
	s24 =	sld [smem:$0x3FFE];
	[sflag:s23] =	ssyncadd.s32 $0xFFFFFFFF  }
0xa5: {  	s26 =	simm.s32 $execute0_lowered;
	[smem:$0x3FD2] =	sst s25  }
0xa6: {  	s4 =	sshll.u32 s26, $0x1;
	_ =	strace $0x80000046;
	[dreg:$0x1] =	wrdreg $0xFFFFFFFF  }
0xa7: {  	s28 =	simm.s32 $_size_execute0_lowered;
	s2 =	sadd.s32 s2, s4;
	[dreg:$0x0] =	wrdreg $0x0  }
0xa8: {  	s4 =	sshll.u32 s28, $0x1;
	[dreg:$0x2] =	wrdreg s2  }
0xa9: {  	[dreg:$0x3] =	wrdreg s4  }
0xaa: {  	[dreg:$0x4] =	wrdreg $0xC0  }
0xab: {  	_ =	task [dreg:s6], $0x5FFFF  }
0xac: {  	[dreg:$0x1] =	wrdreg $0xFFFFFFFF  }
0xad: {  	[dreg:$0x0] =	wrdreg $0x60  }
0xae: {  	[dreg:$0x2] =	wrdreg s24  }
0xaf: {  	[dreg:$0x3] =	wrdreg $0x9  }
0xb0: {  	_ =	task.clear_ibuf [dreg:s6], $0x4FFFF;
	_ =	strace $0x90000046  }
0xb1: {  	s29 =	simm.s32 $0x9;
	_ =	strace $0x80000048  }
0xb2: {  	_ =	swait.ge [sflag:s29], $0x1  }
0xb3: {  	[sflag:s29] =	ssyncadd.s32 $0xFFFFFFFF  }
0xb4: {  	_ =	strace $0x90000048  }
0xb5: {  	_ =	sfence  }
0xb6: {  	s30 =	sld [smem:$0x0];
	_ =	sdelay $0x2  }
0xb7: {  	s31 =	sshll.u32 s1, $0xD;
	s1 =	sshrl.u32 s1, $0x2  }
0xb8: {  	s3 =	sand.u32 $0x4000, s31;
	s1 =	sadd.s32 s1, s30  }
0xb9: {  	s0 =	sor.u32 s3, s0;
	s1 =	sshll.u32 s1, $0x11  }
0xba: {  	s0 =	sor.u32 s1, s0  }
0xbb: {  	s0 =	sadd.s32 $0x8F2B, s0  }
0xbc: {  	[sflag:s0] =	ssyncadd.remote.s32 $0x1  }
0xbd: {  	_ =	sfence.sel $0xFFFF  }
0xbe: {  	[dreg:$0x0] =	wrdreg $0xFFFFFFFF;
	(pc) =	sbr.abs _section_cstart, $3  }
0xbf: {  	[dreg:$0x1] =	wrdreg $0xFFFFFFFF  }
0xc0: {  	_ =	task.clear_ibuf [dreg:s6], $0x2FFFF;
	_ =	strace $0x9FFFFFFF  }
0xc1: {  	(tm) =	ssettm $0x7FFFFFFF  }
tec
execute0_lowered:
.L_overlay_start_1:
0x0: {  	(tag) =	ssettag $0x1  }
0x1: {  	s0 =	rddreg [dreg:$0x0];
	s1 =	srdreg.scid;
	s2 =	simm.s32 $0x0  }
0x2: {  	s14 =	stileid.u32;
	s28 =	simm.s32 $0x88B8;
	s29 =	simm.s32 $0x1  }
0x3: {  	s30 =	simm.s32 $0x7D0;
	s31 =	simm.s32 $0x8CA0;
	s1 =	sand.u32 $0x1, s1  }
0x4: {  	[smem:$0x7FF] =	sst s2;
	s9 =	sadd.s32 $0x4800, s0;
	s4 =	sadd.s32 $0x373C00, s0  }
0x5: {  	s25 =	smul.u32 $0xC350, s14;
	s3 =	sshll.u32 s1, $0x4;
	_ =	strace $0x80000047  }
0x6: {  	s6 =	ssub.s32 $0x2, s1;
	s1 =	smul.u32 $0xC3500, s1;
	s7 =	sor.u32 s14, s3  }
0x7: {  	s5 =	sadd.s32 $0x681000, s0;
	s3 =	sadd.s32 $0x129A00, s0;
	s8 =	smul.u32 $0xC350, s7  }
0x8: {  	s10 =	sshrl.u32 s6, $0x1;
	s13 =	smul.u32 $0x186A0, s7;
	s1 =	sadd.s32 s25, s1  }
0x9: {  	s0 =	ssub.s32 s6, s10;
	s7 =	smul.u32 $0xC3500, s7;
	s16 =	sadd.s32 $0x187D88, s1  }
0xa: {  	s18 =	sshrl.u32 s8, $0x3;
	s19 =	sadd.s32 $0x3E8, s8;
	s11 =	sadd.s32 $0x186DE8, s8  }
0xb: {  	s20 =	sadd.s32 s4, s13;
	s21 =	sadd.s32 s5, s13;
	s24 =	sadd.s32 $0xBB8, s8  }
0xc: {  	s8 =	sadd.s32 $0x1875B8, s8;
	s7 =	sshrl.u32 s7, $0x3;
	[dreg:$0xa] =	wrdreg s20  }
0xd: {  	s17 =	sshrl.u32 s16, $0x3;
	s6 =	sadd.s32 s9, s18;
	[dreg:$0xb] =	wrdreg s21  }
0xe: {  	s12 =	sshrl.u32 s19, $0x3;
	s20 =	sadd.s32 s17, s9;
	[dreg:$0x6] =	wrdreg s6  }
0xf: {  	s11 =	sshrl.u32 s11, $0x3;
	s15 =	sadd.s32 $0x30D40, s6;
	[dreg:$0x3] =	wrdreg s20  }
0x10: {  	s10 =	sshll.u32 s19, $0x1;
	s12 =	sadd.s32 s9, s12;
	[dreg:$0x7] =	wrdreg s15  }
0x11: {  	s8 =	sshrl.u32 s8, $0x3;
	s11 =	sadd.s32 s9, s11;
	[dreg:$0x8] =	wrdreg s12  }
0x12: {  	s14 =	sadd.s32 $0x17700, s7;
	s22 =	sadd.s32 $0xFA, s6;
	[dreg:$0x9] =	wrdreg s11  }
0x13: {  	s18 =	sadd.s32 $0xFA0, s1;
	s6 =	sadd.s32 $0x30E3A, s6;
	[dreg:$0xc] =	wrdreg s22  }
0x14: {  	s7 =	sadd.s32 $0x17ED0, s7;
	s23 =	sadd.s32 s4, s10;
	[dreg:$0xd] =	wrdreg s6  }
0x15: {  	s26 =	sadd.s32 s5, s10;
	s13 =	sadd.s32 s9, s8;
	[dreg:$0xe] =	wrdreg s23  }
0x16: {  	s19 =	sadd.s32 s5, s14;
	s21 =	sshrl.u32 s18, $0x3;
	[dreg:$0xf] =	wrdreg s26  }
0x17: {  	s8 =	simm.s32 $0xCB20;
	s6 =	sshrl.u32 s24, $0x3;
	[dreg:$0x11] =	wrdreg s13  }
0x18: {  	s12 =	sadd.s32 $0x1388, s1;
	s15 =	sadd.s32 s4, s14;
	[dreg:$0x13] =	wrdreg s19  }
0x19: {  	s22 =	sadd.s32 s21, s9;
	s23 =	sadd.s32 s4, s7;
	s24 =	sadd.s32 $0x1879A0, s1  }
0x1a: {  	s21 =	sadd.s32 s5, s7;
	s1 =	sshll.u32 s1, $0x1;
	s7 =	simm.s32 $0x4650  }
0x1b: {  	s13 =	simm.s32 $0x8;
	s14 =	simm.s32 $0x0;
	[dreg:$0x12] =	wrdreg s15  }
0x1c: {  	s11 =	sadd.s32 s9, s6;
	s10 =	sshrl.u32 s12, $0x3;
	[dreg:$0x14] =	wrdreg s23  }
0x1d: {  	[dreg:$0x4] =	wrdreg s22;
	s25 =	sshrl.u32 s24, $0x3;
	s22 =	smax.u32 s0, $0x1  }
0x1e: {  	s23 =	sadd.s32 $0x1770, s1;
	s24 =	sadd.s32 $0xFA0, s1;
	s0 =	simm.s32 $0x3  }
0x1f: {  	s1 =	simm.s32 $0x2;
	s12 =	simm.s32 $0x6;
	[dreg:$0x10] =	wrdreg s11  }
0x20: {  	s10 =	sadd.s32 s10, s9;
	s26 =	sadd.s32 s25, s9;
	s25 =	simm.s32 $0x84D0  }
0x21: {  	s9 =	simm.s32 $0x4;
	s11 =	simm.s32 $0x7;
	[dreg:$0x2] =	wrdreg s10  }
0x22: {  	[dreg:$0x5] =	wrdreg s26;
	s26 =	simm.s32 $0x3E8;
	s10 =	simm.s32 $0x5  }
.LBB2_1:
0x23: {  	s6 =	rddreg [dreg:$0x6]  }
0x24: {  	[tilespmem:s2], [sflag:$0x1] =	stream.linear.gather [hbm4b:s6+s2], $0x3E8, $0x38;
	[tilespmem:$0x109A0] =	vst v63  }
0x25: {  	s15 =	rddreg [dreg:$0x7]  }
0x26: {  	[tilespmem:s25], [sflag:$0x1] =	stream.linear.gather [hbm4b:s15+s2], $0x3E8, $0x38;
	[tilespmem:$0x109A0] =	vst v63  }
0x27: {  	s16 =	rddreg [dreg:$0x8]  }
0x28: {  	[tilespmem:s26], [sflag:$0x2] =	stream.linear.gather [hbm4b:s16+s2], $0x3E8, $0x38;
	[tilespmem:$0x109A0] =	vst v63  }
0x29: {  	s17 =	rddreg [dreg:$0x9]  }
0x2a: {  	[tilespmem:s28], [sflag:$0x2] =	stream.linear.gather [hbm4b:s17+s2], $0x3E8, $0x38;
	[tilespmem:$0x109A0] =	vst v63  }
0x2b: {  	_ =	swait.ge [sflag:s29], $0x3E8  }
0x2c: {  	[sflag:s29] =	ssyncset.done $0x0  }
0x2d: {  	[sflag:s29] =	ssyncadd.s32 $0xFFFFFC18  }
0x2e: {  	_ =	swait.ge [sflag:s29], $0x3E8  }
0x2f: {  	[sflag:s29] =	ssyncset.done $0x0  }
0x30: {  	[sflag:s29] =	ssyncadd.s32 $0xFFFFFC18  }
0x31: {  	[tilespmem:s30], [sflag:$0x3] =	stream.indirect.gather [hbm4b:s3+s26], $0x10, s2, s26, $0xb8;
	[tilespmem:$0x109A0] =	vst v63  }
0x32: {  	_ = 	snop  }
0x33: {  	[tilespmem:s31], [sflag:$0x3] =	stream.indirect.gather [hbm4b:s3+s26], $0x10, s25, s26, $0xb8;
	[tilespmem:$0x109A0] =	vst v63  }
0x34: {  	_ =	swait.ge [sflag:s0], $0x3E80  }
0x35: {  	[sflag:s0] =	ssyncset.done $0x0  }
0x36: {  	[sflag:s0] =	ssyncadd.s32 $0xFFFFC180  }
0x37: {  	_ =	swait.ge [sflag:s0], $0x3E80  }
0x38: {  	[sflag:s0] =	ssyncset.done $0x0  }
0x39: {  	s18 =	rddreg [dreg:$0xa];
	[sflag:s0] =	ssyncadd.s32 $0xFFFFC180  }
0x3a: {  	[hbm4b:s18+s2] =	stream.linear.scatter [tilespmem:s30], [sflag:$0x5], $0x3E80, $0x38;
	[tilespmem:$0x109A0] =	vst v63  }
0x3b: {  	s19 =	rddreg [dreg:$0xb]  }
0x3c: {  	[hbm4b:s19+s2] =	stream.linear.scatter [tilespmem:s31], [sflag:$0x7], $0x3E80, $0x38;
	[tilespmem:$0x109A0] =	vst v63  }
0x3d: {  	s20 =	rddreg [dreg:$0xc]  }
0x3e: {  	[tilespmem:s2], [sflag:$0x1] =	stream.linear.gather [hbm4b:s20+s2], $0x3E8, $0x38;
	[tilespmem:$0x109A0] =	vst v63  }
0x3f: {  	s15 =	rddreg [dreg:$0xd]  }
0x40: {  	[tilespmem:s25], [sflag:$0x1] =	stream.linear.gather [hbm4b:s15+s2], $0x3E8, $0x38;
	[tilespmem:$0x109A0] =	vst v63  }
0x41: {  	_ =	swait.ge [sflag:s1], $0x3E8  }
0x42: {  	[sflag:s1] =	ssyncset.done $0x0  }
0x43: {  	[sflag:s1] =	ssyncadd.s32 $0xFFFFFC18  }
0x44: {  	_ =	swait.ge [sflag:s1], $0x3E8  }
0x45: {  	[sflag:s1] =	ssyncset.done $0x0  }
0x46: {  	[sflag:s1] =	ssyncadd.s32 $0xFFFFFC18  }
0x47: {  	[tilespmem:s7], [sflag:$0x4] =	stream.indirect.gather [hbm4b:s3+s26], $0x10, s26, s26, $0xb8;
	[tilespmem:$0x109A0] =	vst v63  }
0x48: {  	_ = 	snop  }
0x49: {  	[tilespmem:s8], [sflag:$0x4] =	stream.indirect.gather [hbm4b:s3+s26], $0x10, s28, s26, $0xb8;
	[tilespmem:$0x109A0] =	vst v63  }
0x4a: {  	_ =	swait.ge [sflag:s9], $0x3E80  }
0x4b: {  	[sflag:s9] =	ssyncset.done $0x0  }
0x4c: {  	[sflag:s9] =	ssyncadd.s32 $0xFFFFC180  }
0x4d: {  	_ =	swait.ge [sflag:s9], $0x3E80  }
0x4e: {  	[sflag:s9] =	ssyncset.done $0x0  }
0x4f: {  	s16 =	rddreg [dreg:$0xe];
	[sflag:s9] =	ssyncadd.s32 $0xFFFFC180  }
0x50: {  	[hbm4b:s16+s2] =	stream.linear.scatter [tilespmem:s7], [sflag:$0x6], $0x3E80, $0x38;
	[tilespmem:$0x109A0] =	vst v63  }
0x51: {  	s17 =	rddreg [dreg:$0xf]  }
0x52: {  	[hbm4b:s17+s2] =	stream.linear.scatter [tilespmem:s8], [sflag:$0x8], $0x3E80, $0x38;
	[tilespmem:$0x109A0] =	vst v63  }
0x53: {  	s18 =	rddreg [dreg:$0x10]  }
0x54: {  	[tilespmem:s26], [sflag:$0x2] =	stream.linear.gather [hbm4b:s18+s2], $0x3E8, $0x38;
	[tilespmem:$0x109A0] =	vst v63  }
0x55: {  	s19 =	rddreg [dreg:$0x11]  }
0x56: {  	[tilespmem:s28], [sflag:$0x2] =	stream.linear.gather [hbm4b:s19+s2], $0x3E8, $0x38;
	[tilespmem:$0x109A0] =	vst v63  }
0x57: {  	_ =	swait.ge [sflag:s29], $0x3E8  }
0x58: {  	[sflag:s29] =	ssyncset.done $0x0  }
0x59: {  	[sflag:s29] =	ssyncadd.s32 $0xFFFFFC18  }
0x5a: {  	_ =	swait.ge [sflag:s29], $0x3E8  }
0x5b: {  	[sflag:s29] =	ssyncset.done $0x0  }
0x5c: {  	[sflag:s29] =	ssyncadd.s32 $0xFFFFFC18  }
0x5d: {  	_ =	swait.ge [sflag:s10], $0x3E80  }
0x5e: {  	[sflag:s10] =	ssyncset.done $0x0  }
0x5f: {  	[sflag:s10] =	ssyncadd.s32 $0xFFFFC180  }
0x60: {  	_ =	swait.ge [sflag:s11], $0x3E80  }
0x61: {  	[sflag:s11] =	ssyncset.done $0x0  }
0x62: {  	[sflag:s11] =	ssyncadd.s32 $0xFFFFC180  }
0x63: {  	[tilespmem:s30], [sflag:$0x3] =	stream.indirect.gather [hbm4b:s3+s26], $0x10, s2, s26, $0xb8;
	[tilespmem:$0x109A0] =	vst v63  }
0x64: {  	_ = 	snop  }
0x65: {  	[tilespmem:s31], [sflag:$0x3] =	stream.indirect.gather [hbm4b:s3+s26], $0x10, s25, s26, $0xb8;
	[tilespmem:$0x109A0] =	vst v63  }
0x66: {  	_ =	swait.ge [sflag:s0], $0x3E80  }
0x67: {  	[sflag:s0] =	ssyncset.done $0x0  }
0x68: {  	[sflag:s0] =	ssyncadd.s32 $0xFFFFC180  }
0x69: {  	_ =	swait.ge [sflag:s0], $0x3E80  }
0x6a: {  	[sflag:s0] =	ssyncset.done $0x0  }
0x6b: {  	s15 =	sadd.s32 s4, s24;
	[sflag:s0] =	ssyncadd.s32 $0xFFFFC180  }
0x6c: {  	[hbm4b:s15+s2] =	stream.linear.scatter [tilespmem:s30], [sflag:$0x5], $0x3E80, $0x38;
	[tilespmem:$0x109A0] =	vst v63  }
0x6d: {  	s20 =	sadd.s32 s5, s24;
	s16 =	rddreg [dreg:$0x4]  }
0x6e: {  	[hbm4b:s20+s2] =	stream.linear.scatter [tilespmem:s31], [sflag:$0x7], $0x3E80, $0x38;
	[tilespmem:$0x109A0] =	vst v63  }
0x6f: {  	s17 =	rddreg [dreg:$0x5];
	s6 =	sadd.s32 $0x0, s16  }
0x70: {  	[tilespmem:s2], [sflag:$0x1] =	stream.linear.gather [hbm4b:s6+s2], $0x3E8, $0x38;
	[tilespmem:$0x109A0] =	vst v63  }
0x71: {  	s16 =	sadd.s32 $0x0, s17  }
0x72: {  	[tilespmem:s25], [sflag:$0x1] =	stream.linear.gather [hbm4b:s16+s2], $0x3E8, $0x38;
	[tilespmem:$0x109A0] =	vst v63  }
0x73: {  	_ =	swait.ge [sflag:s1], $0x3E8  }
0x74: {  	[sflag:s1] =	ssyncset.done $0x0  }
0x75: {  	[sflag:s1] =	ssyncadd.s32 $0xFFFFFC18  }
0x76: {  	_ =	swait.ge [sflag:s1], $0x3E8  }
0x77: {  	[sflag:s1] =	ssyncset.done $0x0  }
0x78: {  	[sflag:s1] =	ssyncadd.s32 $0xFFFFFC18  }
0x79: {  	_ =	swait.ge [sflag:s12], $0x3E80  }
0x7a: {  	[sflag:s12] =	ssyncset.done $0x0  }
0x7b: {  	[sflag:s12] =	ssyncadd.s32 $0xFFFFC180  }
0x7c: {  	_ =	swait.ge [sflag:s13], $0x3E80  }
0x7d: {  	[sflag:s13] =	ssyncset.done $0x0  }
0x7e: {  	[sflag:s13] =	ssyncadd.s32 $0xFFFFC180  }
0x7f: {  	[tilespmem:s7], [sflag:$0x4] =	stream.indirect.gather [hbm4b:s3+s26], $0x10, s26, s26, $0xb8;
	[tilespmem:$0x109A0] =	vst v63  }
0x80: {  	_ = 	snop  }
0x81: {  	[tilespmem:s8], [sflag:$0x4] =	stream.indirect.gather [hbm4b:s3+s26], $0x10, s28, s26, $0xb8;
	[tilespmem:$0x109A0] =	vst v63  }
0x82: {  	_ =	swait.ge [sflag:s9], $0x3E80  }
0x83: {  	[sflag:s9] =	ssyncset.done $0x0  }
0x84: {  	[sflag:s9] =	ssyncadd.s32 $0xFFFFC180  }
0x85: {  	_ =	swait.ge [sflag:s9], $0x3E80  }
0x86: {  	[sflag:s9] =	ssyncset.done $0x0  }
0x87: {  	s18 =	sadd.s32 s4, s23;
	[sflag:s9] =	ssyncadd.s32 $0xFFFFC180  }
0x88: {  	[hbm4b:s18+s2] =	stream.linear.scatter [tilespmem:s7], [sflag:$0x6], $0x3E80, $0x38;
	[tilespmem:$0x109A0] =	vst v63  }
0x89: {  	s19 =	sadd.s32 s5, s23;
	s17 =	rddreg [dreg:$0x2]  }
0x8a: {  	[hbm4b:s19+s2] =	stream.linear.scatter [tilespmem:s8], [sflag:$0x8], $0x3E80, $0x38;
	[tilespmem:$0x109A0] =	vst v63  }
0x8b: {  	s16 =	sadd.s32 $0xFA0, s4;
	s20 =	rddreg [dreg:$0x3];
	s15 =	sadd.s32 $0x0, s17  }
0x8c: {  	[tilespmem:s26], [sflag:$0x2] =	stream.linear.gather [hbm4b:s15+s2], $0x3E8, $0x38;
	[tilespmem:$0x109A0] =	vst v63  }
0x8d: {  	s17 =	sadd.s32 $0xFA0, s5;
	s18 =	sadd.s32 $0x0, s20;
	s15 =	simm.s32 $0xFA  }
.LBB2_2:
0x8e: {  	[tilespmem:s28], [sflag:$0x2] =	stream.linear.gather [hbm4b:s18+s2], $0x3E8, $0x38;
	[tilespmem:$0x109A0] =	vst v63  }
0x8f: {  	_ =	swait.ge [sflag:s29], $0x3E8  }
0x90: {  	[sflag:s29] =	ssyncset.done $0x0  }
0x91: {  	[sflag:s29] =	ssyncadd.s32 $0xFFFFFC18  }
0x92: {  	_ =	swait.ge [sflag:s29], $0x3E8  }
0x93: {  	[sflag:s29] =	ssyncset.done $0x0  }
0x94: {  	[sflag:s29] =	ssyncadd.s32 $0xFFFFFC18  }
0x95: {  	_ =	swait.ge [sflag:s10], $0x3E80  }
0x96: {  	[sflag:s10] =	ssyncset.done $0x0  }
0x97: {  	[sflag:s10] =	ssyncadd.s32 $0xFFFFC180  }
0x98: {  	_ =	swait.ge [sflag:s11], $0x3E80  }
0x99: {  	[sflag:s11] =	ssyncset.done $0x0  }
0x9a: {  	[sflag:s11] =	ssyncadd.s32 $0xFFFFC180  }
0x9b: {  	[tilespmem:s30], [sflag:$0x3] =	stream.indirect.gather [hbm4b:s3+s26], $0x10, s2, s26, $0xb8;
	[tilespmem:$0x109A0] =	vst v63  }
0x9c: {  	_ = 	snop  }
0x9d: {  	[tilespmem:s31], [sflag:$0x3] =	stream.indirect.gather [hbm4b:s3+s26], $0x10, s25, s26, $0xb8;
	[tilespmem:$0x109A0] =	vst v63  }
0x9e: {  	_ =	swait.ge [sflag:s0], $0x3E80  }
0x9f: {  	[sflag:s0] =	ssyncset.done $0x0  }
0xa0: {  	[sflag:s0] =	ssyncadd.s32 $0xFFFFC180  }
0xa1: {  	_ =	swait.ge [sflag:s0], $0x3E80  }
0xa2: {  	[sflag:s0] =	ssyncset.done $0x0  }
0xa3: {  	s6 =	sadd.s32 s16, s24;
	[sflag:s0] =	ssyncadd.s32 $0xFFFFC180  }
0xa4: {  	[hbm4b:s6+s2] =	stream.linear.scatter [tilespmem:s30], [sflag:$0x5], $0x3E80, $0x38;
	[tilespmem:$0x109A0] =	vst v63  }
0xa5: {  	s18 =	smov.u32 s15;
	s19 =	rddreg [dreg:$0x4];
	s6 =	sadd.s32 s17, s24  }
0xa6: {  	[hbm4b:s6+s2] =	stream.linear.scatter [tilespmem:s31], [sflag:$0x7], $0x3E80, $0x38;
	[tilespmem:$0x109A0] =	vst v63  }
0xa7: {  	s20 =	rddreg [dreg:$0x5];
	s19 =	sadd.s32 s18, s19  }
0xa8: {  	[tilespmem:s2], [sflag:$0x1] =	stream.linear.gather [hbm4b:s19+s2], $0x3E8, $0x38;
	[tilespmem:$0x109A0] =	vst v63  }
0xa9: {  	s20 =	sadd.s32 s18, s20  }
0xaa: {  	[tilespmem:s25], [sflag:$0x1] =	stream.linear.gather [hbm4b:s20+s2], $0x3E8, $0x38;
	[tilespmem:$0x109A0] =	vst v63  }
0xab: {  	_ =	swait.ge [sflag:s1], $0x3E8  }
0xac: {  	[sflag:s1] =	ssyncset.done $0x0  }
0xad: {  	[sflag:s1] =	ssyncadd.s32 $0xFFFFFC18  }
0xae: {  	_ =	swait.ge [sflag:s1], $0x3E8  }
0xaf: {  	[sflag:s1] =	ssyncset.done $0x0  }
0xb0: {  	[sflag:s1] =	ssyncadd.s32 $0xFFFFFC18  }
0xb1: {  	_ =	swait.ge [sflag:s12], $0x3E80  }
0xb2: {  	[sflag:s12] =	ssyncset.done $0x0  }
0xb3: {  	[sflag:s12] =	ssyncadd.s32 $0xFFFFC180  }
0xb4: {  	_ =	swait.ge [sflag:s13], $0x3E80  }
0xb5: {  	[sflag:s13] =	ssyncset.done $0x0  }
0xb6: {  	[sflag:s13] =	ssyncadd.s32 $0xFFFFC180  }
0xb7: {  	[tilespmem:s7], [sflag:$0x4] =	stream.indirect.gather [hbm4b:s3+s26], $0x10, s26, s26, $0xb8;
	[tilespmem:$0x109A0] =	vst v63  }
0xb8: {  	_ = 	snop  }
0xb9: {  	[tilespmem:s8], [sflag:$0x4] =	stream.indirect.gather [hbm4b:s3+s26], $0x10, s28, s26, $0xb8;
	[tilespmem:$0x109A0] =	vst v63  }
0xba: {  	_ =	swait.ge [sflag:s9], $0x3E80  }
0xbb: {  	[sflag:s9] =	ssyncset.done $0x0  }
0xbc: {  	[sflag:s9] =	ssyncadd.s32 $0xFFFFC180  }
0xbd: {  	_ =	swait.ge [sflag:s9], $0x3E80  }
0xbe: {  	[sflag:s9] =	ssyncset.done $0x0  }
0xbf: {  	p0 =	sne.s32 s15, $0x157C;
	s19 =	sadd.s32 s16, s23;
	[sflag:s9] =	ssyncadd.s32 $0xFFFFC180  }
0xc0: {  	[hbm4b:s19+s2] =	stream.linear.scatter [tilespmem:s7], [sflag:$0x6], $0x3E80, $0x38;
	[tilespmem:$0x109A0] =	vst v63  }
.Ltmp0:
0xc1: {  	s15 =	sadd.s32 $0xFA, s15;
	s6 =	rddreg [dreg:$0x2];
	(pc) =	sbr.rel @p0 .LBB2_2-.Ltmp0, $4  }
0xc2: {  	s16 =	sadd.s32 $0xFA0, s16;
	s20 =	rddreg [dreg:$0x3];
	s19 =	sadd.s32 s17, s23  }
0xc3: {  	[hbm4b:s19+s2] =	stream.linear.scatter [tilespmem:s8], [sflag:$0x8], $0x3E80, $0x38;
	[tilespmem:$0x109A0] =	vst v63  }
0xc4: {  	s6 =	sadd.s32 s18, s6;
	s18 =	sadd.s32 s18, s20;
	s17 =	sadd.s32 $0xFA0, s17  }
0xc5: {  	[tilespmem:s26], [sflag:$0x2] =	stream.linear.gather [hbm4b:s6+s2], $0x3E8, $0x38;
	[tilespmem:$0x109A0] =	vst v63  }
0xc6: {  	[tilespmem:s28], [sflag:$0x2] =	stream.linear.gather [hbm4b:s18+s2], $0x3E8, $0x38;
	[tilespmem:$0x109A0] =	vst v63  }
0xc7: {  	_ =	swait.ge [sflag:s29], $0x3E8  }
0xc8: {  	[sflag:s29] =	ssyncset.done $0x0  }
0xc9: {  	[sflag:s29] =	ssyncadd.s32 $0xFFFFFC18  }
0xca: {  	_ =	swait.ge [sflag:s29], $0x3E8  }
0xcb: {  	[sflag:s29] =	ssyncset.done $0x0  }
0xcc: {  	[sflag:s29] =	ssyncadd.s32 $0xFFFFFC18  }
0xcd: {  	_ =	swait.ge [sflag:s10], $0x3E80  }
0xce: {  	[sflag:s10] =	ssyncset.done $0x0  }
0xcf: {  	[sflag:s10] =	ssyncadd.s32 $0xFFFFC180  }
0xd0: {  	_ =	swait.ge [sflag:s11], $0x3E80  }
0xd1: {  	[sflag:s11] =	ssyncset.done $0x0  }
0xd2: {  	[sflag:s11] =	ssyncadd.s32 $0xFFFFC180  }
0xd3: {  	[tilespmem:s30], [sflag:$0x3] =	stream.indirect.gather [hbm4b:s3+s26], $0x10, s2, s26, $0xb8;
	[tilespmem:$0x109A0] =	vst v63  }
0xd4: {  	_ = 	snop  }
0xd5: {  	[tilespmem:s31], [sflag:$0x3] =	stream.indirect.gather [hbm4b:s3+s26], $0x10, s25, s26, $0xb8;
	[tilespmem:$0x109A0] =	vst v63  }
0xd6: {  	_ =	swait.ge [sflag:s0], $0x3E80  }
0xd7: {  	[sflag:s0] =	ssyncset.done $0x0  }
0xd8: {  	[sflag:s0] =	ssyncadd.s32 $0xFFFFC180  }
0xd9: {  	_ =	swait.ge [sflag:s0], $0x3E80  }
0xda: {  	[sflag:s0] =	ssyncset.done $0x0  }
0xdb: {  	s6 =	rddreg [dreg:$0x12];
	[sflag:s0] =	ssyncadd.s32 $0xFFFFC180  }
0xdc: {  	[hbm4b:s6+s2] =	stream.linear.scatter [tilespmem:s30], [sflag:$0x5], $0x3E80, $0x38;
	[tilespmem:$0x109A0] =	vst v63  }
0xdd: {  	s19 =	rddreg [dreg:$0x13]  }
0xde: {  	[hbm4b:s19+s2] =	stream.linear.scatter [tilespmem:s31], [sflag:$0x7], $0x3E80, $0x38;
	[tilespmem:$0x109A0] =	vst v63  }
0xdf: {  	_ =	swait.ge [sflag:s1], $0x3E8  }
0xe0: {  	[sflag:s1] =	ssyncset.done $0x0  }
0xe1: {  	[sflag:s1] =	ssyncadd.s32 $0xFFFFFC18  }
0xe2: {  	_ =	swait.ge [sflag:s1], $0x3E8  }
0xe3: {  	[sflag:s1] =	ssyncset.done $0x0  }
0xe4: {  	[sflag:s1] =	ssyncadd.s32 $0xFFFFFC18  }
0xe5: {  	_ =	swait.ge [sflag:s12], $0x3E80  }
0xe6: {  	[sflag:s12] =	ssyncset.done $0x0  }
0xe7: {  	[sflag:s12] =	ssyncadd.s32 $0xFFFFC180  }
0xe8: {  	_ =	swait.ge [sflag:s13], $0x3E80  }
0xe9: {  	[sflag:s13] =	ssyncset.done $0x0  }
0xea: {  	[sflag:s13] =	ssyncadd.s32 $0xFFFFC180  }
0xeb: {  	[tilespmem:s7], [sflag:$0x4] =	stream.indirect.gather [hbm4b:s3+s26], $0x10, s26, s26, $0xb8;
	[tilespmem:$0x109A0] =	vst v63  }
0xec: {  	_ = 	snop  }
0xed: {  	[tilespmem:s8], [sflag:$0x4] =	stream.indirect.gather [hbm4b:s3+s26], $0x10, s28, s26, $0xb8;
	[tilespmem:$0x109A0] =	vst v63  }
0xee: {  	_ =	swait.ge [sflag:s9], $0x3E80  }
0xef: {  	[sflag:s9] =	ssyncset.done $0x0  }
0xf0: {  	[sflag:s9] =	ssyncadd.s32 $0xFFFFC180  }
0xf1: {  	_ =	swait.ge [sflag:s9], $0x3E80  }
0xf2: {  	[sflag:s9] =	ssyncset.done $0x0  }
0xf3: {  	s20 =	rddreg [dreg:$0x14];
	[sflag:s9] =	ssyncadd.s32 $0xFFFFC180  }
0xf4: {  	[hbm4b:s20+s2] =	stream.linear.scatter [tilespmem:s7], [sflag:$0x6], $0x3E80, $0x38;
	[tilespmem:$0x109A0] =	vst v63  }
0xf5: {  	_ = 	snop  }
0xf6: {  	[hbm4b:s21+s2] =	stream.linear.scatter [tilespmem:s8], [sflag:$0x8], $0x3E80, $0x38;
	[tilespmem:$0x109A0] =	vst v63  }
0xf7: {  	_ =	swait.ge [sflag:s10], $0x3E80  }
0xf8: {  	[sflag:s10] =	ssyncset.done $0x0  }
0xf9: {  	[sflag:s10] =	ssyncadd.s32 $0xFFFFC180  }
0xfa: {  	_ =	swait.ge [sflag:s11], $0x3E80  }
0xfb: {  	[sflag:s11] =	ssyncset.done $0x0  }
0xfc: {  	s14 =	sadd.s32 $0x1, s14;
	[sflag:s11] =	ssyncadd.s32 $0xFFFFC180  }
0xfd: {  	p0 =	sne.s32 s14, s22;
	_ =	swait.ge [sflag:s12], $0x3E80  }
.Ltmp1:
0xfe: {  	[sflag:s12] =	ssyncset.done $0x0;
	(pc) =	sbr.rel @p0 .LBB2_1-.Ltmp1, $4  }
0xff: {  	[sflag:s12] =	ssyncadd.s32 $0xFFFFC180  }
0x100: {  	_ =	swait.ge [sflag:s13], $0x3E80  }
0x101: {  	[sflag:s13] =	ssyncset.done $0x0  }
0x102: {  	[sflag:s13] =	ssyncadd.s32 $0xFFFFC180  }
0x103: {  	_ =	sfence.sel $0x180000  }
0x104: {  	[bflag:$0x0] =	sbarrier.arrive $0xFFFF  }
0x105: {  	_ =	strace $0x90000047  }
0x106: {  	s0 =	stileid.u32;
	[bflag:$0x2] =	sbarrier.arrive $0xFFFF  }
0x107: {  	p0 =	sne.s32 s0, $0x0;
	s0 =	rddreg [dreg:$0x1]  }
0x108: {  	s0 =	sadd.s32 @!p0 $0x100000, s0  }
0x109: {  	[sflag:s0] =	ssyncadd.tile.s32 @!p0 $0x1;
	_ =	shalt  }
.Lfunc_end2:
_tile_overlayer_lowered:
.L_overlay_start_2:
0x10a: {  	(tag) =	ssettag $0x2  }
0x10b: {  	s0 =	rddreg [dreg:$0x0];
	s2 =	stileid.u32  }
0x10c: {  	s1 =	rddreg [dreg:$0x1];
	p0 =	sne.s32 s2, $0x0  }
0x10d: {  	s3 =	rddreg [dreg:$0x2];
	[bflag:$0x3] =	sbarrier.arrive $0xFFFF;
	s2 =	simm.s32 @!p0 $0x1C09  }
0x10e: {  	[timem:s3], [sflag:s2] =	dma.local @!p0 [hbm:s0], s1  }
0x10f: {  	s0 =	simm.s32 @!p0 $0x9  }
0x110: {  	_ =	swait.ge @!p0 [sflag:s0], s1  }
0x111: {  	s1 =	ssub.s32 @!p0 $0x0, s1;
	[sflag:s0] =	ssyncset.done @!p0 $0x0  }
0x112: {  	[sflag:s0] =	ssyncadd.s32 @!p0 s1  }
0x113: {  	[bflag:$0x3] =	sbarrier.arrive $0xFFFF  }
0x114: {  	_ =	shalt  }

// kernel: kernel.14.cloned.1.call-start
scs
__scs_entry_jumppad:
0x0: {  	(pc) =	sbr.rel $0x88, $3  }
0x1: {  	(tag) =	ssettag $0x0;
	lr =	simm.s32 $0x1  }
0x2: {  	[smem:$0x3F96] =	sst lr;
	_ =	strace $0xD0000000  }
0x3: {  	_ = 	snop  }
0x4: {  	_ = 	snop  }
0x5: {  	_ = 	snop  }
0x6: {  	_ = 	snop  }
0x7: {  	_ = 	snop  }
__scs_overlays_trampoline_lowered:
0x8: {  	[smem:$0x3FA5] =	sst s0  }
0x9: {  	[smem:$0x3FA6] =	sst s1  }
0xa: {  	[smem:$0x3FA7] =	sst s2  }
0xb: {  	[smem:$0x3FA8] =	sst s3  }
0xc: {  	[smem:$0x3FA9] =	sst s4  }
0xd: {  	[smem:$0x3FAA] =	sst s5  }
0xe: {  	[smem:$0x3FAB] =	sst s6  }
0xf: {  	[smem:$0x3FAC] =	sst s7  }
0x10: {  	[smem:$0x3FAD] =	sst s8  }
0x11: {  	[smem:$0x3FAE] =	sst s9;
	s0 =	simm.s32 @!p0 $0x0  }
0x12: {  	s1 =	sld [smem:$0x3F94];
	s0 =	simm.s32 @p0 $0x1  }
0x13: {  	[smem:$0x3FAF] =	sst s0;
	s0 =	simm.s32 @!p1 $0x0  }
0x14: {  	s2 =	sld [smem:$0x3F93];
	s0 =	simm.s32 @p1 $0x1  }
0x15: {  	[smem:$0x3FB0] =	sst s0;
	s0 =	simm.s32 @!p2 $0x0  }
0x16: {  	s3 =	sld [smem:$0x3FDB];
	s0 =	simm.s32 @p2 $0x1  }
0x17: {  	s4 =	simm.s32 $0x1BF5;
	[smem:$0x3FB2] =	sst s0  }
0x18: {  	s0 =	sld [smem:$0x3F95];
	_ =	swait.ge [sflag:s4], $0x0  }
0x19: {  	s7 =	sld [smem:$0x3F96]  }
0x1a: {  	s8 =	sadd.s32 $0xFFFFE003, lr  }
0x1b: {  	s9 =	sadd.s32 $0xFFFFFEF7, lr;
	s5 =	simm.s32 $0xFFFFFFFF;
	p2 =	slt.u32 s8, $0xFFFFF086  }
0x1c: {  	p1 =	slt.u32 s9, $0xF7A;
	s5 =	simm.s32 @!p2 $0x0  }
0x1d: {  	s5 =	simm.s32 @p1 $0x1;
	p0 =	seq.s32 s7, s2  }
0x1e: {  	s7 =	smul.u32 @!p0 $0xF7A, s2;
	p2 =	seq.s32 @!p0 s5, $0x0  }
0x1f: {  	s9 =	smul.u32 $0xF7A, s1;
	s8 =	simm.s32 @!p0 $0x1BF5;
	p2 =	por !p2, p0  }
0x20: {  	[sflag:s8] =	ssyncset.s32 @!p0 $0xFFFFF086;
	s6 =	sadd.s32 @!p0 s3, s7;
	s7 =	simm.s32 @!p0 $0x108  }
0x21: {  	s3 =	sadd.s32 s3, s9;
	s6 =	sadd.s32 @!p0 $0x88, s6;
	s7 =	simm.s32 @p2 $0x1082  }
0x22: {  	[simem:s7], [sflag:s8] =	dma.local @!p0 [hbm:s6], $0xF7A  }
0x23: {  	s9 =	sor.u32 $0xD0000000, s2;
	s6 =	simm.s32 $0x108;
	_ =	swait.ge @!p0 [sflag:s8], $0x0  }
0x24: {  	s3 =	sadd.s32 $0x88, s3;
	s6 =	simm.s32 @!p1 $0x1082;
	[sflag:s4] =	ssyncset.s32 $0xFFFFF086  }
0x25: {  	[simem:s6], [sflag:s4] =	dma.local [hbm:s3], $0xF7A  }
0x26: {  	[smem:$0x3F96] =	sst s1;
	(tag) =	ssettag s2;
	_ =	strace s9  }
0x27: {  	s1 =	sld [smem:$0x3FA6]  }
0x28: {  	s2 =	sld [smem:$0x3FA7]  }
0x29: {  	s4 =	sld [smem:$0x3FA9]  }
0x2a: {  	p0 =	seq.s32 s5, $0x0;
	s5 =	sld [smem:$0x3FAA]  }
0x2b: {  	s6 =	sld [smem:$0x3FAB]  }
0x2c: {  	s7 =	sld [smem:$0x3FAC]  }
0x2d: {  	s3 =	simm.s32 $0x108;
	s8 =	sld [smem:$0x3FAD]  }
0x2e: {  	s3 =	simm.s32 @!p0 $0x1082;
	s9 =	sld [smem:$0x3FAE]  }
0x2f: {  	lr =	sadd.s32 s0, s3;
	s0 =	sld [smem:$0x3FA5]  }
0x30: {  	s3 =	sld [smem:$0x3FA8]  }
0x31: {  	[smem:$0x3FB1] =	sst s10  }
0x32: {  	s10 =	sld [smem:$0x3FAF];
	_ =	sdelay $0x3  }
0x33: {  	p0 =	seq.s32 s10, $0x1;
	s10 =	sld [smem:$0x3FB1];
	_ =	sdelay $0x3  }
0x34: {  	[smem:$0x3FB1] =	sst s10  }
0x35: {  	s10 =	sld [smem:$0x3FB0];
	_ =	sdelay $0x3  }
0x36: {  	p1 =	seq.s32 s10, $0x1;
	s10 =	sld [smem:$0x3FB1];
	_ =	sdelay $0x3  }
0x37: {  	[smem:$0x3FB1] =	sst s10  }
0x38: {  	s10 =	sld [smem:$0x3FB2]  }
0x39: {  	_ = 	snop;
	(pc) =	sbr.ind lr, $3  }
0x3a: {  	_ = 	snop  }
0x3b: {  	_ = 	snop  }
0x3c: {  	p2 =	seq.s32 s10, $0x1;
	s10 =	sld [smem:$0x3FB1]  }
0x3d: {  	_ =	shalt  }
0x3e: {  	_ =	shalt  }
0x3f: {  	_ =	shalt  }
0x40: {  	_ =	shalt  }
0x41: {  	_ =	shalt  }
0x42: {  	_ =	shalt  }
0x43: {  	_ =	shalt  }
0x44: {  	_ =	shalt  }
0x45: {  	_ =	shalt  }
0x46: {  	_ =	shalt  }
0x47: {  	_ =	shalt  }
0x48: {  	_ =	shalt  }
0x49: {  	_ =	shalt  }
0x4a: {  	_ =	shalt  }
0x4b: {  	_ =	shalt  }
0x4c: {  	_ =	shalt  }
0x4d: {  	_ =	shalt  }
0x4e: {  	_ =	shalt  }
0x4f: {  	_ =	shalt  }
0x50: {  	_ =	shalt  }
0x51: {  	_ =	shalt  }
0x52: {  	_ =	shalt  }
0x53: {  	_ =	shalt  }
0x54: {  	_ =	shalt  }
0x55: {  	_ =	shalt  }
0x56: {  	_ =	shalt  }
0x57: {  	_ =	shalt  }
0x58: {  	_ =	shalt  }
0x59: {  	_ =	shalt  }
0x5a: {  	_ =	shalt  }
0x5b: {  	_ =	shalt  }
0x5c: {  	_ =	shalt  }
0x5d: {  	_ =	shalt  }
0x5e: {  	_ =	shalt  }
0x5f: {  	_ =	shalt  }
0x60: {  	_ =	shalt  }
0x61: {  	_ =	shalt  }
0x62: {  	_ =	shalt  }
0x63: {  	_ =	shalt  }
0x64: {  	_ =	shalt  }
0x65: {  	_ =	shalt  }
0x66: {  	_ =	shalt  }
0x67: {  	_ =	shalt  }
0x68: {  	_ =	shalt  }
0x69: {  	_ =	shalt  }
0x6a: {  	_ =	shalt  }
0x6b: {  	_ =	shalt  }
0x6c: {  	_ =	shalt  }
0x6d: {  	_ =	shalt  }
0x6e: {  	_ =	shalt  }
0x6f: {  	_ =	shalt  }
0x70: {  	_ =	shalt  }
0x71: {  	_ =	shalt  }
0x72: {  	_ =	shalt  }
0x73: {  	_ =	shalt  }
0x74: {  	_ =	shalt  }
0x75: {  	_ =	shalt  }
0x76: {  	_ =	shalt  }
0x77: {  	_ =	shalt  }
0x78: {  	_ =	shalt  }
0x79: {  	_ =	shalt  }
0x7a: {  	_ =	shalt  }
0x7b: {  	_ =	shalt  }
0x7c: {  	_ =	shalt  }
0x7d: {  	_ =	shalt  }
0x7e: {  	_ =	shalt  }
0x7f: {  	_ =	shalt  }
0x80: {  	_ =	shalt  }
0x81: {  	_ =	shalt  }
0x82: {  	_ =	shalt  }
0x83: {  	_ =	shalt  }
0x84: {  	_ =	shalt  }
0x85: {  	_ =	shalt  }
0x86: {  	_ =	shalt  }
0x87: {  	_ =	shalt  }
.Lfunc_end0:
.L_simem_size_0:
called_computation.1_lowered:
.L_overlay_start_0:
0x88: {  	s2 =	sld [smem:$0x3FD9]  }
0x89: {  	s3 =	sld [smem:$0x3FFE];
	_ =	sdelay $0x1  }
0x8a: {  	s1 =	srdreg.scid  }
0x8b: {  	s0 =	sand.u32 $0x1, s1  }
0x8c: {  	s17 =	sshll.u32 s0, $0xA;
	s2 =	sadd.s32 s3, s2  }
0x8d: {  	s2 =	sadd.s32 s2, s17  }
0x8e: {  	[smem:$0x3FBD] =	sst s2  }
0x8f: {  	_ = 	snop  }
0x90: {  	s2 =	sld [smem:$0x3FD0];
	(tm) =	ssettm $0x1  }
0x91: {  	s18 =	sld [smem:$0x3FFB];
	_ =	sdelay $0x3  }
0x92: {  	_ =	strace s18  }
0x93: {  	s3 =	sld [smem:$0x3FFC];
	_ =	sdelay $0x3  }
0x94: {  	_ =	strace s3  }
0x95: {  	s3 =	sld [smem:$0x3FFD];
	_ =	sdelay $0x3  }
0x96: {  	_ =	strace s3  }
0x97: {  	_ =	strace $0x8FFFFFFF  }
0x98: {  	s19 =	sld [smem:$0x3FDB];
	_ =	sdelay $0x1  }
0x99: {  	s4 =	simm.s32 $_scs_section_size  }
0x9a: {  	s5 =	simm.s32 $_size__tile_overlayer_lowered;
	s6 =	simm.s32 $_tile_overlayer_lowered  }
0x9b: {  	s22 =	simm.s32 $0x1BFF;
	s21 =	sshll.u32 s6, $0x1;
	s3 =	sadd.s32 s4, s19  }
0x9c: {  	s7 =	simm.s32 $0x0;
	s20 =	sshll.u32 s5, $0x1;
	s5 =	sadd.s32 s21, s3  }
0x9d: {  	[timem:s7], [sflag:s22] =	dma.local [hbm:s5], s20  }
0x9e: {  	_ =	swait.ge [sflag:s22], s20  }
0x9f: {  	s4 =	ssub.s32 $0x0, s20;
	[sflag:s22] =	ssyncset.done $0x0  }
0xa0: {  	[sflag:s22] =	ssyncadd.s32 s4;
	_ =	sdelay $0x1  }
0xa1: {  	s23 =	simm.s32 $0x1B8B  }
0xa2: {  	_ =	swait.ge [sflag:s23], $0x1  }
0xa3: {  	[sflag:s23] =	ssyncset.done $0x0  }
0xa4: {  	s25 =	simm.s32 $0x1B8E;
	s24 =	sld [smem:$0x3FFE];
	[sflag:s23] =	ssyncadd.s32 $0xFFFFFFFF  }
0xa5: {  	s26 =	simm.s32 $execute0_lowered;
	[smem:$0x3FD2] =	sst s25  }
0xa6: {  	s5 =	sshll.u32 s26, $0x1;
	_ =	strace $0x80000049;
	[dreg:$0x1] =	wrdreg $0xFFFFFFFF  }
0xa7: {  	s28 =	simm.s32 $_size_execute0_lowered;
	s3 =	sadd.s32 s3, s5;
	[dreg:$0x0] =	wrdreg $0x0  }
0xa8: {  	s5 =	sshll.u32 s28, $0x1;
	[dreg:$0x2] =	wrdreg s3  }
0xa9: {  	[dreg:$0x3] =	wrdreg s5  }
0xaa: {  	[dreg:$0x4] =	wrdreg $0xC0  }
0xab: {  	_ =	task [dreg:s7], $0x5FFFF  }
0xac: {  	[dreg:$0x1] =	wrdreg $0xFFFFFFFF  }
0xad: {  	[dreg:$0x0] =	wrdreg $0x60  }
0xae: {  	[dreg:$0x2] =	wrdreg s24  }
0xaf: {  	[dreg:$0x3] =	wrdreg s2  }
0xb0: {  	[dreg:$0x4] =	wrdreg $0xA7F80  }
0xb1: {  	[dreg:$0x5] =	wrdreg $0x9  }
0xb2: {  	_ =	task.clear_ibuf [dreg:s7], $0x6FFFF;
	_ =	strace $0x90000049  }
0xb3: {  	s29 =	simm.s32 $0x9;
	_ =	strace $0x8000004B  }
0xb4: {  	_ =	swait.ge [sflag:s29], $0x1  }
0xb5: {  	[sflag:s29] =	ssyncadd.s32 $0xFFFFFFFF  }
0xb6: {  	_ =	strace $0x9000004B  }
0xb7: {  	_ =	sfence  }
0xb8: {  	s30 =	sld [smem:$0x0];
	_ =	sdelay $0x2  }
0xb9: {  	s31 =	sshll.u32 s1, $0xD;
	s1 =	sshrl.u32 s1, $0x2  }
0xba: {  	s3 =	sand.u32 $0x4000, s31;
	s1 =	sadd.s32 s1, s30  }
0xbb: {  	s0 =	sor.u32 s3, s0;
	s1 =	sshll.u32 s1, $0x11  }
0xbc: {  	s0 =	sor.u32 s1, s0  }
0xbd: {  	s0 =	sadd.s32 $0x8F2B, s0  }
0xbe: {  	[sflag:s0] =	ssyncadd.remote.s32 $0x1  }
0xbf: {  	_ =	sfence.sel $0xFFFF  }
0xc0: {  	[dreg:$0x0] =	wrdreg $0xFFFFFFFF;
	(pc) =	sbr.abs _section_cstart, $3  }
0xc1: {  	[dreg:$0x1] =	wrdreg $0xFFFFFFFF  }
0xc2: {  	_ =	task.clear_ibuf [dreg:s7], $0x2FFFF;
	_ =	strace $0x9FFFFFFF  }
0xc3: {  	(tm) =	ssettm $0x7FFFFFFF  }
tec
execute0_lowered:
.L_overlay_start_1:
0x0: {  	(tag) =	ssettag $0x1  }
0x1: {  	s10 =	rddreg [dreg:$0x0]  }
0x2: {  	s0 =	srdreg.scid;
	s1 =	rddreg [dreg:$0x1]  }
0x3: {  	s2 =	rddreg [dreg:$0x2];
	s15 =	stileid.u32  }
0x4: {  	s3 =	simm.s32 $0x0;
	s17 =	simm.s32 $0x129A00;
	s19 =	simm.s32 $0x1F40  }
0x5: {  	s20 =	simm.s32 $0x4268;
	s21 =	simm.s32 $0x1;
	s22 =	simm.s32 $0x3E8  }
0x6: {  	s8 =	sand.u32 $0x1, s0;
	[smem:$0x7FF] =	sst s3;
	s14 =	smul.u32 $0x61A8, s15  }
0x7: {  	s13 =	sadd.s32 $0x4800, s10;
	s12 =	sadd.s32 $0x15C3401, s10;
	s18 =	smul.u32 $0xC350, s15  }
0x8: {  	s4 =	sshll.u32 s8, $0x4;
	_ =	strace $0x8000004A;
	s6 =	ssub.s32 $0x2, s8  }
0x9: {  	s16 =	smul.u32 $0xC3500, s8;
	p0 =	seq.s32 s8, $0x1;
	s4 =	sor.u32 s15, s4  }
0xa: {  	s23 =	sshrl.u32 s6, $0x1;
	s8 =	sadd.s32 s14, s2;
	s14 =	sshrl.u32 s14, $0x3  }
0xb: {  	s17 =	simm.s32 @!p0 $0x145600;
	p0 =	sne.s32 s15, $0x0;
	s5 =	smul.u32 $0x186A0, s4  }
0xc: {  	s7 =	smul.u32 $0xC350, s4;
	s11 =	ssub.s32 s6, s23;
	s28 =	sadd.s32 s18, s16  }
0xd: {  	s15 =	sshrl.u32 @!p0 s2, $0x3;
	s18 =	simm.s32 $0x3E80;
	s23 =	simm.s32 $0x3  }
0xe: {  	s29 =	sadd.s32 $0x1875B8, s28;
	s16 =	sshll.u32 s28, $0x1;
	s30 =	sadd.s32 $0x1871D0, s28  }
0xf: {  	s9 =	sadd.s32 s5, s10;
	s24 =	sshrl.u32 s7, $0x3;
	s4 =	sadd.s32 s5, s12  }
0x10: {  	s26 =	sadd.s32 $0x186DE8, s7;
	s10 =	sadd.s32 s17, s10;
	s16 =	sadd.s32 s12, s16  }
0x11: {  	s31 =	sshrl.u32 s30, $0x3;
	s17 =	simm.s32 $0x10;
	s25 =	sadd.s32 s13, s24  }
0x12: {  	s7 =	sshrl.u32 s26, $0x3;
	s6 =	sadd.s32 $0x15C3BD1, s9;
	s9 =	smax.u32 s11, $0x1  }
0x13: {  	s10 =	sadd.s32 s10, s14;
	s14 =	sshrl.u32 s29, $0x3;
	s12 =	sadd.s32 $0x1770, s16  }
0x14: {  	s24 =	simm.s32 $0x2;
	s26 =	simm.s32 $0x0;
	s5 =	sadd.s32 $0x30D40, s25  }
0x15: {  	s7 =	sadd.s32 s13, s7;
	s11 =	sadd.s32 s14, s13;
	s13 =	sadd.s32 s31, s13  }
0x16: {  	s14 =	sadd.s32 $0xFA0, s16;
	s16 =	simm.s32 $0x8;
	s25 =	simm.s32 $0x4650  }
.LBB2_1:
0x17: {  	s28 =	simm.s32 @!p0 $0x1C03  }
0x18: {  	[spmem:s15], [sflag:s28] =	dma.local @!p0 [hbm:s1], $0xC350  }
0x19: {  	s28 =	simm.s32 @!p0 $0x3  }
0x1a: {  	_ =	swait.ge @!p0 [sflag:s28], $0xC350  }
0x1b: {  	[sflag:s28] =	ssyncset.done @!p0 $0x0  }
0x1c: {  	[sflag:s28] =	ssyncadd.s32 @!p0 $0xFFFF3CB0  }
0x1d: {  	[bflag:$0x0] =	sbarrier.arrive $0xFFFF  }
0x1e: {  	[tilespmem:s3], [sflag:$0x1] =	stream.strided.gather [hbm4b:s4+s16], $0x1F40, s17, s16, $0x38;
	[tilespmem:$0x109A0] =	vst v63  }
0x1f: {  	_ = 	snop  }
0x20: {  	[tilespmem:s18], [sflag:$0x1] =	stream.linear.gather [hbm4b:s5+s3], $0x3E8, $0x38;
	[tilespmem:$0x109A0] =	vst v63  }
0x21: {  	_ = 	snop  }
0x22: {  	[tilespmem:s19], [sflag:$0x2] =	stream.strided.gather [hbm4b:s6+s16], $0x1F40, s17, s16, $0x38;
	[tilespmem:$0x109A0] =	vst v63  }
0x23: {  	_ = 	snop  }
0x24: {  	[tilespmem:s20], [sflag:$0x2] =	stream.linear.gather [hbm4b:s7+s3], $0x3E8, $0x38;
	[tilespmem:$0x109A0] =	vst v63  }
0x25: {  	_ =	swait.ge [sflag:s21], $0x1F40  }
0x26: {  	[sflag:s21] =	ssyncset.done $0x0  }
0x27: {  	[sflag:s21] =	ssyncadd.s32 $0xFFFFE0C0  }
0x28: {  	_ =	swait.ge [sflag:s21], $0x3E8  }
0x29: {  	[sflag:s21] =	ssyncset.done $0x0  }
0x2a: {  	[sflag:s21] =	ssyncadd.s32 $0xFFFFFC18  }
0x2b: {  	[spmem:s2] =	stream.indirect.scatter.add.f32 [tilespmem:s3], [sflag:$0x3], $0x8, s18, s22, $0xb8;
	[tilespmem:$0x109A0] =	vst v63  }
0x2c: {  	_ =	swait.ge [sflag:s23], $0x1F40  }
0x2d: {  	[sflag:s23] =	ssyncset.done $0x0  }
0x2e: {  	[sflag:s23] =	ssyncadd.s32 $0xFFFFE0C0  }
0x2f: {  	[tilespmem:s3], [sflag:$0x1] =	stream.strided.gather [hbm4b:s14+s16], $0x1F40, s17, s16, $0x38;
	[tilespmem:$0x109A0] =	vst v63  }
0x30: {  	s28 =	sadd.s32 $0x0, s13  }
0x31: {  	[tilespmem:s18], [sflag:$0x1] =	stream.linear.gather [hbm4b:s28+s3], $0x3E8, $0x38;
	[tilespmem:$0x109A0] =	vst v63  }
0x32: {  	_ =	swait.ge [sflag:s24], $0x1F40  }
0x33: {  	[sflag:s24] =	ssyncset.done $0x0  }
0x34: {  	[sflag:s24] =	ssyncadd.s32 $0xFFFFE0C0  }
0x35: {  	_ =	swait.ge [sflag:s24], $0x3E8  }
0x36: {  	[sflag:s24] =	ssyncset.done $0x0  }
0x37: {  	[sflag:s24] =	ssyncadd.s32 $0xFFFFFC18  }
0x38: {  	[spmem:s2] =	stream.indirect.scatter.add.f32 [tilespmem:s19], [sflag:$0x3], $0x8, s20, s22, $0xb8;
	[tilespmem:$0x109A0] =	vst v63  }
0x39: {  	_ =	swait.ge [sflag:s23], $0x1F40  }
0x3a: {  	s31 =	sadd.s32 $0x0, s11;
	s29 =	sadd.s32 $0xFA0, s12;
	[sflag:s23] =	ssyncset.done $0x0  }
0x3b: {  	s30 =	sadd.s32 $0xFA0, s14;
	s28 =	simm.s32 $0xFA;
	[sflag:s23] =	ssyncadd.s32 $0xFFFFE0C0  }
0x3c: {  	[tilespmem:s19], [sflag:$0x2] =	stream.strided.gather [hbm4b:s12+s16], $0x1F40, s17, s16, $0x38;
	[tilespmem:$0x109A0] =	vst v63  }
.LBB2_2:
0x3d: {  	[tilespmem:s20], [sflag:$0x2] =	stream.linear.gather [hbm4b:s31+s3], $0x3E8, $0x38;
	[tilespmem:$0x109A0] =	vst v63  }
0x3e: {  	s31 =	smov.u32 s28  }
0x3f: {  	p1 =	sne.s32 s28, $0x1676;
	s28 =	sadd.s32 $0xFA, s28;
	_ =	swait.ge [sflag:s21], $0x1F40  }
0x40: {  	[sflag:s21] =	ssyncset.done $0x0  }
0x41: {  	[sflag:s21] =	ssyncadd.s32 $0xFFFFE0C0  }
0x42: {  	_ =	swait.ge [sflag:s21], $0x3E8  }
0x43: {  	[sflag:s21] =	ssyncset.done $0x0  }
0x44: {  	[sflag:s21] =	ssyncadd.s32 $0xFFFFFC18  }
0x45: {  	[spmem:s2] =	stream.indirect.scatter.add.f32 [tilespmem:s3], [sflag:$0x3], $0x8, s18, s22, $0xb8;
	[tilespmem:$0x109A0] =	vst v63  }
0x46: {  	_ =	swait.ge [sflag:s23], $0x1F40  }
0x47: {  	[sflag:s23] =	ssyncset.done $0x0  }
0x48: {  	[sflag:s23] =	ssyncadd.s32 $0xFFFFE0C0  }
0x49: {  	[tilespmem:s3], [sflag:$0x1] =	stream.strided.gather [hbm4b:s30+s16], $0x1F40, s17, s16, $0x38;
	[tilespmem:$0x109A0] =	vst v63  }
0x4a: {  	s0 =	sadd.s32 s31, s13  }
0x4b: {  	[tilespmem:s18], [sflag:$0x1] =	stream.linear.gather [hbm4b:s0+s3], $0x3E8, $0x38;
	[tilespmem:$0x109A0] =	vst v63  }
0x4c: {  	_ =	swait.ge [sflag:s24], $0x1F40  }
0x4d: {  	[sflag:s24] =	ssyncset.done $0x0  }
0x4e: {  	[sflag:s24] =	ssyncadd.s32 $0xFFFFE0C0  }
0x4f: {  	_ =	swait.ge [sflag:s24], $0x3E8  }
0x50: {  	[sflag:s24] =	ssyncset.done $0x0  }
0x51: {  	[sflag:s24] =	ssyncadd.s32 $0xFFFFFC18  }
0x52: {  	[spmem:s2] =	stream.indirect.scatter.add.f32 [tilespmem:s19], [sflag:$0x3], $0x8, s20, s22, $0xb8;
	[tilespmem:$0x109A0] =	vst v63  }
.Ltmp0:
0x53: {  	_ =	swait.ge [sflag:s23], $0x1F40;
	(pc) =	sbr.rel @p1 .LBB2_2-.Ltmp0, $4  }
0x54: {  	[sflag:s23] =	ssyncset.done $0x0  }
0x55: {  	[sflag:s23] =	ssyncadd.s32 $0xFFFFE0C0  }
0x56: {  	[tilespmem:s19], [sflag:$0x2] =	stream.strided.gather [hbm4b:s29+s16], $0x1F40, s17, s16, $0x38;
	[tilespmem:$0x109A0] =	vst v63  }
0x57: {  	s31 =	sadd.s32 s31, s11;
	s30 =	sadd.s32 $0xFA0, s30;
	s29 =	sadd.s32 $0xFA0, s29  }
0x58: {  	[tilespmem:s20], [sflag:$0x2] =	stream.linear.gather [hbm4b:s31+s3], $0x3E8, $0x38;
	[tilespmem:$0x109A0] =	vst v63  }
0x59: {  	_ =	swait.ge [sflag:s21], $0x1F40  }
0x5a: {  	[sflag:s21] =	ssyncset.done $0x0  }
0x5b: {  	[sflag:s21] =	ssyncadd.s32 $0xFFFFE0C0  }
0x5c: {  	_ =	swait.ge [sflag:s21], $0x3E8  }
0x5d: {  	[sflag:s21] =	ssyncset.done $0x0  }
0x5e: {  	[sflag:s21] =	ssyncadd.s32 $0xFFFFFC18  }
0x5f: {  	[spmem:s2] =	stream.indirect.scatter.add.f32 [tilespmem:s3], [sflag:$0x3], $0x8, s18, s22, $0xb8;
	[tilespmem:$0x109A0] =	vst v63  }
0x60: {  	_ =	swait.ge [sflag:s23], $0x1F40  }
0x61: {  	[sflag:s23] =	ssyncset.done $0x0  }
0x62: {  	[sflag:s23] =	ssyncadd.s32 $0xFFFFE0C0  }
0x63: {  	_ =	swait.ge [sflag:s24], $0x1F40  }
0x64: {  	[sflag:s24] =	ssyncset.done $0x0  }
0x65: {  	[sflag:s24] =	ssyncadd.s32 $0xFFFFE0C0  }
0x66: {  	_ =	swait.ge [sflag:s24], $0x3E8  }
0x67: {  	[sflag:s24] =	ssyncset.done $0x0  }
0x68: {  	[sflag:s24] =	ssyncadd.s32 $0xFFFFFC18  }
0x69: {  	[spmem:s2] =	stream.indirect.scatter.add.f32 [tilespmem:s19], [sflag:$0x3], $0x8, s20, s22, $0xb8;
	[tilespmem:$0x109A0] =	vst v63  }
0x6a: {  	_ =	swait.ge [sflag:s23], $0x1F40  }
0x6b: {  	[sflag:s23] =	ssyncset.done $0x0  }
0x6c: {  	[sflag:s23] =	ssyncadd.s32 $0xFFFFE0C0  }
0x6d: {  	[bflag:$0x0] =	sbarrier.arrive $0xFFFF  }
0x6e: {  	[tilespmem:s25], [sflag:$0x3] =	stream.linear.gather [spmem:s8], $0x61A8, $0x38;
	[tilespmem:$0x109A0] =	vst v63  }
0x6f: {  	s26 =	sadd.s32 $0x1, s26;
	_ =	swait.ge [sflag:s23], $0x61A8  }
0x70: {  	p1 =	sne.s32 s26, s9;
	[sflag:s23] =	ssyncset.done $0x0  }
.Ltmp1:
0x71: {  	[sflag:s23] =	ssyncadd.s32 $0xFFFF9E58;
	(pc) =	sbr.rel @p1 .LBB2_1-.Ltmp1, $4  }
0x72: {  	[hbm4b:s10+s3] =	stream.linear.scatter [tilespmem:s25], [sflag:$0x3], $0x61A8, $0x38;
	[tilespmem:$0x109A0] =	vst v63  }
0x73: {  	_ =	swait.ge [sflag:s23], $0x61A8  }
0x74: {  	[sflag:s23] =	ssyncset.done $0x0  }
0x75: {  	[sflag:s23] =	ssyncadd.s32 $0xFFFF9E58  }
0x76: {  	_ =	sfence.sel $0x180000  }
0x77: {  	[bflag:$0x0] =	sbarrier.arrive $0xFFFF  }
0x78: {  	_ =	strace $0x9000004A  }
0x79: {  	[bflag:$0x2] =	sbarrier.arrive $0xFFFF  }
0x7a: {  	s0 =	rddreg [dreg:$0x3]  }
0x7b: {  	s0 =	sadd.s32 @!p0 $0x100000, s0  }
0x7c: {  	[sflag:s0] =	ssyncadd.tile.s32 @!p0 $0x1;
	_ =	shalt  }
.Lfunc_end2:
_tile_overlayer_lowered:
.L_overlay_start_2:
0x7d: {  	(tag) =	ssettag $0x2  }
0x7e: {  	s0 =	rddreg [dreg:$0x0];
	s2 =	stileid.u32  }
0x7f: {  	s1 =	rddreg [dreg:$0x1];
	p0 =	sne.s32 s2, $0x0  }
0x80: {  	s3 =	rddreg [dreg:$0x2];
	[bflag:$0x3] =	sbarrier.arrive $0xFFFF;
	s2 =	simm.s32 @!p0 $0x1C03  }
0x81: {  	[timem:s3], [sflag:s2] =	dma.local @!p0 [hbm:s0], s1  }
0x82: {  	s0 =	simm.s32 @!p0 $0x3  }
0x83: {  	_ =	swait.ge @!p0 [sflag:s0], s1  }
0x84: {  	s1 =	ssub.s32 @!p0 $0x0, s1;
	[sflag:s0] =	ssyncset.done @!p0 $0x0  }
0x85: {  	[sflag:s0] =	ssyncadd.s32 @!p0 s1  }
0x86: {  	[bflag:$0x3] =	sbarrier.arrive $0xFFFF  }
0x87: {  	_ =	shalt  }

// kernel: kernel.17.cloned.1.call-start
scs
__scs_entry_jumppad:
0x0: {  	(pc) =	sbr.rel $0x88, $3  }
0x1: {  	(tag) =	ssettag $0x0;
	lr =	simm.s32 $0x1  }
0x2: {  	[smem:$0x3F96] =	sst lr;
	_ =	strace $0xD0000000  }
0x3: {  	_ = 	snop  }
0x4: {  	_ = 	snop  }
0x5: {  	_ = 	snop  }
0x6: {  	_ = 	snop  }
0x7: {  	_ = 	snop  }
__scs_overlays_trampoline_lowered:
0x8: {  	[smem:$0x3FA5] =	sst s0  }
0x9: {  	[smem:$0x3FA6] =	sst s1  }
0xa: {  	[smem:$0x3FA7] =	sst s2  }
0xb: {  	[smem:$0x3FA8] =	sst s3  }
0xc: {  	[smem:$0x3FA9] =	sst s4  }
0xd: {  	[smem:$0x3FAA] =	sst s5  }
0xe: {  	[smem:$0x3FAB] =	sst s6  }
0xf: {  	[smem:$0x3FAC] =	sst s7  }
0x10: {  	[smem:$0x3FAD] =	sst s8  }
0x11: {  	[smem:$0x3FAE] =	sst s9;
	s0 =	simm.s32 @!p0 $0x0  }
0x12: {  	s1 =	sld [smem:$0x3F94];
	s0 =	simm.s32 @p0 $0x1  }
0x13: {  	[smem:$0x3FAF] =	sst s0;
	s0 =	simm.s32 @!p1 $0x0  }
0x14: {  	s2 =	sld [smem:$0x3F93];
	s0 =	simm.s32 @p1 $0x1  }
0x15: {  	[smem:$0x3FB0] =	sst s0;
	s0 =	simm.s32 @!p2 $0x0  }
0x16: {  	s3 =	sld [smem:$0x3FDB];
	s0 =	simm.s32 @p2 $0x1  }
0x17: {  	s4 =	simm.s32 $0x1BF5;
	[smem:$0x3FB2] =	sst s0  }
0x18: {  	s0 =	sld [smem:$0x3F95];
	_ =	swait.ge [sflag:s4], $0x0  }
0x19: {  	s7 =	sld [smem:$0x3F96]  }
0x1a: {  	s8 =	sadd.s32 $0xFFFFE003, lr  }
0x1b: {  	s9 =	sadd.s32 $0xFFFFFEF7, lr;
	s5 =	simm.s32 $0xFFFFFFFF;
	p2 =	slt.u32 s8, $0xFFFFF086  }
0x1c: {  	p1 =	slt.u32 s9, $0xF7A;
	s5 =	simm.s32 @!p2 $0x0  }
0x1d: {  	s5 =	simm.s32 @p1 $0x1;
	p0 =	seq.s32 s7, s2  }
0x1e: {  	s7 =	smul.u32 @!p0 $0xF7A, s2;
	p2 =	seq.s32 @!p0 s5, $0x0  }
0x1f: {  	s9 =	smul.u32 $0xF7A, s1;
	s8 =	simm.s32 @!p0 $0x1BF5;
	p2 =	por !p2, p0  }
0x20: {  	[sflag:s8] =	ssyncset.s32 @!p0 $0xFFFFF086;
	s6 =	sadd.s32 @!p0 s3, s7;
	s7 =	simm.s32 @!p0 $0x108  }
0x21: {  	s3 =	sadd.s32 s3, s9;
	s6 =	sadd.s32 @!p0 $0x88, s6;
	s7 =	simm.s32 @p2 $0x1082  }
0x22: {  	[simem:s7], [sflag:s8] =	dma.local @!p0 [hbm:s6], $0xF7A  }
0x23: {  	s9 =	sor.u32 $0xD0000000, s2;
	s6 =	simm.s32 $0x108;
	_ =	swait.ge @!p0 [sflag:s8], $0x0  }
0x24: {  	s3 =	sadd.s32 $0x88, s3;
	s6 =	simm.s32 @!p1 $0x1082;
	[sflag:s4] =	ssyncset.s32 $0xFFFFF086  }
0x25: {  	[simem:s6], [sflag:s4] =	dma.local [hbm:s3], $0xF7A  }
0x26: {  	[smem:$0x3F96] =	sst s1;
	(tag) =	ssettag s2;
	_ =	strace s9  }
0x27: {  	s1 =	sld [smem:$0x3FA6]  }
0x28: {  	s2 =	sld [smem:$0x3FA7]  }
0x29: {  	s4 =	sld [smem:$0x3FA9]  }
0x2a: {  	p0 =	seq.s32 s5, $0x0;
	s5 =	sld [smem:$0x3FAA]  }
0x2b: {  	s6 =	sld [smem:$0x3FAB]  }
0x2c: {  	s7 =	sld [smem:$0x3FAC]  }
0x2d: {  	s3 =	simm.s32 $0x108;
	s8 =	sld [smem:$0x3FAD]  }
0x2e: {  	s3 =	simm.s32 @!p0 $0x1082;
	s9 =	sld [smem:$0x3FAE]  }
0x2f: {  	lr =	sadd.s32 s0, s3;
	s0 =	sld [smem:$0x3FA5]  }
0x30: {  	s3 =	sld [smem:$0x3FA8]  }
0x31: {  	[smem:$0x3FB1] =	sst s10  }
0x32: {  	s10 =	sld [smem:$0x3FAF];
	_ =	sdelay $0x3  }
0x33: {  	p0 =	seq.s32 s10, $0x1;
	s10 =	sld [smem:$0x3FB1];
	_ =	sdelay $0x3  }
0x34: {  	[smem:$0x3FB1] =	sst s10  }
0x35: {  	s10 =	sld [smem:$0x3FB0];
	_ =	sdelay $0x3  }
0x36: {  	p1 =	seq.s32 s10, $0x1;
	s10 =	sld [smem:$0x3FB1];
	_ =	sdelay $0x3  }
0x37: {  	[smem:$0x3FB1] =	sst s10  }
0x38: {  	s10 =	sld [smem:$0x3FB2]  }
0x39: {  	_ = 	snop;
	(pc) =	sbr.ind lr, $3  }
0x3a: {  	_ = 	snop  }
0x3b: {  	_ = 	snop  }
0x3c: {  	p2 =	seq.s32 s10, $0x1;
	s10 =	sld [smem:$0x3FB1]  }
0x3d: {  	_ =	shalt  }
0x3e: {  	_ =	shalt  }
0x3f: {  	_ =	shalt  }
0x40: {  	_ =	shalt  }
0x41: {  	_ =	shalt  }
0x42: {  	_ =	shalt  }
0x43: {  	_ =	shalt  }
0x44: {  	_ =	shalt  }
0x45: {  	_ =	shalt  }
0x46: {  	_ =	shalt  }
0x47: {  	_ =	shalt  }
0x48: {  	_ =	shalt  }
0x49: {  	_ =	shalt  }
0x4a: {  	_ =	shalt  }
0x4b: {  	_ =	shalt  }
0x4c: {  	_ =	shalt  }
0x4d: {  	_ =	shalt  }
0x4e: {  	_ =	shalt  }
0x4f: {  	_ =	shalt  }
0x50: {  	_ =	shalt  }
0x51: {  	_ =	shalt  }
0x52: {  	_ =	shalt  }
0x53: {  	_ =	shalt  }
0x54: {  	_ =	shalt  }
0x55: {  	_ =	shalt  }
0x56: {  	_ =	shalt  }
0x57: {  	_ =	shalt  }
0x58: {  	_ =	shalt  }
0x59: {  	_ =	shalt  }
0x5a: {  	_ =	shalt  }
0x5b: {  	_ =	shalt  }
0x5c: {  	_ =	shalt  }
0x5d: {  	_ =	shalt  }
0x5e: {  	_ =	shalt  }
0x5f: {  	_ =	shalt  }
0x60: {  	_ =	shalt  }
0x61: {  	_ =	shalt  }
0x62: {  	_ =	shalt  }
0x63: {  	_ =	shalt  }
0x64: {  	_ =	shalt  }
0x65: {  	_ =	shalt  }
0x66: {  	_ =	shalt  }
0x67: {  	_ =	shalt  }
0x68: {  	_ =	shalt  }
0x69: {  	_ =	shalt  }
0x6a: {  	_ =	shalt  }
0x6b: {  	_ =	shalt  }
0x6c: {  	_ =	shalt  }
0x6d: {  	_ =	shalt  }
0x6e: {  	_ =	shalt  }
0x6f: {  	_ =	shalt  }
0x70: {  	_ =	shalt  }
0x71: {  	_ =	shalt  }
0x72: {  	_ =	shalt  }
0x73: {  	_ =	shalt  }
0x74: {  	_ =	shalt  }
0x75: {  	_ =	shalt  }
0x76: {  	_ =	shalt  }
0x77: {  	_ =	shalt  }
0x78: {  	_ =	shalt  }
0x79: {  	_ =	shalt  }
0x7a: {  	_ =	shalt  }
0x7b: {  	_ =	shalt  }
0x7c: {  	_ =	shalt  }
0x7d: {  	_ =	shalt  }
0x7e: {  	_ =	shalt  }
0x7f: {  	_ =	shalt  }
0x80: {  	_ =	shalt  }
0x81: {  	_ =	shalt  }
0x82: {  	_ =	shalt  }
0x83: {  	_ =	shalt  }
0x84: {  	_ =	shalt  }
0x85: {  	_ =	shalt  }
0x86: {  	_ =	shalt  }
0x87: {  	_ =	shalt  }
.Lfunc_end0:
.L_simem_size_0:
called_computation.2_lowered:
.L_overlay_start_0:
0x88: {  	s2 =	sld [smem:$0x3FD9]  }
0x89: {  	s3 =	sld [smem:$0x3FFE];
	_ =	sdelay $0x1  }
0x8a: {  	s1 =	srdreg.scid  }
0x8b: {  	s0 =	sand.u32 $0x1, s1  }
0x8c: {  	s16 =	sshll.u32 s0, $0xA;
	s2 =	sadd.s32 s3, s2  }
0x8d: {  	s2 =	sadd.s32 s2, s16  }
0x8e: {  	[smem:$0x3FBD] =	sst s2  }
0x8f: {  	_ = 	snop  }
0x90: {  	(tm) =	ssettm $0x1  }
0x91: {  	s17 =	sld [smem:$0x3FFB];
	_ =	sdelay $0x3  }
0x92: {  	_ =	strace s17  }
0x93: {  	s2 =	sld [smem:$0x3FFC];
	_ =	sdelay $0x3  }
0x94: {  	_ =	strace s2  }
0x95: {  	s2 =	sld [smem:$0x3FFD];
	_ =	sdelay $0x3  }
0x96: {  	_ =	strace s2  }
0x97: {  	_ =	strace $0x8FFFFFFF  }
0x98: {  	s18 =	sld [smem:$0x3FDB];
	_ =	sdelay $0x1  }
0x99: {  	s19 =	simm.s32 $_scs_section_size  }
0x9a: {  	s4 =	simm.s32 $_size__tile_overlayer_lowered;
	s5 =	simm.s32 $_tile_overlayer_lowered  }
0x9b: {  	s22 =	simm.s32 $0x1BFF;
	s21 =	sshll.u32 s5, $0x1;
	s2 =	sadd.s32 s19, s18  }
0x9c: {  	s6 =	simm.s32 $0x0;
	s20 =	sshll.u32 s4, $0x1;
	s4 =	sadd.s32 s21, s2  }
0x9d: {  	[timem:s6], [sflag:s22] =	dma.local [hbm:s4], s20  }
0x9e: {  	_ =	swait.ge [sflag:s22], s20  }
0x9f: {  	s3 =	ssub.s32 $0x0, s20;
	[sflag:s22] =	ssyncset.done $0x0  }
0xa0: {  	[sflag:s22] =	ssyncadd.s32 s3;
	_ =	sdelay $0x1  }
0xa1: {  	s23 =	simm.s32 $0x1B8B  }
0xa2: {  	_ =	swait.ge [sflag:s23], $0x1  }
0xa3: {  	[sflag:s23] =	ssyncset.done $0x0  }
0xa4: {  	s25 =	simm.s32 $0x1B8E;
	s24 =	sld [smem:$0x3FFE];
	[sflag:s23] =	ssyncadd.s32 $0xFFFFFFFF  }
0xa5: {  	s26 =	simm.s32 $execute0_lowered;
	[smem:$0x3FD2] =	sst s25  }
0xa6: {  	s4 =	sshll.u32 s26, $0x1;
	_ =	strace $0x8000004C;
	[dreg:$0x1] =	wrdreg $0xFFFFFFFF  }
0xa7: {  	s28 =	simm.s32 $_size_execute0_lowered;
	s2 =	sadd.s32 s2, s4;
	[dreg:$0x0] =	wrdreg $0x0  }
0xa8: {  	s4 =	sshll.u32 s28, $0x1;
	[dreg:$0x2] =	wrdreg s2  }
0xa9: {  	[dreg:$0x3] =	wrdreg s4  }
0xaa: {  	[dreg:$0x4] =	wrdreg $0xC0  }
0xab: {  	_ =	task [dreg:s6], $0x5FFFF  }
0xac: {  	[dreg:$0x1] =	wrdreg $0xFFFFFFFF  }
0xad: {  	[dreg:$0x0] =	wrdreg $0x60  }
0xae: {  	[dreg:$0x2] =	wrdreg s24  }
0xaf: {  	[dreg:$0x3] =	wrdreg $0x9  }
0xb0: {  	_ =	task.clear_ibuf [dreg:s6], $0x4FFFF;
	_ =	strace $0x9000004C  }
0xb1: {  	s29 =	simm.s32 $0x9;
	_ =	strace $0x8000004E  }
0xb2: {  	_ =	swait.ge [sflag:s29], $0x1  }
0xb3: {  	[sflag:s29] =	ssyncadd.s32 $0xFFFFFFFF  }
0xb4: {  	_ =	strace $0x9000004E  }
0xb5: {  	_ =	sfence  }
0xb6: {  	s30 =	sld [smem:$0x0];
	_ =	sdelay $0x2  }
0xb7: {  	s31 =	sshll.u32 s1, $0xD;
	s1 =	sshrl.u32 s1, $0x2  }
0xb8: {  	s3 =	sand.u32 $0x4000, s31;
	s1 =	sadd.s32 s1, s30  }
0xb9: {  	s0 =	sor.u32 s3, s0;
	s1 =	sshll.u32 s1, $0x11  }
0xba: {  	s0 =	sor.u32 s1, s0  }
0xbb: {  	s0 =	sadd.s32 $0x8F2B, s0  }
0xbc: {  	[sflag:s0] =	ssyncadd.remote.s32 $0x1  }
0xbd: {  	_ =	sfence.sel $0xFFFF  }
0xbe: {  	[dreg:$0x0] =	wrdreg $0xFFFFFFFF;
	(pc) =	sbr.abs _section_cstart, $3  }
0xbf: {  	[dreg:$0x1] =	wrdreg $0xFFFFFFFF  }
0xc0: {  	_ =	task.clear_ibuf [dreg:s6], $0x2FFFF;
	_ =	strace $0x9FFFFFFF  }
0xc1: {  	(tm) =	ssettm $0x7FFFFFFF  }
tec
execute0_lowered:
.L_overlay_start_1:
0x0: {  	(tag) =	ssettag $0x1  }
0x1: {  	s0 =	rddreg [dreg:$0x0];
	s1 =	srdreg.scid;
	s2 =	simm.s32 $0x0  }
0x2: {  	s14 =	stileid.u32;
	s28 =	simm.s32 $0x88B8;
	s29 =	simm.s32 $0x1  }
0x3: {  	s30 =	simm.s32 $0x7D0;
	s31 =	simm.s32 $0x8CA0;
	[smem:$0x7FF] =	sst s2  }
0x4: {  	s1 =	sand.u32 $0x1, s1;
	s4 =	sadd.s32 $0x145600, s0;
	s5 =	sadd.s32 $0x5BDE00, s0  }
0x5: {  	s25 =	smul.u32 $0xC350, s14;
	s3 =	sshll.u32 s1, $0x4;
	_ =	strace $0x8000004D  }
0x6: {  	s6 =	ssub.s32 $0x2, s1;
	s1 =	smul.u32 $0xC3500, s1;
	s7 =	sor.u32 s14, s3  }
0x7: {  	s9 =	sadd.s32 $0x4800, s0;
	s3 =	sadd.s32 $0x129A00, s0;
	s8 =	smul.u32 $0xC350, s7  }
0x8: {  	s10 =	sshrl.u32 s6, $0x1;
	s13 =	smul.u32 $0x186A0, s7;
	s1 =	sadd.s32 s25, s1  }
0x9: {  	s0 =	ssub.s32 s6, s10;
	s7 =	smul.u32 $0xC3500, s7;
	s16 =	sadd.s32 $0x187D88, s1  }
0xa: {  	s18 =	sshrl.u32 s8, $0x3;
	s19 =	sadd.s32 $0x3E8, s8;
	s11 =	sadd.s32 $0x186DE8, s8  }
0xb: {  	s20 =	sadd.s32 s4, s13;
	s21 =	sadd.s32 s5, s13;
	s24 =	sadd.s32 $0xBB8, s8  }
0xc: {  	s8 =	sadd.s32 $0x1875B8, s8;
	s7 =	sshrl.u32 s7, $0x3;
	[dreg:$0xa] =	wrdreg s20  }
0xd: {  	s17 =	sshrl.u32 s16, $0x3;
	s6 =	sadd.s32 s9, s18;
	[dreg:$0xb] =	wrdreg s21  }
0xe: {  	s12 =	sshrl.u32 s19, $0x3;
	s20 =	sadd.s32 s17, s9;
	[dreg:$0x6] =	wrdreg s6  }
0xf: {  	s11 =	sshrl.u32 s11, $0x3;
	s15 =	sadd.s32 $0x30D40, s6;
	[dreg:$0x3] =	wrdreg s20  }
0x10: {  	s10 =	sshll.u32 s19, $0x1;
	s12 =	sadd.s32 s9, s12;
	[dreg:$0x7] =	wrdreg s15  }
0x11: {  	s8 =	sshrl.u32 s8, $0x3;
	s11 =	sadd.s32 s9, s11;
	[dreg:$0x8] =	wrdreg s12  }
0x12: {  	s14 =	sadd.s32 $0x17700, s7;
	s22 =	sadd.s32 $0xFA, s6;
	[dreg:$0x9] =	wrdreg s11  }
0x13: {  	s18 =	sadd.s32 $0xFA0, s1;
	s6 =	sadd.s32 $0x30E3A, s6;
	[dreg:$0xc] =	wrdreg s22  }
0x14: {  	s7 =	sadd.s32 $0x17ED0, s7;
	s23 =	sadd.s32 s4, s10;
	[dreg:$0xd] =	wrdreg s6  }
0x15: {  	s26 =	sadd.s32 s5, s10;
	s13 =	sadd.s32 s9, s8;
	[dreg:$0xe] =	wrdreg s23  }
0x16: {  	s19 =	sadd.s32 s5, s14;
	s21 =	sshrl.u32 s18, $0x3;
	[dreg:$0xf] =	wrdreg s26  }
0x17: {  	s8 =	simm.s32 $0xCB20;
	s6 =	sshrl.u32 s24, $0x3;
	[dreg:$0x11] =	wrdreg s13  }
0x18: {  	s12 =	sadd.s32 $0x1388, s1;
	s15 =	sadd.s32 s4, s14;
	[dreg:$0x13] =	wrdreg s19  }
0x19: {  	s22 =	sadd.s32 s21, s9;
	s23 =	sadd.s32 s4, s7;
	s24 =	sadd.s32 $0x1879A0, s1  }
0x1a: {  	s21 =	sadd.s32 s5, s7;
	s1 =	sshll.u32 s1, $0x1;
	s7 =	simm.s32 $0x4650  }
0x1b: {  	s13 =	simm.s32 $0x8;
	s14 =	simm.s32 $0x0;
	[dreg:$0x12] =	wrdreg s15  }
0x1c: {  	s11 =	sadd.s32 s9, s6;
	s10 =	sshrl.u32 s12, $0x3;
	[dreg:$0x14] =	wrdreg s23  }
0x1d: {  	[dreg:$0x4] =	wrdreg s22;
	s25 =	sshrl.u32 s24, $0x3;
	s22 =	smax.u32 s0, $0x1  }
0x1e: {  	s23 =	sadd.s32 $0x1770, s1;
	s24 =	sadd.s32 $0xFA0, s1;
	s0 =	simm.s32 $0x3  }
0x1f: {  	s1 =	simm.s32 $0x2;
	s12 =	simm.s32 $0x6;
	[dreg:$0x10] =	wrdreg s11  }
0x20: {  	s10 =	sadd.s32 s10, s9;
	s26 =	sadd.s32 s25, s9;
	s25 =	simm.s32 $0x84D0  }
0x21: {  	s9 =	simm.s32 $0x4;
	s11 =	simm.s32 $0x7;
	[dreg:$0x2] =	wrdreg s10  }
0x22: {  	[dreg:$0x5] =	wrdreg s26;
	s26 =	simm.s32 $0x3E8;
	s10 =	simm.s32 $0x5  }
.LBB2_1:
0x23: {  	s6 =	rddreg [dreg:$0x6]  }
0x24: {  	[tilespmem:s2], [sflag:$0x1] =	stream.linear.gather [hbm4b:s6+s2], $0x3E8, $0x38;
	[tilespmem:$0x109A0] =	vst v63  }
0x25: {  	s15 =	rddreg [dreg:$0x7]  }
0x26: {  	[tilespmem:s25], [sflag:$0x1] =	stream.linear.gather [hbm4b:s15+s2], $0x3E8, $0x38;
	[tilespmem:$0x109A0] =	vst v63  }
0x27: {  	s16 =	rddreg [dreg:$0x8]  }
0x28: {  	[tilespmem:s26], [sflag:$0x2] =	stream.linear.gather [hbm4b:s16+s2], $0x3E8, $0x38;
	[tilespmem:$0x109A0] =	vst v63  }
0x29: {  	s17 =	rddreg [dreg:$0x9]  }
0x2a: {  	[tilespmem:s28], [sflag:$0x2] =	stream.linear.gather [hbm4b:s17+s2], $0x3E8, $0x38;
	[tilespmem:$0x109A0] =	vst v63  }
0x2b: {  	_ =	swait.ge [sflag:s29], $0x3E8  }
0x2c: {  	[sflag:s29] =	ssyncset.done $0x0  }
0x2d: {  	[sflag:s29] =	ssyncadd.s32 $0xFFFFFC18  }
0x2e: {  	_ =	swait.ge [sflag:s29], $0x3E8  }
0x2f: {  	[sflag:s29] =	ssyncset.done $0x0  }
0x30: {  	[sflag:s29] =	ssyncadd.s32 $0xFFFFFC18  }
0x31: {  	[tilespmem:s30], [sflag:$0x3] =	stream.indirect.gather [hbm4b:s3+s26], $0x10, s2, s26, $0xb8;
	[tilespmem:$0x109A0] =	vst v63  }
0x32: {  	_ = 	snop  }
0x33: {  	[tilespmem:s31], [sflag:$0x3] =	stream.indirect.gather [hbm4b:s3+s26], $0x10, s25, s26, $0xb8;
	[tilespmem:$0x109A0] =	vst v63  }
0x34: {  	_ =	swait.ge [sflag:s0], $0x3E80  }
0x35: {  	[sflag:s0] =	ssyncset.done $0x0  }
0x36: {  	[sflag:s0] =	ssyncadd.s32 $0xFFFFC180  }
0x37: {  	_ =	swait.ge [sflag:s0], $0x3E80  }
0x38: {  	[sflag:s0] =	ssyncset.done $0x0  }
0x39: {  	s18 =	rddreg [dreg:$0xa];
	[sflag:s0] =	ssyncadd.s32 $0xFFFFC180  }
0x3a: {  	[hbm4b:s18+s2] =	stream.linear.scatter [tilespmem:s30], [sflag:$0x5], $0x3E80, $0x38;
	[tilespmem:$0x109A0] =	vst v63  }
0x3b: {  	s19 =	rddreg [dreg:$0xb]  }
0x3c: {  	[hbm4b:s19+s2] =	stream.linear.scatter [tilespmem:s31], [sflag:$0x7], $0x3E80, $0x38;
	[tilespmem:$0x109A0] =	vst v63  }
0x3d: {  	s20 =	rddreg [dreg:$0xc]  }
0x3e: {  	[tilespmem:s2], [sflag:$0x1] =	stream.linear.gather [hbm4b:s20+s2], $0x3E8, $0x38;
	[tilespmem:$0x109A0] =	vst v63  }
0x3f: {  	s15 =	rddreg [dreg:$0xd]  }
0x40: {  	[tilespmem:s25], [sflag:$0x1] =	stream.linear.gather [hbm4b:s15+s2], $0x3E8, $0x38;
	[tilespmem:$0x109A0] =	vst v63  }
0x41: {  	_ =	swait.ge [sflag:s1], $0x3E8  }
0x42: {  	[sflag:s1] =	ssyncset.done $0x0  }
0x43: {  	[sflag:s1] =	ssyncadd.s32 $0xFFFFFC18  }
0x44: {  	_ =	swait.ge [sflag:s1], $0x3E8  }
0x45: {  	[sflag:s1] =	ssyncset.done $0x0  }
0x46: {  	[sflag:s1] =	ssyncadd.s32 $0xFFFFFC18  }
0x47: {  	[tilespmem:s7], [sflag:$0x4] =	stream.indirect.gather [hbm4b:s3+s26], $0x10, s26, s26, $0xb8;
	[tilespmem:$0x109A0] =	vst v63  }
0x48: {  	_ = 	snop  }
0x49: {  	[tilespmem:s8], [sflag:$0x4] =	stream.indirect.gather [hbm4b:s3+s26], $0x10, s28, s26, $0xb8;
	[tilespmem:$0x109A0] =	vst v63  }
0x4a: {  	_ =	swait.ge [sflag:s9], $0x3E80  }
0x4b: {  	[sflag:s9] =	ssyncset.done $0x0  }
0x4c: {  	[sflag:s9] =	ssyncadd.s32 $0xFFFFC180  }
0x4d: {  	_ =	swait.ge [sflag:s9], $0x3E80  }
0x4e: {  	[sflag:s9] =	ssyncset.done $0x0  }
0x4f: {  	s16 =	rddreg [dreg:$0xe];
	[sflag:s9] =	ssyncadd.s32 $0xFFFFC180  }
0x50: {  	[hbm4b:s16+s2] =	stream.linear.scatter [tilespmem:s7], [sflag:$0x6], $0x3E80, $0x38;
	[tilespmem:$0x109A0] =	vst v63  }
0x51: {  	s17 =	rddreg [dreg:$0xf]  }
0x52: {  	[hbm4b:s17+s2] =	stream.linear.scatter [tilespmem:s8], [sflag:$0x8], $0x3E80, $0x38;
	[tilespmem:$0x109A0] =	vst v63  }
0x53: {  	s18 =	rddreg [dreg:$0x10]  }
0x54: {  	[tilespmem:s26], [sflag:$0x2] =	stream.linear.gather [hbm4b:s18+s2], $0x3E8, $0x38;
	[tilespmem:$0x109A0] =	vst v63  }
0x55: {  	s19 =	rddreg [dreg:$0x11]  }
0x56: {  	[tilespmem:s28], [sflag:$0x2] =	stream.linear.gather [hbm4b:s19+s2], $0x3E8, $0x38;
	[tilespmem:$0x109A0] =	vst v63  }
0x57: {  	_ =	swait.ge [sflag:s29], $0x3E8  }
0x58: {  	[sflag:s29] =	ssyncset.done $0x0  }
0x59: {  	[sflag:s29] =	ssyncadd.s32 $0xFFFFFC18  }
0x5a: {  	_ =	swait.ge [sflag:s29], $0x3E8  }
0x5b: {  	[sflag:s29] =	ssyncset.done $0x0  }
0x5c: {  	[sflag:s29] =	ssyncadd.s32 $0xFFFFFC18  }
0x5d: {  	_ =	swait.ge [sflag:s10], $0x3E80  }
0x5e: {  	[sflag:s10] =	ssyncset.done $0x0  }
0x5f: {  	[sflag:s10] =	ssyncadd.s32 $0xFFFFC180  }
0x60: {  	_ =	swait.ge [sflag:s11], $0x3E80  }
0x61: {  	[sflag:s11] =	ssyncset.done $0x0  }
0x62: {  	[sflag:s11] =	ssyncadd.s32 $0xFFFFC180  }
0x63: {  	[tilespmem:s30], [sflag:$0x3] =	stream.indirect.gather [hbm4b:s3+s26], $0x10, s2, s26, $0xb8;
	[tilespmem:$0x109A0] =	vst v63  }
0x64: {  	_ = 	snop  }
0x65: {  	[tilespmem:s31], [sflag:$0x3] =	stream.indirect.gather [hbm4b:s3+s26], $0x10, s25, s26, $0xb8;
	[tilespmem:$0x109A0] =	vst v63  }
0x66: {  	_ =	swait.ge [sflag:s0], $0x3E80  }
0x67: {  	[sflag:s0] =	ssyncset.done $0x0  }
0x68: {  	[sflag:s0] =	ssyncadd.s32 $0xFFFFC180  }
0x69: {  	_ =	swait.ge [sflag:s0], $0x3E80  }
0x6a: {  	[sflag:s0] =	ssyncset.done $0x0  }
0x6b: {  	s15 =	sadd.s32 s4, s24;
	[sflag:s0] =	ssyncadd.s32 $0xFFFFC180  }
0x6c: {  	[hbm4b:s15+s2] =	stream.linear.scatter [tilespmem:s30], [sflag:$0x5], $0x3E80, $0x38;
	[tilespmem:$0x109A0] =	vst v63  }
0x6d: {  	s20 =	sadd.s32 s5, s24;
	s16 =	rddreg [dreg:$0x4]  }
0x6e: {  	[hbm4b:s20+s2] =	stream.linear.scatter [tilespmem:s31], [sflag:$0x7], $0x3E80, $0x38;
	[tilespmem:$0x109A0] =	vst v63  }
0x6f: {  	s17 =	rddreg [dreg:$0x5];
	s6 =	sadd.s32 $0x0, s16  }
0x70: {  	[tilespmem:s2], [sflag:$0x1] =	stream.linear.gather [hbm4b:s6+s2], $0x3E8, $0x38;
	[tilespmem:$0x109A0] =	vst v63  }
0x71: {  	s16 =	sadd.s32 $0x0, s17  }
0x72: {  	[tilespmem:s25], [sflag:$0x1] =	stream.linear.gather [hbm4b:s16+s2], $0x3E8, $0x38;
	[tilespmem:$0x109A0] =	vst v63  }
0x73: {  	_ =	swait.ge [sflag:s1], $0x3E8  }
0x74: {  	[sflag:s1] =	ssyncset.done $0x0  }
0x75: {  	[sflag:s1] =	ssyncadd.s32 $0xFFFFFC18  }
0x76: {  	_ =	swait.ge [sflag:s1], $0x3E8  }
0x77: {  	[sflag:s1] =	ssyncset.done $0x0  }
0x78: {  	[sflag:s1] =	ssyncadd.s32 $0xFFFFFC18  }
0x79: {  	_ =	swait.ge [sflag:s12], $0x3E80  }
0x7a: {  	[sflag:s12] =	ssyncset.done $0x0  }
0x7b: {  	[sflag:s12] =	ssyncadd.s32 $0xFFFFC180  }
0x7c: {  	_ =	swait.ge [sflag:s13], $0x3E80  }
0x7d: {  	[sflag:s13] =	ssyncset.done $0x0  }
0x7e: {  	[sflag:s13] =	ssyncadd.s32 $0xFFFFC180  }
0x7f: {  	[tilespmem:s7], [sflag:$0x4] =	stream.indirect.gather [hbm4b:s3+s26], $0x10, s26, s26, $0xb8;
	[tilespmem:$0x109A0] =	vst v63  }
0x80: {  	_ = 	snop  }
0x81: {  	[tilespmem:s8], [sflag:$0x4] =	stream.indirect.gather [hbm4b:s3+s26], $0x10, s28, s26, $0xb8;
	[tilespmem:$0x109A0] =	vst v63  }
0x82: {  	_ =	swait.ge [sflag:s9], $0x3E80  }
0x83: {  	[sflag:s9] =	ssyncset.done $0x0  }
0x84: {  	[sflag:s9] =	ssyncadd.s32 $0xFFFFC180  }
0x85: {  	_ =	swait.ge [sflag:s9], $0x3E80  }
0x86: {  	[sflag:s9] =	ssyncset.done $0x0  }
0x87: {  	s18 =	sadd.s32 s4, s23;
	[sflag:s9] =	ssyncadd.s32 $0xFFFFC180  }
0x88: {  	[hbm4b:s18+s2] =	stream.linear.scatter [tilespmem:s7], [sflag:$0x6], $0x3E80, $0x38;
	[tilespmem:$0x109A0] =	vst v63  }
0x89: {  	s19 =	sadd.s32 s5, s23;
	s17 =	rddreg [dreg:$0x2]  }
0x8a: {  	[hbm4b:s19+s2] =	stream.linear.scatter [tilespmem:s8], [sflag:$0x8], $0x3E80, $0x38;
	[tilespmem:$0x109A0] =	vst v63  }
0x8b: {  	s16 =	sadd.s32 $0xFA0, s4;
	s20 =	rddreg [dreg:$0x3];
	s15 =	sadd.s32 $0x0, s17  }
0x8c: {  	[tilespmem:s26], [sflag:$0x2] =	stream.linear.gather [hbm4b:s15+s2], $0x3E8, $0x38;
	[tilespmem:$0x109A0] =	vst v63  }
0x8d: {  	s17 =	sadd.s32 $0xFA0, s5;
	s18 =	sadd.s32 $0x0, s20;
	s15 =	simm.s32 $0xFA  }
.LBB2_2:
0x8e: {  	[tilespmem:s28], [sflag:$0x2] =	stream.linear.gather [hbm4b:s18+s2], $0x3E8, $0x38;
	[tilespmem:$0x109A0] =	vst v63  }
0x8f: {  	_ =	swait.ge [sflag:s29], $0x3E8  }
0x90: {  	[sflag:s29] =	ssyncset.done $0x0  }
0x91: {  	[sflag:s29] =	ssyncadd.s32 $0xFFFFFC18  }
0x92: {  	_ =	swait.ge [sflag:s29], $0x3E8  }
0x93: {  	[sflag:s29] =	ssyncset.done $0x0  }
0x94: {  	[sflag:s29] =	ssyncadd.s32 $0xFFFFFC18  }
0x95: {  	_ =	swait.ge [sflag:s10], $0x3E80  }
0x96: {  	[sflag:s10] =	ssyncset.done $0x0  }
0x97: {  	[sflag:s10] =	ssyncadd.s32 $0xFFFFC180  }
0x98: {  	_ =	swait.ge [sflag:s11], $0x3E80  }
0x99: {  	[sflag:s11] =	ssyncset.done $0x0  }
0x9a: {  	[sflag:s11] =	ssyncadd.s32 $0xFFFFC180  }
0x9b: {  	[tilespmem:s30], [sflag:$0x3] =	stream.indirect.gather [hbm4b:s3+s26], $0x10, s2, s26, $0xb8;
	[tilespmem:$0x109A0] =	vst v63  }
0x9c: {  	_ = 	snop  }
0x9d: {  	[tilespmem:s31], [sflag:$0x3] =	stream.indirect.gather [hbm4b:s3+s26], $0x10, s25, s26, $0xb8;
	[tilespmem:$0x109A0] =	vst v63  }
0x9e: {  	_ =	swait.ge [sflag:s0], $0x3E80  }
0x9f: {  	[sflag:s0] =	ssyncset.done $0x0  }
0xa0: {  	[sflag:s0] =	ssyncadd.s32 $0xFFFFC180  }
0xa1: {  	_ =	swait.ge [sflag:s0], $0x3E80  }
0xa2: {  	[sflag:s0] =	ssyncset.done $0x0  }
0xa3: {  	s6 =	sadd.s32 s16, s24;
	[sflag:s0] =	ssyncadd.s32 $0xFFFFC180  }
0xa4: {  	[hbm4b:s6+s2] =	stream.linear.scatter [tilespmem:s30], [sflag:$0x5], $0x3E80, $0x38;
	[tilespmem:$0x109A0] =	vst v63  }
0xa5: {  	s18 =	smov.u32 s15;
	s19 =	rddreg [dreg:$0x4];
	s6 =	sadd.s32 s17, s24  }
0xa6: {  	[hbm4b:s6+s2] =	stream.linear.scatter [tilespmem:s31], [sflag:$0x7], $0x3E80, $0x38;
	[tilespmem:$0x109A0] =	vst v63  }
0xa7: {  	s20 =	rddreg [dreg:$0x5];
	s19 =	sadd.s32 s18, s19  }
0xa8: {  	[tilespmem:s2], [sflag:$0x1] =	stream.linear.gather [hbm4b:s19+s2], $0x3E8, $0x38;
	[tilespmem:$0x109A0] =	vst v63  }
0xa9: {  	s20 =	sadd.s32 s18, s20  }
0xaa: {  	[tilespmem:s25], [sflag:$0x1] =	stream.linear.gather [hbm4b:s20+s2], $0x3E8, $0x38;
	[tilespmem:$0x109A0] =	vst v63  }
0xab: {  	_ =	swait.ge [sflag:s1], $0x3E8  }
0xac: {  	[sflag:s1] =	ssyncset.done $0x0  }
0xad: {  	[sflag:s1] =	ssyncadd.s32 $0xFFFFFC18  }
0xae: {  	_ =	swait.ge [sflag:s1], $0x3E8  }
0xaf: {  	[sflag:s1] =	ssyncset.done $0x0  }
0xb0: {  	[sflag:s1] =	ssyncadd.s32 $0xFFFFFC18  }
0xb1: {  	_ =	swait.ge [sflag:s12], $0x3E80  }
0xb2: {  	[sflag:s12] =	ssyncset.done $0x0  }
0xb3: {  	[sflag:s12] =	ssyncadd.s32 $0xFFFFC180  }
0xb4: {  	_ =	swait.ge [sflag:s13], $0x3E80  }
0xb5: {  	[sflag:s13] =	ssyncset.done $0x0  }
0xb6: {  	[sflag:s13] =	ssyncadd.s32 $0xFFFFC180  }
0xb7: {  	[tilespmem:s7], [sflag:$0x4] =	stream.indirect.gather [hbm4b:s3+s26], $0x10, s26, s26, $0xb8;
	[tilespmem:$0x109A0] =	vst v63  }
0xb8: {  	_ = 	snop  }
0xb9: {  	[tilespmem:s8], [sflag:$0x4] =	stream.indirect.gather [hbm4b:s3+s26], $0x10, s28, s26, $0xb8;
	[tilespmem:$0x109A0] =	vst v63  }
0xba: {  	_ =	swait.ge [sflag:s9], $0x3E80  }
0xbb: {  	[sflag:s9] =	ssyncset.done $0x0  }
0xbc: {  	[sflag:s9] =	ssyncadd.s32 $0xFFFFC180  }
0xbd: {  	_ =	swait.ge [sflag:s9], $0x3E80  }
0xbe: {  	[sflag:s9] =	ssyncset.done $0x0  }
0xbf: {  	p0 =	sne.s32 s15, $0x157C;
	s19 =	sadd.s32 s16, s23;
	[sflag:s9] =	ssyncadd.s32 $0xFFFFC180  }
0xc0: {  	[hbm4b:s19+s2] =	stream.linear.scatter [tilespmem:s7], [sflag:$0x6], $0x3E80, $0x38;
	[tilespmem:$0x109A0] =	vst v63  }
.Ltmp0:
0xc1: {  	s15 =	sadd.s32 $0xFA, s15;
	s6 =	rddreg [dreg:$0x2];
	(pc) =	sbr.rel @p0 .LBB2_2-.Ltmp0, $4  }
0xc2: {  	s16 =	sadd.s32 $0xFA0, s16;
	s20 =	rddreg [dreg:$0x3];
	s19 =	sadd.s32 s17, s23  }
0xc3: {  	[hbm4b:s19+s2] =	stream.linear.scatter [tilespmem:s8], [sflag:$0x8], $0x3E80, $0x38;
	[tilespmem:$0x109A0] =	vst v63  }
0xc4: {  	s6 =	sadd.s32 s18, s6;
	s18 =	sadd.s32 s18, s20;
	s17 =	sadd.s32 $0xFA0, s17  }
0xc5: {  	[tilespmem:s26], [sflag:$0x2] =	stream.linear.gather [hbm4b:s6+s2], $0x3E8, $0x38;
	[tilespmem:$0x109A0] =	vst v63  }
0xc6: {  	[tilespmem:s28], [sflag:$0x2] =	stream.linear.gather [hbm4b:s18+s2], $0x3E8, $0x38;
	[tilespmem:$0x109A0] =	vst v63  }
0xc7: {  	_ =	swait.ge [sflag:s29], $0x3E8  }
0xc8: {  	[sflag:s29] =	ssyncset.done $0x0  }
0xc9: {  	[sflag:s29] =	ssyncadd.s32 $0xFFFFFC18  }
0xca: {  	_ =	swait.ge [sflag:s29], $0x3E8  }
0xcb: {  	[sflag:s29] =	ssyncset.done $0x0  }
0xcc: {  	[sflag:s29] =	ssyncadd.s32 $0xFFFFFC18  }
0xcd: {  	_ =	swait.ge [sflag:s10], $0x3E80  }
0xce: {  	[sflag:s10] =	ssyncset.done $0x0  }
0xcf: {  	[sflag:s10] =	ssyncadd.s32 $0xFFFFC180  }
0xd0: {  	_ =	swait.ge [sflag:s11], $0x3E80  }
0xd1: {  	[sflag:s11] =	ssyncset.done $0x0  }
0xd2: {  	[sflag:s11] =	ssyncadd.s32 $0xFFFFC180  }
0xd3: {  	[tilespmem:s30], [sflag:$0x3] =	stream.indirect.gather [hbm4b:s3+s26], $0x10, s2, s26, $0xb8;
	[tilespmem:$0x109A0] =	vst v63  }
0xd4: {  	_ = 	snop  }
0xd5: {  	[tilespmem:s31], [sflag:$0x3] =	stream.indirect.gather [hbm4b:s3+s26], $0x10, s25, s26, $0xb8;
	[tilespmem:$0x109A0] =	vst v63  }
0xd6: {  	_ =	swait.ge [sflag:s0], $0x3E80  }
0xd7: {  	[sflag:s0] =	ssyncset.done $0x0  }
0xd8: {  	[sflag:s0] =	ssyncadd.s32 $0xFFFFC180  }
0xd9: {  	_ =	swait.ge [sflag:s0], $0x3E80  }
0xda: {  	[sflag:s0] =	ssyncset.done $0x0  }
0xdb: {  	s6 =	rddreg [dreg:$0x12];
	[sflag:s0] =	ssyncadd.s32 $0xFFFFC180  }
0xdc: {  	[hbm4b:s6+s2] =	stream.linear.scatter [tilespmem:s30], [sflag:$0x5], $0x3E80, $0x38;
	[tilespmem:$0x109A0] =	vst v63  }
0xdd: {  	s19 =	rddreg [dreg:$0x13]  }
0xde: {  	[hbm4b:s19+s2] =	stream.linear.scatter [tilespmem:s31], [sflag:$0x7], $0x3E80, $0x38;
	[tilespmem:$0x109A0] =	vst v63  }
0xdf: {  	_ =	swait.ge [sflag:s1], $0x3E8  }
0xe0: {  	[sflag:s1] =	ssyncset.done $0x0  }
0xe1: {  	[sflag:s1] =	ssyncadd.s32 $0xFFFFFC18  }
0xe2: {  	_ =	swait.ge [sflag:s1], $0x3E8  }
0xe3: {  	[sflag:s1] =	ssyncset.done $0x0  }
0xe4: {  	[sflag:s1] =	ssyncadd.s32 $0xFFFFFC18  }
0xe5: {  	_ =	swait.ge [sflag:s12], $0x3E80  }
0xe6: {  	[sflag:s12] =	ssyncset.done $0x0  }
0xe7: {  	[sflag:s12] =	ssyncadd.s32 $0xFFFFC180  }
0xe8: {  	_ =	swait.ge [sflag:s13], $0x3E80  }
0xe9: {  	[sflag:s13] =	ssyncset.done $0x0  }
0xea: {  	[sflag:s13] =	ssyncadd.s32 $0xFFFFC180  }
0xeb: {  	[tilespmem:s7], [sflag:$0x4] =	stream.indirect.gather [hbm4b:s3+s26], $0x10, s26, s26, $0xb8;
	[tilespmem:$0x109A0] =	vst v63  }
0xec: {  	_ = 	snop  }
0xed: {  	[tilespmem:s8], [sflag:$0x4] =	stream.indirect.gather [hbm4b:s3+s26], $0x10, s28, s26, $0xb8;
	[tilespmem:$0x109A0] =	vst v63  }
0xee: {  	_ =	swait.ge [sflag:s9], $0x3E80  }
0xef: {  	[sflag:s9] =	ssyncset.done $0x0  }
0xf0: {  	[sflag:s9] =	ssyncadd.s32 $0xFFFFC180  }
0xf1: {  	_ =	swait.ge [sflag:s9], $0x3E80  }
0xf2: {  	[sflag:s9] =	ssyncset.done $0x0  }
0xf3: {  	s20 =	rddreg [dreg:$0x14];
	[sflag:s9] =	ssyncadd.s32 $0xFFFFC180  }
0xf4: {  	[hbm4b:s20+s2] =	stream.linear.scatter [tilespmem:s7], [sflag:$0x6], $0x3E80, $0x38;
	[tilespmem:$0x109A0] =	vst v63  }
0xf5: {  	_ = 	snop  }
0xf6: {  	[hbm4b:s21+s2] =	stream.linear.scatter [tilespmem:s8], [sflag:$0x8], $0x3E80, $0x38;
	[tilespmem:$0x109A0] =	vst v63  }
0xf7: {  	_ =	swait.ge [sflag:s10], $0x3E80  }
0xf8: {  	[sflag:s10] =	ssyncset.done $0x0  }
0xf9: {  	[sflag:s10] =	ssyncadd.s32 $0xFFFFC180  }
0xfa: {  	_ =	swait.ge [sflag:s11], $0x3E80  }
0xfb: {  	[sflag:s11] =	ssyncset.done $0x0  }
0xfc: {  	s14 =	sadd.s32 $0x1, s14;
	[sflag:s11] =	ssyncadd.s32 $0xFFFFC180  }
0xfd: {  	p0 =	sne.s32 s14, s22;
	_ =	swait.ge [sflag:s12], $0x3E80  }
.Ltmp1:
0xfe: {  	[sflag:s12] =	ssyncset.done $0x0;
	(pc) =	sbr.rel @p0 .LBB2_1-.Ltmp1, $4  }
0xff: {  	[sflag:s12] =	ssyncadd.s32 $0xFFFFC180  }
0x100: {  	_ =	swait.ge [sflag:s13], $0x3E80  }
0x101: {  	[sflag:s13] =	ssyncset.done $0x0  }
0x102: {  	[sflag:s13] =	ssyncadd.s32 $0xFFFFC180  }
0x103: {  	_ =	sfence.sel $0x180000  }
0x104: {  	[bflag:$0x0] =	sbarrier.arrive $0xFFFF  }
0x105: {  	_ =	strace $0x9000004D  }
0x106: {  	s0 =	stileid.u32;
	[bflag:$0x2] =	sbarrier.arrive $0xFFFF  }
0x107: {  	p0 =	sne.s32 s0, $0x0;
	s0 =	rddreg [dreg:$0x1]  }
0x108: {  	s0 =	sadd.s32 @!p0 $0x100000, s0  }
0x109: {  	[sflag:s0] =	ssyncadd.tile.s32 @!p0 $0x1;
	_ =	shalt  }
.Lfunc_end2:
_tile_overlayer_lowered:
.L_overlay_start_2:
0x10a: {  	(tag) =	ssettag $0x2  }
0x10b: {  	s0 =	rddreg [dreg:$0x0];
	s2 =	stileid.u32  }
0x10c: {  	s1 =	rddreg [dreg:$0x1];
	p0 =	sne.s32 s2, $0x0  }
0x10d: {  	s3 =	rddreg [dreg:$0x2];
	[bflag:$0x3] =	sbarrier.arrive $0xFFFF;
	s2 =	simm.s32 @!p0 $0x1C09  }
0x10e: {  	[timem:s3], [sflag:s2] =	dma.local @!p0 [hbm:s0], s1  }
0x10f: {  	s0 =	simm.s32 @!p0 $0x9  }
0x110: {  	_ =	swait.ge @!p0 [sflag:s0], s1  }
0x111: {  	s1 =	ssub.s32 @!p0 $0x0, s1;
	[sflag:s0] =	ssyncset.done @!p0 $0x0  }
0x112: {  	[sflag:s0] =	ssyncadd.s32 @!p0 s1  }
0x113: {  	[bflag:$0x3] =	sbarrier.arrive $0xFFFF  }
0x114: {  	_ =	shalt  }

// kernel: kernel.20.cloned.1.call-start
scs
__scs_entry_jumppad:
0x0: {  	(pc) =	sbr.rel $0x88, $3  }
0x1: {  	(tag) =	ssettag $0x0;
	lr =	simm.s32 $0x1  }
0x2: {  	[smem:$0x3F96] =	sst lr;
	_ =	strace $0xD0000000  }
0x3: {  	_ = 	snop  }
0x4: {  	_ = 	snop  }
0x5: {  	_ = 	snop  }
0x6: {  	_ = 	snop  }
0x7: {  	_ = 	snop  }
__scs_overlays_trampoline_lowered:
0x8: {  	[smem:$0x3FA5] =	sst s0  }
0x9: {  	[smem:$0x3FA6] =	sst s1  }
0xa: {  	[smem:$0x3FA7] =	sst s2  }
0xb: {  	[smem:$0x3FA8] =	sst s3  }
0xc: {  	[smem:$0x3FA9] =	sst s4  }
0xd: {  	[smem:$0x3FAA] =	sst s5  }
0xe: {  	[smem:$0x3FAB] =	sst s6  }
0xf: {  	[smem:$0x3FAC] =	sst s7  }
0x10: {  	[smem:$0x3FAD] =	sst s8  }
0x11: {  	[smem:$0x3FAE] =	sst s9;
	s0 =	simm.s32 @!p0 $0x0  }
0x12: {  	s1 =	sld [smem:$0x3F94];
	s0 =	simm.s32 @p0 $0x1  }
0x13: {  	[smem:$0x3FAF] =	sst s0;
	s0 =	simm.s32 @!p1 $0x0  }
0x14: {  	s2 =	sld [smem:$0x3F93];
	s0 =	simm.s32 @p1 $0x1  }
0x15: {  	[smem:$0x3FB0] =	sst s0;
	s0 =	simm.s32 @!p2 $0x0  }
0x16: {  	s3 =	sld [smem:$0x3FDB];
	s0 =	simm.s32 @p2 $0x1  }
0x17: {  	s4 =	simm.s32 $0x1BF5;
	[smem:$0x3FB2] =	sst s0  }
0x18: {  	s0 =	sld [smem:$0x3F95];
	_ =	swait.ge [sflag:s4], $0x0  }
0x19: {  	s7 =	sld [smem:$0x3F96]  }
0x1a: {  	s8 =	sadd.s32 $0xFFFFE003, lr  }
0x1b: {  	s9 =	sadd.s32 $0xFFFFFEF7, lr;
	s5 =	simm.s32 $0xFFFFFFFF;
	p2 =	slt.u32 s8, $0xFFFFF086  }
0x1c: {  	p1 =	slt.u32 s9, $0xF7A;
	s5 =	simm.s32 @!p2 $0x0  }
0x1d: {  	s5 =	simm.s32 @p1 $0x1;
	p0 =	seq.s32 s7, s2  }
0x1e: {  	s7 =	smul.u32 @!p0 $0xF7A, s2;
	p2 =	seq.s32 @!p0 s5, $0x0  }
0x1f: {  	s9 =	smul.u32 $0xF7A, s1;
	s8 =	simm.s32 @!p0 $0x1BF5;
	p2 =	por !p2, p0  }
0x20: {  	[sflag:s8] =	ssyncset.s32 @!p0 $0xFFFFF086;
	s6 =	sadd.s32 @!p0 s3, s7;
	s7 =	simm.s32 @!p0 $0x108  }
0x21: {  	s3 =	sadd.s32 s3, s9;
	s6 =	sadd.s32 @!p0 $0x88, s6;
	s7 =	simm.s32 @p2 $0x1082  }
0x22: {  	[simem:s7], [sflag:s8] =	dma.local @!p0 [hbm:s6], $0xF7A  }
0x23: {  	s9 =	sor.u32 $0xD0000000, s2;
	s6 =	simm.s32 $0x108;
	_ =	swait.ge @!p0 [sflag:s8], $0x0  }
0x24: {  	s3 =	sadd.s32 $0x88, s3;
	s6 =	simm.s32 @!p1 $0x1082;
	[sflag:s4] =	ssyncset.s32 $0xFFFFF086  }
0x25: {  	[simem:s6], [sflag:s4] =	dma.local [hbm:s3], $0xF7A  }
0x26: {  	[smem:$0x3F96] =	sst s1;
	(tag) =	ssettag s2;
	_ =	strace s9  }
0x27: {  	s1 =	sld [smem:$0x3FA6]  }
0x28: {  	s2 =	sld [smem:$0x3FA7]  }
0x29: {  	s4 =	sld [smem:$0x3FA9]  }
0x2a: {  	p0 =	seq.s32 s5, $0x0;
	s5 =	sld [smem:$0x3FAA]  }
0x2b: {  	s6 =	sld [smem:$0x3FAB]  }
0x2c: {  	s7 =	sld [smem:$0x3FAC]  }
0x2d: {  	s3 =	simm.s32 $0x108;
	s8 =	sld [smem:$0x3FAD]  }
0x2e: {  	s3 =	simm.s32 @!p0 $0x1082;
	s9 =	sld [smem:$0x3FAE]  }
0x2f: {  	lr =	sadd.s32 s0, s3;
	s0 =	sld [smem:$0x3FA5]  }
0x30: {  	s3 =	sld [smem:$0x3FA8]  }
0x31: {  	[smem:$0x3FB1] =	sst s10  }
0x32: {  	s10 =	sld [smem:$0x3FAF];
	_ =	sdelay $0x3  }
0x33: {  	p0 =	seq.s32 s10, $0x1;
	s10 =	sld [smem:$0x3FB1];
	_ =	sdelay $0x3  }
0x34: {  	[smem:$0x3FB1] =	sst s10  }
0x35: {  	s10 =	sld [smem:$0x3FB0];
	_ =	sdelay $0x3  }
0x36: {  	p1 =	seq.s32 s10, $0x1;
	s10 =	sld [smem:$0x3FB1];
	_ =	sdelay $0x3  }
0x37: {  	[smem:$0x3FB1] =	sst s10  }
0x38: {  	s10 =	sld [smem:$0x3FB2]  }
0x39: {  	_ = 	snop;
	(pc) =	sbr.ind lr, $3  }
0x3a: {  	_ = 	snop  }
0x3b: {  	_ = 	snop  }
0x3c: {  	p2 =	seq.s32 s10, $0x1;
	s10 =	sld [smem:$0x3FB1]  }
0x3d: {  	_ =	shalt  }
0x3e: {  	_ =	shalt  }
0x3f: {  	_ =	shalt  }
0x40: {  	_ =	shalt  }
0x41: {  	_ =	shalt  }
0x42: {  	_ =	shalt  }
0x43: {  	_ =	shalt  }
0x44: {  	_ =	shalt  }
0x45: {  	_ =	shalt  }
0x46: {  	_ =	shalt  }
0x47: {  	_ =	shalt  }
0x48: {  	_ =	shalt  }
0x49: {  	_ =	shalt  }
0x4a: {  	_ =	shalt  }
0x4b: {  	_ =	shalt  }
0x4c: {  	_ =	shalt  }
0x4d: {  	_ =	shalt  }
0x4e: {  	_ =	shalt  }
0x4f: {  	_ =	shalt  }
0x50: {  	_ =	shalt  }
0x51: {  	_ =	shalt  }
0x52: {  	_ =	shalt  }
0x53: {  	_ =	shalt  }
0x54: {  	_ =	shalt  }
0x55: {  	_ =	shalt  }
0x56: {  	_ =	shalt  }
0x57: {  	_ =	shalt  }
0x58: {  	_ =	shalt  }
0x59: {  	_ =	shalt  }
0x5a: {  	_ =	shalt  }
0x5b: {  	_ =	shalt  }
0x5c: {  	_ =	shalt  }
0x5d: {  	_ =	shalt  }
0x5e: {  	_ =	shalt  }
0x5f: {  	_ =	shalt  }
0x60: {  	_ =	shalt  }
0x61: {  	_ =	shalt  }
0x62: {  	_ =	shalt  }
0x63: {  	_ =	shalt  }
0x64: {  	_ =	shalt  }
0x65: {  	_ =	shalt  }
0x66: {  	_ =	shalt  }
0x67: {  	_ =	shalt  }
0x68: {  	_ =	shalt  }
0x69: {  	_ =	shalt  }
0x6a: {  	_ =	shalt  }
0x6b: {  	_ =	shalt  }
0x6c: {  	_ =	shalt  }
0x6d: {  	_ =	shalt  }
0x6e: {  	_ =	shalt  }
0x6f: {  	_ =	shalt  }
0x70: {  	_ =	shalt  }
0x71: {  	_ =	shalt  }
0x72: {  	_ =	shalt  }
0x73: {  	_ =	shalt  }
0x74: {  	_ =	shalt  }
0x75: {  	_ =	shalt  }
0x76: {  	_ =	shalt  }
0x77: {  	_ =	shalt  }
0x78: {  	_ =	shalt  }
0x79: {  	_ =	shalt  }
0x7a: {  	_ =	shalt  }
0x7b: {  	_ =	shalt  }
0x7c: {  	_ =	shalt  }
0x7d: {  	_ =	shalt  }
0x7e: {  	_ =	shalt  }
0x7f: {  	_ =	shalt  }
0x80: {  	_ =	shalt  }
0x81: {  	_ =	shalt  }
0x82: {  	_ =	shalt  }
0x83: {  	_ =	shalt  }
0x84: {  	_ =	shalt  }
0x85: {  	_ =	shalt  }
0x86: {  	_ =	shalt  }
0x87: {  	_ =	shalt  }
.Lfunc_end0:
.L_simem_size_0:
called_computation.3_lowered:
.L_overlay_start_0:
0x88: {  	s2 =	sld [smem:$0x3FD9]  }
0x89: {  	s3 =	sld [smem:$0x3FFE];
	_ =	sdelay $0x1  }
0x8a: {  	s1 =	srdreg.scid  }
0x8b: {  	s0 =	sand.u32 $0x1, s1  }
0x8c: {  	s17 =	sshll.u32 s0, $0xA;
	s2 =	sadd.s32 s3, s2  }
0x8d: {  	s2 =	sadd.s32 s2, s17  }
0x8e: {  	[smem:$0x3FBD] =	sst s2  }
0x8f: {  	_ = 	snop  }
0x90: {  	s2 =	sld [smem:$0x3FD0];
	(tm) =	ssettm $0x1  }
0x91: {  	s18 =	sld [smem:$0x3FFB];
	_ =	sdelay $0x3  }
0x92: {  	_ =	strace s18  }
0x93: {  	s3 =	sld [smem:$0x3FFC];
	_ =	sdelay $0x3  }
0x94: {  	_ =	strace s3  }
0x95: {  	s3 =	sld [smem:$0x3FFD];
	_ =	sdelay $0x3  }
0x96: {  	_ =	strace s3  }
0x97: {  	_ =	strace $0x8FFFFFFF  }
0x98: {  	s19 =	sld [smem:$0x3FDB];
	_ =	sdelay $0x1  }
0x99: {  	s4 =	simm.s32 $_scs_section_size  }
0x9a: {  	s5 =	simm.s32 $_size__tile_overlayer_lowered;
	s6 =	simm.s32 $_tile_overlayer_lowered  }
0x9b: {  	s22 =	simm.s32 $0x1BFF;
	s21 =	sshll.u32 s6, $0x1;
	s3 =	sadd.s32 s4, s19  }
0x9c: {  	s7 =	simm.s32 $0x0;
	s20 =	sshll.u32 s5, $0x1;
	s5 =	sadd.s32 s21, s3  }
0x9d: {  	[timem:s7], [sflag:s22] =	dma.local [hbm:s5], s20  }
0x9e: {  	_ =	swait.ge [sflag:s22], s20  }
0x9f: {  	s4 =	ssub.s32 $0x0, s20;
	[sflag:s22] =	ssyncset.done $0x0  }
0xa0: {  	[sflag:s22] =	ssyncadd.s32 s4;
	_ =	sdelay $0x1  }
0xa1: {  	s23 =	simm.s32 $0x1B8B  }
0xa2: {  	_ =	swait.ge [sflag:s23], $0x1  }
0xa3: {  	[sflag:s23] =	ssyncset.done $0x0  }
0xa4: {  	s25 =	simm.s32 $0x1B8E;
	s24 =	sld [smem:$0x3FFE];
	[sflag:s23] =	ssyncadd.s32 $0xFFFFFFFF  }
0xa5: {  	s26 =	simm.s32 $execute0_lowered;
	[smem:$0x3FD2] =	sst s25  }
0xa6: {  	s5 =	sshll.u32 s26, $0x1;
	_ =	strace $0x8000004F;
	[dreg:$0x1] =	wrdreg $0xFFFFFFFF  }
0xa7: {  	s28 =	simm.s32 $_size_execute0_lowered;
	s3 =	sadd.s32 s3, s5;
	[dreg:$0x0] =	wrdreg $0x0  }
0xa8: {  	s5 =	sshll.u32 s28, $0x1;
	[dreg:$0x2] =	wrdreg s3  }
0xa9: {  	[dreg:$0x3] =	wrdreg s5  }
0xaa: {  	[dreg:$0x4] =	wrdreg $0xC0  }
0xab: {  	_ =	task [dreg:s7], $0x5FFFF  }
0xac: {  	[dreg:$0x1] =	wrdreg $0xFFFFFFFF  }
0xad: {  	[dreg:$0x0] =	wrdreg $0x60  }
0xae: {  	[dreg:$0x2] =	wrdreg s24  }
0xaf: {  	[dreg:$0x3] =	wrdreg s2  }
0xb0: {  	[dreg:$0x4] =	wrdreg $0xA7F80  }
0xb1: {  	[dreg:$0x5] =	wrdreg $0x9  }
0xb2: {  	_ =	task.clear_ibuf [dreg:s7], $0x6FFFF;
	_ =	strace $0x9000004F  }
0xb3: {  	s29 =	simm.s32 $0x9;
	_ =	strace $0x80000051  }
0xb4: {  	_ =	swait.ge [sflag:s29], $0x1  }
0xb5: {  	[sflag:s29] =	ssyncadd.s32 $0xFFFFFFFF  }
0xb6: {  	_ =	strace $0x90000051  }
0xb7: {  	_ =	sfence  }
0xb8: {  	s30 =	sld [smem:$0x0];
	_ =	sdelay $0x2  }
0xb9: {  	s31 =	sshll.u32 s1, $0xD;
	s1 =	sshrl.u32 s1, $0x2  }
0xba: {  	s3 =	sand.u32 $0x4000, s31;
	s1 =	sadd.s32 s1, s30  }
0xbb: {  	s0 =	sor.u32 s3, s0;
	s1 =	sshll.u32 s1, $0x11  }
0xbc: {  	s0 =	sor.u32 s1, s0  }
0xbd: {  	s0 =	sadd.s32 $0x8F2B, s0  }
0xbe: {  	[sflag:s0] =	ssyncadd.remote.s32 $0x1  }
0xbf: {  	_ =	sfence.sel $0xFFFF  }
0xc0: {  	[dreg:$0x0] =	wrdreg $0xFFFFFFFF;
	(pc) =	sbr.abs _section_cstart, $3  }
0xc1: {  	[dreg:$0x1] =	wrdreg $0xFFFFFFFF  }
0xc2: {  	_ =	task.clear_ibuf [dreg:s7], $0x2FFFF;
	_ =	strace $0x9FFFFFFF  }
0xc3: {  	(tm) =	ssettm $0x7FFFFFFF  }
tec
execute0_lowered:
.L_overlay_start_1:
0x0: {  	(tag) =	ssettag $0x1  }
0x1: {  	s10 =	rddreg [dreg:$0x0]  }
0x2: {  	s0 =	srdreg.scid;
	s1 =	rddreg [dreg:$0x1]  }
0x3: {  	s2 =	rddreg [dreg:$0x2];
	s15 =	stileid.u32  }
0x4: {  	s3 =	simm.s32 $0x0;
	s17 =	simm.s32 $0x129A00;
	s19 =	simm.s32 $0x1F40  }
0x5: {  	s20 =	simm.s32 $0x4268;
	s21 =	simm.s32 $0x1;
	s22 =	simm.s32 $0x3E8  }
0x6: {  	s8 =	sand.u32 $0x1, s0;
	[smem:$0x7FF] =	sst s3;
	s14 =	smul.u32 $0x61A8, s15  }
0x7: {  	s13 =	sadd.s32 $0x4800, s10;
	s12 =	sadd.s32 $0x15C3401, s10;
	s18 =	smul.u32 $0xC350, s15  }
0x8: {  	s4 =	sshll.u32 s8, $0x4;
	_ =	strace $0x80000050;
	s6 =	ssub.s32 $0x2, s8  }
0x9: {  	s16 =	smul.u32 $0xC3500, s8;
	p0 =	seq.s32 s8, $0x1;
	s4 =	sor.u32 s15, s4  }
0xa: {  	s23 =	sshrl.u32 s6, $0x1;
	s8 =	sadd.s32 s14, s2;
	s14 =	sshrl.u32 s14, $0x3  }
0xb: {  	s17 =	simm.s32 @!p0 $0x135E00;
	p0 =	sne.s32 s15, $0x0;
	s5 =	smul.u32 $0x186A0, s4  }
0xc: {  	s7 =	smul.u32 $0xC350, s4;
	s11 =	ssub.s32 s6, s23;
	s28 =	sadd.s32 s18, s16  }
0xd: {  	s15 =	sshrl.u32 @!p0 s2, $0x3;
	s18 =	simm.s32 $0x3E80;
	s23 =	simm.s32 $0x3  }
0xe: {  	s29 =	sadd.s32 $0x1875B8, s28;
	s16 =	sshll.u32 s28, $0x1;
	s30 =	sadd.s32 $0x1871D0, s28  }
0xf: {  	s9 =	sadd.s32 s5, s10;
	s24 =	sshrl.u32 s7, $0x3;
	s4 =	sadd.s32 s5, s12  }
0x10: {  	s26 =	sadd.s32 $0x186DE8, s7;
	s10 =	sadd.s32 s17, s10;
	s16 =	sadd.s32 s12, s16  }
0x11: {  	s31 =	sshrl.u32 s30, $0x3;
	s17 =	simm.s32 $0x10;
	s25 =	sadd.s32 s13, s24  }
0x12: {  	s7 =	sshrl.u32 s26, $0x3;
	s6 =	sadd.s32 $0x15C3BD1, s9;
	s9 =	smax.u32 s11, $0x1  }
0x13: {  	s10 =	sadd.s32 s10, s14;
	s14 =	sshrl.u32 s29, $0x3;
	s12 =	sadd.s32 $0x1770, s16  }
0x14: {  	s24 =	simm.s32 $0x2;
	s26 =	simm.s32 $0x0;
	s5 =	sadd.s32 $0x30D40, s25  }
0x15: {  	s7 =	sadd.s32 s13, s7;
	s11 =	sadd.s32 s14, s13;
	s13 =	sadd.s32 s31, s13  }
0x16: {  	s14 =	sadd.s32 $0xFA0, s16;
	s16 =	simm.s32 $0x8;
	s25 =	simm.s32 $0x4650  }
.LBB2_1:
0x17: {  	s28 =	simm.s32 @!p0 $0x1C03  }
0x18: {  	[spmem:s15], [sflag:s28] =	dma.local @!p0 [hbm:s1], $0xC350  }
0x19: {  	s28 =	simm.s32 @!p0 $0x3  }
0x1a: {  	_ =	swait.ge @!p0 [sflag:s28], $0xC350  }
0x1b: {  	[sflag:s28] =	ssyncset.done @!p0 $0x0  }
0x1c: {  	[sflag:s28] =	ssyncadd.s32 @!p0 $0xFFFF3CB0  }
0x1d: {  	[bflag:$0x0] =	sbarrier.arrive $0xFFFF  }
0x1e: {  	[tilespmem:s3], [sflag:$0x1] =	stream.strided.gather [hbm4b:s4+s16], $0x1F40, s17, s16, $0x38;
	[tilespmem:$0x109A0] =	vst v63  }
0x1f: {  	_ = 	snop  }
0x20: {  	[tilespmem:s18], [sflag:$0x1] =	stream.linear.gather [hbm4b:s5+s3], $0x3E8, $0x38;
	[tilespmem:$0x109A0] =	vst v63  }
0x21: {  	_ = 	snop  }
0x22: {  	[tilespmem:s19], [sflag:$0x2] =	stream.strided.gather [hbm4b:s6+s16], $0x1F40, s17, s16, $0x38;
	[tilespmem:$0x109A0] =	vst v63  }
0x23: {  	_ = 	snop  }
0x24: {  	[tilespmem:s20], [sflag:$0x2] =	stream.linear.gather [hbm4b:s7+s3], $0x3E8, $0x38;
	[tilespmem:$0x109A0] =	vst v63  }
0x25: {  	_ =	swait.ge [sflag:s21], $0x1F40  }
0x26: {  	[sflag:s21] =	ssyncset.done $0x0  }
0x27: {  	[sflag:s21] =	ssyncadd.s32 $0xFFFFE0C0  }
0x28: {  	_ =	swait.ge [sflag:s21], $0x3E8  }
0x29: {  	[sflag:s21] =	ssyncset.done $0x0  }
0x2a: {  	[sflag:s21] =	ssyncadd.s32 $0xFFFFFC18  }
0x2b: {  	[spmem:s2] =	stream.indirect.scatter.add.f32 [tilespmem:s3], [sflag:$0x3], $0x8, s18, s22, $0xb8;
	[tilespmem:$0x109A0] =	vst v63  }
0x2c: {  	_ =	swait.ge [sflag:s23], $0x1F40  }
0x2d: {  	[sflag:s23] =	ssyncset.done $0x0  }
0x2e: {  	[sflag:s23] =	ssyncadd.s32 $0xFFFFE0C0  }
0x2f: {  	[tilespmem:s3], [sflag:$0x1] =	stream.strided.gather [hbm4b:s14+s16], $0x1F40, s17, s16, $0x38;
	[tilespmem:$0x109A0] =	vst v63  }
0x30: {  	s28 =	sadd.s32 $0x0, s13  }
0x31: {  	[tilespmem:s18], [sflag:$0x1] =	stream.linear.gather [hbm4b:s28+s3], $0x3E8, $0x38;
	[tilespmem:$0x109A0] =	vst v63  }
0x32: {  	_ =	swait.ge [sflag:s24], $0x1F40  }
0x33: {  	[sflag:s24] =	ssyncset.done $0x0  }
0x34: {  	[sflag:s24] =	ssyncadd.s32 $0xFFFFE0C0  }
0x35: {  	_ =	swait.ge [sflag:s24], $0x3E8  }
0x36: {  	[sflag:s24] =	ssyncset.done $0x0  }
0x37: {  	[sflag:s24] =	ssyncadd.s32 $0xFFFFFC18  }
0x38: {  	[spmem:s2] =	stream.indirect.scatter.add.f32 [tilespmem:s19], [sflag:$0x3], $0x8, s20, s22, $0xb8;
	[tilespmem:$0x109A0] =	vst v63  }
0x39: {  	_ =	swait.ge [sflag:s23], $0x1F40  }
0x3a: {  	s31 =	sadd.s32 $0x0, s11;
	s29 =	sadd.s32 $0xFA0, s12;
	[sflag:s23] =	ssyncset.done $0x0  }
0x3b: {  	s30 =	sadd.s32 $0xFA0, s14;
	s28 =	simm.s32 $0xFA;
	[sflag:s23] =	ssyncadd.s32 $0xFFFFE0C0  }
0x3c: {  	[tilespmem:s19], [sflag:$0x2] =	stream.strided.gather [hbm4b:s12+s16], $0x1F40, s17, s16, $0x38;
	[tilespmem:$0x109A0] =	vst v63  }
.LBB2_2:
0x3d: {  	[tilespmem:s20], [sflag:$0x2] =	stream.linear.gather [hbm4b:s31+s3], $0x3E8, $0x38;
	[tilespmem:$0x109A0] =	vst v63  }
0x3e: {  	s31 =	smov.u32 s28  }
0x3f: {  	p1 =	sne.s32 s28, $0x1676;
	s28 =	sadd.s32 $0xFA, s28;
	_ =	swait.ge [sflag:s21], $0x1F40  }
0x40: {  	[sflag:s21] =	ssyncset.done $0x0  }
0x41: {  	[sflag:s21] =	ssyncadd.s32 $0xFFFFE0C0  }
0x42: {  	_ =	swait.ge [sflag:s21], $0x3E8  }
0x43: {  	[sflag:s21] =	ssyncset.done $0x0  }
0x44: {  	[sflag:s21] =	ssyncadd.s32 $0xFFFFFC18  }
0x45: {  	[spmem:s2] =	stream.indirect.scatter.add.f32 [tilespmem:s3], [sflag:$0x3], $0x8, s18, s22, $0xb8;
	[tilespmem:$0x109A0] =	vst v63  }
0x46: {  	_ =	swait.ge [sflag:s23], $0x1F40  }
0x47: {  	[sflag:s23] =	ssyncset.done $0x0  }
0x48: {  	[sflag:s23] =	ssyncadd.s32 $0xFFFFE0C0  }
0x49: {  	[tilespmem:s3], [sflag:$0x1] =	stream.strided.gather [hbm4b:s30+s16], $0x1F40, s17, s16, $0x38;
	[tilespmem:$0x109A0] =	vst v63  }
0x4a: {  	s0 =	sadd.s32 s31, s13  }
0x4b: {  	[tilespmem:s18], [sflag:$0x1] =	stream.linear.gather [hbm4b:s0+s3], $0x3E8, $0x38;
	[tilespmem:$0x109A0] =	vst v63  }
0x4c: {  	_ =	swait.ge [sflag:s24], $0x1F40  }
0x4d: {  	[sflag:s24] =	ssyncset.done $0x0  }
0x4e: {  	[sflag:s24] =	ssyncadd.s32 $0xFFFFE0C0  }
0x4f: {  	_ =	swait.ge [sflag:s24], $0x3E8  }
0x50: {  	[sflag:s24] =	ssyncset.done $0x0  }
0x51: {  	[sflag:s24] =	ssyncadd.s32 $0xFFFFFC18  }
0x52: {  	[spmem:s2] =	stream.indirect.scatter.add.f32 [tilespmem:s19], [sflag:$0x3], $0x8, s20, s22, $0xb8;
	[tilespmem:$0x109A0] =	vst v63  }
.Ltmp0:
0x53: {  	_ =	swait.ge [sflag:s23], $0x1F40;
	(pc) =	sbr.rel @p1 .LBB2_2-.Ltmp0, $4  }
0x54: {  	[sflag:s23] =	ssyncset.done $0x0  }
0x55: {  	[sflag:s23] =	ssyncadd.s32 $0xFFFFE0C0  }
0x56: {  	[tilespmem:s19], [sflag:$0x2] =	stream.strided.gather [hbm4b:s29+s16], $0x1F40, s17, s16, $0x38;
	[tilespmem:$0x109A0] =	vst v63  }
0x57: {  	s31 =	sadd.s32 s31, s11;
	s30 =	sadd.s32 $0xFA0, s30;
	s29 =	sadd.s32 $0xFA0, s29  }
0x58: {  	[tilespmem:s20], [sflag:$0x2] =	stream.linear.gather [hbm4b:s31+s3], $0x3E8, $0x38;
	[tilespmem:$0x109A0] =	vst v63  }
0x59: {  	_ =	swait.ge [sflag:s21], $0x1F40  }
0x5a: {  	[sflag:s21] =	ssyncset.done $0x0  }
0x5b: {  	[sflag:s21] =	ssyncadd.s32 $0xFFFFE0C0  }
0x5c: {  	_ =	swait.ge [sflag:s21], $0x3E8  }
0x5d: {  	[sflag:s21] =	ssyncset.done $0x0  }
0x5e: {  	[sflag:s21] =	ssyncadd.s32 $0xFFFFFC18  }
0x5f: {  	[spmem:s2] =	stream.indirect.scatter.add.f32 [tilespmem:s3], [sflag:$0x3], $0x8, s18, s22, $0xb8;
	[tilespmem:$0x109A0] =	vst v63  }
0x60: {  	_ =	swait.ge [sflag:s23], $0x1F40  }
0x61: {  	[sflag:s23] =	ssyncset.done $0x0  }
0x62: {  	[sflag:s23] =	ssyncadd.s32 $0xFFFFE0C0  }
0x63: {  	_ =	swait.ge [sflag:s24], $0x1F40  }
0x64: {  	[sflag:s24] =	ssyncset.done $0x0  }
0x65: {  	[sflag:s24] =	ssyncadd.s32 $0xFFFFE0C0  }
0x66: {  	_ =	swait.ge [sflag:s24], $0x3E8  }
0x67: {  	[sflag:s24] =	ssyncset.done $0x0  }
0x68: {  	[sflag:s24] =	ssyncadd.s32 $0xFFFFFC18  }
0x69: {  	[spmem:s2] =	stream.indirect.scatter.add.f32 [tilespmem:s19], [sflag:$0x3], $0x8, s20, s22, $0xb8;
	[tilespmem:$0x109A0] =	vst v63  }
0x6a: {  	_ =	swait.ge [sflag:s23], $0x1F40  }
0x6b: {  	[sflag:s23] =	ssyncset.done $0x0  }
0x6c: {  	[sflag:s23] =	ssyncadd.s32 $0xFFFFE0C0  }
0x6d: {  	[bflag:$0x0] =	sbarrier.arrive $0xFFFF  }
0x6e: {  	[tilespmem:s25], [sflag:$0x3] =	stream.linear.gather [spmem:s8], $0x61A8, $0x38;
	[tilespmem:$0x109A0] =	vst v63  }
0x6f: {  	s26 =	sadd.s32 $0x1, s26;
	_ =	swait.ge [sflag:s23], $0x61A8  }
0x70: {  	p1 =	sne.s32 s26, s9;
	[sflag:s23] =	ssyncset.done $0x0  }
.Ltmp1:
0x71: {  	[sflag:s23] =	ssyncadd.s32 $0xFFFF9E58;
	(pc) =	sbr.rel @p1 .LBB2_1-.Ltmp1, $4  }
0x72: {  	[hbm4b:s10+s3] =	stream.linear.scatter [tilespmem:s25], [sflag:$0x3], $0x61A8, $0x38;
	[tilespmem:$0x109A0] =	vst v63  }
0x73: {  	_ =	swait.ge [sflag:s23], $0x61A8  }
0x74: {  	[sflag:s23] =	ssyncset.done $0x0  }
0x75: {  	[sflag:s23] =	ssyncadd.s32 $0xFFFF9E58  }
0x76: {  	_ =	sfence.sel $0x180000  }
0x77: {  	[bflag:$0x0] =	sbarrier.arrive $0xFFFF  }
0x78: {  	_ =	strace $0x90000050  }
0x79: {  	[bflag:$0x2] =	sbarrier.arrive $0xFFFF  }
0x7a: {  	s0 =	rddreg [dreg:$0x3]  }
0x7b: {  	s0 =	sadd.s32 @!p0 $0x100000, s0  }
0x7c: {  	[sflag:s0] =	ssyncadd.tile.s32 @!p0 $0x1;
	_ =	shalt  }
.Lfunc_end2:
_tile_overlayer_lowered:
.L_overlay_start_2:
0x7d: {  	(tag) =	ssettag $0x2  }
0x7e: {  	s0 =	rddreg [dreg:$0x0];
	s2 =	stileid.u32  }
0x7f: {  	s1 =	rddreg [dreg:$0x1];
	p0 =	sne.s32 s2, $0x0  }
0x80: {  	s3 =	rddreg [dreg:$0x2];
	[bflag:$0x3] =	sbarrier.arrive $0xFFFF;
	s2 =	simm.s32 @!p0 $0x1C03  }
0x81: {  	[timem:s3], [sflag:s2] =	dma.local @!p0 [hbm:s0], s1  }
0x82: {  	s0 =	simm.s32 @!p0 $0x3  }
0x83: {  	_ =	swait.ge @!p0 [sflag:s0], s1  }
0x84: {  	s1 =	ssub.s32 @!p0 $0x0, s1;
	[sflag:s0] =	ssyncset.done @!p0 $0x0  }
0x85: {  	[sflag:s0] =	ssyncadd.s32 @!p0 s1  }
0x86: {  	[bflag:$0x3] =	sbarrier.arrive $0xFFFF  }
0x87: {  	_ =	shalt  }

</sc_bundles>
